<compile_context>
chip_gen: v7x
topology: tpu7x:2x2x1
jax: 0.10.2.dev20260603
libtpu: 0.0.44.dev20260713+nightly
codegen_flags: <defaults>
</compile_context>

<pallas_src>
import functools

import jax
import jax.numpy as jnp
from jax import lax
from jax.experimental import pallas as pl
from jax.experimental.pallas import tpu as pltpu
from jax.experimental.pallas import tpu_sc as plsc

N = 10000
E = 320000
IN = 128
HID = 16
OUT = 64
H1 = 8

NC = 2
NS = 16
NW = NC * NS
EPW = E // NW
CH = 40
NCHUNK = EPW // CH
CH2 = 80
NCHUNK2 = EPW // CH2
NPAD = 10240
RPT = NPAD // NS
F1 = H1 * HID
FX1 = 8 + F1
AW1 = 144
FX2 = 8 + OUT
AW2 = 80
NEG = -3.4e38

RB = 400
GR = N // RB


def _l1_dense_body(x_ref, w_ref, al_ref, ar_ref, fx_ref, er_ref, mx_ref):
    feat = jnp.dot(x_ref[...], w_ref[...], preferred_element_type=jnp.float32)
    jj = lax.broadcasted_iota(jnp.int32, (F1, H1), 0)
    hh = lax.broadcasted_iota(jnp.int32, (F1, H1), 1)
    sel = (jj // HID == hh).astype(jnp.float32)
    el = jnp.dot(feat * al_ref[...], sel, preferred_element_type=jnp.float32)
    er = jnp.dot(feat * ar_ref[...], sel, preferred_element_type=jnp.float32)
    fx_ref[...] = jnp.concatenate([el, feat], axis=1)
    er_ref[...] = er
    row = jnp.concatenate([jnp.max(el, axis=0, keepdims=True),
                           jnp.max(er, axis=0, keepdims=True)], axis=1)

    @pl.when(pl.program_id(0) == 0)
    def _():
        mx_ref[...] = jnp.full((1, 16), NEG, jnp.float32)

    mx_ref[...] = jnp.maximum(mx_ref[...], row)


def _l1_dense(x, w1, al1v, ar1v):
    return pl.pallas_call(
        _l1_dense_body,
        grid=(GR,),
        in_specs=[
            pl.BlockSpec((RB, IN), lambda i: (i, 0)),
            pl.BlockSpec((IN, F1), lambda i: (0, 0)),
            pl.BlockSpec((1, F1), lambda i: (0, 0)),
            pl.BlockSpec((1, F1), lambda i: (0, 0)),
        ],
        out_specs=[
            pl.BlockSpec((RB, FX1), lambda i: (i, 0)),
            pl.BlockSpec((RB, 8), lambda i: (i, 0)),
            pl.BlockSpec((1, 16), lambda i: (0, 0)),
        ],
        out_shape=[
            jax.ShapeDtypeStruct((N, FX1), jnp.float32),
            jax.ShapeDtypeStruct((N, 8), jnp.float32),
            jax.ShapeDtypeStruct((1, 16), jnp.float32),
        ],
    )(x, w1, al1v, ar1v)


def _l2_dense_body(p0_ref, p1_ref, b1_ref, w2_ref, al2_ref, ar2_ref,
                   fx2_ref, er2_ref, mx2_ref):
    acc = p0_ref[...] + p1_ref[...]
    denom = acc[:, 0:H1]
    wsum = acc[:, 8:8 + F1]
    hh = lax.broadcasted_iota(jnp.int32, (H1, F1), 0)
    cc = lax.broadcasted_iota(jnp.int32, (H1, F1), 1)
    rep = (cc // HID == hh).astype(jnp.float32)
    dexp = jnp.dot(denom, rep, preferred_element_type=jnp.float32)
    z = jnp.where(dexp > 0, wsum / dexp, 0.0) + b1_ref[...]
    h1 = jnp.where(z > 0, z, jnp.exp(z) - 1.0)
    feat2 = jnp.dot(h1, w2_ref[...], preferred_element_type=jnp.float32)
    el2 = jnp.sum(feat2 * al2_ref[...], axis=1, keepdims=True)
    er2 = jnp.sum(feat2 * ar2_ref[...], axis=1, keepdims=True)
    pad7 = jnp.zeros((el2.shape[0], 7), jnp.float32)
    fx2_ref[...] = jnp.concatenate([el2, pad7, feat2], axis=1)
    er2_ref[...] = jnp.concatenate([er2, pad7], axis=1)
    row = jnp.concatenate([jnp.max(el2, axis=0, keepdims=True),
                           jnp.max(er2, axis=0, keepdims=True),
                           jnp.full((1, 14), NEG, jnp.float32)], axis=1)

    @pl.when(pl.program_id(0) == 0)
    def _():
        mx2_ref[...] = jnp.full((1, 16), NEG, jnp.float32)

    mx2_ref[...] = jnp.maximum(mx2_ref[...], row)


def _l2_dense(p0, p1, b1v, w2, al2v, ar2v):
    return pl.pallas_call(
        _l2_dense_body,
        grid=(GR,),
        in_specs=[
            pl.BlockSpec((RB, AW1), lambda i: (i, 0)),
            pl.BlockSpec((RB, AW1), lambda i: (i, 0)),
            pl.BlockSpec((1, F1), lambda i: (0, 0)),
            pl.BlockSpec((F1, OUT), lambda i: (0, 0)),
            pl.BlockSpec((1, OUT), lambda i: (0, 0)),
            pl.BlockSpec((1, OUT), lambda i: (0, 0)),
        ],
        out_specs=[
            pl.BlockSpec((RB, FX2), lambda i: (i, 0)),
            pl.BlockSpec((RB, 8), lambda i: (i, 0)),
            pl.BlockSpec((1, 16), lambda i: (0, 0)),
        ],
        out_shape=[
            jax.ShapeDtypeStruct((N, FX2), jnp.float32),
            jax.ShapeDtypeStruct((N, 8), jnp.float32),
            jax.ShapeDtypeStruct((1, 16), jnp.float32),
        ],
    )(p0, p1, b1v, w2, al2v, ar2v)


def _final_body(q0_ref, q1_ref, b2_ref, out_ref):
    acc = q0_ref[...] + q1_ref[...]
    denom = acc[:, OUT:OUT + 1]
    wsum = acc[:, 0:OUT]
    dexp = jnp.dot(denom, jnp.ones((1, OUT), jnp.float32),
                   preferred_element_type=jnp.float32)
    out_ref[...] = jnp.where(dexp > 0, wsum / dexp, 0.0) + b2_ref[...]


def _final(q0, q1, b2v):
    return pl.pallas_call(
        _final_body,
        grid=(GR,),
        in_specs=[
            pl.BlockSpec((RB, AW2), lambda i: (i, 0)),
            pl.BlockSpec((RB, AW2), lambda i: (i, 0)),
            pl.BlockSpec((1, OUT), lambda i: (0, 0)),
        ],
        out_specs=pl.BlockSpec((RB, OUT), lambda i: (i, 0)),
        out_shape=jax.ShapeDtypeStruct((N, OUT), jnp.float32),
    )(q0, q1, b2v)


def _sc_edge_l1(src, dst, fx, er, mx, out,
                idx_s0, idx_s1, idx_d0, idx_d1, fx0, fx1, er0, er1, w0, w1,
                eb_buf, mxv, acc, sg0, sg1, ss0, ss1):
    cid = lax.axis_index("c")
    sid = lax.axis_index("s")
    wid = sid * NC + cid
    iota = lax.iota(jnp.int32, 16)
    col8 = lax.rem(iota, 8)
    half = iota // 8
    z16 = jnp.zeros((16,), jnp.float32)
    zi16 = jnp.zeros((16,), jnp.int32)
    idx_s = (idx_s0, idx_s1)
    idx_d = (idx_d0, idx_d1)
    fx_rows = (fx0, fx1)
    er_rows = (er0, er1)
    w_rows = (w0, w1)
    sg = (sg0, sg1)
    ss = (ss0, ss1)

    def zrow(r, carry):
        for t in range(AW1 // 16):
            w0[r, pl.ds(16 * t, 16)] = z16
            w1[r, pl.ds(16 * t, 16)] = z16
        return carry

    lax.fori_loop(0, CH, zrow, 0)
    for t in range(RPT // CH):
        pltpu.sync_copy(w0, acc.at[pl.ds(sid * RPT + t * CH, CH)])
    plsc.subcore_barrier()

    pltpu.sync_copy(mx, mxv)
    vl = plsc.load_gather(mxv, [zi16, col8])
    vr = plsc.load_gather(mxv, [zi16, col8 + 8])
    sb = vl + vr
    c16 = jnp.maximum(sb, 0.2 * sb)

    ebase0 = wid * EPW

    def prefetch(j, b):
        base = pl.multiple_of(ebase0 + j * CH, 8)
        pltpu.sync_copy(src.at[pl.ds(base, CH)], idx_s[b])
        pltpu.sync_copy(dst.at[pl.ds(base, CH)], idx_d[b])
        pltpu.async_copy(fx.at[idx_s[b]], fx_rows[b], sg[b])
        pltpu.async_copy(er.at[idx_d[b]], er_rows[b], sg[b])

    def wait_gathers(b):
        pltpu.make_async_copy(fx.at[idx_s[b]], fx_rows[b], sg[b]).wait()
        pltpu.make_async_copy(er.at[idx_d[b]], er_rows[b], sg[b]).wait()

    def wait_scatter(b):
        pltpu.make_async_copy(w_rows[b], acc.at[idx_d[b]], ss[b]).wait()

    def compute(b):
        fxb = fx_rows[b]
        erb = er_rows[b]
        wb = w_rows[b]

        def eeb(k, c2):
            rvec = 2 * k + half
            v = (plsc.load_gather(fxb, [rvec, col8])
                 + plsc.load_gather(erb, [rvec, col8]))
            e = jnp.maximum(v, 0.2 * v)
            plsc.store_scatter(wb, [rvec, col8], jnp.exp(e - c16))
            return c2

        lax.fori_loop(0, CH * H1 // 16, eeb, 0)

        def wrow(c, c2):
            cs = jnp.full((16,), c, jnp.int32)
            for h in range(H1):
                eb = plsc.load_gather(wb, [cs, jnp.full((16,), h, jnp.int32)])
                wb[c, pl.ds(8 + 16 * h, 16)] = fxb[c, pl.ds(8 + 16 * h, 16)] * eb
            return c2

        lax.fori_loop(0, CH, wrow, 0)

    prefetch(0, 0)

    def pair(jj, carry):
        @pl.when(jj > 0)
        def _():
            wait_scatter(1)
        prefetch(2 * jj + 1, 1)
        wait_gathers(0)
        compute(0)
        pltpu.async_copy(w0, acc.at[idx_d0], ss0, add=True)
        wait_scatter(0)

        @pl.when(jj < NCHUNK // 2 - 1)
        def _():
            prefetch(2 * jj + 2, 0)
        wait_gathers(1)
        compute(1)
        pltpu.async_copy(w1, acc.at[idx_d1], ss1, add=True)
        return carry

    lax.fori_loop(0, NCHUNK // 2, pair, 0)
    wait_scatter(1)
    plsc.subcore_barrier()
    for t in range(RPT // CH):
        r0 = sid * RPT + t * CH
        pltpu.sync_copy(acc.at[pl.ds(r0, CH)], w0)
        pltpu.sync_copy(w0, out.at[cid, pl.ds(r0, CH)])


def _make_sc1(mesh):
  return pl.kernel(
    _sc_edge_l1,
    out_type=jax.ShapeDtypeStruct((NC, NPAD, AW1), jnp.float32),
    mesh=mesh,
    compiler_params=pltpu.CompilerParams(
        use_tc_tiling_on_sc=False, needs_layout_passes=False),
    scratch_types=[
        pltpu.VMEM((CH,), jnp.int32),
        pltpu.VMEM((CH,), jnp.int32),
        pltpu.VMEM((CH,), jnp.int32),
        pltpu.VMEM((CH,), jnp.int32),
        pltpu.VMEM((CH, FX1), jnp.float32),
        pltpu.VMEM((CH, FX1), jnp.float32),
        pltpu.VMEM((CH, 8), jnp.float32),
        pltpu.VMEM((CH, 8), jnp.float32),
        pltpu.VMEM((CH, AW1), jnp.float32),
        pltpu.VMEM((CH, AW1), jnp.float32),
        pltpu.VMEM((CH, 8), jnp.float32),
        pltpu.VMEM((1, 16), jnp.float32),
        pltpu.VMEM_SHARED((NPAD, AW1), jnp.float32),
        pltpu.SemaphoreType.DMA,
        pltpu.SemaphoreType.DMA,
        pltpu.SemaphoreType.DMA,
        pltpu.SemaphoreType.DMA,
    ],
  )


def _sc_edge_l2(src, dst, fx, er, mx, out,
                idx_s0, idx_s1, idx_d0, idx_d1, fx0, fx1, er0, er1, w0, w1,
                eb_buf, mxv, acc, sg0, sg1, ss0, ss1):
    cid = lax.axis_index("c")
    sid = lax.axis_index("s")
    wid = sid * NC + cid
    iota = lax.iota(jnp.int32, 16)
    lanemask = (iota == 0).astype(jnp.float32)
    z16 = jnp.zeros((16,), jnp.float32)
    zi16 = jnp.zeros((16,), jnp.int32)
    idx_s = (idx_s0, idx_s1)
    idx_d = (idx_d0, idx_d1)
    fx_rows = (fx0, fx1)
    er_rows = (er0, er1)
    w_rows = (w0, w1)
    sg = (sg0, sg1)
    ss = (ss0, ss1)

    def zrow(r, carry):
        for t in range(AW2 // 16):
            w0[r, pl.ds(16 * t, 16)] = z16
            w1[r, pl.ds(16 * t, 16)] = z16
        return carry

    lax.fori_loop(0, CH2, zrow, 0)
    for t in range(RPT // CH2):
        pltpu.sync_copy(w0, acc.at[pl.ds(sid * RPT + t * CH2, CH2)])
    plsc.subcore_barrier()

    pltpu.sync_copy(mx, mxv)
    vl = plsc.load_gather(mxv, [zi16, zi16])
    vr = plsc.load_gather(mxv, [zi16, zi16 + 1])
    sb = vl + vr
    c16 = jnp.maximum(sb, 0.2 * sb)

    ebase0 = wid * EPW

    def prefetch(j, b):
        base = pl.multiple_of(ebase0 + j * CH2, 8)
        pltpu.sync_copy(src.at[pl.ds(base, CH2)], idx_s[b])
        pltpu.sync_copy(dst.at[pl.ds(base, CH2)], idx_d[b])
        pltpu.async_copy(fx.at[idx_s[b]], fx_rows[b], sg[b])
        pltpu.async_copy(er.at[idx_d[b]], er_rows[b], sg[b])

    def wait_gathers(b):
        pltpu.make_async_copy(fx.at[idx_s[b]], fx_rows[b], sg[b]).wait()
        pltpu.make_async_copy(er.at[idx_d[b]], er_rows[b], sg[b]).wait()

    def wait_scatter(b):
        pltpu.make_async_copy(w_rows[b], acc.at[idx_d[b]], ss[b]).wait()

    def compute(b):
        fxb = fx_rows[b]
        erb = er_rows[b]
        wb = w_rows[b]

        cOUT = jnp.full((16,), OUT, jnp.int32)

        def eeb(k, c2):
            rvec = 16 * k + iota
            v = (plsc.load_gather(fxb, [rvec, zi16])
                 + plsc.load_gather(erb, [rvec, zi16]))
            e = jnp.maximum(v, 0.2 * v)
            plsc.store_scatter(wb, [rvec, cOUT], jnp.exp(e - c16))
            return c2

        lax.fori_loop(0, CH2 // 16, eeb, 0)

        def wrow(c, c2):
            cs = jnp.full((16,), c, jnp.int32)
            eb = plsc.load_gather(wb, [cs, cOUT])
            for t in range(OUT // 16):
                wb[c, pl.ds(16 * t, 16)] = fxb[c, pl.ds(8 + 16 * t, 16)] * eb
            return c2

        lax.fori_loop(0, CH2, wrow, 0)

    prefetch(0, 0)
    wait_gathers(0)
    prefetch(1, 1)
    compute(0)
    pltpu.async_copy(w0, acc.at[idx_d0], ss0, add=True)

    def pair(jj, carry):
        wait_scatter(0)
        prefetch(2 * jj + 2, 0)
        wait_gathers(1)
        compute(1)
        pltpu.async_copy(w1, acc.at[idx_d1], ss1, add=True)
        wait_scatter(1)

        @pl.when(jj < (NCHUNK2 - 1) // 2 - 1)
        def _():
            prefetch(2 * jj + 3, 1)
        wait_gathers(0)
        compute(0)
        pltpu.async_copy(w0, acc.at[idx_d0], ss0, add=True)
        return carry

    lax.fori_loop(0, (NCHUNK2 - 1) // 2, pair, 0)
    wait_scatter(0)
    plsc.subcore_barrier()
    for t in range(RPT // CH2):
        r0 = sid * RPT + t * CH2
        pltpu.sync_copy(acc.at[pl.ds(r0, CH2)], w0)
        pltpu.sync_copy(w0, out.at[cid, pl.ds(r0, CH2)])


def _make_sc2(mesh):
  return pl.kernel(
    _sc_edge_l2,
    out_type=jax.ShapeDtypeStruct((NC, NPAD, AW2), jnp.float32),
    mesh=mesh,
    compiler_params=pltpu.CompilerParams(
        use_tc_tiling_on_sc=False, needs_layout_passes=False),
    scratch_types=[
        pltpu.VMEM((CH2,), jnp.int32),
        pltpu.VMEM((CH2,), jnp.int32),
        pltpu.VMEM((CH2,), jnp.int32),
        pltpu.VMEM((CH2,), jnp.int32),
        pltpu.VMEM((CH2, FX2), jnp.float32),
        pltpu.VMEM((CH2, FX2), jnp.float32),
        pltpu.VMEM((CH2, 8), jnp.float32),
        pltpu.VMEM((CH2, 8), jnp.float32),
        pltpu.VMEM((CH2, AW2), jnp.float32),
        pltpu.VMEM((CH2, AW2), jnp.float32),
        pltpu.VMEM((CH2,), jnp.float32),
        pltpu.VMEM((1, 16), jnp.float32),
        pltpu.VMEM_SHARED((NPAD, AW2), jnp.float32),
        pltpu.SemaphoreType.DMA,
        pltpu.SemaphoreType.DMA,
        pltpu.SemaphoreType.DMA,
        pltpu.SemaphoreType.DMA,
    ],
  )


@functools.lru_cache(maxsize=None)
def _sc_kernels():
    mesh = plsc.VectorSubcoreMesh(core_axis_name="c", subcore_axis_name="s",
                                  num_cores=NC, num_subcores=NS)
    return _make_sc1(mesh), _make_sc2(mesh)


def kernel(x, edge_index, W1, al1, ar1, b1, W2, al2, ar2, b2):
    _sc1, _sc2 = _sc_kernels()
    src = edge_index[0]
    dst = edge_index[1]
    al1v = al1.reshape(1, F1)
    ar1v = ar1.reshape(1, F1)
    al2v = al2.reshape(1, OUT)
    ar2v = ar2.reshape(1, OUT)
    b1v = b1.reshape(1, F1)
    b2v = b2.reshape(1, OUT)

    fx, er, mx = _l1_dense(x, W1, al1v, ar1v)
    parts = _sc1(src, dst, fx, er, mx)
    fx2, er2p, mx2 = _l2_dense(parts[0], parts[1], b1v, W2, al2v, ar2v)
    parts2 = _sc2(src, dst, fx2, er2p, mx2)
    return _final(parts2[0], parts2[1], b2v)

# --- scband reference (transcript-rebuilt; emitter-appended) ---
"""Pipeline reference for scband-gat-27358941676116 (READ-ONLY COPY).

The authoritative reference and input builder live on the scoring server;
editing this copy changes nothing except your own understanding.
"""

import jax, jax.numpy as jnp
import numpy as np

N = 10000
E = 320000
IN = 128
HID = 16
OUT = 64
H1 = 8
H2 = 1


def setup_inputs(seed: int = 0):
    key = jax.random.key(seed)
    ks = jax.random.split(key, 10)
    x = jax.random.normal(ks[0], (N, IN), dtype=jnp.float32)
    edge_index = jax.random.randint(ks[1], (2, E), 0, N, dtype=jnp.int32)
    W1 = jax.random.normal(ks[2], (IN, H1 * HID), dtype=jnp.float32) * (1.0 / np.sqrt(IN))
    al1 = jax.random.normal(ks[3], (H1, HID), dtype=jnp.float32) * 0.1
    ar1 = jax.random.normal(ks[4], (H1, HID), dtype=jnp.float32) * 0.1
    b1 = jnp.zeros((H1 * HID,), dtype=jnp.float32)
    W2 = jax.random.normal(ks[5], (H1 * HID, H2 * OUT), dtype=jnp.float32) * (1.0 / np.sqrt(H1 * HID))
    al2 = jax.random.normal(ks[6], (H2, OUT), dtype=jnp.float32) * 0.1
    ar2 = jax.random.normal(ks[7], (H2, OUT), dtype=jnp.float32) * 0.1
    b2 = jnp.zeros((H2 * OUT,), dtype=jnp.float32)
    return {"x": x, "edge_index": edge_index, "W1": W1, "al1": al1, "ar1": ar1, "b1": b1, "W2": W2, "al2": al2, "ar2": ar2, "b2": b2}


def gat_conv(h, src, dst, W, al, ar, b, heads, out_dim):
    # DGL GATConv (eval mode: feat_drop/attn_drop disabled)
    feat = (h @ W).reshape(N, heads, out_dim)
    el = jnp.sum(feat * al[None, :, :], axis=-1)  # [N, H]
    er = jnp.sum(feat * ar[None, :, :], axis=-1)  # [N, H]
    e = jax.nn.leaky_relu(el[src] + er[dst], negative_slope=0.2)  # [E, H]
    emax = jax.ops.segment_max(e, dst, num_segments=N)
    emax = jax.lax.stop_gradient(jnp.where(jnp.isfinite(emax), emax, 0.0))
    ee = jnp.exp(e - emax[dst])
    denom = jax.ops.segment_sum(ee, dst, num_segments=N)
    alpha = ee / denom[dst]  # edge softmax over incoming edges per dst
    out = jax.ops.segment_sum(feat[src] * alpha[:, :, None], dst, num_segments=N)
    return out + b.reshape(1, heads, out_dim)


def reference(x, edge_index, W1, al1, ar1, b1, W2, al2, ar2, b2):
    src = edge_index[0]
    dst = edge_index[1]
    h = gat_conv(x, src, dst, W1, al1, ar1, b1, H1, HID)
    h = jax.nn.elu(h).reshape(N, H1 * HID)  # flatten(1) after elu activation
    h = gat_conv(h, src, dst, W2, al2, ar2, b2, H2, OUT)
    h = jnp.mean(h, axis=1)  # mean over heads on last layer
    return h

if __name__ == "__main__":
    import jax
    _d = setup_inputs()
    print(jax.jit(kernel)(*tuple(_d.values())))

</pallas_src>

<mosaic_0001>
#map = affine_map<(d0, d1) -> (0)>
#map1 = affine_map<(d0, d1) -> (0, 0)>
#map2 = affine_map<(d0, d1) -> (0, 0, 0)>
module attributes {stable_mosaic.version = 14 : i64} {
  func.func @_sc_edge_l2(%arg0: i32, %arg1: i32, %arg2: memref<320000xi32, #tpu.memory_space<hbm>>, %arg3: memref<320000xi32, #tpu.memory_space<hbm>>, %arg4: memref<10000x72xf32, #tpu.memory_space<hbm>>, %arg5: memref<10000x8xf32, #tpu.memory_space<hbm>>, %arg6: memref<1x16xf32, #tpu.memory_space<hbm>>, %arg7: memref<2x10240x80xf32, #tpu.memory_space<hbm>>, %arg8: memref<80xi32, #tpu.memory_space<vmem>>, %arg9: memref<80xi32, #tpu.memory_space<vmem>>, %arg10: memref<80xi32, #tpu.memory_space<vmem>>, %arg11: memref<80xi32, #tpu.memory_space<vmem>>, %arg12: memref<80x72xf32, #tpu.memory_space<vmem>>, %arg13: memref<80x72xf32, #tpu.memory_space<vmem>>, %arg14: memref<80x8xf32, #tpu.memory_space<vmem>>, %arg15: memref<80x8xf32, #tpu.memory_space<vmem>>, %arg16: memref<80x80xf32, #tpu.memory_space<vmem>>, %arg17: memref<80x80xf32, #tpu.memory_space<vmem>>, %arg18: memref<80xf32, #tpu.memory_space<vmem>>, %arg19: memref<1x16xf32, #tpu.memory_space<vmem>>, %arg20: memref<10240x80xf32, #tpu.memory_space<vmem_shared>>, %arg21: memref<!tpu.dma_semaphore, #tpu.memory_space<semaphore_mem>>, %arg22: memref<!tpu.dma_semaphore, #tpu.memory_space<semaphore_mem>>, %arg23: memref<!tpu.dma_semaphore, #tpu.memory_space<semaphore_mem>>, %arg24: memref<!tpu.dma_semaphore, #tpu.memory_space<semaphore_mem>>) attributes {dimension_semantics = [#tpu.dimension_semantics<core_parallel>, #tpu.dimension_semantics<subcore_parallel>], iteration_bounds = array<i64: 2, 16>, scalar_prefetch = 0 : i64, scratch_operands = 17 : i64, tpu.core_type = #tpu.core_type<sc_vector_subcore>, window_params = [{transform_indices = #map}, {transform_indices = #map}, {transform_indices = #map1}, {transform_indices = #map1}, {transform_indices = #map1}, {transform_indices = #map2}]} {
    %mul3A = arith.constant 2 : i32
    %mul3A_0 = arith.muli %arg1, %mul3A : i32
    %add3A = arith.addi %mul3A_0, %arg0 : i32
    %iota3A = tpu.iota {dimensions = array<i32: 0>} : vector<16xi32>
    %eq3A = arith.constant 0 : i32
    %eq3A_1 = vector.broadcast %eq3A : i32 to vector<16xi32>
    %eq3A_2 = arith.cmpi eq, %iota3A, %eq3A_1 : vector<16xi32>
    %convert_element_type3A = arith.extui %eq3A_2 : vector<16xi1> to vector<16xi32>
    %convert_element_type3A_3 = arith.sitofp %convert_element_type3A : vector<16xi32> to vector<16xf32>
    %broadcast_in_dim3A = arith.constant 0.000000e+00 : f32
    %broadcast_in_dim3A_4 = vector.broadcast %broadcast_in_dim3A : f32 to vector<16xf32>
    %broadcast_in_dim3A_5 = arith.constant 0 : i32
    %broadcast_in_dim3A_6 = vector.broadcast %broadcast_in_dim3A_5 : i32 to vector<16xi32>
    %scan3A = arith.constant 0 : i32
    %scan3A_7 = arith.constant 0 : i32
    %scan3A_8 = arith.constant 80 : i32
    %scan3A_9 = arith.addi %scan3A_7, %scan3A_8 : i32
    %scan3A_10 = arith.constant 1 : i32
    scf.for %scan3A_134 = %scan3A_7 to %scan3A_9 step %scan3A_10  : i32 {
      %swap3A = arith.index_cast %scan3A_134 : i32 to index
      %swap3A_135 = arith.constant 0 : index
      %swap3A_136 = tpu.vector_load %arg16[%swap3A, %swap3A_135] {strides = array<i32>} : memref<80x80xf32, #tpu.memory_space<vmem>>, vector<16xf32>,
      tpu.vector_store %arg16[%swap3A, %swap3A_135], %broadcast_in_dim3A_4 {strides = array<i32>} : memref<80x80xf32, #tpu.memory_space<vmem>>, vector<16xf32>,
      %swap3A_137 = arith.index_cast %scan3A_134 : i32 to index
      %swap3A_138 = arith.constant 0 : index
      %swap3A_139 = tpu.vector_load %arg17[%swap3A_137, %swap3A_138] {strides = array<i32>} : memref<80x80xf32, #tpu.memory_space<vmem>>, vector<16xf32>,
      tpu.vector_store %arg17[%swap3A_137, %swap3A_138], %broadcast_in_dim3A_4 {strides = array<i32>} : memref<80x80xf32, #tpu.memory_space<vmem>>, vector<16xf32>,
      %swap3A_140 = arith.index_cast %scan3A_134 : i32 to index
      %swap3A_141 = arith.constant 16 : index
      %swap3A_142 = tpu.vector_load %arg16[%swap3A_140, %swap3A_141] {strides = array<i32>} : memref<80x80xf32, #tpu.memory_space<vmem>>, vector<16xf32>,
      tpu.vector_store %arg16[%swap3A_140, %swap3A_141], %broadcast_in_dim3A_4 {strides = array<i32>} : memref<80x80xf32, #tpu.memory_space<vmem>>, vector<16xf32>,
      %swap3A_143 = arith.index_cast %scan3A_134 : i32 to index
      %swap3A_144 = arith.constant 16 : index
      %swap3A_145 = tpu.vector_load %arg17[%swap3A_143, %swap3A_144] {strides = array<i32>} : memref<80x80xf32, #tpu.memory_space<vmem>>, vector<16xf32>,
      tpu.vector_store %arg17[%swap3A_143, %swap3A_144], %broadcast_in_dim3A_4 {strides = array<i32>} : memref<80x80xf32, #tpu.memory_space<vmem>>, vector<16xf32>,
      %swap3A_146 = arith.index_cast %scan3A_134 : i32 to index
      %swap3A_147 = arith.constant 32 : index
      %swap3A_148 = tpu.vector_load %arg16[%swap3A_146, %swap3A_147] {strides = array<i32>} : memref<80x80xf32, #tpu.memory_space<vmem>>, vector<16xf32>,
      tpu.vector_store %arg16[%swap3A_146, %swap3A_147], %broadcast_in_dim3A_4 {strides = array<i32>} : memref<80x80xf32, #tpu.memory_space<vmem>>, vector<16xf32>,
      %swap3A_149 = arith.index_cast %scan3A_134 : i32 to index
      %swap3A_150 = arith.constant 32 : index
      %swap3A_151 = tpu.vector_load %arg17[%swap3A_149, %swap3A_150] {strides = array<i32>} : memref<80x80xf32, #tpu.memory_space<vmem>>, vector<16xf32>,
      tpu.vector_store %arg17[%swap3A_149, %swap3A_150], %broadcast_in_dim3A_4 {strides = array<i32>} : memref<80x80xf32, #tpu.memory_space<vmem>>, vector<16xf32>,
      %swap3A_152 = arith.index_cast %scan3A_134 : i32 to index
      %swap3A_153 = arith.constant 48 : index
      %swap3A_154 = tpu.vector_load %arg16[%swap3A_152, %swap3A_153] {strides = array<i32>} : memref<80x80xf32, #tpu.memory_space<vmem>>, vector<16xf32>,
      tpu.vector_store %arg16[%swap3A_152, %swap3A_153], %broadcast_in_dim3A_4 {strides = array<i32>} : memref<80x80xf32, #tpu.memory_space<vmem>>, vector<16xf32>,
      %swap3A_155 = arith.index_cast %scan3A_134 : i32 to index
      %swap3A_156 = arith.constant 48 : index
      %swap3A_157 = tpu.vector_load %arg17[%swap3A_155, %swap3A_156] {strides = array<i32>} : memref<80x80xf32, #tpu.memory_space<vmem>>, vector<16xf32>,
      tpu.vector_store %arg17[%swap3A_155, %swap3A_156], %broadcast_in_dim3A_4 {strides = array<i32>} : memref<80x80xf32, #tpu.memory_space<vmem>>, vector<16xf32>,
      %swap3A_158 = arith.index_cast %scan3A_134 : i32 to index
      %swap3A_159 = arith.constant 64 : index
      %swap3A_160 = tpu.vector_load %arg16[%swap3A_158, %swap3A_159] {strides = array<i32>} : memref<80x80xf32, #tpu.memory_space<vmem>>, vector<16xf32>,
      tpu.vector_store %arg16[%swap3A_158, %swap3A_159], %broadcast_in_dim3A_4 {strides = array<i32>} : memref<80x80xf32, #tpu.memory_space<vmem>>, vector<16xf32>,
      %swap3A_161 = arith.index_cast %scan3A_134 : i32 to index
      %swap3A_162 = arith.constant 64 : index
      %swap3A_163 = tpu.vector_load %arg17[%swap3A_161, %swap3A_162] {strides = array<i32>} : memref<80x80xf32, #tpu.memory_space<vmem>>, vector<16xf32>,
      tpu.vector_store %arg17[%swap3A_161, %swap3A_162], %broadcast_in_dim3A_4 {strides = array<i32>} : memref<80x80xf32, #tpu.memory_space<vmem>>, vector<16xf32>,
    }
    %scan3A_11 = arith.constant 80 : i32
    %mul3A_12 = arith.constant 640 : i32
    %mul3A_13 = arith.muli %arg1, %mul3A_12 : i32
    %add3A_14 = arith.constant 0 : i32
    %add3A_15 = arith.addi %mul3A_13, %add3A_14 : i32
    "tpu.region"() ({
      %run_scoped3A = tpu.sem_alloc : memref<!tpu.dma_semaphore, #tpu.memory_space<semaphore_mem>>
      %dma_start3A_134 = arith.constant 0 : i32
      %dma_start3A_135 = tpu.memref_slice %arg20[%add3A_15, %dma_start3A_134] : memref<10240x80xf32, #tpu.memory_space<vmem_shared>> -> memref<80x80xf32, #tpu.memory_space<vmem_shared>>
      %dma_start3A_136 = arith.constant 0 : i32
      %dma_start3A_137 = tpu.memref_slice %arg20[%add3A_15, %dma_start3A_136] : memref<10240x80xf32, #tpu.memory_space<vmem_shared>> -> memref<80x80xf32, #tpu.memory_space<vmem_shared>>
      tpu.enqueue_dma source(%arg16 : memref<80x80xf32, #tpu.memory_space<vmem>>) target(%dma_start3A_137 : memref<80x80xf32, #tpu.memory_space<vmem_shared>>) target_semaphore(%run_scoped3A : memref<!tpu.dma_semaphore, #tpu.memory_space<semaphore_mem>>)
      %dma_wait3A_138 = arith.constant 0 : i32
      %dma_wait3A_139 = tpu.memref_slice %arg20[%add3A_15, %dma_wait3A_138] : memref<10240x80xf32, #tpu.memory_space<vmem_shared>> -> memref<80x80xf32, #tpu.memory_space<vmem_shared>>
      %dma_wait3A_140 = arith.constant 0 : i32
      %dma_wait3A_141 = tpu.memref_slice %arg20[%add3A_15, %dma_wait3A_140] : memref<10240x80xf32, #tpu.memory_space<vmem_shared>> -> memref<80x80xf32, #tpu.memory_space<vmem_shared>>
      tpu.wait_dma2 semaphore(%run_scoped3A : memref<!tpu.dma_semaphore, #tpu.memory_space<semaphore_mem>>) src(%arg16 : memref<80x80xf32, #tpu.memory_space<vmem>>) dst(%dma_wait3A_141 : memref<80x80xf32, #tpu.memory_space<vmem_shared>>)
      tpu.yield
    }) : () -> ()
    %mul3A_16 = arith.constant 640 : i32
    %mul3A_17 = arith.muli %arg1, %mul3A_16 : i32
    %add3A_18 = arith.constant 80 : i32
    %add3A_19 = arith.addi %mul3A_17, %add3A_18 : i32
    "tpu.region"() ({
      %run_scoped3A = tpu.sem_alloc : memref<!tpu.dma_semaphore, #tpu.memory_space<semaphore_mem>>
      %dma_start3A_134 = arith.constant 0 : i32
      %dma_start3A_135 = tpu.memref_slice %arg20[%add3A_19, %dma_start3A_134] : memref<10240x80xf32, #tpu.memory_space<vmem_shared>> -> memref<80x80xf32, #tpu.memory_space<vmem_shared>>
      %dma_start3A_136 = arith.constant 0 : i32
      %dma_start3A_137 = tpu.memref_slice %arg20[%add3A_19, %dma_start3A_136] : memref<10240x80xf32, #tpu.memory_space<vmem_shared>> -> memref<80x80xf32, #tpu.memory_space<vmem_shared>>
      tpu.enqueue_dma source(%arg16 : memref<80x80xf32, #tpu.memory_space<vmem>>) target(%dma_start3A_137 : memref<80x80xf32, #tpu.memory_space<vmem_shared>>) target_semaphore(%run_scoped3A : memref<!tpu.dma_semaphore, #tpu.memory_space<semaphore_mem>>)
      %dma_wait3A_138 = arith.constant 0 : i32
      %dma_wait3A_139 = tpu.memref_slice %arg20[%add3A_19, %dma_wait3A_138] : memref<10240x80xf32, #tpu.memory_space<vmem_shared>> -> memref<80x80xf32, #tpu.memory_space<vmem_shared>>
      %dma_wait3A_140 = arith.constant 0 : i32
      %dma_wait3A_141 = tpu.memref_slice %arg20[%add3A_19, %dma_wait3A_140] : memref<10240x80xf32, #tpu.memory_space<vmem_shared>> -> memref<80x80xf32, #tpu.memory_space<vmem_shared>>
      tpu.wait_dma2 semaphore(%run_scoped3A : memref<!tpu.dma_semaphore, #tpu.memory_space<semaphore_mem>>) src(%arg16 : memref<80x80xf32, #tpu.memory_space<vmem>>) dst(%dma_wait3A_141 : memref<80x80xf32, #tpu.memory_space<vmem_shared>>)
      tpu.yield
    }) : () -> ()
    %mul3A_20 = arith.constant 640 : i32
    %mul3A_21 = arith.muli %arg1, %mul3A_20 : i32
    %add3A_22 = arith.constant 160 : i32
    %add3A_23 = arith.addi %mul3A_21, %add3A_22 : i32
    "tpu.region"() ({
      %run_scoped3A = tpu.sem_alloc : memref<!tpu.dma_semaphore, #tpu.memory_space<semaphore_mem>>
      %dma_start3A_134 = arith.constant 0 : i32
      %dma_start3A_135 = tpu.memref_slice %arg20[%add3A_23, %dma_start3A_134] : memref<10240x80xf32, #tpu.memory_space<vmem_shared>> -> memref<80x80xf32, #tpu.memory_space<vmem_shared>>
      %dma_start3A_136 = arith.constant 0 : i32
      %dma_start3A_137 = tpu.memref_slice %arg20[%add3A_23, %dma_start3A_136] : memref<10240x80xf32, #tpu.memory_space<vmem_shared>> -> memref<80x80xf32, #tpu.memory_space<vmem_shared>>
      tpu.enqueue_dma source(%arg16 : memref<80x80xf32, #tpu.memory_space<vmem>>) target(%dma_start3A_137 : memref<80x80xf32, #tpu.memory_space<vmem_shared>>) target_semaphore(%run_scoped3A : memref<!tpu.dma_semaphore, #tpu.memory_space<semaphore_mem>>)
      %dma_wait3A_138 = arith.constant 0 : i32
      %dma_wait3A_139 = tpu.memref_slice %arg20[%add3A_23, %dma_wait3A_138] : memref<10240x80xf32, #tpu.memory_space<vmem_shared>> -> memref<80x80xf32, #tpu.memory_space<vmem_shared>>
      %dma_wait3A_140 = arith.constant 0 : i32
      %dma_wait3A_141 = tpu.memref_slice %arg20[%add3A_23, %dma_wait3A_140] : memref<10240x80xf32, #tpu.memory_space<vmem_shared>> -> memref<80x80xf32, #tpu.memory_space<vmem_shared>>
      tpu.wait_dma2 semaphore(%run_scoped3A : memref<!tpu.dma_semaphore, #tpu.memory_space<semaphore_mem>>) src(%arg16 : memref<80x80xf32, #tpu.memory_space<vmem>>) dst(%dma_wait3A_141 : memref<80x80xf32, #tpu.memory_space<vmem_shared>>)
      tpu.yield
    }) : () -> ()
    %mul3A_24 = arith.constant 640 : i32
    %mul3A_25 = arith.muli %arg1, %mul3A_24 : i32
    %add3A_26 = arith.constant 240 : i32
    %add3A_27 = arith.addi %mul3A_25, %add3A_26 : i32
    "tpu.region"() ({
      %run_scoped3A = tpu.sem_alloc : memref<!tpu.dma_semaphore, #tpu.memory_space<semaphore_mem>>
      %dma_start3A_134 = arith.constant 0 : i32
      %dma_start3A_135 = tpu.memref_slice %arg20[%add3A_27, %dma_start3A_134] : memref<10240x80xf32, #tpu.memory_space<vmem_shared>> -> memref<80x80xf32, #tpu.memory_space<vmem_shared>>
      %dma_start3A_136 = arith.constant 0 : i32
      %dma_start3A_137 = tpu.memref_slice %arg20[%add3A_27, %dma_start3A_136] : memref<10240x80xf32, #tpu.memory_space<vmem_shared>> -> memref<80x80xf32, #tpu.memory_space<vmem_shared>>
      tpu.enqueue_dma source(%arg16 : memref<80x80xf32, #tpu.memory_space<vmem>>) target(%dma_start3A_137 : memref<80x80xf32, #tpu.memory_space<vmem_shared>>) target_semaphore(%run_scoped3A : memref<!tpu.dma_semaphore, #tpu.memory_space<semaphore_mem>>)
      %dma_wait3A_138 = arith.constant 0 : i32
      %dma_wait3A_139 = tpu.memref_slice %arg20[%add3A_27, %dma_wait3A_138] : memref<10240x80xf32, #tpu.memory_space<vmem_shared>> -> memref<80x80xf32, #tpu.memory_space<vmem_shared>>
      %dma_wait3A_140 = arith.constant 0 : i32
      %dma_wait3A_141 = tpu.memref_slice %arg20[%add3A_27, %dma_wait3A_140] : memref<10240x80xf32, #tpu.memory_space<vmem_shared>> -> memref<80x80xf32, #tpu.memory_space<vmem_shared>>
      tpu.wait_dma2 semaphore(%run_scoped3A : memref<!tpu.dma_semaphore, #tpu.memory_space<semaphore_mem>>) src(%arg16 : memref<80x80xf32, #tpu.memory_space<vmem>>) dst(%dma_wait3A_141 : memref<80x80xf32, #tpu.memory_space<vmem_shared>>)
      tpu.yield
    }) : () -> ()
    %mul3A_28 = arith.constant 640 : i32
    %mul3A_29 = arith.muli %arg1, %mul3A_28 : i32
    %add3A_30 = arith.constant 320 : i32
    %add3A_31 = arith.addi %mul3A_29, %add3A_30 : i32
    "tpu.region"() ({
      %run_scoped3A = tpu.sem_alloc : memref<!tpu.dma_semaphore, #tpu.memory_space<semaphore_mem>>
      %dma_start3A_134 = arith.constant 0 : i32
      %dma_start3A_135 = tpu.memref_slice %arg20[%add3A_31, %dma_start3A_134] : memref<10240x80xf32, #tpu.memory_space<vmem_shared>> -> memref<80x80xf32, #tpu.memory_space<vmem_shared>>
      %dma_start3A_136 = arith.constant 0 : i32
      %dma_start3A_137 = tpu.memref_slice %arg20[%add3A_31, %dma_start3A_136] : memref<10240x80xf32, #tpu.memory_space<vmem_shared>> -> memref<80x80xf32, #tpu.memory_space<vmem_shared>>
      tpu.enqueue_dma source(%arg16 : memref<80x80xf32, #tpu.memory_space<vmem>>) target(%dma_start3A_137 : memref<80x80xf32, #tpu.memory_space<vmem_shared>>) target_semaphore(%run_scoped3A : memref<!tpu.dma_semaphore, #tpu.memory_space<semaphore_mem>>)
      %dma_wait3A_138 = arith.constant 0 : i32
      %dma_wait3A_139 = tpu.memref_slice %arg20[%add3A_31, %dma_wait3A_138] : memref<10240x80xf32, #tpu.memory_space<vmem_shared>> -> memref<80x80xf32, #tpu.memory_space<vmem_shared>>
      %dma_wait3A_140 = arith.constant 0 : i32
      %dma_wait3A_141 = tpu.memref_slice %arg20[%add3A_31, %dma_wait3A_140] : memref<10240x80xf32, #tpu.memory_space<vmem_shared>> -> memref<80x80xf32, #tpu.memory_space<vmem_shared>>
      tpu.wait_dma2 semaphore(%run_scoped3A : memref<!tpu.dma_semaphore, #tpu.memory_space<semaphore_mem>>) src(%arg16 : memref<80x80xf32, #tpu.memory_space<vmem>>) dst(%dma_wait3A_141 : memref<80x80xf32, #tpu.memory_space<vmem_shared>>)
      tpu.yield
    }) : () -> ()
    %mul3A_32 = arith.constant 640 : i32
    %mul3A_33 = arith.muli %arg1, %mul3A_32 : i32
    %add3A_34 = arith.constant 400 : i32
    %add3A_35 = arith.addi %mul3A_33, %add3A_34 : i32
    "tpu.region"() ({
      %run_scoped3A = tpu.sem_alloc : memref<!tpu.dma_semaphore, #tpu.memory_space<semaphore_mem>>
      %dma_start3A_134 = arith.constant 0 : i32
      %dma_start3A_135 = tpu.memref_slice %arg20[%add3A_35, %dma_start3A_134] : memref<10240x80xf32, #tpu.memory_space<vmem_shared>> -> memref<80x80xf32, #tpu.memory_space<vmem_shared>>
      %dma_start3A_136 = arith.constant 0 : i32
      %dma_start3A_137 = tpu.memref_slice %arg20[%add3A_35, %dma_start3A_136] : memref<10240x80xf32, #tpu.memory_space<vmem_shared>> -> memref<80x80xf32, #tpu.memory_space<vmem_shared>>
      tpu.enqueue_dma source(%arg16 : memref<80x80xf32, #tpu.memory_space<vmem>>) target(%dma_start3A_137 : memref<80x80xf32, #tpu.memory_space<vmem_shared>>) target_semaphore(%run_scoped3A : memref<!tpu.dma_semaphore, #tpu.memory_space<semaphore_mem>>)
      %dma_wait3A_138 = arith.constant 0 : i32
      %dma_wait3A_139 = tpu.memref_slice %arg20[%add3A_35, %dma_wait3A_138] : memref<10240x80xf32, #tpu.memory_space<vmem_shared>> -> memref<80x80xf32, #tpu.memory_space<vmem_shared>>
      %dma_wait3A_140 = arith.constant 0 : i32
      %dma_wait3A_141 = tpu.memref_slice %arg20[%add3A_35, %dma_wait3A_140] : memref<10240x80xf32, #tpu.memory_space<vmem_shared>> -> memref<80x80xf32, #tpu.memory_space<vmem_shared>>
      tpu.wait_dma2 semaphore(%run_scoped3A : memref<!tpu.dma_semaphore, #tpu.memory_space<semaphore_mem>>) src(%arg16 : memref<80x80xf32, #tpu.memory_space<vmem>>) dst(%dma_wait3A_141 : memref<80x80xf32, #tpu.memory_space<vmem_shared>>)
      tpu.yield
    }) : () -> ()
    %mul3A_36 = arith.constant 640 : i32
    %mul3A_37 = arith.muli %arg1, %mul3A_36 : i32
    %add3A_38 = arith.constant 480 : i32
    %add3A_39 = arith.addi %mul3A_37, %add3A_38 : i32
    "tpu.region"() ({
      %run_scoped3A = tpu.sem_alloc : memref<!tpu.dma_semaphore, #tpu.memory_space<semaphore_mem>>
      %dma_start3A_134 = arith.constant 0 : i32
      %dma_start3A_135 = tpu.memref_slice %arg20[%add3A_39, %dma_start3A_134] : memref<10240x80xf32, #tpu.memory_space<vmem_shared>> -> memref<80x80xf32, #tpu.memory_space<vmem_shared>>
      %dma_start3A_136 = arith.constant 0 : i32
      %dma_start3A_137 = tpu.memref_slice %arg20[%add3A_39, %dma_start3A_136] : memref<10240x80xf32, #tpu.memory_space<vmem_shared>> -> memref<80x80xf32, #tpu.memory_space<vmem_shared>>
      tpu.enqueue_dma source(%arg16 : memref<80x80xf32, #tpu.memory_space<vmem>>) target(%dma_start3A_137 : memref<80x80xf32, #tpu.memory_space<vmem_shared>>) target_semaphore(%run_scoped3A : memref<!tpu.dma_semaphore, #tpu.memory_space<semaphore_mem>>)
      %dma_wait3A_138 = arith.constant 0 : i32
      %dma_wait3A_139 = tpu.memref_slice %arg20[%add3A_39, %dma_wait3A_138] : memref<10240x80xf32, #tpu.memory_space<vmem_shared>> -> memref<80x80xf32, #tpu.memory_space<vmem_shared>>
      %dma_wait3A_140 = arith.constant 0 : i32
      %dma_wait3A_141 = tpu.memref_slice %arg20[%add3A_39, %dma_wait3A_140] : memref<10240x80xf32, #tpu.memory_space<vmem_shared>> -> memref<80x80xf32, #tpu.memory_space<vmem_shared>>
      tpu.wait_dma2 semaphore(%run_scoped3A : memref<!tpu.dma_semaphore, #tpu.memory_space<semaphore_mem>>) src(%arg16 : memref<80x80xf32, #tpu.memory_space<vmem>>) dst(%dma_wait3A_141 : memref<80x80xf32, #tpu.memory_space<vmem_shared>>)
      tpu.yield
    }) : () -> ()
    %mul3A_40 = arith.constant 640 : i32
    %mul3A_41 = arith.muli %arg1, %mul3A_40 : i32
    %add3A_42 = arith.constant 560 : i32
    %add3A_43 = arith.addi %mul3A_41, %add3A_42 : i32
    "tpu.region"() ({
      %run_scoped3A = tpu.sem_alloc : memref<!tpu.dma_semaphore, #tpu.memory_space<semaphore_mem>>
      %dma_start3A_134 = arith.constant 0 : i32
      %dma_start3A_135 = tpu.memref_slice %arg20[%add3A_43, %dma_start3A_134] : memref<10240x80xf32, #tpu.memory_space<vmem_shared>> -> memref<80x80xf32, #tpu.memory_space<vmem_shared>>
      %dma_start3A_136 = arith.constant 0 : i32
      %dma_start3A_137 = tpu.memref_slice %arg20[%add3A_43, %dma_start3A_136] : memref<10240x80xf32, #tpu.memory_space<vmem_shared>> -> memref<80x80xf32, #tpu.memory_space<vmem_shared>>
      tpu.enqueue_dma source(%arg16 : memref<80x80xf32, #tpu.memory_space<vmem>>) target(%dma_start3A_137 : memref<80x80xf32, #tpu.memory_space<vmem_shared>>) target_semaphore(%run_scoped3A : memref<!tpu.dma_semaphore, #tpu.memory_space<semaphore_mem>>)
      %dma_wait3A_138 = arith.constant 0 : i32
      %dma_wait3A_139 = tpu.memref_slice %arg20[%add3A_43, %dma_wait3A_138] : memref<10240x80xf32, #tpu.memory_space<vmem_shared>> -> memref<80x80xf32, #tpu.memory_space<vmem_shared>>
      %dma_wait3A_140 = arith.constant 0 : i32
      %dma_wait3A_141 = tpu.memref_slice %arg20[%add3A_43, %dma_wait3A_140] : memref<10240x80xf32, #tpu.memory_space<vmem_shared>> -> memref<80x80xf32, #tpu.memory_space<vmem_shared>>
      tpu.wait_dma2 semaphore(%run_scoped3A : memref<!tpu.dma_semaphore, #tpu.memory_space<semaphore_mem>>) src(%arg16 : memref<80x80xf32, #tpu.memory_space<vmem>>) dst(%dma_wait3A_141 : memref<80x80xf32, #tpu.memory_space<vmem_shared>>)
      tpu.yield
    }) : () -> ()
    %barrier3A = arith.constant 0 : index
    tpu.barrier barrier_id(%barrier3A)
    "tpu.region"() ({
      %run_scoped3A = tpu.sem_alloc : memref<!tpu.dma_semaphore, #tpu.memory_space<semaphore_mem>>
      tpu.enqueue_dma source(%arg6 : memref<1x16xf32, #tpu.memory_space<hbm>>) target(%arg19 : memref<1x16xf32, #tpu.memory_space<vmem>>) target_semaphore(%run_scoped3A : memref<!tpu.dma_semaphore, #tpu.memory_space<semaphore_mem>>)
      tpu.wait_dma2 semaphore(%run_scoped3A : memref<!tpu.dma_semaphore, #tpu.memory_space<semaphore_mem>>) src(%arg6 : memref<1x16xf32, #tpu.memory_space<hbm>>) dst(%arg19 : memref<1x16xf32, #tpu.memory_space<vmem>>)
      tpu.yield
    }) : () -> ()
    %gather3A = tpu.vector_load_idx %arg19[%broadcast_in_dim3A_6, %broadcast_in_dim3A_6] : memref<1x16xf32, #tpu.memory_space<vmem>>[vector<16xi32>, vector<16xi32>], vector<16xf32>,
    %add3A_44 = arith.constant 1 : i32
    %add3A_45 = vector.broadcast %add3A_44 : i32 to vector<16xi32>
    %add3A_46 = arith.addi %broadcast_in_dim3A_6, %add3A_45 : vector<16xi32>
    %gather3A_47 = tpu.vector_load_idx %arg19[%broadcast_in_dim3A_6, %add3A_46] : memref<1x16xf32, #tpu.memory_space<vmem>>[vector<16xi32>, vector<16xi32>], vector<16xf32>,
    %add3A_48 = arith.addf %gather3A, %gather3A_47 : vector<16xf32>
    %mul3A_49 = arith.constant 2.000000e-01 : f32
    %mul3A_50 = vector.broadcast %mul3A_49 : f32 to vector<16xf32>
    %mul3A_51 = arith.mulf %mul3A_50, %add3A_48 : vector<16xf32>
    %max3A = arith.maximumf %add3A_48, %mul3A_51 : vector<16xf32>
    %mul3A_52 = arith.constant 10000 : i32
    %mul3A_53 = arith.muli %add3A, %mul3A_52 : i32
    %add3A_54 = arith.constant 0 : i32
    %add3A_55 = arith.addi %mul3A_53, %add3A_54 : i32
    %multiple_of3A = tpu.assume_multiple %add3A_55, 8 : i32
    "tpu.region"() ({
      %run_scoped3A = tpu.sem_alloc : memref<!tpu.dma_semaphore, #tpu.memory_space<semaphore_mem>>
      %dma_start3A_134 = tpu.memref_slice %arg2[%multiple_of3A] : memref<320000xi32, #tpu.memory_space<hbm>> -> memref<80xi32, #tpu.memory_space<hbm>>
      %dma_start3A_135 = tpu.memref_slice %arg2[%multiple_of3A] : memref<320000xi32, #tpu.memory_space<hbm>> -> memref<80xi32, #tpu.memory_space<hbm>>
      tpu.enqueue_dma source(%dma_start3A_135 : memref<80xi32, #tpu.memory_space<hbm>>) target(%arg8 : memref<80xi32, #tpu.memory_space<vmem>>) target_semaphore(%run_scoped3A : memref<!tpu.dma_semaphore, #tpu.memory_space<semaphore_mem>>)
      %dma_wait3A_136 = tpu.memref_slice %arg2[%multiple_of3A] : memref<320000xi32, #tpu.memory_space<hbm>> -> memref<80xi32, #tpu.memory_space<hbm>>
      %dma_wait3A_137 = tpu.memref_slice %arg2[%multiple_of3A] : memref<320000xi32, #tpu.memory_space<hbm>> -> memref<80xi32, #tpu.memory_space<hbm>>
      tpu.wait_dma2 semaphore(%run_scoped3A : memref<!tpu.dma_semaphore, #tpu.memory_space<semaphore_mem>>) src(%dma_wait3A_137 : memref<80xi32, #tpu.memory_space<hbm>>) dst(%arg8 : memref<80xi32, #tpu.memory_space<vmem>>)
      tpu.yield
    }) : () -> ()
    "tpu.region"() ({
      %run_scoped3A = tpu.sem_alloc : memref<!tpu.dma_semaphore, #tpu.memory_space<semaphore_mem>>
      %dma_start3A_134 = tpu.memref_slice %arg3[%multiple_of3A] : memref<320000xi32, #tpu.memory_space<hbm>> -> memref<80xi32, #tpu.memory_space<hbm>>
      %dma_start3A_135 = tpu.memref_slice %arg3[%multiple_of3A] : memref<320000xi32, #tpu.memory_space<hbm>> -> memref<80xi32, #tpu.memory_space<hbm>>
      tpu.enqueue_dma source(%dma_start3A_135 : memref<80xi32, #tpu.memory_space<hbm>>) target(%arg10 : memref<80xi32, #tpu.memory_space<vmem>>) target_semaphore(%run_scoped3A : memref<!tpu.dma_semaphore, #tpu.memory_space<semaphore_mem>>)
      %dma_wait3A_136 = tpu.memref_slice %arg3[%multiple_of3A] : memref<320000xi32, #tpu.memory_space<hbm>> -> memref<80xi32, #tpu.memory_space<hbm>>
      %dma_wait3A_137 = tpu.memref_slice %arg3[%multiple_of3A] : memref<320000xi32, #tpu.memory_space<hbm>> -> memref<80xi32, #tpu.memory_space<hbm>>
      tpu.wait_dma2 semaphore(%run_scoped3A : memref<!tpu.dma_semaphore, #tpu.memory_space<semaphore_mem>>) src(%dma_wait3A_137 : memref<80xi32, #tpu.memory_space<hbm>>) dst(%arg10 : memref<80xi32, #tpu.memory_space<vmem>>)
      tpu.yield
    }) : () -> ()
    %dma_start3A = arith.constant 0 : i32
    %dma_start3A_56 = arith.constant 0 : i32
    %dma_start3A_57 = tpu.memref_slice %arg4[%dma_start3A, %dma_start3A_56] : memref<10000x72xf32, #tpu.memory_space<hbm>> -> memref<10000x72xf32, #tpu.memory_space<hbm>>
    tpu.enqueue_indirect_dma source(%dma_start3A_57 : memref<10000x72xf32, #tpu.memory_space<hbm>>) target(%arg12 : memref<80x72xf32, #tpu.memory_space<vmem>>) offsets(%arg8 : memref<80xi32, #tpu.memory_space<vmem>>) semaphore(%arg21 : memref<!tpu.dma_semaphore, #tpu.memory_space<semaphore_mem>>)
    %dma_start3A_58 = arith.constant 0 : i32
    %dma_start3A_59 = arith.constant 0 : i32
    %dma_start3A_60 = tpu.memref_slice %arg5[%dma_start3A_58, %dma_start3A_59] : memref<10000x8xf32, #tpu.memory_space<hbm>> -> memref<10000x8xf32, #tpu.memory_space<hbm>>
    tpu.enqueue_indirect_dma source(%dma_start3A_60 : memref<10000x8xf32, #tpu.memory_space<hbm>>) target(%arg14 : memref<80x8xf32, #tpu.memory_space<vmem>>) offsets(%arg10 : memref<80xi32, #tpu.memory_space<vmem>>) semaphore(%arg21 : memref<!tpu.dma_semaphore, #tpu.memory_space<semaphore_mem>>)
    %dma_wait3A = arith.constant 0 : i32
    %dma_wait3A_61 = arith.constant 0 : i32
    %dma_wait3A_62 = tpu.memref_slice %arg4[%dma_wait3A, %dma_wait3A_61] : memref<10000x72xf32, #tpu.memory_space<hbm>> -> memref<10000x72xf32, #tpu.memory_space<hbm>>
    tpu.wait_indirect_dma semaphore(%arg21 : memref<!tpu.dma_semaphore, #tpu.memory_space<semaphore_mem>>) src(%dma_wait3A_62 : memref<10000x72xf32, #tpu.memory_space<hbm>>) dst(%arg12 : memref<80x72xf32, #tpu.memory_space<vmem>>)
    %dma_wait3A_63 = arith.constant 0 : i32
    %dma_wait3A_64 = arith.constant 0 : i32
    %dma_wait3A_65 = tpu.memref_slice %arg5[%dma_wait3A_63, %dma_wait3A_64] : memref<10000x8xf32, #tpu.memory_space<hbm>> -> memref<10000x8xf32, #tpu.memory_space<hbm>>
    tpu.wait_indirect_dma semaphore(%arg21 : memref<!tpu.dma_semaphore, #tpu.memory_space<semaphore_mem>>) src(%dma_wait3A_65 : memref<10000x8xf32, #tpu.memory_space<hbm>>) dst(%arg14 : memref<80x8xf32, #tpu.memory_space<vmem>>)
    %add3A_66 = arith.constant 80 : i32
    %add3A_67 = arith.addi %mul3A_53, %add3A_66 : i32
    %multiple_of3A_68 = tpu.assume_multiple %add3A_67, 8 : i32
    "tpu.region"() ({
      %run_scoped3A = tpu.sem_alloc : memref<!tpu.dma_semaphore, #tpu.memory_space<semaphore_mem>>
      %dma_start3A_134 = tpu.memref_slice %arg2[%multiple_of3A_68] : memref<320000xi32, #tpu.memory_space<hbm>> -> memref<80xi32, #tpu.memory_space<hbm>>
      %dma_start3A_135 = tpu.memref_slice %arg2[%multiple_of3A_68] : memref<320000xi32, #tpu.memory_space<hbm>> -> memref<80xi32, #tpu.memory_space<hbm>>
      tpu.enqueue_dma source(%dma_start3A_135 : memref<80xi32, #tpu.memory_space<hbm>>) target(%arg9 : memref<80xi32, #tpu.memory_space<vmem>>) target_semaphore(%run_scoped3A : memref<!tpu.dma_semaphore, #tpu.memory_space<semaphore_mem>>)
      %dma_wait3A_136 = tpu.memref_slice %arg2[%multiple_of3A_68] : memref<320000xi32, #tpu.memory_space<hbm>> -> memref<80xi32, #tpu.memory_space<hbm>>
      %dma_wait3A_137 = tpu.memref_slice %arg2[%multiple_of3A_68] : memref<320000xi32, #tpu.memory_space<hbm>> -> memref<80xi32, #tpu.memory_space<hbm>>
      tpu.wait_dma2 semaphore(%run_scoped3A : memref<!tpu.dma_semaphore, #tpu.memory_space<semaphore_mem>>) src(%dma_wait3A_137 : memref<80xi32, #tpu.memory_space<hbm>>) dst(%arg9 : memref<80xi32, #tpu.memory_space<vmem>>)
      tpu.yield
    }) : () -> ()
    "tpu.region"() ({
      %run_scoped3A = tpu.sem_alloc : memref<!tpu.dma_semaphore, #tpu.memory_space<semaphore_mem>>
      %dma_start3A_134 = tpu.memref_slice %arg3[%multiple_of3A_68] : memref<320000xi32, #tpu.memory_space<hbm>> -> memref<80xi32, #tpu.memory_space<hbm>>
      %dma_start3A_135 = tpu.memref_slice %arg3[%multiple_of3A_68] : memref<320000xi32, #tpu.memory_space<hbm>> -> memref<80xi32, #tpu.memory_space<hbm>>
      tpu.enqueue_dma source(%dma_start3A_135 : memref<80xi32, #tpu.memory_space<hbm>>) target(%arg11 : memref<80xi32, #tpu.memory_space<vmem>>) target_semaphore(%run_scoped3A : memref<!tpu.dma_semaphore, #tpu.memory_space<semaphore_mem>>)
      %dma_wait3A_136 = tpu.memref_slice %arg3[%multiple_of3A_68] : memref<320000xi32, #tpu.memory_space<hbm>> -> memref<80xi32, #tpu.memory_space<hbm>>
      %dma_wait3A_137 = tpu.memref_slice %arg3[%multiple_of3A_68] : memref<320000xi32, #tpu.memory_space<hbm>> -> memref<80xi32, #tpu.memory_space<hbm>>
      tpu.wait_dma2 semaphore(%run_scoped3A : memref<!tpu.dma_semaphore, #tpu.memory_space<semaphore_mem>>) src(%dma_wait3A_137 : memref<80xi32, #tpu.memory_space<hbm>>) dst(%arg11 : memref<80xi32, #tpu.memory_space<vmem>>)
      tpu.yield
    }) : () -> ()
    %dma_start3A_69 = arith.constant 0 : i32
    %dma_start3A_70 = arith.constant 0 : i32
    %dma_start3A_71 = tpu.memref_slice %arg4[%dma_start3A_69, %dma_start3A_70] : memref<10000x72xf32, #tpu.memory_space<hbm>> -> memref<10000x72xf32, #tpu.memory_space<hbm>>
    tpu.enqueue_indirect_dma source(%dma_start3A_71 : memref<10000x72xf32, #tpu.memory_space<hbm>>) target(%arg13 : memref<80x72xf32, #tpu.memory_space<vmem>>) offsets(%arg9 : memref<80xi32, #tpu.memory_space<vmem>>) semaphore(%arg22 : memref<!tpu.dma_semaphore, #tpu.memory_space<semaphore_mem>>)
    %dma_start3A_72 = arith.constant 0 : i32
    %dma_start3A_73 = arith.constant 0 : i32
    %dma_start3A_74 = tpu.memref_slice %arg5[%dma_start3A_72, %dma_start3A_73] : memref<10000x8xf32, #tpu.memory_space<hbm>> -> memref<10000x8xf32, #tpu.memory_space<hbm>>
    tpu.enqueue_indirect_dma source(%dma_start3A_74 : memref<10000x8xf32, #tpu.memory_space<hbm>>) target(%arg15 : memref<80x8xf32, #tpu.memory_space<vmem>>) offsets(%arg11 : memref<80xi32, #tpu.memory_space<vmem>>) semaphore(%arg22 : memref<!tpu.dma_semaphore, #tpu.memory_space<semaphore_mem>>)
    %broadcast_in_dim3A_75 = arith.constant 64 : i32
    %broadcast_in_dim3A_76 = vector.broadcast %broadcast_in_dim3A_75 : i32 to vector<16xi32>
    %scan3A_77 = arith.constant 0 : i32
    %scan3A_78 = arith.constant 0 : i32
    %scan3A_79 = arith.constant 5 : i32
    %scan3A_80 = arith.addi %scan3A_78, %scan3A_79 : i32
    %scan3A_81 = arith.constant 1 : i32
    scf.for %scan3A_134 = %scan3A_78 to %scan3A_80 step %scan3A_81  : i32 {
      %mul3A_135 = arith.constant 16 : i32
      %mul3A_136 = arith.muli %mul3A_135, %scan3A_134 : i32
      %add3A_137 = vector.broadcast %mul3A_136 : i32 to vector<16xi32>
      %add3A_138 = arith.addi %add3A_137, %iota3A : vector<16xi32>
      %gather3A_139 = tpu.vector_load_idx %arg12[%add3A_138, %broadcast_in_dim3A_6] : memref<80x72xf32, #tpu.memory_space<vmem>>[vector<16xi32>, vector<16xi32>], vector<16xf32>,
      %gather3A_140 = tpu.vector_load_idx %arg14[%add3A_138, %broadcast_in_dim3A_6] : memref<80x8xf32, #tpu.memory_space<vmem>>[vector<16xi32>, vector<16xi32>], vector<16xf32>,
      %add3A_141 = arith.addf %gather3A_139, %gather3A_140 : vector<16xf32>
      %mul3A_142 = arith.constant 2.000000e-01 : f32
      %mul3A_143 = vector.broadcast %mul3A_142 : f32 to vector<16xf32>
      %mul3A_144 = arith.mulf %mul3A_143, %add3A_141 : vector<16xf32>
      %max3A_145 = arith.maximumf %add3A_141, %mul3A_144 : vector<16xf32>
      %sub3A = arith.subf %max3A_145, %max3A : vector<16xf32>
      %exp3A = math.exp %sub3A : vector<16xf32>
      tpu.vector_store_idx %arg16[%add3A_138, %broadcast_in_dim3A_76], %exp3A : memref<80x80xf32, #tpu.memory_space<vmem>>[vector<16xi32>, vector<16xi32>], vector<16xf32>,
    }
    %scan3A_82 = arith.constant 5 : i32
    %scan3A_83 = arith.constant 0 : i32
    %scan3A_84 = arith.constant 0 : i32
    %scan3A_85 = arith.constant 80 : i32
    %scan3A_86 = arith.addi %scan3A_84, %scan3A_85 : i32
    %scan3A_87 = arith.constant 1 : i32
    scf.for %scan3A_134 = %scan3A_84 to %scan3A_86 step %scan3A_87  : i32 {
      %broadcast_in_dim3A_135 = vector.broadcast %scan3A_134 : i32 to vector<16xi32>
      %gather3A_136 = tpu.vector_load_idx %arg16[%broadcast_in_dim3A_135, %broadcast_in_dim3A_76] : memref<80x80xf32, #tpu.memory_space<vmem>>[vector<16xi32>, vector<16xi32>], vector<16xf32>,
      %get3A = arith.index_cast %scan3A_134 : i32 to index
      %get3A_137 = arith.constant 8 : index
      %get3A_138 = tpu.vector_load %arg12[%get3A, %get3A_137] {strides = array<i32>} : memref<80x72xf32, #tpu.memory_space<vmem>>, vector<16xf32>,
      %mul3A_139 = arith.mulf %get3A_138, %gather3A_136 : vector<16xf32>
      %swap3A = arith.index_cast %scan3A_134 : i32 to index
      %swap3A_140 = arith.constant 0 : index
      %swap3A_141 = tpu.vector_load %arg16[%swap3A, %swap3A_140] {strides = array<i32>} : memref<80x80xf32, #tpu.memory_space<vmem>>, vector<16xf32>,
      tpu.vector_store %arg16[%swap3A, %swap3A_140], %mul3A_139 {strides = array<i32>} : memref<80x80xf32, #tpu.memory_space<vmem>>, vector<16xf32>,
      %get3A_142 = arith.index_cast %scan3A_134 : i32 to index
      %get3A_143 = arith.constant 24 : index
      %get3A_144 = tpu.vector_load %arg12[%get3A_142, %get3A_143] {strides = array<i32>} : memref<80x72xf32, #tpu.memory_space<vmem>>, vector<16xf32>,
      %mul3A_145 = arith.mulf %get3A_144, %gather3A_136 : vector<16xf32>
      %swap3A_146 = arith.index_cast %scan3A_134 : i32 to index
      %swap3A_147 = arith.constant 16 : index
      %swap3A_148 = tpu.vector_load %arg16[%swap3A_146, %swap3A_147] {strides = array<i32>} : memref<80x80xf32, #tpu.memory_space<vmem>>, vector<16xf32>,
      tpu.vector_store %arg16[%swap3A_146, %swap3A_147], %mul3A_145 {strides = array<i32>} : memref<80x80xf32, #tpu.memory_space<vmem>>, vector<16xf32>,
      %get3A_149 = arith.index_cast %scan3A_134 : i32 to index
      %get3A_150 = arith.constant 40 : index
      %get3A_151 = tpu.vector_load %arg12[%get3A_149, %get3A_150] {strides = array<i32>} : memref<80x72xf32, #tpu.memory_space<vmem>>, vector<16xf32>,
      %mul3A_152 = arith.mulf %get3A_151, %gather3A_136 : vector<16xf32>
      %swap3A_153 = arith.index_cast %scan3A_134 : i32 to index
      %swap3A_154 = arith.constant 32 : index
      %swap3A_155 = tpu.vector_load %arg16[%swap3A_153, %swap3A_154] {strides = array<i32>} : memref<80x80xf32, #tpu.memory_space<vmem>>, vector<16xf32>,
      tpu.vector_store %arg16[%swap3A_153, %swap3A_154], %mul3A_152 {strides = array<i32>} : memref<80x80xf32, #tpu.memory_space<vmem>>, vector<16xf32>,
      %get3A_156 = arith.index_cast %scan3A_134 : i32 to index
      %get3A_157 = arith.constant 56 : index
      %get3A_158 = tpu.vector_load %arg12[%get3A_156, %get3A_157] {strides = array<i32>} : memref<80x72xf32, #tpu.memory_space<vmem>>, vector<16xf32>,
      %mul3A_159 = arith.mulf %get3A_158, %gather3A_136 : vector<16xf32>
      %swap3A_160 = arith.index_cast %scan3A_134 : i32 to index
      %swap3A_161 = arith.constant 48 : index
      %swap3A_162 = tpu.vector_load %arg16[%swap3A_160, %swap3A_161] {strides = array<i32>} : memref<80x80xf32, #tpu.memory_space<vmem>>, vector<16xf32>,
      tpu.vector_store %arg16[%swap3A_160, %swap3A_161], %mul3A_159 {strides = array<i32>} : memref<80x80xf32, #tpu.memory_space<vmem>>, vector<16xf32>,
    }
    %scan3A_88 = arith.constant 80 : i32
    %dma_start3A_89 = arith.constant 0 : i32
    %dma_start3A_90 = arith.constant 0 : i32
    %dma_start3A_91 = tpu.memref_slice %arg20[%dma_start3A_89, %dma_start3A_90] : memref<10240x80xf32, #tpu.memory_space<vmem_shared>> -> memref<10240x80xf32, #tpu.memory_space<vmem_shared>>
    tpu.enqueue_indirect_dma source(%arg16 : memref<80x80xf32, #tpu.memory_space<vmem>>) target(%dma_start3A_91 : memref<10240x80xf32, #tpu.memory_space<vmem_shared>>) offsets(%arg10 : memref<80xi32, #tpu.memory_space<vmem>>) semaphore(%arg23 : memref<!tpu.dma_semaphore, #tpu.memory_space<semaphore_mem>>) {add = true}
    %scan3A_92 = arith.constant 0 : i32
    %scan3A_93 = arith.constant 0 : i32
    %scan3A_94 = arith.constant 62 : i32
    %scan3A_95 = arith.addi %scan3A_93, %scan3A_94 : i32
    %scan3A_96 = arith.constant 1 : i32
    scf.for %scan3A_134 = %scan3A_93 to %scan3A_95 step %scan3A_96  : i32 {
      %dma_wait3A_135 = arith.constant 0 : i32
      %dma_wait3A_136 = arith.constant 0 : i32
      %dma_wait3A_137 = tpu.memref_slice %arg20[%dma_wait3A_135, %dma_wait3A_136] : memref<10240x80xf32, #tpu.memory_space<vmem_shared>> -> memref<10240x80xf32, #tpu.memory_space<vmem_shared>>
      tpu.wait_indirect_dma semaphore(%arg23 : memref<!tpu.dma_semaphore, #tpu.memory_space<semaphore_mem>>) src(%arg16 : memref<80x80xf32, #tpu.memory_space<vmem>>) dst(%dma_wait3A_137 : memref<10240x80xf32, #tpu.memory_space<vmem_shared>>)
      %mul3A_138 = arith.constant 2 : i32
      %mul3A_139 = arith.muli %mul3A_138, %scan3A_134 : i32
      %add3A_140 = arith.constant 2 : i32
      %add3A_141 = arith.addi %mul3A_139, %add3A_140 : i32
      %mul3A_142 = arith.constant 80 : i32
      %mul3A_143 = arith.muli %add3A_141, %mul3A_142 : i32
      %add3A_144 = arith.addi %mul3A_53, %mul3A_143 : i32
      %multiple_of3A_145 = tpu.assume_multiple %add3A_144, 8 : i32
      "tpu.region"() ({
        %run_scoped3A = tpu.sem_alloc : memref<!tpu.dma_semaphore, #tpu.memory_space<semaphore_mem>>
        %dma_start3A_204 = tpu.memref_slice %arg2[%multiple_of3A_145] : memref<320000xi32, #tpu.memory_space<hbm>> -> memref<80xi32, #tpu.memory_space<hbm>>
        %dma_start3A_205 = tpu.memref_slice %arg2[%multiple_of3A_145] : memref<320000xi32, #tpu.memory_space<hbm>> -> memref<80xi32, #tpu.memory_space<hbm>>
        tpu.enqueue_dma source(%dma_start3A_205 : memref<80xi32, #tpu.memory_space<hbm>>) target(%arg8 : memref<80xi32, #tpu.memory_space<vmem>>) target_semaphore(%run_scoped3A : memref<!tpu.dma_semaphore, #tpu.memory_space<semaphore_mem>>)
        %dma_wait3A_206 = tpu.memref_slice %arg2[%multiple_of3A_145] : memref<320000xi32, #tpu.memory_space<hbm>> -> memref<80xi32, #tpu.memory_space<hbm>>
        %dma_wait3A_207 = tpu.memref_slice %arg2[%multiple_of3A_145] : memref<320000xi32, #tpu.memory_space<hbm>> -> memref<80xi32, #tpu.memory_space<hbm>>
        tpu.wait_dma2 semaphore(%run_scoped3A : memref<!tpu.dma_semaphore, #tpu.memory_space<semaphore_mem>>) src(%dma_wait3A_207 : memref<80xi32, #tpu.memory_space<hbm>>) dst(%arg8 : memref<80xi32, #tpu.memory_space<vmem>>)
        tpu.yield
      }) : () -> ()
      "tpu.region"() ({
        %run_scoped3A = tpu.sem_alloc : memref<!tpu.dma_semaphore, #tpu.memory_space<semaphore_mem>>
        %dma_start3A_204 = tpu.memref_slice %arg3[%multiple_of3A_145] : memref<320000xi32, #tpu.memory_space<hbm>> -> memref<80xi32, #tpu.memory_space<hbm>>
        %dma_start3A_205 = tpu.memref_slice %arg3[%multiple_of3A_145] : memref<320000xi32, #tpu.memory_space<hbm>> -> memref<80xi32, #tpu.memory_space<hbm>>
        tpu.enqueue_dma source(%dma_start3A_205 : memref<80xi32, #tpu.memory_space<hbm>>) target(%arg10 : memref<80xi32, #tpu.memory_space<vmem>>) target_semaphore(%run_scoped3A : memref<!tpu.dma_semaphore, #tpu.memory_space<semaphore_mem>>)
        %dma_wait3A_206 = tpu.memref_slice %arg3[%multiple_of3A_145] : memref<320000xi32, #tpu.memory_space<hbm>> -> memref<80xi32, #tpu.memory_space<hbm>>
        %dma_wait3A_207 = tpu.memref_slice %arg3[%multiple_of3A_145] : memref<320000xi32, #tpu.memory_space<hbm>> -> memref<80xi32, #tpu.memory_space<hbm>>
        tpu.wait_dma2 semaphore(%run_scoped3A : memref<!tpu.dma_semaphore, #tpu.memory_space<semaphore_mem>>) src(%dma_wait3A_207 : memref<80xi32, #tpu.memory_space<hbm>>) dst(%arg10 : memref<80xi32, #tpu.memory_space<vmem>>)
        tpu.yield
      }) : () -> ()
      %dma_start3A_146 = arith.constant 0 : i32
      %dma_start3A_147 = arith.constant 0 : i32
      %dma_start3A_148 = tpu.memref_slice %arg4[%dma_start3A_146, %dma_start3A_147] : memref<10000x72xf32, #tpu.memory_space<hbm>> -> memref<10000x72xf32, #tpu.memory_space<hbm>>
      tpu.enqueue_indirect_dma source(%dma_start3A_148 : memref<10000x72xf32, #tpu.memory_space<hbm>>) target(%arg12 : memref<80x72xf32, #tpu.memory_space<vmem>>) offsets(%arg8 : memref<80xi32, #tpu.memory_space<vmem>>) semaphore(%arg21 : memref<!tpu.dma_semaphore, #tpu.memory_space<semaphore_mem>>)
      %dma_start3A_149 = arith.constant 0 : i32
      %dma_start3A_150 = arith.constant 0 : i32
      %dma_start3A_151 = tpu.memref_slice %arg5[%dma_start3A_149, %dma_start3A_150] : memref<10000x8xf32, #tpu.memory_space<hbm>> -> memref<10000x8xf32, #tpu.memory_space<hbm>>
      tpu.enqueue_indirect_dma source(%dma_start3A_151 : memref<10000x8xf32, #tpu.memory_space<hbm>>) target(%arg14 : memref<80x8xf32, #tpu.memory_space<vmem>>) offsets(%arg10 : memref<80xi32, #tpu.memory_space<vmem>>) semaphore(%arg21 : memref<!tpu.dma_semaphore, #tpu.memory_space<semaphore_mem>>)
      %dma_wait3A_152 = arith.constant 0 : i32
      %dma_wait3A_153 = arith.constant 0 : i32
      %dma_wait3A_154 = tpu.memref_slice %arg4[%dma_wait3A_152, %dma_wait3A_153] : memref<10000x72xf32, #tpu.memory_space<hbm>> -> memref<10000x72xf32, #tpu.memory_space<hbm>>
      tpu.wait_indirect_dma semaphore(%arg22 : memref<!tpu.dma_semaphore, #tpu.memory_space<semaphore_mem>>) src(%dma_wait3A_154 : memref<10000x72xf32, #tpu.memory_space<hbm>>) dst(%arg13 : memref<80x72xf32, #tpu.memory_space<vmem>>)
      %dma_wait3A_155 = arith.constant 0 : i32
      %dma_wait3A_156 = arith.constant 0 : i32
      %dma_wait3A_157 = tpu.memref_slice %arg5[%dma_wait3A_155, %dma_wait3A_156] : memref<10000x8xf32, #tpu.memory_space<hbm>> -> memref<10000x8xf32, #tpu.memory_space<hbm>>
      tpu.wait_indirect_dma semaphore(%arg22 : memref<!tpu.dma_semaphore, #tpu.memory_space<semaphore_mem>>) src(%dma_wait3A_157 : memref<10000x8xf32, #tpu.memory_space<hbm>>) dst(%arg15 : memref<80x8xf32, #tpu.memory_space<vmem>>)
      %broadcast_in_dim3A_158 = arith.constant 64 : i32
      %broadcast_in_dim3A_159 = vector.broadcast %broadcast_in_dim3A_158 : i32 to vector<16xi32>
      %scan3A_160 = arith.constant 0 : i32
      %scan3A_161 = arith.constant 0 : i32
      %scan3A_162 = arith.constant 5 : i32
      %scan3A_163 = arith.addi %scan3A_161, %scan3A_162 : i32
      %scan3A_164 = arith.constant 1 : i32
      scf.for %scan3A_204 = %scan3A_161 to %scan3A_163 step %scan3A_164  : i32 {
        %mul3A_205 = arith.constant 16 : i32
        %mul3A_206 = arith.muli %mul3A_205, %scan3A_204 : i32
        %add3A_207 = vector.broadcast %mul3A_206 : i32 to vector<16xi32>
        %add3A_208 = arith.addi %add3A_207, %iota3A : vector<16xi32>
        %gather3A_209 = tpu.vector_load_idx %arg13[%add3A_208, %broadcast_in_dim3A_6] : memref<80x72xf32, #tpu.memory_space<vmem>>[vector<16xi32>, vector<16xi32>], vector<16xf32>,
        %gather3A_210 = tpu.vector_load_idx %arg15[%add3A_208, %broadcast_in_dim3A_6] : memref<80x8xf32, #tpu.memory_space<vmem>>[vector<16xi32>, vector<16xi32>], vector<16xf32>,
        %add3A_211 = arith.addf %gather3A_209, %gather3A_210 : vector<16xf32>
        %mul3A_212 = arith.constant 2.000000e-01 : f32
        %mul3A_213 = vector.broadcast %mul3A_212 : f32 to vector<16xf32>
        %mul3A_214 = arith.mulf %mul3A_213, %add3A_211 : vector<16xf32>
        %max3A_215 = arith.maximumf %add3A_211, %mul3A_214 : vector<16xf32>
        %sub3A = arith.subf %max3A_215, %max3A : vector<16xf32>
        %exp3A = math.exp %sub3A : vector<16xf32>
        tpu.vector_store_idx %arg17[%add3A_208, %broadcast_in_dim3A_159], %exp3A : memref<80x80xf32, #tpu.memory_space<vmem>>[vector<16xi32>, vector<16xi32>], vector<16xf32>,
      }
      %scan3A_165 = arith.constant 5 : i32
      %scan3A_166 = arith.constant 0 : i32
      %scan3A_167 = arith.constant 0 : i32
      %scan3A_168 = arith.constant 80 : i32
      %scan3A_169 = arith.addi %scan3A_167, %scan3A_168 : i32
      %scan3A_170 = arith.constant 1 : i32
      scf.for %scan3A_204 = %scan3A_167 to %scan3A_169 step %scan3A_170  : i32 {
        %broadcast_in_dim3A_205 = vector.broadcast %scan3A_204 : i32 to vector<16xi32>
        %gather3A_206 = tpu.vector_load_idx %arg17[%broadcast_in_dim3A_205, %broadcast_in_dim3A_159] : memref<80x80xf32, #tpu.memory_space<vmem>>[vector<16xi32>, vector<16xi32>], vector<16xf32>,
        %get3A = arith.index_cast %scan3A_204 : i32 to index
        %get3A_207 = arith.constant 8 : index
        %get3A_208 = tpu.vector_load %arg13[%get3A, %get3A_207] {strides = array<i32>} : memref<80x72xf32, #tpu.memory_space<vmem>>, vector<16xf32>,
        %mul3A_209 = arith.mulf %get3A_208, %gather3A_206 : vector<16xf32>
        %swap3A = arith.index_cast %scan3A_204 : i32 to index
        %swap3A_210 = arith.constant 0 : index
        %swap3A_211 = tpu.vector_load %arg17[%swap3A, %swap3A_210] {strides = array<i32>} : memref<80x80xf32, #tpu.memory_space<vmem>>, vector<16xf32>,
        tpu.vector_store %arg17[%swap3A, %swap3A_210], %mul3A_209 {strides = array<i32>} : memref<80x80xf32, #tpu.memory_space<vmem>>, vector<16xf32>,
        %get3A_212 = arith.index_cast %scan3A_204 : i32 to index
        %get3A_213 = arith.constant 24 : index
        %get3A_214 = tpu.vector_load %arg13[%get3A_212, %get3A_213] {strides = array<i32>} : memref<80x72xf32, #tpu.memory_space<vmem>>, vector<16xf32>,
        %mul3A_215 = arith.mulf %get3A_214, %gather3A_206 : vector<16xf32>
        %swap3A_216 = arith.index_cast %scan3A_204 : i32 to index
        %swap3A_217 = arith.constant 16 : index
        %swap3A_218 = tpu.vector_load %arg17[%swap3A_216, %swap3A_217] {strides = array<i32>} : memref<80x80xf32, #tpu.memory_space<vmem>>, vector<16xf32>,
        tpu.vector_store %arg17[%swap3A_216, %swap3A_217], %mul3A_215 {strides = array<i32>} : memref<80x80xf32, #tpu.memory_space<vmem>>, vector<16xf32>,
        %get3A_219 = arith.index_cast %scan3A_204 : i32 to index
        %get3A_220 = arith.constant 40 : index
        %get3A_221 = tpu.vector_load %arg13[%get3A_219, %get3A_220] {strides = array<i32>} : memref<80x72xf32, #tpu.memory_space<vmem>>, vector<16xf32>,
        %mul3A_222 = arith.mulf %get3A_221, %gather3A_206 : vector<16xf32>
        %swap3A_223 = arith.index_cast %scan3A_204 : i32 to index
        %swap3A_224 = arith.constant 32 : index
        %swap3A_225 = tpu.vector_load %arg17[%swap3A_223, %swap3A_224] {strides = array<i32>} : memref<80x80xf32, #tpu.memory_space<vmem>>, vector<16xf32>,
        tpu.vector_store %arg17[%swap3A_223, %swap3A_224], %mul3A_222 {strides = array<i32>} : memref<80x80xf32, #tpu.memory_space<vmem>>, vector<16xf32>,
        %get3A_226 = arith.index_cast %scan3A_204 : i32 to index
        %get3A_227 = arith.constant 56 : index
        %get3A_228 = tpu.vector_load %arg13[%get3A_226, %get3A_227] {strides = array<i32>} : memref<80x72xf32, #tpu.memory_space<vmem>>, vector<16xf32>,
        %mul3A_229 = arith.mulf %get3A_228, %gather3A_206 : vector<16xf32>
        %swap3A_230 = arith.index_cast %scan3A_204 : i32 to index
        %swap3A_231 = arith.constant 48 : index
        %swap3A_232 = tpu.vector_load %arg17[%swap3A_230, %swap3A_231] {strides = array<i32>} : memref<80x80xf32, #tpu.memory_space<vmem>>, vector<16xf32>,
        tpu.vector_store %arg17[%swap3A_230, %swap3A_231], %mul3A_229 {strides = array<i32>} : memref<80x80xf32, #tpu.memory_space<vmem>>, vector<16xf32>,
      }
      %scan3A_171 = arith.constant 80 : i32
      %dma_start3A_172 = arith.constant 0 : i32
      %dma_start3A_173 = arith.constant 0 : i32
      %dma_start3A_174 = tpu.memref_slice %arg20[%dma_start3A_172, %dma_start3A_173] : memref<10240x80xf32, #tpu.memory_space<vmem_shared>> -> memref<10240x80xf32, #tpu.memory_space<vmem_shared>>
      tpu.enqueue_indirect_dma source(%arg17 : memref<80x80xf32, #tpu.memory_space<vmem>>) target(%dma_start3A_174 : memref<10240x80xf32, #tpu.memory_space<vmem_shared>>) offsets(%arg11 : memref<80xi32, #tpu.memory_space<vmem>>) semaphore(%arg24 : memref<!tpu.dma_semaphore, #tpu.memory_space<semaphore_mem>>) {add = true}
      %dma_wait3A_175 = arith.constant 0 : i32
      %dma_wait3A_176 = arith.constant 0 : i32
      %dma_wait3A_177 = tpu.memref_slice %arg20[%dma_wait3A_175, %dma_wait3A_176] : memref<10240x80xf32, #tpu.memory_space<vmem_shared>> -> memref<10240x80xf32, #tpu.memory_space<vmem_shared>>
      tpu.wait_indirect_dma semaphore(%arg24 : memref<!tpu.dma_semaphore, #tpu.memory_space<semaphore_mem>>) src(%arg17 : memref<80x80xf32, #tpu.memory_space<vmem>>) dst(%dma_wait3A_177 : memref<10240x80xf32, #tpu.memory_space<vmem_shared>>)
      %lt3A = arith.constant 61 : i32
      %lt3A_178 = arith.cmpi slt, %scan3A_134, %lt3A : i32
      %convert_element_type3A_179 = arith.extui %lt3A_178 : i1 to i32
      %cond3A = arith.constant 0 : i32
      %cond3A_180 = arith.cmpi ne, %convert_element_type3A_179, %cond3A : i32
      scf.if %cond3A_180 {
        %mul3A_204 = arith.constant 2 : i32
        %mul3A_205 = arith.muli %mul3A_204, %scan3A_134 : i32
        %add3A_206 = arith.constant 3 : i32
        %add3A_207 = arith.addi %mul3A_205, %add3A_206 : i32
        %mul3A_208 = arith.constant 80 : i32
        %mul3A_209 = arith.muli %add3A_207, %mul3A_208 : i32
        %add3A_210 = arith.addi %mul3A_53, %mul3A_209 : i32
        %multiple_of3A_211 = tpu.assume_multiple %add3A_210, 8 : i32
        "tpu.region"() ({
          %run_scoped3A = tpu.sem_alloc : memref<!tpu.dma_semaphore, #tpu.memory_space<semaphore_mem>>
          %dma_start3A_218 = tpu.memref_slice %arg2[%multiple_of3A_211] : memref<320000xi32, #tpu.memory_space<hbm>> -> memref<80xi32, #tpu.memory_space<hbm>>
          %dma_start3A_219 = tpu.memref_slice %arg2[%multiple_of3A_211] : memref<320000xi32, #tpu.memory_space<hbm>> -> memref<80xi32, #tpu.memory_space<hbm>>
          tpu.enqueue_dma source(%dma_start3A_219 : memref<80xi32, #tpu.memory_space<hbm>>) target(%arg9 : memref<80xi32, #tpu.memory_space<vmem>>) target_semaphore(%run_scoped3A : memref<!tpu.dma_semaphore, #tpu.memory_space<semaphore_mem>>)
          %dma_wait3A_220 = tpu.memref_slice %arg2[%multiple_of3A_211] : memref<320000xi32, #tpu.memory_space<hbm>> -> memref<80xi32, #tpu.memory_space<hbm>>
          %dma_wait3A_221 = tpu.memref_slice %arg2[%multiple_of3A_211] : memref<320000xi32, #tpu.memory_space<hbm>> -> memref<80xi32, #tpu.memory_space<hbm>>
          tpu.wait_dma2 semaphore(%run_scoped3A : memref<!tpu.dma_semaphore, #tpu.memory_space<semaphore_mem>>) src(%dma_wait3A_221 : memref<80xi32, #tpu.memory_space<hbm>>) dst(%arg9 : memref<80xi32, #tpu.memory_space<vmem>>)
          tpu.yield
        }) : () -> ()
        "tpu.region"() ({
          %run_scoped3A = tpu.sem_alloc : memref<!tpu.dma_semaphore, #tpu.memory_space<semaphore_mem>>
          %dma_start3A_218 = tpu.memref_slice %arg3[%multiple_of3A_211] : memref<320000xi32, #tpu.memory_space<hbm>> -> memref<80xi32, #tpu.memory_space<hbm>>
          %dma_start3A_219 = tpu.memref_slice %arg3[%multiple_of3A_211] : memref<320000xi32, #tpu.memory_space<hbm>> -> memref<80xi32, #tpu.memory_space<hbm>>
          tpu.enqueue_dma source(%dma_start3A_219 : memref<80xi32, #tpu.memory_space<hbm>>) target(%arg11 : memref<80xi32, #tpu.memory_space<vmem>>) target_semaphore(%run_scoped3A : memref<!tpu.dma_semaphore, #tpu.memory_space<semaphore_mem>>)
          %dma_wait3A_220 = tpu.memref_slice %arg3[%multiple_of3A_211] : memref<320000xi32, #tpu.memory_space<hbm>> -> memref<80xi32, #tpu.memory_space<hbm>>
          %dma_wait3A_221 = tpu.memref_slice %arg3[%multiple_of3A_211] : memref<320000xi32, #tpu.memory_space<hbm>> -> memref<80xi32, #tpu.memory_space<hbm>>
          tpu.wait_dma2 semaphore(%run_scoped3A : memref<!tpu.dma_semaphore, #tpu.memory_space<semaphore_mem>>) src(%dma_wait3A_221 : memref<80xi32, #tpu.memory_space<hbm>>) dst(%arg11 : memref<80xi32, #tpu.memory_space<vmem>>)
          tpu.yield
        }) : () -> ()
        %dma_start3A_212 = arith.constant 0 : i32
        %dma_start3A_213 = arith.constant 0 : i32
        %dma_start3A_214 = tpu.memref_slice %arg4[%dma_start3A_212, %dma_start3A_213] : memref<10000x72xf32, #tpu.memory_space<hbm>> -> memref<10000x72xf32, #tpu.memory_space<hbm>>
        tpu.enqueue_indirect_dma source(%dma_start3A_214 : memref<10000x72xf32, #tpu.memory_space<hbm>>) target(%arg13 : memref<80x72xf32, #tpu.memory_space<vmem>>) offsets(%arg9 : memref<80xi32, #tpu.memory_space<vmem>>) semaphore(%arg22 : memref<!tpu.dma_semaphore, #tpu.memory_space<semaphore_mem>>)
        %dma_start3A_215 = arith.constant 0 : i32
        %dma_start3A_216 = arith.constant 0 : i32
        %dma_start3A_217 = tpu.memref_slice %arg5[%dma_start3A_215, %dma_start3A_216] : memref<10000x8xf32, #tpu.memory_space<hbm>> -> memref<10000x8xf32, #tpu.memory_space<hbm>>
        tpu.enqueue_indirect_dma source(%dma_start3A_217 : memref<10000x8xf32, #tpu.memory_space<hbm>>) target(%arg15 : memref<80x8xf32, #tpu.memory_space<vmem>>) offsets(%arg11 : memref<80xi32, #tpu.memory_space<vmem>>) semaphore(%arg22 : memref<!tpu.dma_semaphore, #tpu.memory_space<semaphore_mem>>)
      } else {
      }
      %dma_wait3A_181 = arith.constant 0 : i32
      %dma_wait3A_182 = arith.constant 0 : i32
      %dma_wait3A_183 = tpu.memref_slice %arg4[%dma_wait3A_181, %dma_wait3A_182] : memref<10000x72xf32, #tpu.memory_space<hbm>> -> memref<10000x72xf32, #tpu.memory_space<hbm>>
      tpu.wait_indirect_dma semaphore(%arg21 : memref<!tpu.dma_semaphore, #tpu.memory_space<semaphore_mem>>) src(%dma_wait3A_183 : memref<10000x72xf32, #tpu.memory_space<hbm>>) dst(%arg12 : memref<80x72xf32, #tpu.memory_space<vmem>>)
      %dma_wait3A_184 = arith.constant 0 : i32
      %dma_wait3A_185 = arith.constant 0 : i32
      %dma_wait3A_186 = tpu.memref_slice %arg5[%dma_wait3A_184, %dma_wait3A_185] : memref<10000x8xf32, #tpu.memory_space<hbm>> -> memref<10000x8xf32, #tpu.memory_space<hbm>>
      tpu.wait_indirect_dma semaphore(%arg21 : memref<!tpu.dma_semaphore, #tpu.memory_space<semaphore_mem>>) src(%dma_wait3A_186 : memref<10000x8xf32, #tpu.memory_space<hbm>>) dst(%arg14 : memref<80x8xf32, #tpu.memory_space<vmem>>)
      %broadcast_in_dim3A_187 = arith.constant 64 : i32
      %broadcast_in_dim3A_188 = vector.broadcast %broadcast_in_dim3A_187 : i32 to vector<16xi32>
      %scan3A_189 = arith.constant 0 : i32
      %scan3A_190 = arith.constant 0 : i32
      %scan3A_191 = arith.constant 5 : i32
      %scan3A_192 = arith.addi %scan3A_190, %scan3A_191 : i32
      %scan3A_193 = arith.constant 1 : i32
      scf.for %scan3A_204 = %scan3A_190 to %scan3A_192 step %scan3A_193  : i32 {
        %mul3A_205 = arith.constant 16 : i32
        %mul3A_206 = arith.muli %mul3A_205, %scan3A_204 : i32
        %add3A_207 = vector.broadcast %mul3A_206 : i32 to vector<16xi32>
        %add3A_208 = arith.addi %add3A_207, %iota3A : vector<16xi32>
        %gather3A_209 = tpu.vector_load_idx %arg12[%add3A_208, %broadcast_in_dim3A_6] : memref<80x72xf32, #tpu.memory_space<vmem>>[vector<16xi32>, vector<16xi32>], vector<16xf32>,
        %gather3A_210 = tpu.vector_load_idx %arg14[%add3A_208, %broadcast_in_dim3A_6] : memref<80x8xf32, #tpu.memory_space<vmem>>[vector<16xi32>, vector<16xi32>], vector<16xf32>,
        %add3A_211 = arith.addf %gather3A_209, %gather3A_210 : vector<16xf32>
        %mul3A_212 = arith.constant 2.000000e-01 : f32
        %mul3A_213 = vector.broadcast %mul3A_212 : f32 to vector<16xf32>
        %mul3A_214 = arith.mulf %mul3A_213, %add3A_211 : vector<16xf32>
        %max3A_215 = arith.maximumf %add3A_211, %mul3A_214 : vector<16xf32>
        %sub3A = arith.subf %max3A_215, %max3A : vector<16xf32>
        %exp3A = math.exp %sub3A : vector<16xf32>
        tpu.vector_store_idx %arg16[%add3A_208, %broadcast_in_dim3A_188], %exp3A : memref<80x80xf32, #tpu.memory_space<vmem>>[vector<16xi32>, vector<16xi32>], vector<16xf32>,
      }
      %scan3A_194 = arith.constant 5 : i32
      %scan3A_195 = arith.constant 0 : i32
      %scan3A_196 = arith.constant 0 : i32
      %scan3A_197 = arith.constant 80 : i32
      %scan3A_198 = arith.addi %scan3A_196, %scan3A_197 : i32
      %scan3A_199 = arith.constant 1 : i32
      scf.for %scan3A_204 = %scan3A_196 to %scan3A_198 step %scan3A_199  : i32 {
        %broadcast_in_dim3A_205 = vector.broadcast %scan3A_204 : i32 to vector<16xi32>
        %gather3A_206 = tpu.vector_load_idx %arg16[%broadcast_in_dim3A_205, %broadcast_in_dim3A_188] : memref<80x80xf32, #tpu.memory_space<vmem>>[vector<16xi32>, vector<16xi32>], vector<16xf32>,
        %get3A = arith.index_cast %scan3A_204 : i32 to index
        %get3A_207 = arith.constant 8 : index
        %get3A_208 = tpu.vector_load %arg12[%get3A, %get3A_207] {strides = array<i32>} : memref<80x72xf32, #tpu.memory_space<vmem>>, vector<16xf32>,
        %mul3A_209 = arith.mulf %get3A_208, %gather3A_206 : vector<16xf32>
        %swap3A = arith.index_cast %scan3A_204 : i32 to index
        %swap3A_210 = arith.constant 0 : index
        %swap3A_211 = tpu.vector_load %arg16[%swap3A, %swap3A_210] {strides = array<i32>} : memref<80x80xf32, #tpu.memory_space<vmem>>, vector<16xf32>,
        tpu.vector_store %arg16[%swap3A, %swap3A_210], %mul3A_209 {strides = array<i32>} : memref<80x80xf32, #tpu.memory_space<vmem>>, vector<16xf32>,
        %get3A_212 = arith.index_cast %scan3A_204 : i32 to index
        %get3A_213 = arith.constant 24 : index
        %get3A_214 = tpu.vector_load %arg12[%get3A_212, %get3A_213] {strides = array<i32>} : memref<80x72xf32, #tpu.memory_space<vmem>>, vector<16xf32>,
        %mul3A_215 = arith.mulf %get3A_214, %gather3A_206 : vector<16xf32>
        %swap3A_216 = arith.index_cast %scan3A_204 : i32 to index
        %swap3A_217 = arith.constant 16 : index
        %swap3A_218 = tpu.vector_load %arg16[%swap3A_216, %swap3A_217] {strides = array<i32>} : memref<80x80xf32, #tpu.memory_space<vmem>>, vector<16xf32>,
        tpu.vector_store %arg16[%swap3A_216, %swap3A_217], %mul3A_215 {strides = array<i32>} : memref<80x80xf32, #tpu.memory_space<vmem>>, vector<16xf32>,
        %get3A_219 = arith.index_cast %scan3A_204 : i32 to index
        %get3A_220 = arith.constant 40 : index
        %get3A_221 = tpu.vector_load %arg12[%get3A_219, %get3A_220] {strides = array<i32>} : memref<80x72xf32, #tpu.memory_space<vmem>>, vector<16xf32>,
        %mul3A_222 = arith.mulf %get3A_221, %gather3A_206 : vector<16xf32>
        %swap3A_223 = arith.index_cast %scan3A_204 : i32 to index
        %swap3A_224 = arith.constant 32 : index
        %swap3A_225 = tpu.vector_load %arg16[%swap3A_223, %swap3A_224] {strides = array<i32>} : memref<80x80xf32, #tpu.memory_space<vmem>>, vector<16xf32>,
        tpu.vector_store %arg16[%swap3A_223, %swap3A_224], %mul3A_222 {strides = array<i32>} : memref<80x80xf32, #tpu.memory_space<vmem>>, vector<16xf32>,
        %get3A_226 = arith.index_cast %scan3A_204 : i32 to index
        %get3A_227 = arith.constant 56 : index
        %get3A_228 = tpu.vector_load %arg12[%get3A_226, %get3A_227] {strides = array<i32>} : memref<80x72xf32, #tpu.memory_space<vmem>>, vector<16xf32>,
        %mul3A_229 = arith.mulf %get3A_228, %gather3A_206 : vector<16xf32>
        %swap3A_230 = arith.index_cast %scan3A_204 : i32 to index
        %swap3A_231 = arith.constant 48 : index
        %swap3A_232 = tpu.vector_load %arg16[%swap3A_230, %swap3A_231] {strides = array<i32>} : memref<80x80xf32, #tpu.memory_space<vmem>>, vector<16xf32>,
        tpu.vector_store %arg16[%swap3A_230, %swap3A_231], %mul3A_229 {strides = array<i32>} : memref<80x80xf32, #tpu.memory_space<vmem>>, vector<16xf32>,
      }
      %scan3A_200 = arith.constant 80 : i32
      %dma_start3A_201 = arith.constant 0 : i32
      %dma_start3A_202 = arith.constant 0 : i32
      %dma_start3A_203 = tpu.memref_slice %arg20[%dma_start3A_201, %dma_start3A_202] : memref<10240x80xf32, #tpu.memory_space<vmem_shared>> -> memref<10240x80xf32, #tpu.memory_space<vmem_shared>>
      tpu.enqueue_indirect_dma source(%arg16 : memref<80x80xf32, #tpu.memory_space<vmem>>) target(%dma_start3A_203 : memref<10240x80xf32, #tpu.memory_space<vmem_shared>>) offsets(%arg10 : memref<80xi32, #tpu.memory_space<vmem>>) semaphore(%arg23 : memref<!tpu.dma_semaphore, #tpu.memory_space<semaphore_mem>>) {add = true}
    }
    %scan3A_97 = arith.constant 62 : i32
    %dma_wait3A_98 = arith.constant 0 : i32
    %dma_wait3A_99 = arith.constant 0 : i32
    %dma_wait3A_100 = tpu.memref_slice %arg20[%dma_wait3A_98, %dma_wait3A_99] : memref<10240x80xf32, #tpu.memory_space<vmem_shared>> -> memref<10240x80xf32, #tpu.memory_space<vmem_shared>>
    tpu.wait_indirect_dma semaphore(%arg23 : memref<!tpu.dma_semaphore, #tpu.memory_space<semaphore_mem>>) src(%arg16 : memref<80x80xf32, #tpu.memory_space<vmem>>) dst(%dma_wait3A_100 : memref<10240x80xf32, #tpu.memory_space<vmem_shared>>)
    %barrier3A_101 = arith.constant 0 : index
    tpu.barrier barrier_id(%barrier3A_101)
    %mul3A_102 = arith.constant 640 : i32
    %mul3A_103 = arith.muli %arg1, %mul3A_102 : i32
    %add3A_104 = arith.constant 0 : i32
    %add3A_105 = arith.addi %mul3A_103, %add3A_104 : i32
    "tpu.region"() ({
      %run_scoped3A = tpu.sem_alloc : memref<!tpu.dma_semaphore, #tpu.memory_space<semaphore_mem>>
      %dma_start3A_134 = arith.constant 0 : i32
      %dma_start3A_135 = tpu.memref_slice %arg20[%add3A_105, %dma_start3A_134] : memref<10240x80xf32, #tpu.memory_space<vmem_shared>> -> memref<80x80xf32, #tpu.memory_space<vmem_shared>>
      %dma_start3A_136 = arith.constant 0 : i32
      %dma_start3A_137 = tpu.memref_slice %arg20[%add3A_105, %dma_start3A_136] : memref<10240x80xf32, #tpu.memory_space<vmem_shared>> -> memref<80x80xf32, #tpu.memory_space<vmem_shared>>
      tpu.enqueue_dma source(%dma_start3A_137 : memref<80x80xf32, #tpu.memory_space<vmem_shared>>) target(%arg16 : memref<80x80xf32, #tpu.memory_space<vmem>>) target_semaphore(%run_scoped3A : memref<!tpu.dma_semaphore, #tpu.memory_space<semaphore_mem>>)
      %dma_wait3A_138 = arith.constant 0 : i32
      %dma_wait3A_139 = tpu.memref_slice %arg20[%add3A_105, %dma_wait3A_138] : memref<10240x80xf32, #tpu.memory_space<vmem_shared>> -> memref<80x80xf32, #tpu.memory_space<vmem_shared>>
      %dma_wait3A_140 = arith.constant 0 : i32
      %dma_wait3A_141 = tpu.memref_slice %arg20[%add3A_105, %dma_wait3A_140] : memref<10240x80xf32, #tpu.memory_space<vmem_shared>> -> memref<80x80xf32, #tpu.memory_space<vmem_shared>>
      tpu.wait_dma2 semaphore(%run_scoped3A : memref<!tpu.dma_semaphore, #tpu.memory_space<semaphore_mem>>) src(%dma_wait3A_141 : memref<80x80xf32, #tpu.memory_space<vmem_shared>>) dst(%arg16 : memref<80x80xf32, #tpu.memory_space<vmem>>)
      tpu.yield
    }) : () -> ()
    "tpu.region"() ({
      %run_scoped3A = tpu.sem_alloc : memref<!tpu.dma_semaphore, #tpu.memory_space<semaphore_mem>>
      %dma_start3A_134 = arith.constant 0 : i32
      %dma_start3A_135 = tpu.memref_slice %arg7[%arg0, %add3A_105, %dma_start3A_134] : memref<2x10240x80xf32, #tpu.memory_space<hbm>> -> memref<1x80x80xf32, #tpu.memory_space<hbm>>
      %dma_start3A_136 = tpu.memref_squeeze %dma_start3A_135 : memref<1x80x80xf32, #tpu.memory_space<hbm>> -> memref<80x80xf32, #tpu.memory_space<hbm>>
      %dma_start3A_137 = arith.constant 0 : i32
      %dma_start3A_138 = tpu.memref_slice %arg7[%arg0, %add3A_105, %dma_start3A_137] : memref<2x10240x80xf32, #tpu.memory_space<hbm>> -> memref<1x80x80xf32, #tpu.memory_space<hbm>>
      %dma_start3A_139 = tpu.memref_squeeze %dma_start3A_138 : memref<1x80x80xf32, #tpu.memory_space<hbm>> -> memref<80x80xf32, #tpu.memory_space<hbm>>
      tpu.enqueue_dma source(%arg16 : memref<80x80xf32, #tpu.memory_space<vmem>>) target(%dma_start3A_139 : memref<80x80xf32, #tpu.memory_space<hbm>>) target_semaphore(%run_scoped3A : memref<!tpu.dma_semaphore, #tpu.memory_space<semaphore_mem>>)
      %dma_wait3A_140 = arith.constant 0 : i32
      %dma_wait3A_141 = tpu.memref_slice %arg7[%arg0, %add3A_105, %dma_wait3A_140] : memref<2x10240x80xf32, #tpu.memory_space<hbm>> -> memref<1x80x80xf32, #tpu.memory_space<hbm>>
      %dma_wait3A_142 = tpu.memref_squeeze %dma_wait3A_141 : memref<1x80x80xf32, #tpu.memory_space<hbm>> -> memref<80x80xf32, #tpu.memory_space<hbm>>
      %dma_wait3A_143 = arith.constant 0 : i32
      %dma_wait3A_144 = tpu.memref_slice %arg7[%arg0, %add3A_105, %dma_wait3A_143] : memref<2x10240x80xf32, #tpu.memory_space<hbm>> -> memref<1x80x80xf32, #tpu.memory_space<hbm>>
      %dma_wait3A_145 = tpu.memref_squeeze %dma_wait3A_144 : memref<1x80x80xf32, #tpu.memory_space<hbm>> -> memref<80x80xf32, #tpu.memory_space<hbm>>
      tpu.wait_dma2 semaphore(%run_scoped3A : memref<!tpu.dma_semaphore, #tpu.memory_space<semaphore_mem>>) src(%arg16 : memref<80x80xf32, #tpu.memory_space<vmem>>) dst(%dma_wait3A_145 : memref<80x80xf32, #tpu.memory_space<hbm>>)
      tpu.yield
    }) : () -> ()
    %mul3A_106 = arith.constant 640 : i32
    %mul3A_107 = arith.muli %arg1, %mul3A_106 : i32
    %add3A_108 = arith.constant 80 : i32
    %add3A_109 = arith.addi %mul3A_107, %add3A_108 : i32
    "tpu.region"() ({
      %run_scoped3A = tpu.sem_alloc : memref<!tpu.dma_semaphore, #tpu.memory_space<semaphore_mem>>
      %dma_start3A_134 = arith.constant 0 : i32
      %dma_start3A_135 = tpu.memref_slice %arg20[%add3A_109, %dma_start3A_134] : memref<10240x80xf32, #tpu.memory_space<vmem_shared>> -> memref<80x80xf32, #tpu.memory_space<vmem_shared>>
      %dma_start3A_136 = arith.constant 0 : i32
      %dma_start3A_137 = tpu.memref_slice %arg20[%add3A_109, %dma_start3A_136] : memref<10240x80xf32, #tpu.memory_space<vmem_shared>> -> memref<80x80xf32, #tpu.memory_space<vmem_shared>>
      tpu.enqueue_dma source(%dma_start3A_137 : memref<80x80xf32, #tpu.memory_space<vmem_shared>>) target(%arg16 : memref<80x80xf32, #tpu.memory_space<vmem>>) target_semaphore(%run_scoped3A : memref<!tpu.dma_semaphore, #tpu.memory_space<semaphore_mem>>)
      %dma_wait3A_138 = arith.constant 0 : i32
      %dma_wait3A_139 = tpu.memref_slice %arg20[%add3A_109, %dma_wait3A_138] : memref<10240x80xf32, #tpu.memory_space<vmem_shared>> -> memref<80x80xf32, #tpu.memory_space<vmem_shared>>
      %dma_wait3A_140 = arith.constant 0 : i32
      %dma_wait3A_141 = tpu.memref_slice %arg20[%add3A_109, %dma_wait3A_140] : memref<10240x80xf32, #tpu.memory_space<vmem_shared>> -> memref<80x80xf32, #tpu.memory_space<vmem_shared>>
      tpu.wait_dma2 semaphore(%run_scoped3A : memref<!tpu.dma_semaphore, #tpu.memory_space<semaphore_mem>>) src(%dma_wait3A_141 : memref<80x80xf32, #tpu.memory_space<vmem_shared>>) dst(%arg16 : memref<80x80xf32, #tpu.memory_space<vmem>>)
      tpu.yield
    }) : () -> ()
    "tpu.region"() ({
      %run_scoped3A = tpu.sem_alloc : memref<!tpu.dma_semaphore, #tpu.memory_space<semaphore_mem>>
      %dma_start3A_134 = arith.constant 0 : i32
      %dma_start3A_135 = tpu.memref_slice %arg7[%arg0, %add3A_109, %dma_start3A_134] : memref<2x10240x80xf32, #tpu.memory_space<hbm>> -> memref<1x80x80xf32, #tpu.memory_space<hbm>>
      %dma_start3A_136 = tpu.memref_squeeze %dma_start3A_135 : memref<1x80x80xf32, #tpu.memory_space<hbm>> -> memref<80x80xf32, #tpu.memory_space<hbm>>
      %dma_start3A_137 = arith.constant 0 : i32
      %dma_start3A_138 = tpu.memref_slice %arg7[%arg0, %add3A_109, %dma_start3A_137] : memref<2x10240x80xf32, #tpu.memory_space<hbm>> -> memref<1x80x80xf32, #tpu.memory_space<hbm>>
      %dma_start3A_139 = tpu.memref_squeeze %dma_start3A_138 : memref<1x80x80xf32, #tpu.memory_space<hbm>> -> memref<80x80xf32, #tpu.memory_space<hbm>>
      tpu.enqueue_dma source(%arg16 : memref<80x80xf32, #tpu.memory_space<vmem>>) target(%dma_start3A_139 : memref<80x80xf32, #tpu.memory_space<hbm>>) target_semaphore(%run_scoped3A : memref<!tpu.dma_semaphore, #tpu.memory_space<semaphore_mem>>)
      %dma_wait3A_140 = arith.constant 0 : i32
      %dma_wait3A_141 = tpu.memref_slice %arg7[%arg0, %add3A_109, %dma_wait3A_140] : memref<2x10240x80xf32, #tpu.memory_space<hbm>> -> memref<1x80x80xf32, #tpu.memory_space<hbm>>
      %dma_wait3A_142 = tpu.memref_squeeze %dma_wait3A_141 : memref<1x80x80xf32, #tpu.memory_space<hbm>> -> memref<80x80xf32, #tpu.memory_space<hbm>>
      %dma_wait3A_143 = arith.constant 0 : i32
      %dma_wait3A_144 = tpu.memref_slice %arg7[%arg0, %add3A_109, %dma_wait3A_143] : memref<2x10240x80xf32, #tpu.memory_space<hbm>> -> memref<1x80x80xf32, #tpu.memory_space<hbm>>
      %dma_wait3A_145 = tpu.memref_squeeze %dma_wait3A_144 : memref<1x80x80xf32, #tpu.memory_space<hbm>> -> memref<80x80xf32, #tpu.memory_space<hbm>>
      tpu.wait_dma2 semaphore(%run_scoped3A : memref<!tpu.dma_semaphore, #tpu.memory_space<semaphore_mem>>) src(%arg16 : memref<80x80xf32, #tpu.memory_space<vmem>>) dst(%dma_wait3A_145 : memref<80x80xf32, #tpu.memory_space<hbm>>)
      tpu.yield
    }) : () -> ()
    %mul3A_110 = arith.constant 640 : i32
    %mul3A_111 = arith.muli %arg1, %mul3A_110 : i32
    %add3A_112 = arith.constant 160 : i32
    %add3A_113 = arith.addi %mul3A_111, %add3A_112 : i32
    "tpu.region"() ({
      %run_scoped3A = tpu.sem_alloc : memref<!tpu.dma_semaphore, #tpu.memory_space<semaphore_mem>>
      %dma_start3A_134 = arith.constant 0 : i32
      %dma_start3A_135 = tpu.memref_slice %arg20[%add3A_113, %dma_start3A_134] : memref<10240x80xf32, #tpu.memory_space<vmem_shared>> -> memref<80x80xf32, #tpu.memory_space<vmem_shared>>
      %dma_start3A_136 = arith.constant 0 : i32
      %dma_start3A_137 = tpu.memref_slice %arg20[%add3A_113, %dma_start3A_136] : memref<10240x80xf32, #tpu.memory_space<vmem_shared>> -> memref<80x80xf32, #tpu.memory_space<vmem_shared>>
      tpu.enqueue_dma source(%dma_start3A_137 : memref<80x80xf32, #tpu.memory_space<vmem_shared>>) target(%arg16 : memref<80x80xf32, #tpu.memory_space<vmem>>) target_semaphore(%run_scoped3A : memref<!tpu.dma_semaphore, #tpu.memory_space<semaphore_mem>>)
      %dma_wait3A_138 = arith.constant 0 : i32
      %dma_wait3A_139 = tpu.memref_slice %arg20[%add3A_113, %dma_wait3A_138] : memref<10240x80xf32, #tpu.memory_space<vmem_shared>> -> memref<80x80xf32, #tpu.memory_space<vmem_shared>>
      %dma_wait3A_140 = arith.constant 0 : i32
      %dma_wait3A_141 = tpu.memref_slice %arg20[%add3A_113, %dma_wait3A_140] : memref<10240x80xf32, #tpu.memory_space<vmem_shared>> -> memref<80x80xf32, #tpu.memory_space<vmem_shared>>
      tpu.wait_dma2 semaphore(%run_scoped3A : memref<!tpu.dma_semaphore, #tpu.memory_space<semaphore_mem>>) src(%dma_wait3A_141 : memref<80x80xf32, #tpu.memory_space<vmem_shared>>) dst(%arg16 : memref<80x80xf32, #tpu.memory_space<vmem>>)
      tpu.yield
    }) : () -> ()
    "tpu.region"() ({
      %run_scoped3A = tpu.sem_alloc : memref<!tpu.dma_semaphore, #tpu.memory_space<semaphore_mem>>
      %dma_start3A_134 = arith.constant 0 : i32
      %dma_start3A_135 = tpu.memref_slice %arg7[%arg0, %add3A_113, %dma_start3A_134] : memref<2x10240x80xf32, #tpu.memory_space<hbm>> -> memref<1x80x80xf32, #tpu.memory_space<hbm>>
      %dma_start3A_136 = tpu.memref_squeeze %dma_start3A_135 : memref<1x80x80xf32, #tpu.memory_space<hbm>> -> memref<80x80xf32, #tpu.memory_space<hbm>>
      %dma_start3A_137 = arith.constant 0 : i32
      %dma_start3A_138 = tpu.memref_slice %arg7[%arg0, %add3A_113, %dma_start3A_137] : memref<2x10240x80xf32, #tpu.memory_space<hbm>> -> memref<1x80x80xf32, #tpu.memory_space<hbm>>
      %dma_start3A_139 = tpu.memref_squeeze %dma_start3A_138 : memref<1x80x80xf32, #tpu.memory_space<hbm>> -> memref<80x80xf32, #tpu.memory_space<hbm>>
      tpu.enqueue_dma source(%arg16 : memref<80x80xf32, #tpu.memory_space<vmem>>) target(%dma_start3A_139 : memref<80x80xf32, #tpu.memory_space<hbm>>) target_semaphore(%run_scoped3A : memref<!tpu.dma_semaphore, #tpu.memory_space<semaphore_mem>>)
      %dma_wait3A_140 = arith.constant 0 : i32
      %dma_wait3A_141 = tpu.memref_slice %arg7[%arg0, %add3A_113, %dma_wait3A_140] : memref<2x10240x80xf32, #tpu.memory_space<hbm>> -> memref<1x80x80xf32, #tpu.memory_space<hbm>>
      %dma_wait3A_142 = tpu.memref_squeeze %dma_wait3A_141 : memref<1x80x80xf32, #tpu.memory_space<hbm>> -> memref<80x80xf32, #tpu.memory_space<hbm>>
      %dma_wait3A_143 = arith.constant 0 : i32
      %dma_wait3A_144 = tpu.memref_slice %arg7[%arg0, %add3A_113, %dma_wait3A_143] : memref<2x10240x80xf32, #tpu.memory_space<hbm>> -> memref<1x80x80xf32, #tpu.memory_space<hbm>>
      %dma_wait3A_145 = tpu.memref_squeeze %dma_wait3A_144 : memref<1x80x80xf32, #tpu.memory_space<hbm>> -> memref<80x80xf32, #tpu.memory_space<hbm>>
      tpu.wait_dma2 semaphore(%run_scoped3A : memref<!tpu.dma_semaphore, #tpu.memory_space<semaphore_mem>>) src(%arg16 : memref<80x80xf32, #tpu.memory_space<vmem>>) dst(%dma_wait3A_145 : memref<80x80xf32, #tpu.memory_space<hbm>>)
      tpu.yield
    }) : () -> ()
    %mul3A_114 = arith.constant 640 : i32
    %mul3A_115 = arith.muli %arg1, %mul3A_114 : i32
    %add3A_116 = arith.constant 240 : i32
    %add3A_117 = arith.addi %mul3A_115, %add3A_116 : i32
    "tpu.region"() ({
      %run_scoped3A = tpu.sem_alloc : memref<!tpu.dma_semaphore, #tpu.memory_space<semaphore_mem>>
      %dma_start3A_134 = arith.constant 0 : i32
      %dma_start3A_135 = tpu.memref_slice %arg20[%add3A_117, %dma_start3A_134] : memref<10240x80xf32, #tpu.memory_space<vmem_shared>> -> memref<80x80xf32, #tpu.memory_space<vmem_shared>>
      %dma_start3A_136 = arith.constant 0 : i32
      %dma_start3A_137 = tpu.memref_slice %arg20[%add3A_117, %dma_start3A_136] : memref<10240x80xf32, #tpu.memory_space<vmem_shared>> -> memref<80x80xf32, #tpu.memory_space<vmem_shared>>
      tpu.enqueue_dma source(%dma_start3A_137 : memref<80x80xf32, #tpu.memory_space<vmem_shared>>) target(%arg16 : memref<80x80xf32, #tpu.memory_space<vmem>>) target_semaphore(%run_scoped3A : memref<!tpu.dma_semaphore, #tpu.memory_space<semaphore_mem>>)
      %dma_wait3A_138 = arith.constant 0 : i32
      %dma_wait3A_139 = tpu.memref_slice %arg20[%add3A_117, %dma_wait3A_138] : memref<10240x80xf32, #tpu.memory_space<vmem_shared>> -> memref<80x80xf32, #tpu.memory_space<vmem_shared>>
      %dma_wait3A_140 = arith.constant 0 : i32
      %dma_wait3A_141 = tpu.memref_slice %arg20[%add3A_117, %dma_wait3A_140] : memref<10240x80xf32, #tpu.memory_space<vmem_shared>> -> memref<80x80xf32, #tpu.memory_space<vmem_shared>>
      tpu.wait_dma2 semaphore(%run_scoped3A : memref<!tpu.dma_semaphore, #tpu.memory_space<semaphore_mem>>) src(%dma_wait3A_141 : memref<80x80xf32, #tpu.memory_space<vmem_shared>>) dst(%arg16 : memref<80x80xf32, #tpu.memory_space<vmem>>)
      tpu.yield
    }) : () -> ()
    "tpu.region"() ({
      %run_scoped3A = tpu.sem_alloc : memref<!tpu.dma_semaphore, #tpu.memory_space<semaphore_mem>>
      %dma_start3A_134 = arith.constant 0 : i32
      %dma_start3A_135 = tpu.memref_slice %arg7[%arg0, %add3A_117, %dma_start3A_134] : memref<2x10240x80xf32, #tpu.memory_space<hbm>> -> memref<1x80x80xf32, #tpu.memory_space<hbm>>
      %dma_start3A_136 = tpu.memref_squeeze %dma_start3A_135 : memref<1x80x80xf32, #tpu.memory_space<hbm>> -> memref<80x80xf32, #tpu.memory_space<hbm>>
      %dma_start3A_137 = arith.constant 0 : i32
      %dma_start3A_138 = tpu.memref_slice %arg7[%arg0, %add3A_117, %dma_start3A_137] : memref<2x10240x80xf32, #tpu.memory_space<hbm>> -> memref<1x80x80xf32, #tpu.memory_space<hbm>>
      %dma_start3A_139 = tpu.memref_squeeze %dma_start3A_138 : memref<1x80x80xf32, #tpu.memory_space<hbm>> -> memref<80x80xf32, #tpu.memory_space<hbm>>
      tpu.enqueue_dma source(%arg16 : memref<80x80xf32, #tpu.memory_space<vmem>>) target(%dma_start3A_139 : memref<80x80xf32, #tpu.memory_space<hbm>>) target_semaphore(%run_scoped3A : memref<!tpu.dma_semaphore, #tpu.memory_space<semaphore_mem>>)
      %dma_wait3A_140 = arith.constant 0 : i32
      %dma_wait3A_141 = tpu.memref_slice %arg7[%arg0, %add3A_117, %dma_wait3A_140] : memref<2x10240x80xf32, #tpu.memory_space<hbm>> -> memref<1x80x80xf32, #tpu.memory_space<hbm>>
      %dma_wait3A_142 = tpu.memref_squeeze %dma_wait3A_141 : memref<1x80x80xf32, #tpu.memory_space<hbm>> -> memref<80x80xf32, #tpu.memory_space<hbm>>
      %dma_wait3A_143 = arith.constant 0 : i32
      %dma_wait3A_144 = tpu.memref_slice %arg7[%arg0, %add3A_117, %dma_wait3A_143] : memref<2x10240x80xf32, #tpu.memory_space<hbm>> -> memref<1x80x80xf32, #tpu.memory_space<hbm>>
      %dma_wait3A_145 = tpu.memref_squeeze %dma_wait3A_144 : memref<1x80x80xf32, #tpu.memory_space<hbm>> -> memref<80x80xf32, #tpu.memory_space<hbm>>
      tpu.wait_dma2 semaphore(%run_scoped3A : memref<!tpu.dma_semaphore, #tpu.memory_space<semaphore_mem>>) src(%arg16 : memref<80x80xf32, #tpu.memory_space<vmem>>) dst(%dma_wait3A_145 : memref<80x80xf32, #tpu.memory_space<hbm>>)
      tpu.yield
    }) : () -> ()
    %mul3A_118 = arith.constant 640 : i32
    %mul3A_119 = arith.muli %arg1, %mul3A_118 : i32
    %add3A_120 = arith.constant 320 : i32
    %add3A_121 = arith.addi %mul3A_119, %add3A_120 : i32
    "tpu.region"() ({
      %run_scoped3A = tpu.sem_alloc : memref<!tpu.dma_semaphore, #tpu.memory_space<semaphore_mem>>
      %dma_start3A_134 = arith.constant 0 : i32
      %dma_start3A_135 = tpu.memref_slice %arg20[%add3A_121, %dma_start3A_134] : memref<10240x80xf32, #tpu.memory_space<vmem_shared>> -> memref<80x80xf32, #tpu.memory_space<vmem_shared>>
      %dma_start3A_136 = arith.constant 0 : i32
      %dma_start3A_137 = tpu.memref_slice %arg20[%add3A_121, %dma_start3A_136] : memref<10240x80xf32, #tpu.memory_space<vmem_shared>> -> memref<80x80xf32, #tpu.memory_space<vmem_shared>>
      tpu.enqueue_dma source(%dma_start3A_137 : memref<80x80xf32, #tpu.memory_space<vmem_shared>>) target(%arg16 : memref<80x80xf32, #tpu.memory_space<vmem>>) target_semaphore(%run_scoped3A : memref<!tpu.dma_semaphore, #tpu.memory_space<semaphore_mem>>)
      %dma_wait3A_138 = arith.constant 0 : i32
      %dma_wait3A_139 = tpu.memref_slice %arg20[%add3A_121, %dma_wait3A_138] : memref<10240x80xf32, #tpu.memory_space<vmem_shared>> -> memref<80x80xf32, #tpu.memory_space<vmem_shared>>
      %dma_wait3A_140 = arith.constant 0 : i32
      %dma_wait3A_141 = tpu.memref_slice %arg20[%add3A_121, %dma_wait3A_140] : memref<10240x80xf32, #tpu.memory_space<vmem_shared>> -> memref<80x80xf32, #tpu.memory_space<vmem_shared>>
      tpu.wait_dma2 semaphore(%run_scoped3A : memref<!tpu.dma_semaphore, #tpu.memory_space<semaphore_mem>>) src(%dma_wait3A_141 : memref<80x80xf32, #tpu.memory_space<vmem_shared>>) dst(%arg16 : memref<80x80xf32, #tpu.memory_space<vmem>>)
      tpu.yield
    }) : () -> ()
    "tpu.region"() ({
      %run_scoped3A = tpu.sem_alloc : memref<!tpu.dma_semaphore, #tpu.memory_space<semaphore_mem>>
      %dma_start3A_134 = arith.constant 0 : i32
      %dma_start3A_135 = tpu.memref_slice %arg7[%arg0, %add3A_121, %dma_start3A_134] : memref<2x10240x80xf32, #tpu.memory_space<hbm>> -> memref<1x80x80xf32, #tpu.memory_space<hbm>>
      %dma_start3A_136 = tpu.memref_squeeze %dma_start3A_135 : memref<1x80x80xf32, #tpu.memory_space<hbm>> -> memref<80x80xf32, #tpu.memory_space<hbm>>
      %dma_start3A_137 = arith.constant 0 : i32
      %dma_start3A_138 = tpu.memref_slice %arg7[%arg0, %add3A_121, %dma_start3A_137] : memref<2x10240x80xf32, #tpu.memory_space<hbm>> -> memref<1x80x80xf32, #tpu.memory_space<hbm>>
      %dma_start3A_139 = tpu.memref_squeeze %dma_start3A_138 : memref<1x80x80xf32, #tpu.memory_space<hbm>> -> memref<80x80xf32, #tpu.memory_space<hbm>>
      tpu.enqueue_dma source(%arg16 : memref<80x80xf32, #tpu.memory_space<vmem>>) target(%dma_start3A_139 : memref<80x80xf32, #tpu.memory_space<hbm>>) target_semaphore(%run_scoped3A : memref<!tpu.dma_semaphore, #tpu.memory_space<semaphore_mem>>)
      %dma_wait3A_140 = arith.constant 0 : i32
      %dma_wait3A_141 = tpu.memref_slice %arg7[%arg0, %add3A_121, %dma_wait3A_140] : memref<2x10240x80xf32, #tpu.memory_space<hbm>> -> memref<1x80x80xf32, #tpu.memory_space<hbm>>
      %dma_wait3A_142 = tpu.memref_squeeze %dma_wait3A_141 : memref<1x80x80xf32, #tpu.memory_space<hbm>> -> memref<80x80xf32, #tpu.memory_space<hbm>>
      %dma_wait3A_143 = arith.constant 0 : i32
      %dma_wait3A_144 = tpu.memref_slice %arg7[%arg0, %add3A_121, %dma_wait3A_143] : memref<2x10240x80xf32, #tpu.memory_space<hbm>> -> memref<1x80x80xf32, #tpu.memory_space<hbm>>
      %dma_wait3A_145 = tpu.memref_squeeze %dma_wait3A_144 : memref<1x80x80xf32, #tpu.memory_space<hbm>> -> memref<80x80xf32, #tpu.memory_space<hbm>>
      tpu.wait_dma2 semaphore(%run_scoped3A : memref<!tpu.dma_semaphore, #tpu.memory_space<semaphore_mem>>) src(%arg16 : memref<80x80xf32, #tpu.memory_space<vmem>>) dst(%dma_wait3A_145 : memref<80x80xf32, #tpu.memory_space<hbm>>)
      tpu.yield
    }) : () -> ()
    %mul3A_122 = arith.constant 640 : i32
    %mul3A_123 = arith.muli %arg1, %mul3A_122 : i32
    %add3A_124 = arith.constant 400 : i32
    %add3A_125 = arith.addi %mul3A_123, %add3A_124 : i32
    "tpu.region"() ({
      %run_scoped3A = tpu.sem_alloc : memref<!tpu.dma_semaphore, #tpu.memory_space<semaphore_mem>>
      %dma_start3A_134 = arith.constant 0 : i32
      %dma_start3A_135 = tpu.memref_slice %arg20[%add3A_125, %dma_start3A_134] : memref<10240x80xf32, #tpu.memory_space<vmem_shared>> -> memref<80x80xf32, #tpu.memory_space<vmem_shared>>
      %dma_start3A_136 = arith.constant 0 : i32
      %dma_start3A_137 = tpu.memref_slice %arg20[%add3A_125, %dma_start3A_136] : memref<10240x80xf32, #tpu.memory_space<vmem_shared>> -> memref<80x80xf32, #tpu.memory_space<vmem_shared>>
      tpu.enqueue_dma source(%dma_start3A_137 : memref<80x80xf32, #tpu.memory_space<vmem_shared>>) target(%arg16 : memref<80x80xf32, #tpu.memory_space<vmem>>) target_semaphore(%run_scoped3A : memref<!tpu.dma_semaphore, #tpu.memory_space<semaphore_mem>>)
      %dma_wait3A_138 = arith.constant 0 : i32
      %dma_wait3A_139 = tpu.memref_slice %arg20[%add3A_125, %dma_wait3A_138] : memref<10240x80xf32, #tpu.memory_space<vmem_shared>> -> memref<80x80xf32, #tpu.memory_space<vmem_shared>>
      %dma_wait3A_140 = arith.constant 0 : i32
      %dma_wait3A_141 = tpu.memref_slice %arg20[%add3A_125, %dma_wait3A_140] : memref<10240x80xf32, #tpu.memory_space<vmem_shared>> -> memref<80x80xf32, #tpu.memory_space<vmem_shared>>
      tpu.wait_dma2 semaphore(%run_scoped3A : memref<!tpu.dma_semaphore, #tpu.memory_space<semaphore_mem>>) src(%dma_wait3A_141 : memref<80x80xf32, #tpu.memory_space<vmem_shared>>) dst(%arg16 : memref<80x80xf32, #tpu.memory_space<vmem>>)
      tpu.yield
    }) : () -> ()
    "tpu.region"() ({
      %run_scoped3A = tpu.sem_alloc : memref<!tpu.dma_semaphore, #tpu.memory_space<semaphore_mem>>
      %dma_start3A_134 = arith.constant 0 : i32
      %dma_start3A_135 = tpu.memref_slice %arg7[%arg0, %add3A_125, %dma_start3A_134] : memref<2x10240x80xf32, #tpu.memory_space<hbm>> -> memref<1x80x80xf32, #tpu.memory_space<hbm>>
      %dma_start3A_136 = tpu.memref_squeeze %dma_start3A_135 : memref<1x80x80xf32, #tpu.memory_space<hbm>> -> memref<80x80xf32, #tpu.memory_space<hbm>>
      %dma_start3A_137 = arith.constant 0 : i32
      %dma_start3A_138 = tpu.memref_slice %arg7[%arg0, %add3A_125, %dma_start3A_137] : memref<2x10240x80xf32, #tpu.memory_space<hbm>> -> memref<1x80x80xf32, #tpu.memory_space<hbm>>
      %dma_start3A_139 = tpu.memref_squeeze %dma_start3A_138 : memref<1x80x80xf32, #tpu.memory_space<hbm>> -> memref<80x80xf32, #tpu.memory_space<hbm>>
      tpu.enqueue_dma source(%arg16 : memref<80x80xf32, #tpu.memory_space<vmem>>) target(%dma_start3A_139 : memref<80x80xf32, #tpu.memory_space<hbm>>) target_semaphore(%run_scoped3A : memref<!tpu.dma_semaphore, #tpu.memory_space<semaphore_mem>>)
      %dma_wait3A_140 = arith.constant 0 : i32
      %dma_wait3A_141 = tpu.memref_slice %arg7[%arg0, %add3A_125, %dma_wait3A_140] : memref<2x10240x80xf32, #tpu.memory_space<hbm>> -> memref<1x80x80xf32, #tpu.memory_space<hbm>>
      %dma_wait3A_142 = tpu.memref_squeeze %dma_wait3A_141 : memref<1x80x80xf32, #tpu.memory_space<hbm>> -> memref<80x80xf32, #tpu.memory_space<hbm>>
      %dma_wait3A_143 = arith.constant 0 : i32
      %dma_wait3A_144 = tpu.memref_slice %arg7[%arg0, %add3A_125, %dma_wait3A_143] : memref<2x10240x80xf32, #tpu.memory_space<hbm>> -> memref<1x80x80xf32, #tpu.memory_space<hbm>>
      %dma_wait3A_145 = tpu.memref_squeeze %dma_wait3A_144 : memref<1x80x80xf32, #tpu.memory_space<hbm>> -> memref<80x80xf32, #tpu.memory_space<hbm>>
      tpu.wait_dma2 semaphore(%run_scoped3A : memref<!tpu.dma_semaphore, #tpu.memory_space<semaphore_mem>>) src(%arg16 : memref<80x80xf32, #tpu.memory_space<vmem>>) dst(%dma_wait3A_145 : memref<80x80xf32, #tpu.memory_space<hbm>>)
      tpu.yield
    }) : () -> ()
    %mul3A_126 = arith.constant 640 : i32
    %mul3A_127 = arith.muli %arg1, %mul3A_126 : i32
    %add3A_128 = arith.constant 480 : i32
    %add3A_129 = arith.addi %mul3A_127, %add3A_128 : i32
    "tpu.region"() ({
      %run_scoped3A = tpu.sem_alloc : memref<!tpu.dma_semaphore, #tpu.memory_space<semaphore_mem>>
      %dma_start3A_134 = arith.constant 0 : i32
      %dma_start3A_135 = tpu.memref_slice %arg20[%add3A_129, %dma_start3A_134] : memref<10240x80xf32, #tpu.memory_space<vmem_shared>> -> memref<80x80xf32, #tpu.memory_space<vmem_shared>>
      %dma_start3A_136 = arith.constant 0 : i32
      %dma_start3A_137 = tpu.memref_slice %arg20[%add3A_129, %dma_start3A_136] : memref<10240x80xf32, #tpu.memory_space<vmem_shared>> -> memref<80x80xf32, #tpu.memory_space<vmem_shared>>
      tpu.enqueue_dma source(%dma_start3A_137 : memref<80x80xf32, #tpu.memory_space<vmem_shared>>) target(%arg16 : memref<80x80xf32, #tpu.memory_space<vmem>>) target_semaphore(%run_scoped3A : memref<!tpu.dma_semaphore, #tpu.memory_space<semaphore_mem>>)
      %dma_wait3A_138 = arith.constant 0 : i32
      %dma_wait3A_139 = tpu.memref_slice %arg20[%add3A_129, %dma_wait3A_138] : memref<10240x80xf32, #tpu.memory_space<vmem_shared>> -> memref<80x80xf32, #tpu.memory_space<vmem_shared>>
      %dma_wait3A_140 = arith.constant 0 : i32
      %dma_wait3A_141 = tpu.memref_slice %arg20[%add3A_129, %dma_wait3A_140] : memref<10240x80xf32, #tpu.memory_space<vmem_shared>> -> memref<80x80xf32, #tpu.memory_space<vmem_shared>>
      tpu.wait_dma2 semaphore(%run_scoped3A : memref<!tpu.dma_semaphore, #tpu.memory_space<semaphore_mem>>) src(%dma_wait3A_141 : memref<80x80xf32, #tpu.memory_space<vmem_shared>>) dst(%arg16 : memref<80x80xf32, #tpu.memory_space<vmem>>)
      tpu.yield
    }) : () -> ()
    "tpu.region"() ({
      %run_scoped3A = tpu.sem_alloc : memref<!tpu.dma_semaphore, #tpu.memory_space<semaphore_mem>>
      %dma_start3A_134 = arith.constant 0 : i32
      %dma_start3A_135 = tpu.memref_slice %arg7[%arg0, %add3A_129, %dma_start3A_134] : memref<2x10240x80xf32, #tpu.memory_space<hbm>> -> memref<1x80x80xf32, #tpu.memory_space<hbm>>
      %dma_start3A_136 = tpu.memref_squeeze %dma_start3A_135 : memref<1x80x80xf32, #tpu.memory_space<hbm>> -> memref<80x80xf32, #tpu.memory_space<hbm>>
      %dma_start3A_137 = arith.constant 0 : i32
      %dma_start3A_138 = tpu.memref_slice %arg7[%arg0, %add3A_129, %dma_start3A_137] : memref<2x10240x80xf32, #tpu.memory_space<hbm>> -> memref<1x80x80xf32, #tpu.memory_space<hbm>>
      %dma_start3A_139 = tpu.memref_squeeze %dma_start3A_138 : memref<1x80x80xf32, #tpu.memory_space<hbm>> -> memref<80x80xf32, #tpu.memory_space<hbm>>
      tpu.enqueue_dma source(%arg16 : memref<80x80xf32, #tpu.memory_space<vmem>>) target(%dma_start3A_139 : memref<80x80xf32, #tpu.memory_space<hbm>>) target_semaphore(%run_scoped3A : memref<!tpu.dma_semaphore, #tpu.memory_space<semaphore_mem>>)
      %dma_wait3A_140 = arith.constant 0 : i32
      %dma_wait3A_141 = tpu.memref_slice %arg7[%arg0, %add3A_129, %dma_wait3A_140] : memref<2x10240x80xf32, #tpu.memory_space<hbm>> -> memref<1x80x80xf32, #tpu.memory_space<hbm>>
      %dma_wait3A_142 = tpu.memref_squeeze %dma_wait3A_141 : memref<1x80x80xf32, #tpu.memory_space<hbm>> -> memref<80x80xf32, #tpu.memory_space<hbm>>
      %dma_wait3A_143 = arith.constant 0 : i32
      %dma_wait3A_144 = tpu.memref_slice %arg7[%arg0, %add3A_129, %dma_wait3A_143] : memref<2x10240x80xf32, #tpu.memory_space<hbm>> -> memref<1x80x80xf32, #tpu.memory_space<hbm>>
      %dma_wait3A_145 = tpu.memref_squeeze %dma_wait3A_144 : memref<1x80x80xf32, #tpu.memory_space<hbm>> -> memref<80x80xf32, #tpu.memory_space<hbm>>
      tpu.wait_dma2 semaphore(%run_scoped3A : memref<!tpu.dma_semaphore, #tpu.memory_space<semaphore_mem>>) src(%arg16 : memref<80x80xf32, #tpu.memory_space<vmem>>) dst(%dma_wait3A_145 : memref<80x80xf32, #tpu.memory_space<hbm>>)
      tpu.yield
    }) : () -> ()
    %mul3A_130 = arith.constant 640 : i32
    %mul3A_131 = arith.muli %arg1, %mul3A_130 : i32
    %add3A_132 = arith.constant 560 : i32
    %add3A_133 = arith.addi %mul3A_131, %add3A_132 : i32
    "tpu.region"() ({
      %run_scoped3A = tpu.sem_alloc : memref<!tpu.dma_semaphore, #tpu.memory_space<semaphore_mem>>
      %dma_start3A_134 = arith.constant 0 : i32
      %dma_start3A_135 = tpu.memref_slice %arg20[%add3A_133, %dma_start3A_134] : memref<10240x80xf32, #tpu.memory_space<vmem_shared>> -> memref<80x80xf32, #tpu.memory_space<vmem_shared>>
      %dma_start3A_136 = arith.constant 0 : i32
      %dma_start3A_137 = tpu.memref_slice %arg20[%add3A_133, %dma_start3A_136] : memref<10240x80xf32, #tpu.memory_space<vmem_shared>> -> memref<80x80xf32, #tpu.memory_space<vmem_shared>>
      tpu.enqueue_dma source(%dma_start3A_137 : memref<80x80xf32, #tpu.memory_space<vmem_shared>>) target(%arg16 : memref<80x80xf32, #tpu.memory_space<vmem>>) target_semaphore(%run_scoped3A : memref<!tpu.dma_semaphore, #tpu.memory_space<semaphore_mem>>)
      %dma_wait3A_138 = arith.constant 0 : i32
      %dma_wait3A_139 = tpu.memref_slice %arg20[%add3A_133, %dma_wait3A_138] : memref<10240x80xf32, #tpu.memory_space<vmem_shared>> -> memref<80x80xf32, #tpu.memory_space<vmem_shared>>
      %dma_wait3A_140 = arith.constant 0 : i32
      %dma_wait3A_141 = tpu.memref_slice %arg20[%add3A_133, %dma_wait3A_140] : memref<10240x80xf32, #tpu.memory_space<vmem_shared>> -> memref<80x80xf32, #tpu.memory_space<vmem_shared>>
      tpu.wait_dma2 semaphore(%run_scoped3A : memref<!tpu.dma_semaphore, #tpu.memory_space<semaphore_mem>>) src(%dma_wait3A_141 : memref<80x80xf32, #tpu.memory_space<vmem_shared>>) dst(%arg16 : memref<80x80xf32, #tpu.memory_space<vmem>>)
      tpu.yield
    }) : () -> ()
    "tpu.region"() ({
      %run_scoped3A = tpu.sem_alloc : memref<!tpu.dma_semaphore, #tpu.memory_space<semaphore_mem>>
      %dma_start3A_134 = arith.constant 0 : i32
      %dma_start3A_135 = tpu.memref_slice %arg7[%arg0, %add3A_133, %dma_start3A_134] : memref<2x10240x80xf32, #tpu.memory_space<hbm>> -> memref<1x80x80xf32, #tpu.memory_space<hbm>>
      %dma_start3A_136 = tpu.memref_squeeze %dma_start3A_135 : memref<1x80x80xf32, #tpu.memory_space<hbm>> -> memref<80x80xf32, #tpu.memory_space<hbm>>
      %dma_start3A_137 = arith.constant 0 : i32
      %dma_start3A_138 = tpu.memref_slice %arg7[%arg0, %add3A_133, %dma_start3A_137] : memref<2x10240x80xf32, #tpu.memory_space<hbm>> -> memref<1x80x80xf32, #tpu.memory_space<hbm>>
      %dma_start3A_139 = tpu.memref_squeeze %dma_start3A_138 : memref<1x80x80xf32, #tpu.memory_space<hbm>> -> memref<80x80xf32, #tpu.memory_space<hbm>>
      tpu.enqueue_dma source(%arg16 : memref<80x80xf32, #tpu.memory_space<vmem>>) target(%dma_start3A_139 : memref<80x80xf32, #tpu.memory_space<hbm>>) target_semaphore(%run_scoped3A : memref<!tpu.dma_semaphore, #tpu.memory_space<semaphore_mem>>)
      %dma_wait3A_140 = arith.constant 0 : i32
      %dma_wait3A_141 = tpu.memref_slice %arg7[%arg0, %add3A_133, %dma_wait3A_140] : memref<2x10240x80xf32, #tpu.memory_space<hbm>> -> memref<1x80x80xf32, #tpu.memory_space<hbm>>
      %dma_wait3A_142 = tpu.memref_squeeze %dma_wait3A_141 : memref<1x80x80xf32, #tpu.memory_space<hbm>> -> memref<80x80xf32, #tpu.memory_space<hbm>>
      %dma_wait3A_143 = arith.constant 0 : i32
      %dma_wait3A_144 = tpu.memref_slice %arg7[%arg0, %add3A_133, %dma_wait3A_143] : memref<2x10240x80xf32, #tpu.memory_space<hbm>> -> memref<1x80x80xf32, #tpu.memory_space<hbm>>
      %dma_wait3A_145 = tpu.memref_squeeze %dma_wait3A_144 : memref<1x80x80xf32, #tpu.memory_space<hbm>> -> memref<80x80xf32, #tpu.memory_space<hbm>>
      tpu.wait_dma2 semaphore(%run_scoped3A : memref<!tpu.dma_semaphore, #tpu.memory_space<semaphore_mem>>) src(%arg16 : memref<80x80xf32, #tpu.memory_space<vmem>>) dst(%dma_wait3A_145 : memref<80x80xf32, #tpu.memory_space<hbm>>)
      tpu.yield
    }) : () -> ()
    return
  }
}

#map = affine_map<(d0, d1) -> (0)>
#map1 = affine_map<(d0, d1) -> (0, 0)>
#map2 = affine_map<(d0, d1) -> (0, 0, 0)>
module attributes {stable_mosaic.version = 14 : i64} {
  func.func @_sc_edge_l1(%arg0: i32, %arg1: i32, %arg2: memref<320000xi32, #tpu.memory_space<hbm>>, %arg3: memref<320000xi32, #tpu.memory_space<hbm>>, %arg4: memref<10000x136xf32, #tpu.memory_space<hbm>>, %arg5: memref<10000x8xf32, #tpu.memory_space<hbm>>, %arg6: memref<1x16xf32, #tpu.memory_space<hbm>>, %arg7: memref<2x10240x144xf32, #tpu.memory_space<hbm>>, %arg8: memref<40xi32, #tpu.memory_space<vmem>>, %arg9: memref<40xi32, #tpu.memory_space<vmem>>, %arg10: memref<40xi32, #tpu.memory_space<vmem>>, %arg11: memref<40xi32, #tpu.memory_space<vmem>>, %arg12: memref<40x136xf32, #tpu.memory_space<vmem>>, %arg13: memref<40x136xf32, #tpu.memory_space<vmem>>, %arg14: memref<40x8xf32, #tpu.memory_space<vmem>>, %arg15: memref<40x8xf32, #tpu.memory_space<vmem>>, %arg16: memref<40x144xf32, #tpu.memory_space<vmem>>, %arg17: memref<40x144xf32, #tpu.memory_space<vmem>>, %arg18: memref<40x8xf32, #tpu.memory_space<vmem>>, %arg19: memref<1x16xf32, #tpu.memory_space<vmem>>, %arg20: memref<10240x144xf32, #tpu.memory_space<vmem_shared>>, %arg21: memref<!tpu.dma_semaphore, #tpu.memory_space<semaphore_mem>>, %arg22: memref<!tpu.dma_semaphore, #tpu.memory_space<semaphore_mem>>, %arg23: memref<!tpu.dma_semaphore, #tpu.memory_space<semaphore_mem>>, %arg24: memref<!tpu.dma_semaphore, #tpu.memory_space<semaphore_mem>>) attributes {dimension_semantics = [#tpu.dimension_semantics<core_parallel>, #tpu.dimension_semantics<subcore_parallel>], iteration_bounds = array<i64: 2, 16>, scalar_prefetch = 0 : i64, scratch_operands = 17 : i64, tpu.core_type = #tpu.core_type<sc_vector_subcore>, window_params = [{transform_indices = #map}, {transform_indices = #map}, {transform_indices = #map1}, {transform_indices = #map1}, {transform_indices = #map1}, {transform_indices = #map2}]} {
    %mul3A = arith.constant 2 : i32
    %mul3A_0 = arith.muli %arg1, %mul3A : i32
    %add3A = arith.addi %mul3A_0, %arg0 : i32
    %iota3A = tpu.iota {dimensions = array<i32: 0>} : vector<16xi32>
    %rem3A = arith.constant 8 : i32
    %rem3A_1 = vector.broadcast %rem3A : i32 to vector<16xi32>
    %rem3A_2 = arith.remsi %iota3A, %rem3A_1 : vector<16xi32>
    %jit3A = arith.constant 8 : i32
    %div3A = vector.broadcast %jit3A : i32 to vector<16xi32>
    %div3A_3 = arith.divsi %iota3A, %div3A : vector<16xi32>
    %sign3A = arith.constant 0 : i32
    %sign3A_4 = vector.broadcast %sign3A : i32 to vector<16xi32>
    %sign3A_5 = arith.cmpi sgt, %iota3A, %sign3A_4 : vector<16xi32>
    %sign3A_6 = arith.extui %sign3A_5 : vector<16xi1> to vector<16xi32>
    %sign3A_7 = arith.constant 0 : i32
    %sign3A_8 = vector.broadcast %sign3A_7 : i32 to vector<16xi32>
    %sign3A_9 = arith.cmpi slt, %iota3A, %sign3A_8 : vector<16xi32>
    %sign3A_10 = arith.extui %sign3A_9 : vector<16xi1> to vector<16xi32>
    %sign3A_11 = arith.subi %sign3A_6, %sign3A_10 : vector<16xi32>
    %sign3A_12 = arith.constant 0 : i32
    %sign3A_13 = arith.cmpi sgt, %jit3A, %sign3A_12 : i32
    %sign3A_14 = arith.extui %sign3A_13 : i1 to i32
    %sign3A_15 = arith.constant 0 : i32
    %sign3A_16 = arith.cmpi slt, %jit3A, %sign3A_15 : i32
    %sign3A_17 = arith.extui %sign3A_16 : i1 to i32
    %sign3A_18 = arith.subi %sign3A_14, %sign3A_17 : i32
    %ne3A = vector.broadcast %sign3A_18 : i32 to vector<16xi32>
    %ne3A_19 = arith.cmpi ne, %sign3A_11, %ne3A : vector<16xi32>
    %rem3A_20 = vector.broadcast %jit3A : i32 to vector<16xi32>
    %rem3A_21 = arith.remsi %iota3A, %rem3A_20 : vector<16xi32>
    %ne3A_22 = arith.constant 0 : i32
    %ne3A_23 = vector.broadcast %ne3A_22 : i32 to vector<16xi32>
    %ne3A_24 = arith.cmpi ne, %rem3A_21, %ne3A_23 : vector<16xi32>
    %and3A = arith.andi %ne3A_19, %ne3A_24 : vector<16xi1>
    %sub3A = arith.constant 1 : i32
    %sub3A_25 = vector.broadcast %sub3A : i32 to vector<16xi32>
    %sub3A_26 = arith.subi %div3A_3, %sub3A_25 : vector<16xi32>
    %select_n3A = arith.select %and3A, %sub3A_26, %div3A_3 : vector<16xi1>, vector<16xi32>
    %broadcast_in_dim3A = arith.constant 0.000000e+00 : f32
    %broadcast_in_dim3A_27 = vector.broadcast %broadcast_in_dim3A : f32 to vector<16xf32>
    %broadcast_in_dim3A_28 = arith.constant 0 : i32
    %broadcast_in_dim3A_29 = vector.broadcast %broadcast_in_dim3A_28 : i32 to vector<16xi32>
    %scan3A = arith.constant 0 : i32
    %scan3A_30 = arith.constant 0 : i32
    %scan3A_31 = arith.constant 40 : i32
    %scan3A_32 = arith.addi %scan3A_30, %scan3A_31 : i32
    %scan3A_33 = arith.constant 1 : i32
    scf.for %scan3A_189 = %scan3A_30 to %scan3A_32 step %scan3A_33  : i32 {
      %swap3A = arith.index_cast %scan3A_189 : i32 to index
      %swap3A_190 = arith.constant 0 : index
      %swap3A_191 = tpu.vector_load %arg16[%swap3A, %swap3A_190] {strides = array<i32>} : memref<40x144xf32, #tpu.memory_space<vmem>>, vector<16xf32>,
      tpu.vector_store %arg16[%swap3A, %swap3A_190], %broadcast_in_dim3A_27 {strides = array<i32>} : memref<40x144xf32, #tpu.memory_space<vmem>>, vector<16xf32>,
      %swap3A_192 = arith.index_cast %scan3A_189 : i32 to index
      %swap3A_193 = arith.constant 0 : index
      %swap3A_194 = tpu.vector_load %arg17[%swap3A_192, %swap3A_193] {strides = array<i32>} : memref<40x144xf32, #tpu.memory_space<vmem>>, vector<16xf32>,
      tpu.vector_store %arg17[%swap3A_192, %swap3A_193], %broadcast_in_dim3A_27 {strides = array<i32>} : memref<40x144xf32, #tpu.memory_space<vmem>>, vector<16xf32>,
      %swap3A_195 = arith.index_cast %scan3A_189 : i32 to index
      %swap3A_196 = arith.constant 16 : index
      %swap3A_197 = tpu.vector_load %arg16[%swap3A_195, %swap3A_196] {strides = array<i32>} : memref<40x144xf32, #tpu.memory_space<vmem>>, vector<16xf32>,
      tpu.vector_store %arg16[%swap3A_195, %swap3A_196], %broadcast_in_dim3A_27 {strides = array<i32>} : memref<40x144xf32, #tpu.memory_space<vmem>>, vector<16xf32>,
      %swap3A_198 = arith.index_cast %scan3A_189 : i32 to index
      %swap3A_199 = arith.constant 16 : index
      %swap3A_200 = tpu.vector_load %arg17[%swap3A_198, %swap3A_199] {strides = array<i32>} : memref<40x144xf32, #tpu.memory_space<vmem>>, vector<16xf32>,
      tpu.vector_store %arg17[%swap3A_198, %swap3A_199], %broadcast_in_dim3A_27 {strides = array<i32>} : memref<40x144xf32, #tpu.memory_space<vmem>>, vector<16xf32>,
      %swap3A_201 = arith.index_cast %scan3A_189 : i32 to index
      %swap3A_202 = arith.constant 32 : index
      %swap3A_203 = tpu.vector_load %arg16[%swap3A_201, %swap3A_202] {strides = array<i32>} : memref<40x144xf32, #tpu.memory_space<vmem>>, vector<16xf32>,
      tpu.vector_store %arg16[%swap3A_201, %swap3A_202], %broadcast_in_dim3A_27 {strides = array<i32>} : memref<40x144xf32, #tpu.memory_space<vmem>>, vector<16xf32>,
      %swap3A_204 = arith.index_cast %scan3A_189 : i32 to index
      %swap3A_205 = arith.constant 32 : index
      %swap3A_206 = tpu.vector_load %arg17[%swap3A_204, %swap3A_205] {strides = array<i32>} : memref<40x144xf32, #tpu.memory_space<vmem>>, vector<16xf32>,
      tpu.vector_store %arg17[%swap3A_204, %swap3A_205], %broadcast_in_dim3A_27 {strides = array<i32>} : memref<40x144xf32, #tpu.memory_space<vmem>>, vector<16xf32>,
      %swap3A_207 = arith.index_cast %scan3A_189 : i32 to index
      %swap3A_208 = arith.constant 48 : index
      %swap3A_209 = tpu.vector_load %arg16[%swap3A_207, %swap3A_208] {strides = array<i32>} : memref<40x144xf32, #tpu.memory_space<vmem>>, vector<16xf32>,
      tpu.vector_store %arg16[%swap3A_207, %swap3A_208], %broadcast_in_dim3A_27 {strides = array<i32>} : memref<40x144xf32, #tpu.memory_space<vmem>>, vector<16xf32>,
      %swap3A_210 = arith.index_cast %scan3A_189 : i32 to index
      %swap3A_211 = arith.constant 48 : index
      %swap3A_212 = tpu.vector_load %arg17[%swap3A_210, %swap3A_211] {strides = array<i32>} : memref<40x144xf32, #tpu.memory_space<vmem>>, vector<16xf32>,
      tpu.vector_store %arg17[%swap3A_210, %swap3A_211], %broadcast_in_dim3A_27 {strides = array<i32>} : memref<40x144xf32, #tpu.memory_space<vmem>>, vector<16xf32>,
      %swap3A_213 = arith.index_cast %scan3A_189 : i32 to index
      %swap3A_214 = arith.constant 64 : index
      %swap3A_215 = tpu.vector_load %arg16[%swap3A_213, %swap3A_214] {strides = array<i32>} : memref<40x144xf32, #tpu.memory_space<vmem>>, vector<16xf32>,
      tpu.vector_store %arg16[%swap3A_213, %swap3A_214], %broadcast_in_dim3A_27 {strides = array<i32>} : memref<40x144xf32, #tpu.memory_space<vmem>>, vector<16xf32>,
      %swap3A_216 = arith.index_cast %scan3A_189 : i32 to index
      %swap3A_217 = arith.constant 64 : index
      %swap3A_218 = tpu.vector_load %arg17[%swap3A_216, %swap3A_217] {strides = array<i32>} : memref<40x144xf32, #tpu.memory_space<vmem>>, vector<16xf32>,
      tpu.vector_store %arg17[%swap3A_216, %swap3A_217], %broadcast_in_dim3A_27 {strides = array<i32>} : memref<40x144xf32, #tpu.memory_space<vmem>>, vector<16xf32>,
      %swap3A_219 = arith.index_cast %scan3A_189 : i32 to index
      %swap3A_220 = arith.constant 80 : index
      %swap3A_221 = tpu.vector_load %arg16[%swap3A_219, %swap3A_220] {strides = array<i32>} : memref<40x144xf32, #tpu.memory_space<vmem>>, vector<16xf32>,
      tpu.vector_store %arg16[%swap3A_219, %swap3A_220], %broadcast_in_dim3A_27 {strides = array<i32>} : memref<40x144xf32, #tpu.memory_space<vmem>>, vector<16xf32>,
      %swap3A_222 = arith.index_cast %scan3A_189 : i32 to index
      %swap3A_223 = arith.constant 80 : index
      %swap3A_224 = tpu.vector_load %arg17[%swap3A_222, %swap3A_223] {strides = array<i32>} : memref<40x144xf32, #tpu.memory_space<vmem>>, vector<16xf32>,
      tpu.vector_store %arg17[%swap3A_222, %swap3A_223], %broadcast_in_dim3A_27 {strides = array<i32>} : memref<40x144xf32, #tpu.memory_space<vmem>>, vector<16xf32>,
      %swap3A_225 = arith.index_cast %scan3A_189 : i32 to index
      %swap3A_226 = arith.constant 96 : index
      %swap3A_227 = tpu.vector_load %arg16[%swap3A_225, %swap3A_226] {strides = array<i32>} : memref<40x144xf32, #tpu.memory_space<vmem>>, vector<16xf32>,
      tpu.vector_store %arg16[%swap3A_225, %swap3A_226], %broadcast_in_dim3A_27 {strides = array<i32>} : memref<40x144xf32, #tpu.memory_space<vmem>>, vector<16xf32>,
      %swap3A_228 = arith.index_cast %scan3A_189 : i32 to index
      %swap3A_229 = arith.constant 96 : index
      %swap3A_230 = tpu.vector_load %arg17[%swap3A_228, %swap3A_229] {strides = array<i32>} : memref<40x144xf32, #tpu.memory_space<vmem>>, vector<16xf32>,
      tpu.vector_store %arg17[%swap3A_228, %swap3A_229], %broadcast_in_dim3A_27 {strides = array<i32>} : memref<40x144xf32, #tpu.memory_space<vmem>>, vector<16xf32>,
      %swap3A_231 = arith.index_cast %scan3A_189 : i32 to index
      %swap3A_232 = arith.constant 112 : index
      %swap3A_233 = tpu.vector_load %arg16[%swap3A_231, %swap3A_232] {strides = array<i32>} : memref<40x144xf32, #tpu.memory_space<vmem>>, vector<16xf32>,
      tpu.vector_store %arg16[%swap3A_231, %swap3A_232], %broadcast_in_dim3A_27 {strides = array<i32>} : memref<40x144xf32, #tpu.memory_space<vmem>>, vector<16xf32>,
      %swap3A_234 = arith.index_cast %scan3A_189 : i32 to index
      %swap3A_235 = arith.constant 112 : index
      %swap3A_236 = tpu.vector_load %arg17[%swap3A_234, %swap3A_235] {strides = array<i32>} : memref<40x144xf32, #tpu.memory_space<vmem>>, vector<16xf32>,
      tpu.vector_store %arg17[%swap3A_234, %swap3A_235], %broadcast_in_dim3A_27 {strides = array<i32>} : memref<40x144xf32, #tpu.memory_space<vmem>>, vector<16xf32>,
      %swap3A_237 = arith.index_cast %scan3A_189 : i32 to index
      %swap3A_238 = arith.constant 128 : index
      %swap3A_239 = tpu.vector_load %arg16[%swap3A_237, %swap3A_238] {strides = array<i32>} : memref<40x144xf32, #tpu.memory_space<vmem>>, vector<16xf32>,
      tpu.vector_store %arg16[%swap3A_237, %swap3A_238], %broadcast_in_dim3A_27 {strides = array<i32>} : memref<40x144xf32, #tpu.memory_space<vmem>>, vector<16xf32>,
      %swap3A_240 = arith.index_cast %scan3A_189 : i32 to index
      %swap3A_241 = arith.constant 128 : index
      %swap3A_242 = tpu.vector_load %arg17[%swap3A_240, %swap3A_241] {strides = array<i32>} : memref<40x144xf32, #tpu.memory_space<vmem>>, vector<16xf32>,
      tpu.vector_store %arg17[%swap3A_240, %swap3A_241], %broadcast_in_dim3A_27 {strides = array<i32>} : memref<40x144xf32, #tpu.memory_space<vmem>>, vector<16xf32>,
    }
    %scan3A_34 = arith.constant 40 : i32
    %mul3A_35 = arith.constant 640 : i32
    %mul3A_36 = arith.muli %arg1, %mul3A_35 : i32
    %add3A_37 = arith.constant 0 : i32
    %add3A_38 = arith.addi %mul3A_36, %add3A_37 : i32
    "tpu.region"() ({
      %run_scoped3A = tpu.sem_alloc : memref<!tpu.dma_semaphore, #tpu.memory_space<semaphore_mem>>
      %dma_start3A_189 = arith.constant 0 : i32
      %dma_start3A_190 = tpu.memref_slice %arg20[%add3A_38, %dma_start3A_189] : memref<10240x144xf32, #tpu.memory_space<vmem_shared>> -> memref<40x144xf32, #tpu.memory_space<vmem_shared>>
      %dma_start3A_191 = arith.constant 0 : i32
      %dma_start3A_192 = tpu.memref_slice %arg20[%add3A_38, %dma_start3A_191] : memref<10240x144xf32, #tpu.memory_space<vmem_shared>> -> memref<40x144xf32, #tpu.memory_space<vmem_shared>>
      tpu.enqueue_dma source(%arg16 : memref<40x144xf32, #tpu.memory_space<vmem>>) target(%dma_start3A_192 : memref<40x144xf32, #tpu.memory_space<vmem_shared>>) target_semaphore(%run_scoped3A : memref<!tpu.dma_semaphore, #tpu.memory_space<semaphore_mem>>)
      %dma_wait3A_193 = arith.constant 0 : i32
      %dma_wait3A_194 = tpu.memref_slice %arg20[%add3A_38, %dma_wait3A_193] : memref<10240x144xf32, #tpu.memory_space<vmem_shared>> -> memref<40x144xf32, #tpu.memory_space<vmem_shared>>
      %dma_wait3A_195 = arith.constant 0 : i32
      %dma_wait3A_196 = tpu.memref_slice %arg20[%add3A_38, %dma_wait3A_195] : memref<10240x144xf32, #tpu.memory_space<vmem_shared>> -> memref<40x144xf32, #tpu.memory_space<vmem_shared>>
      tpu.wait_dma2 semaphore(%run_scoped3A : memref<!tpu.dma_semaphore, #tpu.memory_space<semaphore_mem>>) src(%arg16 : memref<40x144xf32, #tpu.memory_space<vmem>>) dst(%dma_wait3A_196 : memref<40x144xf32, #tpu.memory_space<vmem_shared>>)
      tpu.yield
    }) : () -> ()
    %mul3A_39 = arith.constant 640 : i32
    %mul3A_40 = arith.muli %arg1, %mul3A_39 : i32
    %add3A_41 = arith.constant 40 : i32
    %add3A_42 = arith.addi %mul3A_40, %add3A_41 : i32
    "tpu.region"() ({
      %run_scoped3A = tpu.sem_alloc : memref<!tpu.dma_semaphore, #tpu.memory_space<semaphore_mem>>
      %dma_start3A_189 = arith.constant 0 : i32
      %dma_start3A_190 = tpu.memref_slice %arg20[%add3A_42, %dma_start3A_189] : memref<10240x144xf32, #tpu.memory_space<vmem_shared>> -> memref<40x144xf32, #tpu.memory_space<vmem_shared>>
      %dma_start3A_191 = arith.constant 0 : i32
      %dma_start3A_192 = tpu.memref_slice %arg20[%add3A_42, %dma_start3A_191] : memref<10240x144xf32, #tpu.memory_space<vmem_shared>> -> memref<40x144xf32, #tpu.memory_space<vmem_shared>>
      tpu.enqueue_dma source(%arg16 : memref<40x144xf32, #tpu.memory_space<vmem>>) target(%dma_start3A_192 : memref<40x144xf32, #tpu.memory_space<vmem_shared>>) target_semaphore(%run_scoped3A : memref<!tpu.dma_semaphore, #tpu.memory_space<semaphore_mem>>)
      %dma_wait3A_193 = arith.constant 0 : i32
      %dma_wait3A_194 = tpu.memref_slice %arg20[%add3A_42, %dma_wait3A_193] : memref<10240x144xf32, #tpu.memory_space<vmem_shared>> -> memref<40x144xf32, #tpu.memory_space<vmem_shared>>
      %dma_wait3A_195 = arith.constant 0 : i32
      %dma_wait3A_196 = tpu.memref_slice %arg20[%add3A_42, %dma_wait3A_195] : memref<10240x144xf32, #tpu.memory_space<vmem_shared>> -> memref<40x144xf32, #tpu.memory_space<vmem_shared>>
      tpu.wait_dma2 semaphore(%run_scoped3A : memref<!tpu.dma_semaphore, #tpu.memory_space<semaphore_mem>>) src(%arg16 : memref<40x144xf32, #tpu.memory_space<vmem>>) dst(%dma_wait3A_196 : memref<40x144xf32, #tpu.memory_space<vmem_shared>>)
      tpu.yield
    }) : () -> ()
    %mul3A_43 = arith.constant 640 : i32
    %mul3A_44 = arith.muli %arg1, %mul3A_43 : i32
    %add3A_45 = arith.constant 80 : i32
    %add3A_46 = arith.addi %mul3A_44, %add3A_45 : i32
    "tpu.region"() ({
      %run_scoped3A = tpu.sem_alloc : memref<!tpu.dma_semaphore, #tpu.memory_space<semaphore_mem>>
      %dma_start3A_189 = arith.constant 0 : i32
      %dma_start3A_190 = tpu.memref_slice %arg20[%add3A_46, %dma_start3A_189] : memref<10240x144xf32, #tpu.memory_space<vmem_shared>> -> memref<40x144xf32, #tpu.memory_space<vmem_shared>>
      %dma_start3A_191 = arith.constant 0 : i32
      %dma_start3A_192 = tpu.memref_slice %arg20[%add3A_46, %dma_start3A_191] : memref<10240x144xf32, #tpu.memory_space<vmem_shared>> -> memref<40x144xf32, #tpu.memory_space<vmem_shared>>
      tpu.enqueue_dma source(%arg16 : memref<40x144xf32, #tpu.memory_space<vmem>>) target(%dma_start3A_192 : memref<40x144xf32, #tpu.memory_space<vmem_shared>>) target_semaphore(%run_scoped3A : memref<!tpu.dma_semaphore, #tpu.memory_space<semaphore_mem>>)
      %dma_wait3A_193 = arith.constant 0 : i32
      %dma_wait3A_194 = tpu.memref_slice %arg20[%add3A_46, %dma_wait3A_193] : memref<10240x144xf32, #tpu.memory_space<vmem_shared>> -> memref<40x144xf32, #tpu.memory_space<vmem_shared>>
      %dma_wait3A_195 = arith.constant 0 : i32
      %dma_wait3A_196 = tpu.memref_slice %arg20[%add3A_46, %dma_wait3A_195] : memref<10240x144xf32, #tpu.memory_space<vmem_shared>> -> memref<40x144xf32, #tpu.memory_space<vmem_shared>>
      tpu.wait_dma2 semaphore(%run_scoped3A : memref<!tpu.dma_semaphore, #tpu.memory_space<semaphore_mem>>) src(%arg16 : memref<40x144xf32, #tpu.memory_space<vmem>>) dst(%dma_wait3A_196 : memref<40x144xf32, #tpu.memory_space<vmem_shared>>)
      tpu.yield
    }) : () -> ()
    %mul3A_47 = arith.constant 640 : i32
    %mul3A_48 = arith.muli %arg1, %mul3A_47 : i32
    %add3A_49 = arith.constant 120 : i32
    %add3A_50 = arith.addi %mul3A_48, %add3A_49 : i32
    "tpu.region"() ({
      %run_scoped3A = tpu.sem_alloc : memref<!tpu.dma_semaphore, #tpu.memory_space<semaphore_mem>>
      %dma_start3A_189 = arith.constant 0 : i32
      %dma_start3A_190 = tpu.memref_slice %arg20[%add3A_50, %dma_start3A_189] : memref<10240x144xf32, #tpu.memory_space<vmem_shared>> -> memref<40x144xf32, #tpu.memory_space<vmem_shared>>
      %dma_start3A_191 = arith.constant 0 : i32
      %dma_start3A_192 = tpu.memref_slice %arg20[%add3A_50, %dma_start3A_191] : memref<10240x144xf32, #tpu.memory_space<vmem_shared>> -> memref<40x144xf32, #tpu.memory_space<vmem_shared>>
      tpu.enqueue_dma source(%arg16 : memref<40x144xf32, #tpu.memory_space<vmem>>) target(%dma_start3A_192 : memref<40x144xf32, #tpu.memory_space<vmem_shared>>) target_semaphore(%run_scoped3A : memref<!tpu.dma_semaphore, #tpu.memory_space<semaphore_mem>>)
      %dma_wait3A_193 = arith.constant 0 : i32
      %dma_wait3A_194 = tpu.memref_slice %arg20[%add3A_50, %dma_wait3A_193] : memref<10240x144xf32, #tpu.memory_space<vmem_shared>> -> memref<40x144xf32, #tpu.memory_space<vmem_shared>>
      %dma_wait3A_195 = arith.constant 0 : i32
      %dma_wait3A_196 = tpu.memref_slice %arg20[%add3A_50, %dma_wait3A_195] : memref<10240x144xf32, #tpu.memory_space<vmem_shared>> -> memref<40x144xf32, #tpu.memory_space<vmem_shared>>
      tpu.wait_dma2 semaphore(%run_scoped3A : memref<!tpu.dma_semaphore, #tpu.memory_space<semaphore_mem>>) src(%arg16 : memref<40x144xf32, #tpu.memory_space<vmem>>) dst(%dma_wait3A_196 : memref<40x144xf32, #tpu.memory_space<vmem_shared>>)
      tpu.yield
    }) : () -> ()
    %mul3A_51 = arith.constant 640 : i32
    %mul3A_52 = arith.muli %arg1, %mul3A_51 : i32
    %add3A_53 = arith.constant 160 : i32
    %add3A_54 = arith.addi %mul3A_52, %add3A_53 : i32
    "tpu.region"() ({
      %run_scoped3A = tpu.sem_alloc : memref<!tpu.dma_semaphore, #tpu.memory_space<semaphore_mem>>
      %dma_start3A_189 = arith.constant 0 : i32
      %dma_start3A_190 = tpu.memref_slice %arg20[%add3A_54, %dma_start3A_189] : memref<10240x144xf32, #tpu.memory_space<vmem_shared>> -> memref<40x144xf32, #tpu.memory_space<vmem_shared>>
      %dma_start3A_191 = arith.constant 0 : i32
      %dma_start3A_192 = tpu.memref_slice %arg20[%add3A_54, %dma_start3A_191] : memref<10240x144xf32, #tpu.memory_space<vmem_shared>> -> memref<40x144xf32, #tpu.memory_space<vmem_shared>>
      tpu.enqueue_dma source(%arg16 : memref<40x144xf32, #tpu.memory_space<vmem>>) target(%dma_start3A_192 : memref<40x144xf32, #tpu.memory_space<vmem_shared>>) target_semaphore(%run_scoped3A : memref<!tpu.dma_semaphore, #tpu.memory_space<semaphore_mem>>)
      %dma_wait3A_193 = arith.constant 0 : i32
      %dma_wait3A_194 = tpu.memref_slice %arg20[%add3A_54, %dma_wait3A_193] : memref<10240x144xf32, #tpu.memory_space<vmem_shared>> -> memref<40x144xf32, #tpu.memory_space<vmem_shared>>
      %dma_wait3A_195 = arith.constant 0 : i32
      %dma_wait3A_196 = tpu.memref_slice %arg20[%add3A_54, %dma_wait3A_195] : memref<10240x144xf32, #tpu.memory_space<vmem_shared>> -> memref<40x144xf32, #tpu.memory_space<vmem_shared>>
      tpu.wait_dma2 semaphore(%run_scoped3A : memref<!tpu.dma_semaphore, #tpu.memory_space<semaphore_mem>>) src(%arg16 : memref<40x144xf32, #tpu.memory_space<vmem>>) dst(%dma_wait3A_196 : memref<40x144xf32, #tpu.memory_space<vmem_shared>>)
      tpu.yield
    }) : () -> ()
    %mul3A_55 = arith.constant 640 : i32
    %mul3A_56 = arith.muli %arg1, %mul3A_55 : i32
    %add3A_57 = arith.constant 200 : i32
    %add3A_58 = arith.addi %mul3A_56, %add3A_57 : i32
    "tpu.region"() ({
      %run_scoped3A = tpu.sem_alloc : memref<!tpu.dma_semaphore, #tpu.memory_space<semaphore_mem>>
      %dma_start3A_189 = arith.constant 0 : i32
      %dma_start3A_190 = tpu.memref_slice %arg20[%add3A_58, %dma_start3A_189] : memref<10240x144xf32, #tpu.memory_space<vmem_shared>> -> memref<40x144xf32, #tpu.memory_space<vmem_shared>>
      %dma_start3A_191 = arith.constant 0 : i32
      %dma_start3A_192 = tpu.memref_slice %arg20[%add3A_58, %dma_start3A_191] : memref<10240x144xf32, #tpu.memory_space<vmem_shared>> -> memref<40x144xf32, #tpu.memory_space<vmem_shared>>
      tpu.enqueue_dma source(%arg16 : memref<40x144xf32, #tpu.memory_space<vmem>>) target(%dma_start3A_192 : memref<40x144xf32, #tpu.memory_space<vmem_shared>>) target_semaphore(%run_scoped3A : memref<!tpu.dma_semaphore, #tpu.memory_space<semaphore_mem>>)
      %dma_wait3A_193 = arith.constant 0 : i32
      %dma_wait3A_194 = tpu.memref_slice %arg20[%add3A_58, %dma_wait3A_193] : memref<10240x144xf32, #tpu.memory_space<vmem_shared>> -> memref<40x144xf32, #tpu.memory_space<vmem_shared>>
      %dma_wait3A_195 = arith.constant 0 : i32
      %dma_wait3A_196 = tpu.memref_slice %arg20[%add3A_58, %dma_wait3A_195] : memref<10240x144xf32, #tpu.memory_space<vmem_shared>> -> memref<40x144xf32, #tpu.memory_space<vmem_shared>>
      tpu.wait_dma2 semaphore(%run_scoped3A : memref<!tpu.dma_semaphore, #tpu.memory_space<semaphore_mem>>) src(%arg16 : memref<40x144xf32, #tpu.memory_space<vmem>>) dst(%dma_wait3A_196 : memref<40x144xf32, #tpu.memory_space<vmem_shared>>)
      tpu.yield
    }) : () -> ()
    %mul3A_59 = arith.constant 640 : i32
    %mul3A_60 = arith.muli %arg1, %mul3A_59 : i32
    %add3A_61 = arith.constant 240 : i32
    %add3A_62 = arith.addi %mul3A_60, %add3A_61 : i32
    "tpu.region"() ({
      %run_scoped3A = tpu.sem_alloc : memref<!tpu.dma_semaphore, #tpu.memory_space<semaphore_mem>>
      %dma_start3A_189 = arith.constant 0 : i32
      %dma_start3A_190 = tpu.memref_slice %arg20[%add3A_62, %dma_start3A_189] : memref<10240x144xf32, #tpu.memory_space<vmem_shared>> -> memref<40x144xf32, #tpu.memory_space<vmem_shared>>
      %dma_start3A_191 = arith.constant 0 : i32
      %dma_start3A_192 = tpu.memref_slice %arg20[%add3A_62, %dma_start3A_191] : memref<10240x144xf32, #tpu.memory_space<vmem_shared>> -> memref<40x144xf32, #tpu.memory_space<vmem_shared>>
      tpu.enqueue_dma source(%arg16 : memref<40x144xf32, #tpu.memory_space<vmem>>) target(%dma_start3A_192 : memref<40x144xf32, #tpu.memory_space<vmem_shared>>) target_semaphore(%run_scoped3A : memref<!tpu.dma_semaphore, #tpu.memory_space<semaphore_mem>>)
      %dma_wait3A_193 = arith.constant 0 : i32
      %dma_wait3A_194 = tpu.memref_slice %arg20[%add3A_62, %dma_wait3A_193] : memref<10240x144xf32, #tpu.memory_space<vmem_shared>> -> memref<40x144xf32, #tpu.memory_space<vmem_shared>>
      %dma_wait3A_195 = arith.constant 0 : i32
      %dma_wait3A_196 = tpu.memref_slice %arg20[%add3A_62, %dma_wait3A_195] : memref<10240x144xf32, #tpu.memory_space<vmem_shared>> -> memref<40x144xf32, #tpu.memory_space<vmem_shared>>
      tpu.wait_dma2 semaphore(%run_scoped3A : memref<!tpu.dma_semaphore, #tpu.memory_space<semaphore_mem>>) src(%arg16 : memref<40x144xf32, #tpu.memory_space<vmem>>) dst(%dma_wait3A_196 : memref<40x144xf32, #tpu.memory_space<vmem_shared>>)
      tpu.yield
    }) : () -> ()
    %mul3A_63 = arith.constant 640 : i32
    %mul3A_64 = arith.muli %arg1, %mul3A_63 : i32
    %add3A_65 = arith.constant 280 : i32
    %add3A_66 = arith.addi %mul3A_64, %add3A_65 : i32
    "tpu.region"() ({
      %run_scoped3A = tpu.sem_alloc : memref<!tpu.dma_semaphore, #tpu.memory_space<semaphore_mem>>
      %dma_start3A_189 = arith.constant 0 : i32
      %dma_start3A_190 = tpu.memref_slice %arg20[%add3A_66, %dma_start3A_189] : memref<10240x144xf32, #tpu.memory_space<vmem_shared>> -> memref<40x144xf32, #tpu.memory_space<vmem_shared>>
      %dma_start3A_191 = arith.constant 0 : i32
      %dma_start3A_192 = tpu.memref_slice %arg20[%add3A_66, %dma_start3A_191] : memref<10240x144xf32, #tpu.memory_space<vmem_shared>> -> memref<40x144xf32, #tpu.memory_space<vmem_shared>>
      tpu.enqueue_dma source(%arg16 : memref<40x144xf32, #tpu.memory_space<vmem>>) target(%dma_start3A_192 : memref<40x144xf32, #tpu.memory_space<vmem_shared>>) target_semaphore(%run_scoped3A : memref<!tpu.dma_semaphore, #tpu.memory_space<semaphore_mem>>)
      %dma_wait3A_193 = arith.constant 0 : i32
      %dma_wait3A_194 = tpu.memref_slice %arg20[%add3A_66, %dma_wait3A_193] : memref<10240x144xf32, #tpu.memory_space<vmem_shared>> -> memref<40x144xf32, #tpu.memory_space<vmem_shared>>
      %dma_wait3A_195 = arith.constant 0 : i32
      %dma_wait3A_196 = tpu.memref_slice %arg20[%add3A_66, %dma_wait3A_195] : memref<10240x144xf32, #tpu.memory_space<vmem_shared>> -> memref<40x144xf32, #tpu.memory_space<vmem_shared>>
      tpu.wait_dma2 semaphore(%run_scoped3A : memref<!tpu.dma_semaphore, #tpu.memory_space<semaphore_mem>>) src(%arg16 : memref<40x144xf32, #tpu.memory_space<vmem>>) dst(%dma_wait3A_196 : memref<40x144xf32, #tpu.memory_space<vmem_shared>>)
      tpu.yield
    }) : () -> ()
    %mul3A_67 = arith.constant 640 : i32
    %mul3A_68 = arith.muli %arg1, %mul3A_67 : i32
    %add3A_69 = arith.constant 320 : i32
    %add3A_70 = arith.addi %mul3A_68, %add3A_69 : i32
    "tpu.region"() ({
      %run_scoped3A = tpu.sem_alloc : memref<!tpu.dma_semaphore, #tpu.memory_space<semaphore_mem>>
      %dma_start3A_189 = arith.constant 0 : i32
      %dma_start3A_190 = tpu.memref_slice %arg20[%add3A_70, %dma_start3A_189] : memref<10240x144xf32, #tpu.memory_space<vmem_shared>> -> memref<40x144xf32, #tpu.memory_space<vmem_shared>>
      %dma_start3A_191 = arith.constant 0 : i32
      %dma_start3A_192 = tpu.memref_slice %arg20[%add3A_70, %dma_start3A_191] : memref<10240x144xf32, #tpu.memory_space<vmem_shared>> -> memref<40x144xf32, #tpu.memory_space<vmem_shared>>
      tpu.enqueue_dma source(%arg16 : memref<40x144xf32, #tpu.memory_space<vmem>>) target(%dma_start3A_192 : memref<40x144xf32, #tpu.memory_space<vmem_shared>>) target_semaphore(%run_scoped3A : memref<!tpu.dma_semaphore, #tpu.memory_space<semaphore_mem>>)
      %dma_wait3A_193 = arith.constant 0 : i32
      %dma_wait3A_194 = tpu.memref_slice %arg20[%add3A_70, %dma_wait3A_193] : memref<10240x144xf32, #tpu.memory_space<vmem_shared>> -> memref<40x144xf32, #tpu.memory_space<vmem_shared>>
      %dma_wait3A_195 = arith.constant 0 : i32
      %dma_wait3A_196 = tpu.memref_slice %arg20[%add3A_70, %dma_wait3A_195] : memref<10240x144xf32, #tpu.memory_space<vmem_shared>> -> memref<40x144xf32, #tpu.memory_space<vmem_shared>>
      tpu.wait_dma2 semaphore(%run_scoped3A : memref<!tpu.dma_semaphore, #tpu.memory_space<semaphore_mem>>) src(%arg16 : memref<40x144xf32, #tpu.memory_space<vmem>>) dst(%dma_wait3A_196 : memref<40x144xf32, #tpu.memory_space<vmem_shared>>)
      tpu.yield
    }) : () -> ()
    %mul3A_71 = arith.constant 640 : i32
    %mul3A_72 = arith.muli %arg1, %mul3A_71 : i32
    %add3A_73 = arith.constant 360 : i32
    %add3A_74 = arith.addi %mul3A_72, %add3A_73 : i32
    "tpu.region"() ({
      %run_scoped3A = tpu.sem_alloc : memref<!tpu.dma_semaphore, #tpu.memory_space<semaphore_mem>>
      %dma_start3A_189 = arith.constant 0 : i32
      %dma_start3A_190 = tpu.memref_slice %arg20[%add3A_74, %dma_start3A_189] : memref<10240x144xf32, #tpu.memory_space<vmem_shared>> -> memref<40x144xf32, #tpu.memory_space<vmem_shared>>
      %dma_start3A_191 = arith.constant 0 : i32
      %dma_start3A_192 = tpu.memref_slice %arg20[%add3A_74, %dma_start3A_191] : memref<10240x144xf32, #tpu.memory_space<vmem_shared>> -> memref<40x144xf32, #tpu.memory_space<vmem_shared>>
      tpu.enqueue_dma source(%arg16 : memref<40x144xf32, #tpu.memory_space<vmem>>) target(%dma_start3A_192 : memref<40x144xf32, #tpu.memory_space<vmem_shared>>) target_semaphore(%run_scoped3A : memref<!tpu.dma_semaphore, #tpu.memory_space<semaphore_mem>>)
      %dma_wait3A_193 = arith.constant 0 : i32
      %dma_wait3A_194 = tpu.memref_slice %arg20[%add3A_74, %dma_wait3A_193] : memref<10240x144xf32, #tpu.memory_space<vmem_shared>> -> memref<40x144xf32, #tpu.memory_space<vmem_shared>>
      %dma_wait3A_195 = arith.constant 0 : i32
      %dma_wait3A_196 = tpu.memref_slice %arg20[%add3A_74, %dma_wait3A_195] : memref<10240x144xf32, #tpu.memory_space<vmem_shared>> -> memref<40x144xf32, #tpu.memory_space<vmem_shared>>
      tpu.wait_dma2 semaphore(%run_scoped3A : memref<!tpu.dma_semaphore, #tpu.memory_space<semaphore_mem>>) src(%arg16 : memref<40x144xf32, #tpu.memory_space<vmem>>) dst(%dma_wait3A_196 : memref<40x144xf32, #tpu.memory_space<vmem_shared>>)
      tpu.yield
    }) : () -> ()
    %mul3A_75 = arith.constant 640 : i32
    %mul3A_76 = arith.muli %arg1, %mul3A_75 : i32
    %add3A_77 = arith.constant 400 : i32
    %add3A_78 = arith.addi %mul3A_76, %add3A_77 : i32
    "tpu.region"() ({
      %run_scoped3A = tpu.sem_alloc : memref<!tpu.dma_semaphore, #tpu.memory_space<semaphore_mem>>
      %dma_start3A_189 = arith.constant 0 : i32
      %dma_start3A_190 = tpu.memref_slice %arg20[%add3A_78, %dma_start3A_189] : memref<10240x144xf32, #tpu.memory_space<vmem_shared>> -> memref<40x144xf32, #tpu.memory_space<vmem_shared>>
      %dma_start3A_191 = arith.constant 0 : i32
      %dma_start3A_192 = tpu.memref_slice %arg20[%add3A_78, %dma_start3A_191] : memref<10240x144xf32, #tpu.memory_space<vmem_shared>> -> memref<40x144xf32, #tpu.memory_space<vmem_shared>>
      tpu.enqueue_dma source(%arg16 : memref<40x144xf32, #tpu.memory_space<vmem>>) target(%dma_start3A_192 : memref<40x144xf32, #tpu.memory_space<vmem_shared>>) target_semaphore(%run_scoped3A : memref<!tpu.dma_semaphore, #tpu.memory_space<semaphore_mem>>)
      %dma_wait3A_193 = arith.constant 0 : i32
      %dma_wait3A_194 = tpu.memref_slice %arg20[%add3A_78, %dma_wait3A_193] : memref<10240x144xf32, #tpu.memory_space<vmem_shared>> -> memref<40x144xf32, #tpu.memory_space<vmem_shared>>
      %dma_wait3A_195 = arith.constant 0 : i32
      %dma_wait3A_196 = tpu.memref_slice %arg20[%add3A_78, %dma_wait3A_195] : memref<10240x144xf32, #tpu.memory_space<vmem_shared>> -> memref<40x144xf32, #tpu.memory_space<vmem_shared>>
      tpu.wait_dma2 semaphore(%run_scoped3A : memref<!tpu.dma_semaphore, #tpu.memory_space<semaphore_mem>>) src(%arg16 : memref<40x144xf32, #tpu.memory_space<vmem>>) dst(%dma_wait3A_196 : memref<40x144xf32, #tpu.memory_space<vmem_shared>>)
      tpu.yield
    }) : () -> ()
    %mul3A_79 = arith.constant 640 : i32
    %mul3A_80 = arith.muli %arg1, %mul3A_79 : i32
    %add3A_81 = arith.constant 440 : i32
    %add3A_82 = arith.addi %mul3A_80, %add3A_81 : i32
    "tpu.region"() ({
      %run_scoped3A = tpu.sem_alloc : memref<!tpu.dma_semaphore, #tpu.memory_space<semaphore_mem>>
      %dma_start3A_189 = arith.constant 0 : i32
      %dma_start3A_190 = tpu.memref_slice %arg20[%add3A_82, %dma_start3A_189] : memref<10240x144xf32, #tpu.memory_space<vmem_shared>> -> memref<40x144xf32, #tpu.memory_space<vmem_shared>>
      %dma_start3A_191 = arith.constant 0 : i32
      %dma_start3A_192 = tpu.memref_slice %arg20[%add3A_82, %dma_start3A_191] : memref<10240x144xf32, #tpu.memory_space<vmem_shared>> -> memref<40x144xf32, #tpu.memory_space<vmem_shared>>
      tpu.enqueue_dma source(%arg16 : memref<40x144xf32, #tpu.memory_space<vmem>>) target(%dma_start3A_192 : memref<40x144xf32, #tpu.memory_space<vmem_shared>>) target_semaphore(%run_scoped3A : memref<!tpu.dma_semaphore, #tpu.memory_space<semaphore_mem>>)
      %dma_wait3A_193 = arith.constant 0 : i32
      %dma_wait3A_194 = tpu.memref_slice %arg20[%add3A_82, %dma_wait3A_193] : memref<10240x144xf32, #tpu.memory_space<vmem_shared>> -> memref<40x144xf32, #tpu.memory_space<vmem_shared>>
      %dma_wait3A_195 = arith.constant 0 : i32
      %dma_wait3A_196 = tpu.memref_slice %arg20[%add3A_82, %dma_wait3A_195] : memref<10240x144xf32, #tpu.memory_space<vmem_shared>> -> memref<40x144xf32, #tpu.memory_space<vmem_shared>>
      tpu.wait_dma2 semaphore(%run_scoped3A : memref<!tpu.dma_semaphore, #tpu.memory_space<semaphore_mem>>) src(%arg16 : memref<40x144xf32, #tpu.memory_space<vmem>>) dst(%dma_wait3A_196 : memref<40x144xf32, #tpu.memory_space<vmem_shared>>)
      tpu.yield
    }) : () -> ()
    %mul3A_83 = arith.constant 640 : i32
    %mul3A_84 = arith.muli %arg1, %mul3A_83 : i32
    %add3A_85 = arith.constant 480 : i32
    %add3A_86 = arith.addi %mul3A_84, %add3A_85 : i32
    "tpu.region"() ({
      %run_scoped3A = tpu.sem_alloc : memref<!tpu.dma_semaphore, #tpu.memory_space<semaphore_mem>>
      %dma_start3A_189 = arith.constant 0 : i32
      %dma_start3A_190 = tpu.memref_slice %arg20[%add3A_86, %dma_start3A_189] : memref<10240x144xf32, #tpu.memory_space<vmem_shared>> -> memref<40x144xf32, #tpu.memory_space<vmem_shared>>
      %dma_start3A_191 = arith.constant 0 : i32
      %dma_start3A_192 = tpu.memref_slice %arg20[%add3A_86, %dma_start3A_191] : memref<10240x144xf32, #tpu.memory_space<vmem_shared>> -> memref<40x144xf32, #tpu.memory_space<vmem_shared>>
      tpu.enqueue_dma source(%arg16 : memref<40x144xf32, #tpu.memory_space<vmem>>) target(%dma_start3A_192 : memref<40x144xf32, #tpu.memory_space<vmem_shared>>) target_semaphore(%run_scoped3A : memref<!tpu.dma_semaphore, #tpu.memory_space<semaphore_mem>>)
      %dma_wait3A_193 = arith.constant 0 : i32
      %dma_wait3A_194 = tpu.memref_slice %arg20[%add3A_86, %dma_wait3A_193] : memref<10240x144xf32, #tpu.memory_space<vmem_shared>> -> memref<40x144xf32, #tpu.memory_space<vmem_shared>>
      %dma_wait3A_195 = arith.constant 0 : i32
      %dma_wait3A_196 = tpu.memref_slice %arg20[%add3A_86, %dma_wait3A_195] : memref<10240x144xf32, #tpu.memory_space<vmem_shared>> -> memref<40x144xf32, #tpu.memory_space<vmem_shared>>
      tpu.wait_dma2 semaphore(%run_scoped3A : memref<!tpu.dma_semaphore, #tpu.memory_space<semaphore_mem>>) src(%arg16 : memref<40x144xf32, #tpu.memory_space<vmem>>) dst(%dma_wait3A_196 : memref<40x144xf32, #tpu.memory_space<vmem_shared>>)
      tpu.yield
    }) : () -> ()
    %mul3A_87 = arith.constant 640 : i32
    %mul3A_88 = arith.muli %arg1, %mul3A_87 : i32
    %add3A_89 = arith.constant 520 : i32
    %add3A_90 = arith.addi %mul3A_88, %add3A_89 : i32
    "tpu.region"() ({
      %run_scoped3A = tpu.sem_alloc : memref<!tpu.dma_semaphore, #tpu.memory_space<semaphore_mem>>
      %dma_start3A_189 = arith.constant 0 : i32
      %dma_start3A_190 = tpu.memref_slice %arg20[%add3A_90, %dma_start3A_189] : memref<10240x144xf32, #tpu.memory_space<vmem_shared>> -> memref<40x144xf32, #tpu.memory_space<vmem_shared>>
      %dma_start3A_191 = arith.constant 0 : i32
      %dma_start3A_192 = tpu.memref_slice %arg20[%add3A_90, %dma_start3A_191] : memref<10240x144xf32, #tpu.memory_space<vmem_shared>> -> memref<40x144xf32, #tpu.memory_space<vmem_shared>>
      tpu.enqueue_dma source(%arg16 : memref<40x144xf32, #tpu.memory_space<vmem>>) target(%dma_start3A_192 : memref<40x144xf32, #tpu.memory_space<vmem_shared>>) target_semaphore(%run_scoped3A : memref<!tpu.dma_semaphore, #tpu.memory_space<semaphore_mem>>)
      %dma_wait3A_193 = arith.constant 0 : i32
      %dma_wait3A_194 = tpu.memref_slice %arg20[%add3A_90, %dma_wait3A_193] : memref<10240x144xf32, #tpu.memory_space<vmem_shared>> -> memref<40x144xf32, #tpu.memory_space<vmem_shared>>
      %dma_wait3A_195 = arith.constant 0 : i32
      %dma_wait3A_196 = tpu.memref_slice %arg20[%add3A_90, %dma_wait3A_195] : memref<10240x144xf32, #tpu.memory_space<vmem_shared>> -> memref<40x144xf32, #tpu.memory_space<vmem_shared>>
      tpu.wait_dma2 semaphore(%run_scoped3A : memref<!tpu.dma_semaphore, #tpu.memory_space<semaphore_mem>>) src(%arg16 : memref<40x144xf32, #tpu.memory_space<vmem>>) dst(%dma_wait3A_196 : memref<40x144xf32, #tpu.memory_space<vmem_shared>>)
      tpu.yield
    }) : () -> ()
    %mul3A_91 = arith.constant 640 : i32
    %mul3A_92 = arith.muli %arg1, %mul3A_91 : i32
    %add3A_93 = arith.constant 560 : i32
    %add3A_94 = arith.addi %mul3A_92, %add3A_93 : i32
    "tpu.region"() ({
      %run_scoped3A = tpu.sem_alloc : memref<!tpu.dma_semaphore, #tpu.memory_space<semaphore_mem>>
      %dma_start3A_189 = arith.constant 0 : i32
      %dma_start3A_190 = tpu.memref_slice %arg20[%add3A_94, %dma_start3A_189] : memref<10240x144xf32, #tpu.memory_space<vmem_shared>> -> memref<40x144xf32, #tpu.memory_space<vmem_shared>>
      %dma_start3A_191 = arith.constant 0 : i32
      %dma_start3A_192 = tpu.memref_slice %arg20[%add3A_94, %dma_start3A_191] : memref<10240x144xf32, #tpu.memory_space<vmem_shared>> -> memref<40x144xf32, #tpu.memory_space<vmem_shared>>
      tpu.enqueue_dma source(%arg16 : memref<40x144xf32, #tpu.memory_space<vmem>>) target(%dma_start3A_192 : memref<40x144xf32, #tpu.memory_space<vmem_shared>>) target_semaphore(%run_scoped3A : memref<!tpu.dma_semaphore, #tpu.memory_space<semaphore_mem>>)
      %dma_wait3A_193 = arith.constant 0 : i32
      %dma_wait3A_194 = tpu.memref_slice %arg20[%add3A_94, %dma_wait3A_193] : memref<10240x144xf32, #tpu.memory_space<vmem_shared>> -> memref<40x144xf32, #tpu.memory_space<vmem_shared>>
      %dma_wait3A_195 = arith.constant 0 : i32
      %dma_wait3A_196 = tpu.memref_slice %arg20[%add3A_94, %dma_wait3A_195] : memref<10240x144xf32, #tpu.memory_space<vmem_shared>> -> memref<40x144xf32, #tpu.memory_space<vmem_shared>>
      tpu.wait_dma2 semaphore(%run_scoped3A : memref<!tpu.dma_semaphore, #tpu.memory_space<semaphore_mem>>) src(%arg16 : memref<40x144xf32, #tpu.memory_space<vmem>>) dst(%dma_wait3A_196 : memref<40x144xf32, #tpu.memory_space<vmem_shared>>)
      tpu.yield
    }) : () -> ()
    %mul3A_95 = arith.constant 640 : i32
    %mul3A_96 = arith.muli %arg1, %mul3A_95 : i32
    %add3A_97 = arith.constant 600 : i32
    %add3A_98 = arith.addi %mul3A_96, %add3A_97 : i32
    "tpu.region"() ({
      %run_scoped3A = tpu.sem_alloc : memref<!tpu.dma_semaphore, #tpu.memory_space<semaphore_mem>>
      %dma_start3A_189 = arith.constant 0 : i32
      %dma_start3A_190 = tpu.memref_slice %arg20[%add3A_98, %dma_start3A_189] : memref<10240x144xf32, #tpu.memory_space<vmem_shared>> -> memref<40x144xf32, #tpu.memory_space<vmem_shared>>
      %dma_start3A_191 = arith.constant 0 : i32
      %dma_start3A_192 = tpu.memref_slice %arg20[%add3A_98, %dma_start3A_191] : memref<10240x144xf32, #tpu.memory_space<vmem_shared>> -> memref<40x144xf32, #tpu.memory_space<vmem_shared>>
      tpu.enqueue_dma source(%arg16 : memref<40x144xf32, #tpu.memory_space<vmem>>) target(%dma_start3A_192 : memref<40x144xf32, #tpu.memory_space<vmem_shared>>) target_semaphore(%run_scoped3A : memref<!tpu.dma_semaphore, #tpu.memory_space<semaphore_mem>>)
      %dma_wait3A_193 = arith.constant 0 : i32
      %dma_wait3A_194 = tpu.memref_slice %arg20[%add3A_98, %dma_wait3A_193] : memref<10240x144xf32, #tpu.memory_space<vmem_shared>> -> memref<40x144xf32, #tpu.memory_space<vmem_shared>>
      %dma_wait3A_195 = arith.constant 0 : i32
      %dma_wait3A_196 = tpu.memref_slice %arg20[%add3A_98, %dma_wait3A_195] : memref<10240x144xf32, #tpu.memory_space<vmem_shared>> -> memref<40x144xf32, #tpu.memory_space<vmem_shared>>
      tpu.wait_dma2 semaphore(%run_scoped3A : memref<!tpu.dma_semaphore, #tpu.memory_space<semaphore_mem>>) src(%arg16 : memref<40x144xf32, #tpu.memory_space<vmem>>) dst(%dma_wait3A_196 : memref<40x144xf32, #tpu.memory_space<vmem_shared>>)
      tpu.yield
    }) : () -> ()
    %barrier3A = arith.constant 0 : index
    tpu.barrier barrier_id(%barrier3A)
    "tpu.region"() ({
      %run_scoped3A = tpu.sem_alloc : memref<!tpu.dma_semaphore, #tpu.memory_space<semaphore_mem>>
      tpu.enqueue_dma source(%arg6 : memref<1x16xf32, #tpu.memory_space<hbm>>) target(%arg19 : memref<1x16xf32, #tpu.memory_space<vmem>>) target_semaphore(%run_scoped3A : memref<!tpu.dma_semaphore, #tpu.memory_space<semaphore_mem>>)
      tpu.wait_dma2 semaphore(%run_scoped3A : memref<!tpu.dma_semaphore, #tpu.memory_space<semaphore_mem>>) src(%arg6 : memref<1x16xf32, #tpu.memory_space<hbm>>) dst(%arg19 : memref<1x16xf32, #tpu.memory_space<vmem>>)
      tpu.yield
    }) : () -> ()
    %gather3A = tpu.vector_load_idx %arg19[%broadcast_in_dim3A_29, %rem3A_2] : memref<1x16xf32, #tpu.memory_space<vmem>>[vector<16xi32>, vector<16xi32>], vector<16xf32>,
    %add3A_99 = arith.constant 8 : i32
    %add3A_100 = vector.broadcast %add3A_99 : i32 to vector<16xi32>
    %add3A_101 = arith.addi %rem3A_2, %add3A_100 : vector<16xi32>
    %gather3A_102 = tpu.vector_load_idx %arg19[%broadcast_in_dim3A_29, %add3A_101] : memref<1x16xf32, #tpu.memory_space<vmem>>[vector<16xi32>, vector<16xi32>], vector<16xf32>,
    %add3A_103 = arith.addf %gather3A, %gather3A_102 : vector<16xf32>
    %mul3A_104 = arith.constant 2.000000e-01 : f32
    %mul3A_105 = vector.broadcast %mul3A_104 : f32 to vector<16xf32>
    %mul3A_106 = arith.mulf %mul3A_105, %add3A_103 : vector<16xf32>
    %max3A = arith.maximumf %add3A_103, %mul3A_106 : vector<16xf32>
    %mul3A_107 = arith.constant 10000 : i32
    %mul3A_108 = arith.muli %add3A, %mul3A_107 : i32
    %add3A_109 = arith.constant 0 : i32
    %add3A_110 = arith.addi %mul3A_108, %add3A_109 : i32
    %multiple_of3A = tpu.assume_multiple %add3A_110, 8 : i32
    "tpu.region"() ({
      %run_scoped3A = tpu.sem_alloc : memref<!tpu.dma_semaphore, #tpu.memory_space<semaphore_mem>>
      %dma_start3A_189 = tpu.memref_slice %arg2[%multiple_of3A] : memref<320000xi32, #tpu.memory_space<hbm>> -> memref<40xi32, #tpu.memory_space<hbm>>
      %dma_start3A_190 = tpu.memref_slice %arg2[%multiple_of3A] : memref<320000xi32, #tpu.memory_space<hbm>> -> memref<40xi32, #tpu.memory_space<hbm>>
      tpu.enqueue_dma source(%dma_start3A_190 : memref<40xi32, #tpu.memory_space<hbm>>) target(%arg8 : memref<40xi32, #tpu.memory_space<vmem>>) target_semaphore(%run_scoped3A : memref<!tpu.dma_semaphore, #tpu.memory_space<semaphore_mem>>)
      %dma_wait3A_191 = tpu.memref_slice %arg2[%multiple_of3A] : memref<320000xi32, #tpu.memory_space<hbm>> -> memref<40xi32, #tpu.memory_space<hbm>>
      %dma_wait3A_192 = tpu.memref_slice %arg2[%multiple_of3A] : memref<320000xi32, #tpu.memory_space<hbm>> -> memref<40xi32, #tpu.memory_space<hbm>>
      tpu.wait_dma2 semaphore(%run_scoped3A : memref<!tpu.dma_semaphore, #tpu.memory_space<semaphore_mem>>) src(%dma_wait3A_192 : memref<40xi32, #tpu.memory_space<hbm>>) dst(%arg8 : memref<40xi32, #tpu.memory_space<vmem>>)
      tpu.yield
    }) : () -> ()
    "tpu.region"() ({
      %run_scoped3A = tpu.sem_alloc : memref<!tpu.dma_semaphore, #tpu.memory_space<semaphore_mem>>
      %dma_start3A_189 = tpu.memref_slice %arg3[%multiple_of3A] : memref<320000xi32, #tpu.memory_space<hbm>> -> memref<40xi32, #tpu.memory_space<hbm>>
      %dma_start3A_190 = tpu.memref_slice %arg3[%multiple_of3A] : memref<320000xi32, #tpu.memory_space<hbm>> -> memref<40xi32, #tpu.memory_space<hbm>>
      tpu.enqueue_dma source(%dma_start3A_190 : memref<40xi32, #tpu.memory_space<hbm>>) target(%arg10 : memref<40xi32, #tpu.memory_space<vmem>>) target_semaphore(%run_scoped3A : memref<!tpu.dma_semaphore, #tpu.memory_space<semaphore_mem>>)
      %dma_wait3A_191 = tpu.memref_slice %arg3[%multiple_of3A] : memref<320000xi32, #tpu.memory_space<hbm>> -> memref<40xi32, #tpu.memory_space<hbm>>
      %dma_wait3A_192 = tpu.memref_slice %arg3[%multiple_of3A] : memref<320000xi32, #tpu.memory_space<hbm>> -> memref<40xi32, #tpu.memory_space<hbm>>
      tpu.wait_dma2 semaphore(%run_scoped3A : memref<!tpu.dma_semaphore, #tpu.memory_space<semaphore_mem>>) src(%dma_wait3A_192 : memref<40xi32, #tpu.memory_space<hbm>>) dst(%arg10 : memref<40xi32, #tpu.memory_space<vmem>>)
      tpu.yield
    }) : () -> ()
    %dma_start3A = arith.constant 0 : i32
    %dma_start3A_111 = arith.constant 0 : i32
    %dma_start3A_112 = tpu.memref_slice %arg4[%dma_start3A, %dma_start3A_111] : memref<10000x136xf32, #tpu.memory_space<hbm>> -> memref<10000x136xf32, #tpu.memory_space<hbm>>
    tpu.enqueue_indirect_dma source(%dma_start3A_112 : memref<10000x136xf32, #tpu.memory_space<hbm>>) target(%arg12 : memref<40x136xf32, #tpu.memory_space<vmem>>) offsets(%arg8 : memref<40xi32, #tpu.memory_space<vmem>>) semaphore(%arg21 : memref<!tpu.dma_semaphore, #tpu.memory_space<semaphore_mem>>)
    %dma_start3A_113 = arith.constant 0 : i32
    %dma_start3A_114 = arith.constant 0 : i32
    %dma_start3A_115 = tpu.memref_slice %arg5[%dma_start3A_113, %dma_start3A_114] : memref<10000x8xf32, #tpu.memory_space<hbm>> -> memref<10000x8xf32, #tpu.memory_space<hbm>>
    tpu.enqueue_indirect_dma source(%dma_start3A_115 : memref<10000x8xf32, #tpu.memory_space<hbm>>) target(%arg14 : memref<40x8xf32, #tpu.memory_space<vmem>>) offsets(%arg10 : memref<40xi32, #tpu.memory_space<vmem>>) semaphore(%arg21 : memref<!tpu.dma_semaphore, #tpu.memory_space<semaphore_mem>>)
    %scan3A_116 = arith.constant 0 : i32
    %scan3A_117 = arith.constant 0 : i32
    %scan3A_118 = arith.constant 125 : i32
    %scan3A_119 = arith.addi %scan3A_117, %scan3A_118 : i32
    %scan3A_120 = arith.constant 1 : i32
    scf.for %scan3A_189 = %scan3A_117 to %scan3A_119 step %scan3A_120  : i32 {
      %gt3A = arith.constant 0 : i32
      %gt3A_190 = arith.cmpi sgt, %scan3A_189, %gt3A : i32
      %convert_element_type3A = arith.extui %gt3A_190 : i1 to i32
      %cond3A = arith.constant 0 : i32
      %cond3A_191 = arith.cmpi ne, %convert_element_type3A, %cond3A : i32
      scf.if %cond3A_191 {
        %dma_wait3A_255 = arith.constant 0 : i32
        %dma_wait3A_256 = arith.constant 0 : i32
        %dma_wait3A_257 = tpu.memref_slice %arg20[%dma_wait3A_255, %dma_wait3A_256] : memref<10240x144xf32, #tpu.memory_space<vmem_shared>> -> memref<10240x144xf32, #tpu.memory_space<vmem_shared>>
        tpu.wait_indirect_dma semaphore(%arg24 : memref<!tpu.dma_semaphore, #tpu.memory_space<semaphore_mem>>) src(%arg17 : memref<40x144xf32, #tpu.memory_space<vmem>>) dst(%dma_wait3A_257 : memref<10240x144xf32, #tpu.memory_space<vmem_shared>>)
      } else {
      }
      %mul3A_192 = arith.constant 2 : i32
      %mul3A_193 = arith.muli %mul3A_192, %scan3A_189 : i32
      %add3A_194 = arith.constant 1 : i32
      %add3A_195 = arith.addi %mul3A_193, %add3A_194 : i32
      %mul3A_196 = arith.constant 40 : i32
      %mul3A_197 = arith.muli %add3A_195, %mul3A_196 : i32
      %add3A_198 = arith.addi %mul3A_108, %mul3A_197 : i32
      %multiple_of3A_199 = tpu.assume_multiple %add3A_198, 8 : i32
      "tpu.region"() ({
        %run_scoped3A = tpu.sem_alloc : memref<!tpu.dma_semaphore, #tpu.memory_space<semaphore_mem>>
        %dma_start3A_255 = tpu.memref_slice %arg2[%multiple_of3A_199] : memref<320000xi32, #tpu.memory_space<hbm>> -> memref<40xi32, #tpu.memory_space<hbm>>
        %dma_start3A_256 = tpu.memref_slice %arg2[%multiple_of3A_199] : memref<320000xi32, #tpu.memory_space<hbm>> -> memref<40xi32, #tpu.memory_space<hbm>>
        tpu.enqueue_dma source(%dma_start3A_256 : memref<40xi32, #tpu.memory_space<hbm>>) target(%arg9 : memref<40xi32, #tpu.memory_space<vmem>>) target_semaphore(%run_scoped3A : memref<!tpu.dma_semaphore, #tpu.memory_space<semaphore_mem>>)
        %dma_wait3A_257 = tpu.memref_slice %arg2[%multiple_of3A_199] : memref<320000xi32, #tpu.memory_space<hbm>> -> memref<40xi32, #tpu.memory_space<hbm>>
        %dma_wait3A_258 = tpu.memref_slice %arg2[%multiple_of3A_199] : memref<320000xi32, #tpu.memory_space<hbm>> -> memref<40xi32, #tpu.memory_space<hbm>>
        tpu.wait_dma2 semaphore(%run_scoped3A : memref<!tpu.dma_semaphore, #tpu.memory_space<semaphore_mem>>) src(%dma_wait3A_258 : memref<40xi32, #tpu.memory_space<hbm>>) dst(%arg9 : memref<40xi32, #tpu.memory_space<vmem>>)
        tpu.yield
      }) : () -> ()
      "tpu.region"() ({
        %run_scoped3A = tpu.sem_alloc : memref<!tpu.dma_semaphore, #tpu.memory_space<semaphore_mem>>
        %dma_start3A_255 = tpu.memref_slice %arg3[%multiple_of3A_199] : memref<320000xi32, #tpu.memory_space<hbm>> -> memref<40xi32, #tpu.memory_space<hbm>>
        %dma_start3A_256 = tpu.memref_slice %arg3[%multiple_of3A_199] : memref<320000xi32, #tpu.memory_space<hbm>> -> memref<40xi32, #tpu.memory_space<hbm>>
        tpu.enqueue_dma source(%dma_start3A_256 : memref<40xi32, #tpu.memory_space<hbm>>) target(%arg11 : memref<40xi32, #tpu.memory_space<vmem>>) target_semaphore(%run_scoped3A : memref<!tpu.dma_semaphore, #tpu.memory_space<semaphore_mem>>)
        %dma_wait3A_257 = tpu.memref_slice %arg3[%multiple_of3A_199] : memref<320000xi32, #tpu.memory_space<hbm>> -> memref<40xi32, #tpu.memory_space<hbm>>
        %dma_wait3A_258 = tpu.memref_slice %arg3[%multiple_of3A_199] : memref<320000xi32, #tpu.memory_space<hbm>> -> memref<40xi32, #tpu.memory_space<hbm>>
        tpu.wait_dma2 semaphore(%run_scoped3A : memref<!tpu.dma_semaphore, #tpu.memory_space<semaphore_mem>>) src(%dma_wait3A_258 : memref<40xi32, #tpu.memory_space<hbm>>) dst(%arg11 : memref<40xi32, #tpu.memory_space<vmem>>)
        tpu.yield
      }) : () -> ()
      %dma_start3A_200 = arith.constant 0 : i32
      %dma_start3A_201 = arith.constant 0 : i32
      %dma_start3A_202 = tpu.memref_slice %arg4[%dma_start3A_200, %dma_start3A_201] : memref<10000x136xf32, #tpu.memory_space<hbm>> -> memref<10000x136xf32, #tpu.memory_space<hbm>>
      tpu.enqueue_indirect_dma source(%dma_start3A_202 : memref<10000x136xf32, #tpu.memory_space<hbm>>) target(%arg13 : memref<40x136xf32, #tpu.memory_space<vmem>>) offsets(%arg9 : memref<40xi32, #tpu.memory_space<vmem>>) semaphore(%arg22 : memref<!tpu.dma_semaphore, #tpu.memory_space<semaphore_mem>>)
      %dma_start3A_203 = arith.constant 0 : i32
      %dma_start3A_204 = arith.constant 0 : i32
      %dma_start3A_205 = tpu.memref_slice %arg5[%dma_start3A_203, %dma_start3A_204] : memref<10000x8xf32, #tpu.memory_space<hbm>> -> memref<10000x8xf32, #tpu.memory_space<hbm>>
      tpu.enqueue_indirect_dma source(%dma_start3A_205 : memref<10000x8xf32, #tpu.memory_space<hbm>>) target(%arg15 : memref<40x8xf32, #tpu.memory_space<vmem>>) offsets(%arg11 : memref<40xi32, #tpu.memory_space<vmem>>) semaphore(%arg22 : memref<!tpu.dma_semaphore, #tpu.memory_space<semaphore_mem>>)
      %dma_wait3A_206 = arith.constant 0 : i32
      %dma_wait3A_207 = arith.constant 0 : i32
      %dma_wait3A_208 = tpu.memref_slice %arg4[%dma_wait3A_206, %dma_wait3A_207] : memref<10000x136xf32, #tpu.memory_space<hbm>> -> memref<10000x136xf32, #tpu.memory_space<hbm>>
      tpu.wait_indirect_dma semaphore(%arg21 : memref<!tpu.dma_semaphore, #tpu.memory_space<semaphore_mem>>) src(%dma_wait3A_208 : memref<10000x136xf32, #tpu.memory_space<hbm>>) dst(%arg12 : memref<40x136xf32, #tpu.memory_space<vmem>>)
      %dma_wait3A_209 = arith.constant 0 : i32
      %dma_wait3A_210 = arith.constant 0 : i32
      %dma_wait3A_211 = tpu.memref_slice %arg5[%dma_wait3A_209, %dma_wait3A_210] : memref<10000x8xf32, #tpu.memory_space<hbm>> -> memref<10000x8xf32, #tpu.memory_space<hbm>>
      tpu.wait_indirect_dma semaphore(%arg21 : memref<!tpu.dma_semaphore, #tpu.memory_space<semaphore_mem>>) src(%dma_wait3A_211 : memref<10000x8xf32, #tpu.memory_space<hbm>>) dst(%arg14 : memref<40x8xf32, #tpu.memory_space<vmem>>)
      %scan3A_212 = arith.constant 0 : i32
      %scan3A_213 = arith.constant 0 : i32
      %scan3A_214 = arith.constant 20 : i32
      %scan3A_215 = arith.addi %scan3A_213, %scan3A_214 : i32
      %scan3A_216 = arith.constant 1 : i32
      scf.for %scan3A_255 = %scan3A_213 to %scan3A_215 step %scan3A_216  : i32 {
        %mul3A_256 = arith.constant 2 : i32
        %mul3A_257 = arith.muli %mul3A_256, %scan3A_255 : i32
        %add3A_258 = vector.broadcast %mul3A_257 : i32 to vector<16xi32>
        %add3A_259 = arith.addi %add3A_258, %select_n3A : vector<16xi32>
        %gather3A_260 = tpu.vector_load_idx %arg12[%add3A_259, %rem3A_2] : memref<40x136xf32, #tpu.memory_space<vmem>>[vector<16xi32>, vector<16xi32>], vector<16xf32>,
        %gather3A_261 = tpu.vector_load_idx %arg14[%add3A_259, %rem3A_2] : memref<40x8xf32, #tpu.memory_space<vmem>>[vector<16xi32>, vector<16xi32>], vector<16xf32>,
        %add3A_262 = arith.addf %gather3A_260, %gather3A_261 : vector<16xf32>
        %mul3A_263 = arith.constant 2.000000e-01 : f32
        %mul3A_264 = vector.broadcast %mul3A_263 : f32 to vector<16xf32>
        %mul3A_265 = arith.mulf %mul3A_264, %add3A_262 : vector<16xf32>
        %max3A_266 = arith.maximumf %add3A_262, %mul3A_265 : vector<16xf32>
        %sub3A_267 = arith.subf %max3A_266, %max3A : vector<16xf32>
        %exp3A = math.exp %sub3A_267 : vector<16xf32>
        tpu.vector_store_idx %arg16[%add3A_259, %rem3A_2], %exp3A : memref<40x144xf32, #tpu.memory_space<vmem>>[vector<16xi32>, vector<16xi32>], vector<16xf32>,
      }
      %scan3A_217 = arith.constant 20 : i32
      %scan3A_218 = arith.constant 0 : i32
      %scan3A_219 = arith.constant 0 : i32
      %scan3A_220 = arith.constant 40 : i32
      %scan3A_221 = arith.addi %scan3A_219, %scan3A_220 : i32
      %scan3A_222 = arith.constant 1 : i32
      scf.for %scan3A_255 = %scan3A_219 to %scan3A_221 step %scan3A_222  : i32 {
        %broadcast_in_dim3A_256 = vector.broadcast %scan3A_255 : i32 to vector<16xi32>
        %broadcast_in_dim3A_257 = arith.constant 0 : i32
        %broadcast_in_dim3A_258 = vector.broadcast %broadcast_in_dim3A_257 : i32 to vector<16xi32>
        %gather3A_259 = tpu.vector_load_idx %arg16[%broadcast_in_dim3A_256, %broadcast_in_dim3A_258] : memref<40x144xf32, #tpu.memory_space<vmem>>[vector<16xi32>, vector<16xi32>], vector<16xf32>,
        %get3A = arith.index_cast %scan3A_255 : i32 to index
        %get3A_260 = arith.constant 8 : index
        %get3A_261 = tpu.vector_load %arg12[%get3A, %get3A_260] {strides = array<i32>} : memref<40x136xf32, #tpu.memory_space<vmem>>, vector<16xf32>,
        %mul3A_262 = arith.mulf %get3A_261, %gather3A_259 : vector<16xf32>
        %swap3A = arith.index_cast %scan3A_255 : i32 to index
        %swap3A_263 = arith.constant 8 : index
        %swap3A_264 = tpu.vector_load %arg16[%swap3A, %swap3A_263] {strides = array<i32>} : memref<40x144xf32, #tpu.memory_space<vmem>>, vector<16xf32>,
        tpu.vector_store %arg16[%swap3A, %swap3A_263], %mul3A_262 {strides = array<i32>} : memref<40x144xf32, #tpu.memory_space<vmem>>, vector<16xf32>,
        %broadcast_in_dim3A_265 = arith.constant 1 : i32
        %broadcast_in_dim3A_266 = vector.broadcast %broadcast_in_dim3A_265 : i32 to vector<16xi32>
        %gather3A_267 = tpu.vector_load_idx %arg16[%broadcast_in_dim3A_256, %broadcast_in_dim3A_266] : memref<40x144xf32, #tpu.memory_space<vmem>>[vector<16xi32>, vector<16xi32>], vector<16xf32>,
        %get3A_268 = arith.index_cast %scan3A_255 : i32 to index
        %get3A_269 = arith.constant 24 : index
        %get3A_270 = tpu.vector_load %arg12[%get3A_268, %get3A_269] {strides = array<i32>} : memref<40x136xf32, #tpu.memory_space<vmem>>, vector<16xf32>,
        %mul3A_271 = arith.mulf %get3A_270, %gather3A_267 : vector<16xf32>
        %swap3A_272 = arith.index_cast %scan3A_255 : i32 to index
        %swap3A_273 = arith.constant 24 : index
        %swap3A_274 = tpu.vector_load %arg16[%swap3A_272, %swap3A_273] {strides = array<i32>} : memref<40x144xf32, #tpu.memory_space<vmem>>, vector<16xf32>,
        tpu.vector_store %arg16[%swap3A_272, %swap3A_273], %mul3A_271 {strides = array<i32>} : memref<40x144xf32, #tpu.memory_space<vmem>>, vector<16xf32>,
        %broadcast_in_dim3A_275 = arith.constant 2 : i32
        %broadcast_in_dim3A_276 = vector.broadcast %broadcast_in_dim3A_275 : i32 to vector<16xi32>
        %gather3A_277 = tpu.vector_load_idx %arg16[%broadcast_in_dim3A_256, %broadcast_in_dim3A_276] : memref<40x144xf32, #tpu.memory_space<vmem>>[vector<16xi32>, vector<16xi32>], vector<16xf32>,
        %get3A_278 = arith.index_cast %scan3A_255 : i32 to index
        %get3A_279 = arith.constant 40 : index
        %get3A_280 = tpu.vector_load %arg12[%get3A_278, %get3A_279] {strides = array<i32>} : memref<40x136xf32, #tpu.memory_space<vmem>>, vector<16xf32>,
        %mul3A_281 = arith.mulf %get3A_280, %gather3A_277 : vector<16xf32>
        %swap3A_282 = arith.index_cast %scan3A_255 : i32 to index
        %swap3A_283 = arith.constant 40 : index
        %swap3A_284 = tpu.vector_load %arg16[%swap3A_282, %swap3A_283] {strides = array<i32>} : memref<40x144xf32, #tpu.memory_space<vmem>>, vector<16xf32>,
        tpu.vector_store %arg16[%swap3A_282, %swap3A_283], %mul3A_281 {strides = array<i32>} : memref<40x144xf32, #tpu.memory_space<vmem>>, vector<16xf32>,
        %broadcast_in_dim3A_285 = arith.constant 3 : i32
        %broadcast_in_dim3A_286 = vector.broadcast %broadcast_in_dim3A_285 : i32 to vector<16xi32>
        %gather3A_287 = tpu.vector_load_idx %arg16[%broadcast_in_dim3A_256, %broadcast_in_dim3A_286] : memref<40x144xf32, #tpu.memory_space<vmem>>[vector<16xi32>, vector<16xi32>], vector<16xf32>,
        %get3A_288 = arith.index_cast %scan3A_255 : i32 to index
        %get3A_289 = arith.constant 56 : index
        %get3A_290 = tpu.vector_load %arg12[%get3A_288, %get3A_289] {strides = array<i32>} : memref<40x136xf32, #tpu.memory_space<vmem>>, vector<16xf32>,
        %mul3A_291 = arith.mulf %get3A_290, %gather3A_287 : vector<16xf32>
        %swap3A_292 = arith.index_cast %scan3A_255 : i32 to index
        %swap3A_293 = arith.constant 56 : index
        %swap3A_294 = tpu.vector_load %arg16[%swap3A_292, %swap3A_293] {strides = array<i32>} : memref<40x144xf32, #tpu.memory_space<vmem>>, vector<16xf32>,
        tpu.vector_store %arg16[%swap3A_292, %swap3A_293], %mul3A_291 {strides = array<i32>} : memref<40x144xf32, #tpu.memory_space<vmem>>, vector<16xf32>,
        %broadcast_in_dim3A_295 = arith.constant 4 : i32
        %broadcast_in_dim3A_296 = vector.broadcast %broadcast_in_dim3A_295 : i32 to vector<16xi32>
        %gather3A_297 = tpu.vector_load_idx %arg16[%broadcast_in_dim3A_256, %broadcast_in_dim3A_296] : memref<40x144xf32, #tpu.memory_space<vmem>>[vector<16xi32>, vector<16xi32>], vector<16xf32>,
        %get3A_298 = arith.index_cast %scan3A_255 : i32 to index
        %get3A_299 = arith.constant 72 : index
        %get3A_300 = tpu.vector_load %arg12[%get3A_298, %get3A_299] {strides = array<i32>} : memref<40x136xf32, #tpu.memory_space<vmem>>, vector<16xf32>,
        %mul3A_301 = arith.mulf %get3A_300, %gather3A_297 : vector<16xf32>
        %swap3A_302 = arith.index_cast %scan3A_255 : i32 to index
        %swap3A_303 = arith.constant 72 : index
        %swap3A_304 = tpu.vector_load %arg16[%swap3A_302, %swap3A_303] {strides = array<i32>} : memref<40x144xf32, #tpu.memory_space<vmem>>, vector<16xf32>,
        tpu.vector_store %arg16[%swap3A_302, %swap3A_303], %mul3A_301 {strides = array<i32>} : memref<40x144xf32, #tpu.memory_space<vmem>>, vector<16xf32>,
        %broadcast_in_dim3A_305 = arith.constant 5 : i32
        %broadcast_in_dim3A_306 = vector.broadcast %broadcast_in_dim3A_305 : i32 to vector<16xi32>
        %gather3A_307 = tpu.vector_load_idx %arg16[%broadcast_in_dim3A_256, %broadcast_in_dim3A_306] : memref<40x144xf32, #tpu.memory_space<vmem>>[vector<16xi32>, vector<16xi32>], vector<16xf32>,
        %get3A_308 = arith.index_cast %scan3A_255 : i32 to index
        %get3A_309 = arith.constant 88 : index
        %get3A_310 = tpu.vector_load %arg12[%get3A_308, %get3A_309] {strides = array<i32>} : memref<40x136xf32, #tpu.memory_space<vmem>>, vector<16xf32>,
        %mul3A_311 = arith.mulf %get3A_310, %gather3A_307 : vector<16xf32>
        %swap3A_312 = arith.index_cast %scan3A_255 : i32 to index
        %swap3A_313 = arith.constant 88 : index
        %swap3A_314 = tpu.vector_load %arg16[%swap3A_312, %swap3A_313] {strides = array<i32>} : memref<40x144xf32, #tpu.memory_space<vmem>>, vector<16xf32>,
        tpu.vector_store %arg16[%swap3A_312, %swap3A_313], %mul3A_311 {strides = array<i32>} : memref<40x144xf32, #tpu.memory_space<vmem>>, vector<16xf32>,
        %broadcast_in_dim3A_315 = arith.constant 6 : i32
        %broadcast_in_dim3A_316 = vector.broadcast %broadcast_in_dim3A_315 : i32 to vector<16xi32>
        %gather3A_317 = tpu.vector_load_idx %arg16[%broadcast_in_dim3A_256, %broadcast_in_dim3A_316] : memref<40x144xf32, #tpu.memory_space<vmem>>[vector<16xi32>, vector<16xi32>], vector<16xf32>,
        %get3A_318 = arith.index_cast %scan3A_255 : i32 to index
        %get3A_319 = arith.constant 104 : index
        %get3A_320 = tpu.vector_load %arg12[%get3A_318, %get3A_319] {strides = array<i32>} : memref<40x136xf32, #tpu.memory_space<vmem>>, vector<16xf32>,
        %mul3A_321 = arith.mulf %get3A_320, %gather3A_317 : vector<16xf32>
        %swap3A_322 = arith.index_cast %scan3A_255 : i32 to index
        %swap3A_323 = arith.constant 104 : index
        %swap3A_324 = tpu.vector_load %arg16[%swap3A_322, %swap3A_323] {strides = array<i32>} : memref<40x144xf32, #tpu.memory_space<vmem>>, vector<16xf32>,
        tpu.vector_store %arg16[%swap3A_322, %swap3A_323], %mul3A_321 {strides = array<i32>} : memref<40x144xf32, #tpu.memory_space<vmem>>, vector<16xf32>,
        %broadcast_in_dim3A_325 = arith.constant 7 : i32
        %broadcast_in_dim3A_326 = vector.broadcast %broadcast_in_dim3A_325 : i32 to vector<16xi32>
        %gather3A_327 = tpu.vector_load_idx %arg16[%broadcast_in_dim3A_256, %broadcast_in_dim3A_326] : memref<40x144xf32, #tpu.memory_space<vmem>>[vector<16xi32>, vector<16xi32>], vector<16xf32>,
        %get3A_328 = arith.index_cast %scan3A_255 : i32 to index
        %get3A_329 = arith.constant 120 : index
        %get3A_330 = tpu.vector_load %arg12[%get3A_328, %get3A_329] {strides = array<i32>} : memref<40x136xf32, #tpu.memory_space<vmem>>, vector<16xf32>,
        %mul3A_331 = arith.mulf %get3A_330, %gather3A_327 : vector<16xf32>
        %swap3A_332 = arith.index_cast %scan3A_255 : i32 to index
        %swap3A_333 = arith.constant 120 : index
        %swap3A_334 = tpu.vector_load %arg16[%swap3A_332, %swap3A_333] {strides = array<i32>} : memref<40x144xf32, #tpu.memory_space<vmem>>, vector<16xf32>,
        tpu.vector_store %arg16[%swap3A_332, %swap3A_333], %mul3A_331 {strides = array<i32>} : memref<40x144xf32, #tpu.memory_space<vmem>>, vector<16xf32>,
      }
      %scan3A_223 = arith.constant 40 : i32
      %dma_start3A_224 = arith.constant 0 : i32
      %dma_start3A_225 = arith.constant 0 : i32
      %dma_start3A_226 = tpu.memref_slice %arg20[%dma_start3A_224, %dma_start3A_225] : memref<10240x144xf32, #tpu.memory_space<vmem_shared>> -> memref<10240x144xf32, #tpu.memory_space<vmem_shared>>
      tpu.enqueue_indirect_dma source(%arg16 : memref<40x144xf32, #tpu.memory_space<vmem>>) target(%dma_start3A_226 : memref<10240x144xf32, #tpu.memory_space<vmem_shared>>) offsets(%arg10 : memref<40xi32, #tpu.memory_space<vmem>>) semaphore(%arg23 : memref<!tpu.dma_semaphore, #tpu.memory_space<semaphore_mem>>) {add = true}
      %dma_wait3A_227 = arith.constant 0 : i32
      %dma_wait3A_228 = arith.constant 0 : i32
      %dma_wait3A_229 = tpu.memref_slice %arg20[%dma_wait3A_227, %dma_wait3A_228] : memref<10240x144xf32, #tpu.memory_space<vmem_shared>> -> memref<10240x144xf32, #tpu.memory_space<vmem_shared>>
      tpu.wait_indirect_dma semaphore(%arg23 : memref<!tpu.dma_semaphore, #tpu.memory_space<semaphore_mem>>) src(%arg16 : memref<40x144xf32, #tpu.memory_space<vmem>>) dst(%dma_wait3A_229 : memref<10240x144xf32, #tpu.memory_space<vmem_shared>>)
      %lt3A = arith.constant 124 : i32
      %lt3A_230 = arith.cmpi slt, %scan3A_189, %lt3A : i32
      %convert_element_type3A_231 = arith.extui %lt3A_230 : i1 to i32
      %cond3A_232 = arith.constant 0 : i32
      %cond3A_233 = arith.cmpi ne, %convert_element_type3A_231, %cond3A_232 : i32
      scf.if %cond3A_233 {
        %mul3A_255 = arith.constant 2 : i32
        %mul3A_256 = arith.muli %mul3A_255, %scan3A_189 : i32
        %add3A_257 = arith.constant 2 : i32
        %add3A_258 = arith.addi %mul3A_256, %add3A_257 : i32
        %mul3A_259 = arith.constant 40 : i32
        %mul3A_260 = arith.muli %add3A_258, %mul3A_259 : i32
        %add3A_261 = arith.addi %mul3A_108, %mul3A_260 : i32
        %multiple_of3A_262 = tpu.assume_multiple %add3A_261, 8 : i32
        "tpu.region"() ({
          %run_scoped3A = tpu.sem_alloc : memref<!tpu.dma_semaphore, #tpu.memory_space<semaphore_mem>>
          %dma_start3A_269 = tpu.memref_slice %arg2[%multiple_of3A_262] : memref<320000xi32, #tpu.memory_space<hbm>> -> memref<40xi32, #tpu.memory_space<hbm>>
          %dma_start3A_270 = tpu.memref_slice %arg2[%multiple_of3A_262] : memref<320000xi32, #tpu.memory_space<hbm>> -> memref<40xi32, #tpu.memory_space<hbm>>
          tpu.enqueue_dma source(%dma_start3A_270 : memref<40xi32, #tpu.memory_space<hbm>>) target(%arg8 : memref<40xi32, #tpu.memory_space<vmem>>) target_semaphore(%run_scoped3A : memref<!tpu.dma_semaphore, #tpu.memory_space<semaphore_mem>>)
          %dma_wait3A_271 = tpu.memref_slice %arg2[%multiple_of3A_262] : memref<320000xi32, #tpu.memory_space<hbm>> -> memref<40xi32, #tpu.memory_space<hbm>>
          %dma_wait3A_272 = tpu.memref_slice %arg2[%multiple_of3A_262] : memref<320000xi32, #tpu.memory_space<hbm>> -> memref<40xi32, #tpu.memory_space<hbm>>
          tpu.wait_dma2 semaphore(%run_scoped3A : memref<!tpu.dma_semaphore, #tpu.memory_space<semaphore_mem>>) src(%dma_wait3A_272 : memref<40xi32, #tpu.memory_space<hbm>>) dst(%arg8 : memref<40xi32, #tpu.memory_space<vmem>>)
          tpu.yield
        }) : () -> ()
        "tpu.region"() ({
          %run_scoped3A = tpu.sem_alloc : memref<!tpu.dma_semaphore, #tpu.memory_space<semaphore_mem>>
          %dma_start3A_269 = tpu.memref_slice %arg3[%multiple_of3A_262] : memref<320000xi32, #tpu.memory_space<hbm>> -> memref<40xi32, #tpu.memory_space<hbm>>
          %dma_start3A_270 = tpu.memref_slice %arg3[%multiple_of3A_262] : memref<320000xi32, #tpu.memory_space<hbm>> -> memref<40xi32, #tpu.memory_space<hbm>>
          tpu.enqueue_dma source(%dma_start3A_270 : memref<40xi32, #tpu.memory_space<hbm>>) target(%arg10 : memref<40xi32, #tpu.memory_space<vmem>>) target_semaphore(%run_scoped3A : memref<!tpu.dma_semaphore, #tpu.memory_space<semaphore_mem>>)
          %dma_wait3A_271 = tpu.memref_slice %arg3[%multiple_of3A_262] : memref<320000xi32, #tpu.memory_space<hbm>> -> memref<40xi32, #tpu.memory_space<hbm>>
          %dma_wait3A_272 = tpu.memref_slice %arg3[%multiple_of3A_262] : memref<320000xi32, #tpu.memory_space<hbm>> -> memref<40xi32, #tpu.memory_space<hbm>>
          tpu.wait_dma2 semaphore(%run_scoped3A : memref<!tpu.dma_semaphore, #tpu.memory_space<semaphore_mem>>) src(%dma_wait3A_272 : memref<40xi32, #tpu.memory_space<hbm>>) dst(%arg10 : memref<40xi32, #tpu.memory_space<vmem>>)
          tpu.yield
        }) : () -> ()
        %dma_start3A_263 = arith.constant 0 : i32
        %dma_start3A_264 = arith.constant 0 : i32
        %dma_start3A_265 = tpu.memref_slice %arg4[%dma_start3A_263, %dma_start3A_264] : memref<10000x136xf32, #tpu.memory_space<hbm>> -> memref<10000x136xf32, #tpu.memory_space<hbm>>
        tpu.enqueue_indirect_dma source(%dma_start3A_265 : memref<10000x136xf32, #tpu.memory_space<hbm>>) target(%arg12 : memref<40x136xf32, #tpu.memory_space<vmem>>) offsets(%arg8 : memref<40xi32, #tpu.memory_space<vmem>>) semaphore(%arg21 : memref<!tpu.dma_semaphore, #tpu.memory_space<semaphore_mem>>)
        %dma_start3A_266 = arith.constant 0 : i32
        %dma_start3A_267 = arith.constant 0 : i32
        %dma_start3A_268 = tpu.memref_slice %arg5[%dma_start3A_266, %dma_start3A_267] : memref<10000x8xf32, #tpu.memory_space<hbm>> -> memref<10000x8xf32, #tpu.memory_space<hbm>>
        tpu.enqueue_indirect_dma source(%dma_start3A_268 : memref<10000x8xf32, #tpu.memory_space<hbm>>) target(%arg14 : memref<40x8xf32, #tpu.memory_space<vmem>>) offsets(%arg10 : memref<40xi32, #tpu.memory_space<vmem>>) semaphore(%arg21 : memref<!tpu.dma_semaphore, #tpu.memory_space<semaphore_mem>>)
      } else {
      }
      %dma_wait3A_234 = arith.constant 0 : i32
      %dma_wait3A_235 = arith.constant 0 : i32
      %dma_wait3A_236 = tpu.memref_slice %arg4[%dma_wait3A_234, %dma_wait3A_235] : memref<10000x136xf32, #tpu.memory_space<hbm>> -> memref<10000x136xf32, #tpu.memory_space<hbm>>
      tpu.wait_indirect_dma semaphore(%arg22 : memref<!tpu.dma_semaphore, #tpu.memory_space<semaphore_mem>>) src(%dma_wait3A_236 : memref<10000x136xf32, #tpu.memory_space<hbm>>) dst(%arg13 : memref<40x136xf32, #tpu.memory_space<vmem>>)
      %dma_wait3A_237 = arith.constant 0 : i32
      %dma_wait3A_238 = arith.constant 0 : i32
      %dma_wait3A_239 = tpu.memref_slice %arg5[%dma_wait3A_237, %dma_wait3A_238] : memref<10000x8xf32, #tpu.memory_space<hbm>> -> memref<10000x8xf32, #tpu.memory_space<hbm>>
      tpu.wait_indirect_dma semaphore(%arg22 : memref<!tpu.dma_semaphore, #tpu.memory_space<semaphore_mem>>) src(%dma_wait3A_239 : memref<10000x8xf32, #tpu.memory_space<hbm>>) dst(%arg15 : memref<40x8xf32, #tpu.memory_space<vmem>>)
      %scan3A_240 = arith.constant 0 : i32
      %scan3A_241 = arith.constant 0 : i32
      %scan3A_242 = arith.constant 20 : i32
      %scan3A_243 = arith.addi %scan3A_241, %scan3A_242 : i32
      %scan3A_244 = arith.constant 1 : i32
      scf.for %scan3A_255 = %scan3A_241 to %scan3A_243 step %scan3A_244  : i32 {
        %mul3A_256 = arith.constant 2 : i32
        %mul3A_257 = arith.muli %mul3A_256, %scan3A_255 : i32
        %add3A_258 = vector.broadcast %mul3A_257 : i32 to vector<16xi32>
        %add3A_259 = arith.addi %add3A_258, %select_n3A : vector<16xi32>
        %gather3A_260 = tpu.vector_load_idx %arg13[%add3A_259, %rem3A_2] : memref<40x136xf32, #tpu.memory_space<vmem>>[vector<16xi32>, vector<16xi32>], vector<16xf32>,
        %gather3A_261 = tpu.vector_load_idx %arg15[%add3A_259, %rem3A_2] : memref<40x8xf32, #tpu.memory_space<vmem>>[vector<16xi32>, vector<16xi32>], vector<16xf32>,
        %add3A_262 = arith.addf %gather3A_260, %gather3A_261 : vector<16xf32>
        %mul3A_263 = arith.constant 2.000000e-01 : f32
        %mul3A_264 = vector.broadcast %mul3A_263 : f32 to vector<16xf32>
        %mul3A_265 = arith.mulf %mul3A_264, %add3A_262 : vector<16xf32>
        %max3A_266 = arith.maximumf %add3A_262, %mul3A_265 : vector<16xf32>
        %sub3A_267 = arith.subf %max3A_266, %max3A : vector<16xf32>
        %exp3A = math.exp %sub3A_267 : vector<16xf32>
        tpu.vector_store_idx %arg17[%add3A_259, %rem3A_2], %exp3A : memref<40x144xf32, #tpu.memory_space<vmem>>[vector<16xi32>, vector<16xi32>], vector<16xf32>,
      }
      %scan3A_245 = arith.constant 20 : i32
      %scan3A_246 = arith.constant 0 : i32
      %scan3A_247 = arith.constant 0 : i32
      %scan3A_248 = arith.constant 40 : i32
      %scan3A_249 = arith.addi %scan3A_247, %scan3A_248 : i32
      %scan3A_250 = arith.constant 1 : i32
      scf.for %scan3A_255 = %scan3A_247 to %scan3A_249 step %scan3A_250  : i32 {
        %broadcast_in_dim3A_256 = vector.broadcast %scan3A_255 : i32 to vector<16xi32>
        %broadcast_in_dim3A_257 = arith.constant 0 : i32
        %broadcast_in_dim3A_258 = vector.broadcast %broadcast_in_dim3A_257 : i32 to vector<16xi32>
        %gather3A_259 = tpu.vector_load_idx %arg17[%broadcast_in_dim3A_256, %broadcast_in_dim3A_258] : memref<40x144xf32, #tpu.memory_space<vmem>>[vector<16xi32>, vector<16xi32>], vector<16xf32>,
        %get3A = arith.index_cast %scan3A_255 : i32 to index
        %get3A_260 = arith.constant 8 : index
        %get3A_261 = tpu.vector_load %arg13[%get3A, %get3A_260] {strides = array<i32>} : memref<40x136xf32, #tpu.memory_space<vmem>>, vector<16xf32>,
        %mul3A_262 = arith.mulf %get3A_261, %gather3A_259 : vector<16xf32>
        %swap3A = arith.index_cast %scan3A_255 : i32 to index
        %swap3A_263 = arith.constant 8 : index
        %swap3A_264 = tpu.vector_load %arg17[%swap3A, %swap3A_263] {strides = array<i32>} : memref<40x144xf32, #tpu.memory_space<vmem>>, vector<16xf32>,
        tpu.vector_store %arg17[%swap3A, %swap3A_263], %mul3A_262 {strides = array<i32>} : memref<40x144xf32, #tpu.memory_space<vmem>>, vector<16xf32>,
        %broadcast_in_dim3A_265 = arith.constant 1 : i32
        %broadcast_in_dim3A_266 = vector.broadcast %broadcast_in_dim3A_265 : i32 to vector<16xi32>
        %gather3A_267 = tpu.vector_load_idx %arg17[%broadcast_in_dim3A_256, %broadcast_in_dim3A_266] : memref<40x144xf32, #tpu.memory_space<vmem>>[vector<16xi32>, vector<16xi32>], vector<16xf32>,
        %get3A_268 = arith.index_cast %scan3A_255 : i32 to index
        %get3A_269 = arith.constant 24 : index
        %get3A_270 = tpu.vector_load %arg13[%get3A_268, %get3A_269] {strides = array<i32>} : memref<40x136xf32, #tpu.memory_space<vmem>>, vector<16xf32>,
        %mul3A_271 = arith.mulf %get3A_270, %gather3A_267 : vector<16xf32>
        %swap3A_272 = arith.index_cast %scan3A_255 : i32 to index
        %swap3A_273 = arith.constant 24 : index
        %swap3A_274 = tpu.vector_load %arg17[%swap3A_272, %swap3A_273] {strides = array<i32>} : memref<40x144xf32, #tpu.memory_space<vmem>>, vector<16xf32>,
        tpu.vector_store %arg17[%swap3A_272, %swap3A_273], %mul3A_271 {strides = array<i32>} : memref<40x144xf32, #tpu.memory_space<vmem>>, vector<16xf32>,
        %broadcast_in_dim3A_275 = arith.constant 2 : i32
        %broadcast_in_dim3A_276 = vector.broadcast %broadcast_in_dim3A_275 : i32 to vector<16xi32>
        %gather3A_277 = tpu.vector_load_idx %arg17[%broadcast_in_dim3A_256, %broadcast_in_dim3A_276] : memref<40x144xf32, #tpu.memory_space<vmem>>[vector<16xi32>, vector<16xi32>], vector<16xf32>,
        %get3A_278 = arith.index_cast %scan3A_255 : i32 to index
        %get3A_279 = arith.constant 40 : index
        %get3A_280 = tpu.vector_load %arg13[%get3A_278, %get3A_279] {strides = array<i32>} : memref<40x136xf32, #tpu.memory_space<vmem>>, vector<16xf32>,
        %mul3A_281 = arith.mulf %get3A_280, %gather3A_277 : vector<16xf32>
        %swap3A_282 = arith.index_cast %scan3A_255 : i32 to index
        %swap3A_283 = arith.constant 40 : index
        %swap3A_284 = tpu.vector_load %arg17[%swap3A_282, %swap3A_283] {strides = array<i32>} : memref<40x144xf32, #tpu.memory_space<vmem>>, vector<16xf32>,
        tpu.vector_store %arg17[%swap3A_282, %swap3A_283], %mul3A_281 {strides = array<i32>} : memref<40x144xf32, #tpu.memory_space<vmem>>, vector<16xf32>,
        %broadcast_in_dim3A_285 = arith.constant 3 : i32
        %broadcast_in_dim3A_286 = vector.broadcast %broadcast_in_dim3A_285 : i32 to vector<16xi32>
        %gather3A_287 = tpu.vector_load_idx %arg17[%broadcast_in_dim3A_256, %broadcast_in_dim3A_286] : memref<40x144xf32, #tpu.memory_space<vmem>>[vector<16xi32>, vector<16xi32>], vector<16xf32>,
        %get3A_288 = arith.index_cast %scan3A_255 : i32 to index
        %get3A_289 = arith.constant 56 : index
        %get3A_290 = tpu.vector_load %arg13[%get3A_288, %get3A_289] {strides = array<i32>} : memref<40x136xf32, #tpu.memory_space<vmem>>, vector<16xf32>,
        %mul3A_291 = arith.mulf %get3A_290, %gather3A_287 : vector<16xf32>
        %swap3A_292 = arith.index_cast %scan3A_255 : i32 to index
        %swap3A_293 = arith.constant 56 : index
        %swap3A_294 = tpu.vector_load %arg17[%swap3A_292, %swap3A_293] {strides = array<i32>} : memref<40x144xf32, #tpu.memory_space<vmem>>, vector<16xf32>,
        tpu.vector_store %arg17[%swap3A_292, %swap3A_293], %mul3A_291 {strides = array<i32>} : memref<40x144xf32, #tpu.memory_space<vmem>>, vector<16xf32>,
        %broadcast_in_dim3A_295 = arith.constant 4 : i32
        %broadcast_in_dim3A_296 = vector.broadcast %broadcast_in_dim3A_295 : i32 to vector<16xi32>
        %gather3A_297 = tpu.vector_load_idx %arg17[%broadcast_in_dim3A_256, %broadcast_in_dim3A_296] : memref<40x144xf32, #tpu.memory_space<vmem>>[vector<16xi32>, vector<16xi32>], vector<16xf32>,
        %get3A_298 = arith.index_cast %scan3A_255 : i32 to index
        %get3A_299 = arith.constant 72 : index
        %get3A_300 = tpu.vector_load %arg13[%get3A_298, %get3A_299] {strides = array<i32>} : memref<40x136xf32, #tpu.memory_space<vmem>>, vector<16xf32>,
        %mul3A_301 = arith.mulf %get3A_300, %gather3A_297 : vector<16xf32>
        %swap3A_302 = arith.index_cast %scan3A_255 : i32 to index
        %swap3A_303 = arith.constant 72 : index
        %swap3A_304 = tpu.vector_load %arg17[%swap3A_302, %swap3A_303] {strides = array<i32>} : memref<40x144xf32, #tpu.memory_space<vmem>>, vector<16xf32>,
        tpu.vector_store %arg17[%swap3A_302, %swap3A_303], %mul3A_301 {strides = array<i32>} : memref<40x144xf32, #tpu.memory_space<vmem>>, vector<16xf32>,
        %broadcast_in_dim3A_305 = arith.constant 5 : i32
        %broadcast_in_dim3A_306 = vector.broadcast %broadcast_in_dim3A_305 : i32 to vector<16xi32>
        %gather3A_307 = tpu.vector_load_idx %arg17[%broadcast_in_dim3A_256, %broadcast_in_dim3A_306] : memref<40x144xf32, #tpu.memory_space<vmem>>[vector<16xi32>, vector<16xi32>], vector<16xf32>,
        %get3A_308 = arith.index_cast %scan3A_255 : i32 to index
        %get3A_309 = arith.constant 88 : index
        %get3A_310 = tpu.vector_load %arg13[%get3A_308, %get3A_309] {strides = array<i32>} : memref<40x136xf32, #tpu.memory_space<vmem>>, vector<16xf32>,
        %mul3A_311 = arith.mulf %get3A_310, %gather3A_307 : vector<16xf32>
        %swap3A_312 = arith.index_cast %scan3A_255 : i32 to index
        %swap3A_313 = arith.constant 88 : index
        %swap3A_314 = tpu.vector_load %arg17[%swap3A_312, %swap3A_313] {strides = array<i32>} : memref<40x144xf32, #tpu.memory_space<vmem>>, vector<16xf32>,
        tpu.vector_store %arg17[%swap3A_312, %swap3A_313], %mul3A_311 {strides = array<i32>} : memref<40x144xf32, #tpu.memory_space<vmem>>, vector<16xf32>,
        %broadcast_in_dim3A_315 = arith.constant 6 : i32
        %broadcast_in_dim3A_316 = vector.broadcast %broadcast_in_dim3A_315 : i32 to vector<16xi32>
        %gather3A_317 = tpu.vector_load_idx %arg17[%broadcast_in_dim3A_256, %broadcast_in_dim3A_316] : memref<40x144xf32, #tpu.memory_space<vmem>>[vector<16xi32>, vector<16xi32>], vector<16xf32>,
        %get3A_318 = arith.index_cast %scan3A_255 : i32 to index
        %get3A_319 = arith.constant 104 : index
        %get3A_320 = tpu.vector_load %arg13[%get3A_318, %get3A_319] {strides = array<i32>} : memref<40x136xf32, #tpu.memory_space<vmem>>, vector<16xf32>,
        %mul3A_321 = arith.mulf %get3A_320, %gather3A_317 : vector<16xf32>
        %swap3A_322 = arith.index_cast %scan3A_255 : i32 to index
        %swap3A_323 = arith.constant 104 : index
        %swap3A_324 = tpu.vector_load %arg17[%swap3A_322, %swap3A_323] {strides = array<i32>} : memref<40x144xf32, #tpu.memory_space<vmem>>, vector<16xf32>,
        tpu.vector_store %arg17[%swap3A_322, %swap3A_323], %mul3A_321 {strides = array<i32>} : memref<40x144xf32, #tpu.memory_space<vmem>>, vector<16xf32>,
        %broadcast_in_dim3A_325 = arith.constant 7 : i32
        %broadcast_in_dim3A_326 = vector.broadcast %broadcast_in_dim3A_325 : i32 to vector<16xi32>
        %gather3A_327 = tpu.vector_load_idx %arg17[%broadcast_in_dim3A_256, %broadcast_in_dim3A_326] : memref<40x144xf32, #tpu.memory_space<vmem>>[vector<16xi32>, vector<16xi32>], vector<16xf32>,
        %get3A_328 = arith.index_cast %scan3A_255 : i32 to index
        %get3A_329 = arith.constant 120 : index
        %get3A_330 = tpu.vector_load %arg13[%get3A_328, %get3A_329] {strides = array<i32>} : memref<40x136xf32, #tpu.memory_space<vmem>>, vector<16xf32>,
        %mul3A_331 = arith.mulf %get3A_330, %gather3A_327 : vector<16xf32>
        %swap3A_332 = arith.index_cast %scan3A_255 : i32 to index
        %swap3A_333 = arith.constant 120 : index
        %swap3A_334 = tpu.vector_load %arg17[%swap3A_332, %swap3A_333] {strides = array<i32>} : memref<40x144xf32, #tpu.memory_space<vmem>>, vector<16xf32>,
        tpu.vector_store %arg17[%swap3A_332, %swap3A_333], %mul3A_331 {strides = array<i32>} : memref<40x144xf32, #tpu.memory_space<vmem>>, vector<16xf32>,
      }
      %scan3A_251 = arith.constant 40 : i32
      %dma_start3A_252 = arith.constant 0 : i32
      %dma_start3A_253 = arith.constant 0 : i32
      %dma_start3A_254 = tpu.memref_slice %arg20[%dma_start3A_252, %dma_start3A_253] : memref<10240x144xf32, #tpu.memory_space<vmem_shared>> -> memref<10240x144xf32, #tpu.memory_space<vmem_shared>>
      tpu.enqueue_indirect_dma source(%arg17 : memref<40x144xf32, #tpu.memory_space<vmem>>) target(%dma_start3A_254 : memref<10240x144xf32, #tpu.memory_space<vmem_shared>>) offsets(%arg11 : memref<40xi32, #tpu.memory_space<vmem>>) semaphore(%arg24 : memref<!tpu.dma_semaphore, #tpu.memory_space<semaphore_mem>>) {add = true}
    }
    %scan3A_121 = arith.constant 125 : i32
    %dma_wait3A = arith.constant 0 : i32
    %dma_wait3A_122 = arith.constant 0 : i32
    %dma_wait3A_123 = tpu.memref_slice %arg20[%dma_wait3A, %dma_wait3A_122] : memref<10240x144xf32, #tpu.memory_space<vmem_shared>> -> memref<10240x144xf32, #tpu.memory_space<vmem_shared>>
    tpu.wait_indirect_dma semaphore(%arg24 : memref<!tpu.dma_semaphore, #tpu.memory_space<semaphore_mem>>) src(%arg17 : memref<40x144xf32, #tpu.memory_space<vmem>>) dst(%dma_wait3A_123 : memref<10240x144xf32, #tpu.memory_space<vmem_shared>>)
    %barrier3A_124 = arith.constant 0 : index
    tpu.barrier barrier_id(%barrier3A_124)
    %mul3A_125 = arith.constant 640 : i32
    %mul3A_126 = arith.muli %arg1, %mul3A_125 : i32
    %add3A_127 = arith.constant 0 : i32
    %add3A_128 = arith.addi %mul3A_126, %add3A_127 : i32
    "tpu.region"() ({
      %run_scoped3A = tpu.sem_alloc : memref<!tpu.dma_semaphore, #tpu.memory_space<semaphore_mem>>
      %dma_start3A_189 = arith.constant 0 : i32
      %dma_start3A_190 = tpu.memref_slice %arg20[%add3A_128, %dma_start3A_189] : memref<10240x144xf32, #tpu.memory_space<vmem_shared>> -> memref<40x144xf32, #tpu.memory_space<vmem_shared>>
      %dma_start3A_191 = arith.constant 0 : i32
      %dma_start3A_192 = tpu.memref_slice %arg20[%add3A_128, %dma_start3A_191] : memref<10240x144xf32, #tpu.memory_space<vmem_shared>> -> memref<40x144xf32, #tpu.memory_space<vmem_shared>>
      tpu.enqueue_dma source(%dma_start3A_192 : memref<40x144xf32, #tpu.memory_space<vmem_shared>>) target(%arg16 : memref<40x144xf32, #tpu.memory_space<vmem>>) target_semaphore(%run_scoped3A : memref<!tpu.dma_semaphore, #tpu.memory_space<semaphore_mem>>)
      %dma_wait3A_193 = arith.constant 0 : i32
      %dma_wait3A_194 = tpu.memref_slice %arg20[%add3A_128, %dma_wait3A_193] : memref<10240x144xf32, #tpu.memory_space<vmem_shared>> -> memref<40x144xf32, #tpu.memory_space<vmem_shared>>
      %dma_wait3A_195 = arith.constant 0 : i32
      %dma_wait3A_196 = tpu.memref_slice %arg20[%add3A_128, %dma_wait3A_195] : memref<10240x144xf32, #tpu.memory_space<vmem_shared>> -> memref<40x144xf32, #tpu.memory_space<vmem_shared>>
      tpu.wait_dma2 semaphore(%run_scoped3A : memref<!tpu.dma_semaphore, #tpu.memory_space<semaphore_mem>>) src(%dma_wait3A_196 : memref<40x144xf32, #tpu.memory_space<vmem_shared>>) dst(%arg16 : memref<40x144xf32, #tpu.memory_space<vmem>>)
      tpu.yield
    }) : () -> ()
    "tpu.region"() ({
      %run_scoped3A = tpu.sem_alloc : memref<!tpu.dma_semaphore, #tpu.memory_space<semaphore_mem>>
      %dma_start3A_189 = arith.constant 0 : i32
      %dma_start3A_190 = tpu.memref_slice %arg7[%arg0, %add3A_128, %dma_start3A_189] : memref<2x10240x144xf32, #tpu.memory_space<hbm>> -> memref<1x40x144xf32, #tpu.memory_space<hbm>>
      %dma_start3A_191 = tpu.memref_squeeze %dma_start3A_190 : memref<1x40x144xf32, #tpu.memory_space<hbm>> -> memref<40x144xf32, #tpu.memory_space<hbm>>
      %dma_start3A_192 = arith.constant 0 : i32
      %dma_start3A_193 = tpu.memref_slice %arg7[%arg0, %add3A_128, %dma_start3A_192] : memref<2x10240x144xf32, #tpu.memory_space<hbm>> -> memref<1x40x144xf32, #tpu.memory_space<hbm>>
      %dma_start3A_194 = tpu.memref_squeeze %dma_start3A_193 : memref<1x40x144xf32, #tpu.memory_space<hbm>> -> memref<40x144xf32, #tpu.memory_space<hbm>>
      tpu.enqueue_dma source(%arg16 : memref<40x144xf32, #tpu.memory_space<vmem>>) target(%dma_start3A_194 : memref<40x144xf32, #tpu.memory_space<hbm>>) target_semaphore(%run_scoped3A : memref<!tpu.dma_semaphore, #tpu.memory_space<semaphore_mem>>)
      %dma_wait3A_195 = arith.constant 0 : i32
      %dma_wait3A_196 = tpu.memref_slice %arg7[%arg0, %add3A_128, %dma_wait3A_195] : memref<2x10240x144xf32, #tpu.memory_space<hbm>> -> memref<1x40x144xf32, #tpu.memory_space<hbm>>
      %dma_wait3A_197 = tpu.memref_squeeze %dma_wait3A_196 : memref<1x40x144xf32, #tpu.memory_space<hbm>> -> memref<40x144xf32, #tpu.memory_space<hbm>>
      %dma_wait3A_198 = arith.constant 0 : i32
      %dma_wait3A_199 = tpu.memref_slice %arg7[%arg0, %add3A_128, %dma_wait3A_198] : memref<2x10240x144xf32, #tpu.memory_space<hbm>> -> memref<1x40x144xf32, #tpu.memory_space<hbm>>
      %dma_wait3A_200 = tpu.memref_squeeze %dma_wait3A_199 : memref<1x40x144xf32, #tpu.memory_space<hbm>> -> memref<40x144xf32, #tpu.memory_space<hbm>>
      tpu.wait_dma2 semaphore(%run_scoped3A : memref<!tpu.dma_semaphore, #tpu.memory_space<semaphore_mem>>) src(%arg16 : memref<40x144xf32, #tpu.memory_space<vmem>>) dst(%dma_wait3A_200 : memref<40x144xf32, #tpu.memory_space<hbm>>)
      tpu.yield
    }) : () -> ()
    %mul3A_129 = arith.constant 640 : i32
    %mul3A_130 = arith.muli %arg1, %mul3A_129 : i32
    %add3A_131 = arith.constant 40 : i32
    %add3A_132 = arith.addi %mul3A_130, %add3A_131 : i32
    "tpu.region"() ({
      %run_scoped3A = tpu.sem_alloc : memref<!tpu.dma_semaphore, #tpu.memory_space<semaphore_mem>>
      %dma_start3A_189 = arith.constant 0 : i32
      %dma_start3A_190 = tpu.memref_slice %arg20[%add3A_132, %dma_start3A_189] : memref<10240x144xf32, #tpu.memory_space<vmem_shared>> -> memref<40x144xf32, #tpu.memory_space<vmem_shared>>
      %dma_start3A_191 = arith.constant 0 : i32
      %dma_start3A_192 = tpu.memref_slice %arg20[%add3A_132, %dma_start3A_191] : memref<10240x144xf32, #tpu.memory_space<vmem_shared>> -> memref<40x144xf32, #tpu.memory_space<vmem_shared>>
      tpu.enqueue_dma source(%dma_start3A_192 : memref<40x144xf32, #tpu.memory_space<vmem_shared>>) target(%arg16 : memref<40x144xf32, #tpu.memory_space<vmem>>) target_semaphore(%run_scoped3A : memref<!tpu.dma_semaphore, #tpu.memory_space<semaphore_mem>>)
      %dma_wait3A_193 = arith.constant 0 : i32
      %dma_wait3A_194 = tpu.memref_slice %arg20[%add3A_132, %dma_wait3A_193] : memref<10240x144xf32, #tpu.memory_space<vmem_shared>> -> memref<40x144xf32, #tpu.memory_space<vmem_shared>>
      %dma_wait3A_195 = arith.constant 0 : i32
      %dma_wait3A_196 = tpu.memref_slice %arg20[%add3A_132, %dma_wait3A_195] : memref<10240x144xf32, #tpu.memory_space<vmem_shared>> -> memref<40x144xf32, #tpu.memory_space<vmem_shared>>
      tpu.wait_dma2 semaphore(%run_scoped3A : memref<!tpu.dma_semaphore, #tpu.memory_space<semaphore_mem>>) src(%dma_wait3A_196 : memref<40x144xf32, #tpu.memory_space<vmem_shared>>) dst(%arg16 : memref<40x144xf32, #tpu.memory_space<vmem>>)
      tpu.yield
    }) : () -> ()
    "tpu.region"() ({
      %run_scoped3A = tpu.sem_alloc : memref<!tpu.dma_semaphore, #tpu.memory_space<semaphore_mem>>
      %dma_start3A_189 = arith.constant 0 : i32
      %dma_start3A_190 = tpu.memref_slice %arg7[%arg0, %add3A_132, %dma_start3A_189] : memref<2x10240x144xf32, #tpu.memory_space<hbm>> -> memref<1x40x144xf32, #tpu.memory_space<hbm>>
      %dma_start3A_191 = tpu.memref_squeeze %dma_start3A_190 : memref<1x40x144xf32, #tpu.memory_space<hbm>> -> memref<40x144xf32, #tpu.memory_space<hbm>>
      %dma_start3A_192 = arith.constant 0 : i32
      %dma_start3A_193 = tpu.memref_slice %arg7[%arg0, %add3A_132, %dma_start3A_192] : memref<2x10240x144xf32, #tpu.memory_space<hbm>> -> memref<1x40x144xf32, #tpu.memory_space<hbm>>
      %dma_start3A_194 = tpu.memref_squeeze %dma_start3A_193 : memref<1x40x144xf32, #tpu.memory_space<hbm>> -> memref<40x144xf32, #tpu.memory_space<hbm>>
      tpu.enqueue_dma source(%arg16 : memref<40x144xf32, #tpu.memory_space<vmem>>) target(%dma_start3A_194 : memref<40x144xf32, #tpu.memory_space<hbm>>) target_semaphore(%run_scoped3A : memref<!tpu.dma_semaphore, #tpu.memory_space<semaphore_mem>>)
      %dma_wait3A_195 = arith.constant 0 : i32
      %dma_wait3A_196 = tpu.memref_slice %arg7[%arg0, %add3A_132, %dma_wait3A_195] : memref<2x10240x144xf32, #tpu.memory_space<hbm>> -> memref<1x40x144xf32, #tpu.memory_space<hbm>>
      %dma_wait3A_197 = tpu.memref_squeeze %dma_wait3A_196 : memref<1x40x144xf32, #tpu.memory_space<hbm>> -> memref<40x144xf32, #tpu.memory_space<hbm>>
      %dma_wait3A_198 = arith.constant 0 : i32
      %dma_wait3A_199 = tpu.memref_slice %arg7[%arg0, %add3A_132, %dma_wait3A_198] : memref<2x10240x144xf32, #tpu.memory_space<hbm>> -> memref<1x40x144xf32, #tpu.memory_space<hbm>>
      %dma_wait3A_200 = tpu.memref_squeeze %dma_wait3A_199 : memref<1x40x144xf32, #tpu.memory_space<hbm>> -> memref<40x144xf32, #tpu.memory_space<hbm>>
      tpu.wait_dma2 semaphore(%run_scoped3A : memref<!tpu.dma_semaphore, #tpu.memory_space<semaphore_mem>>) src(%arg16 : memref<40x144xf32, #tpu.memory_space<vmem>>) dst(%dma_wait3A_200 : memref<40x144xf32, #tpu.memory_space<hbm>>)
      tpu.yield
    }) : () -> ()
    %mul3A_133 = arith.constant 640 : i32
    %mul3A_134 = arith.muli %arg1, %mul3A_133 : i32
    %add3A_135 = arith.constant 80 : i32
    %add3A_136 = arith.addi %mul3A_134, %add3A_135 : i32
    "tpu.region"() ({
      %run_scoped3A = tpu.sem_alloc : memref<!tpu.dma_semaphore, #tpu.memory_space<semaphore_mem>>
      %dma_start3A_189 = arith.constant 0 : i32
      %dma_start3A_190 = tpu.memref_slice %arg20[%add3A_136, %dma_start3A_189] : memref<10240x144xf32, #tpu.memory_space<vmem_shared>> -> memref<40x144xf32, #tpu.memory_space<vmem_shared>>
      %dma_start3A_191 = arith.constant 0 : i32
      %dma_start3A_192 = tpu.memref_slice %arg20[%add3A_136, %dma_start3A_191] : memref<10240x144xf32, #tpu.memory_space<vmem_shared>> -> memref<40x144xf32, #tpu.memory_space<vmem_shared>>
      tpu.enqueue_dma source(%dma_start3A_192 : memref<40x144xf32, #tpu.memory_space<vmem_shared>>) target(%arg16 : memref<40x144xf32, #tpu.memory_space<vmem>>) target_semaphore(%run_scoped3A : memref<!tpu.dma_semaphore, #tpu.memory_space<semaphore_mem>>)
      %dma_wait3A_193 = arith.constant 0 : i32
      %dma_wait3A_194 = tpu.memref_slice %arg20[%add3A_136, %dma_wait3A_193] : memref<10240x144xf32, #tpu.memory_space<vmem_shared>> -> memref<40x144xf32, #tpu.memory_space<vmem_shared>>
      %dma_wait3A_195 = arith.constant 0 : i32
      %dma_wait3A_196 = tpu.memref_slice %arg20[%add3A_136, %dma_wait3A_195] : memref<10240x144xf32, #tpu.memory_space<vmem_shared>> -> memref<40x144xf32, #tpu.memory_space<vmem_shared>>
      tpu.wait_dma2 semaphore(%run_scoped3A : memref<!tpu.dma_semaphore, #tpu.memory_space<semaphore_mem>>) src(%dma_wait3A_196 : memref<40x144xf32, #tpu.memory_space<vmem_shared>>) dst(%arg16 : memref<40x144xf32, #tpu.memory_space<vmem>>)
      tpu.yield
    }) : () -> ()
    "tpu.region"() ({
      %run_scoped3A = tpu.sem_alloc : memref<!tpu.dma_semaphore, #tpu.memory_space<semaphore_mem>>
      %dma_start3A_189 = arith.constant 0 : i32
      %dma_start3A_190 = tpu.memref_slice %arg7[%arg0, %add3A_136, %dma_start3A_189] : memref<2x10240x144xf32, #tpu.memory_space<hbm>> -> memref<1x40x144xf32, #tpu.memory_space<hbm>>
      %dma_start3A_191 = tpu.memref_squeeze %dma_start3A_190 : memref<1x40x144xf32, #tpu.memory_space<hbm>> -> memref<40x144xf32, #tpu.memory_space<hbm>>
      %dma_start3A_192 = arith.constant 0 : i32
      %dma_start3A_193 = tpu.memref_slice %arg7[%arg0, %add3A_136, %dma_start3A_192] : memref<2x10240x144xf32, #tpu.memory_space<hbm>> -> memref<1x40x144xf32, #tpu.memory_space<hbm>>
      %dma_start3A_194 = tpu.memref_squeeze %dma_start3A_193 : memref<1x40x144xf32, #tpu.memory_space<hbm>> -> memref<40x144xf32, #tpu.memory_space<hbm>>
      tpu.enqueue_dma source(%arg16 : memref<40x144xf32, #tpu.memory_space<vmem>>) target(%dma_start3A_194 : memref<40x144xf32, #tpu.memory_space<hbm>>) target_semaphore(%run_scoped3A : memref<!tpu.dma_semaphore, #tpu.memory_space<semaphore_mem>>)
      %dma_wait3A_195 = arith.constant 0 : i32
      %dma_wait3A_196 = tpu.memref_slice %arg7[%arg0, %add3A_136, %dma_wait3A_195] : memref<2x10240x144xf32, #tpu.memory_space<hbm>> -> memref<1x40x144xf32, #tpu.memory_space<hbm>>
      %dma_wait3A_197 = tpu.memref_squeeze %dma_wait3A_196 : memref<1x40x144xf32, #tpu.memory_space<hbm>> -> memref<40x144xf32, #tpu.memory_space<hbm>>
      %dma_wait3A_198 = arith.constant 0 : i32
      %dma_wait3A_199 = tpu.memref_slice %arg7[%arg0, %add3A_136, %dma_wait3A_198] : memref<2x10240x144xf32, #tpu.memory_space<hbm>> -> memref<1x40x144xf32, #tpu.memory_space<hbm>>
      %dma_wait3A_200 = tpu.memref_squeeze %dma_wait3A_199 : memref<1x40x144xf32, #tpu.memory_space<hbm>> -> memref<40x144xf32, #tpu.memory_space<hbm>>
      tpu.wait_dma2 semaphore(%run_scoped3A : memref<!tpu.dma_semaphore, #tpu.memory_space<semaphore_mem>>) src(%arg16 : memref<40x144xf32, #tpu.memory_space<vmem>>) dst(%dma_wait3A_200 : memref<40x144xf32, #tpu.memory_space<hbm>>)
      tpu.yield
    }) : () -> ()
    %mul3A_137 = arith.constant 640 : i32
    %mul3A_138 = arith.muli %arg1, %mul3A_137 : i32
    %add3A_139 = arith.constant 120 : i32
    %add3A_140 = arith.addi %mul3A_138, %add3A_139 : i32
    "tpu.region"() ({
      %run_scoped3A = tpu.sem_alloc : memref<!tpu.dma_semaphore, #tpu.memory_space<semaphore_mem>>
      %dma_start3A_189 = arith.constant 0 : i32
      %dma_start3A_190 = tpu.memref_slice %arg20[%add3A_140, %dma_start3A_189] : memref<10240x144xf32, #tpu.memory_space<vmem_shared>> -> memref<40x144xf32, #tpu.memory_space<vmem_shared>>
      %dma_start3A_191 = arith.constant 0 : i32
      %dma_start3A_192 = tpu.memref_slice %arg20[%add3A_140, %dma_start3A_191] : memref<10240x144xf32, #tpu.memory_space<vmem_shared>> -> memref<40x144xf32, #tpu.memory_space<vmem_shared>>
      tpu.enqueue_dma source(%dma_start3A_192 : memref<40x144xf32, #tpu.memory_space<vmem_shared>>) target(%arg16 : memref<40x144xf32, #tpu.memory_space<vmem>>) target_semaphore(%run_scoped3A : memref<!tpu.dma_semaphore, #tpu.memory_space<semaphore_mem>>)
      %dma_wait3A_193 = arith.constant 0 : i32
      %dma_wait3A_194 = tpu.memref_slice %arg20[%add3A_140, %dma_wait3A_193] : memref<10240x144xf32, #tpu.memory_space<vmem_shared>> -> memref<40x144xf32, #tpu.memory_space<vmem_shared>>
      %dma_wait3A_195 = arith.constant 0 : i32
      %dma_wait3A_196 = tpu.memref_slice %arg20[%add3A_140, %dma_wait3A_195] : memref<10240x144xf32, #tpu.memory_space<vmem_shared>> -> memref<40x144xf32, #tpu.memory_space<vmem_shared>>
      tpu.wait_dma2 semaphore(%run_scoped3A : memref<!tpu.dma_semaphore, #tpu.memory_space<semaphore_mem>>) src(%dma_wait3A_196 : memref<40x144xf32, #tpu.memory_space<vmem_shared>>) dst(%arg16 : memref<40x144xf32, #tpu.memory_space<vmem>>)
      tpu.yield
    }) : () -> ()
    "tpu.region"() ({
      %run_scoped3A = tpu.sem_alloc : memref<!tpu.dma_semaphore, #tpu.memory_space<semaphore_mem>>
      %dma_start3A_189 = arith.constant 0 : i32
      %dma_start3A_190 = tpu.memref_slice %arg7[%arg0, %add3A_140, %dma_start3A_189] : memref<2x10240x144xf32, #tpu.memory_space<hbm>> -> memref<1x40x144xf32, #tpu.memory_space<hbm>>
      %dma_start3A_191 = tpu.memref_squeeze %dma_start3A_190 : memref<1x40x144xf32, #tpu.memory_space<hbm>> -> memref<40x144xf32, #tpu.memory_space<hbm>>
      %dma_start3A_192 = arith.constant 0 : i32
      %dma_start3A_193 = tpu.memref_slice %arg7[%arg0, %add3A_140, %dma_start3A_192] : memref<2x10240x144xf32, #tpu.memory_space<hbm>> -> memref<1x40x144xf32, #tpu.memory_space<hbm>>
      %dma_start3A_194 = tpu.memref_squeeze %dma_start3A_193 : memref<1x40x144xf32, #tpu.memory_space<hbm>> -> memref<40x144xf32, #tpu.memory_space<hbm>>
      tpu.enqueue_dma source(%arg16 : memref<40x144xf32, #tpu.memory_space<vmem>>) target(%dma_start3A_194 : memref<40x144xf32, #tpu.memory_space<hbm>>) target_semaphore(%run_scoped3A : memref<!tpu.dma_semaphore, #tpu.memory_space<semaphore_mem>>)
      %dma_wait3A_195 = arith.constant 0 : i32
      %dma_wait3A_196 = tpu.memref_slice %arg7[%arg0, %add3A_140, %dma_wait3A_195] : memref<2x10240x144xf32, #tpu.memory_space<hbm>> -> memref<1x40x144xf32, #tpu.memory_space<hbm>>
      %dma_wait3A_197 = tpu.memref_squeeze %dma_wait3A_196 : memref<1x40x144xf32, #tpu.memory_space<hbm>> -> memref<40x144xf32, #tpu.memory_space<hbm>>
      %dma_wait3A_198 = arith.constant 0 : i32
      %dma_wait3A_199 = tpu.memref_slice %arg7[%arg0, %add3A_140, %dma_wait3A_198] : memref<2x10240x144xf32, #tpu.memory_space<hbm>> -> memref<1x40x144xf32, #tpu.memory_space<hbm>>
      %dma_wait3A_200 = tpu.memref_squeeze %dma_wait3A_199 : memref<1x40x144xf32, #tpu.memory_space<hbm>> -> memref<40x144xf32, #tpu.memory_space<hbm>>
      tpu.wait_dma2 semaphore(%run_scoped3A : memref<!tpu.dma_semaphore, #tpu.memory_space<semaphore_mem>>) src(%arg16 : memref<40x144xf32, #tpu.memory_space<vmem>>) dst(%dma_wait3A_200 : memref<40x144xf32, #tpu.memory_space<hbm>>)
      tpu.yield
    }) : () -> ()
    %mul3A_141 = arith.constant 640 : i32
    %mul3A_142 = arith.muli %arg1, %mul3A_141 : i32
    %add3A_143 = arith.constant 160 : i32
    %add3A_144 = arith.addi %mul3A_142, %add3A_143 : i32
    "tpu.region"() ({
      %run_scoped3A = tpu.sem_alloc : memref<!tpu.dma_semaphore, #tpu.memory_space<semaphore_mem>>
      %dma_start3A_189 = arith.constant 0 : i32
      %dma_start3A_190 = tpu.memref_slice %arg20[%add3A_144, %dma_start3A_189] : memref<10240x144xf32, #tpu.memory_space<vmem_shared>> -> memref<40x144xf32, #tpu.memory_space<vmem_shared>>
      %dma_start3A_191 = arith.constant 0 : i32
      %dma_start3A_192 = tpu.memref_slice %arg20[%add3A_144, %dma_start3A_191] : memref<10240x144xf32, #tpu.memory_space<vmem_shared>> -> memref<40x144xf32, #tpu.memory_space<vmem_shared>>
      tpu.enqueue_dma source(%dma_start3A_192 : memref<40x144xf32, #tpu.memory_space<vmem_shared>>) target(%arg16 : memref<40x144xf32, #tpu.memory_space<vmem>>) target_semaphore(%run_scoped3A : memref<!tpu.dma_semaphore, #tpu.memory_space<semaphore_mem>>)
      %dma_wait3A_193 = arith.constant 0 : i32
      %dma_wait3A_194 = tpu.memref_slice %arg20[%add3A_144, %dma_wait3A_193] : memref<10240x144xf32, #tpu.memory_space<vmem_shared>> -> memref<40x144xf32, #tpu.memory_space<vmem_shared>>
      %dma_wait3A_195 = arith.constant 0 : i32
      %dma_wait3A_196 = tpu.memref_slice %arg20[%add3A_144, %dma_wait3A_195] : memref<10240x144xf32, #tpu.memory_space<vmem_shared>> -> memref<40x144xf32, #tpu.memory_space<vmem_shared>>
      tpu.wait_dma2 semaphore(%run_scoped3A : memref<!tpu.dma_semaphore, #tpu.memory_space<semaphore_mem>>) src(%dma_wait3A_196 : memref<40x144xf32, #tpu.memory_space<vmem_shared>>) dst(%arg16 : memref<40x144xf32, #tpu.memory_space<vmem>>)
      tpu.yield
    }) : () -> ()
    "tpu.region"() ({
      %run_scoped3A = tpu.sem_alloc : memref<!tpu.dma_semaphore, #tpu.memory_space<semaphore_mem>>
      %dma_start3A_189 = arith.constant 0 : i32
      %dma_start3A_190 = tpu.memref_slice %arg7[%arg0, %add3A_144, %dma_start3A_189] : memref<2x10240x144xf32, #tpu.memory_space<hbm>> -> memref<1x40x144xf32, #tpu.memory_space<hbm>>
      %dma_start3A_191 = tpu.memref_squeeze %dma_start3A_190 : memref<1x40x144xf32, #tpu.memory_space<hbm>> -> memref<40x144xf32, #tpu.memory_space<hbm>>
      %dma_start3A_192 = arith.constant 0 : i32
      %dma_start3A_193 = tpu.memref_slice %arg7[%arg0, %add3A_144, %dma_start3A_192] : memref<2x10240x144xf32, #tpu.memory_space<hbm>> -> memref<1x40x144xf32, #tpu.memory_space<hbm>>
      %dma_start3A_194 = tpu.memref_squeeze %dma_start3A_193 : memref<1x40x144xf32, #tpu.memory_space<hbm>> -> memref<40x144xf32, #tpu.memory_space<hbm>>
      tpu.enqueue_dma source(%arg16 : memref<40x144xf32, #tpu.memory_space<vmem>>) target(%dma_start3A_194 : memref<40x144xf32, #tpu.memory_space<hbm>>) target_semaphore(%run_scoped3A : memref<!tpu.dma_semaphore, #tpu.memory_space<semaphore_mem>>)
      %dma_wait3A_195 = arith.constant 0 : i32
      %dma_wait3A_196 = tpu.memref_slice %arg7[%arg0, %add3A_144, %dma_wait3A_195] : memref<2x10240x144xf32, #tpu.memory_space<hbm>> -> memref<1x40x144xf32, #tpu.memory_space<hbm>>
      %dma_wait3A_197 = tpu.memref_squeeze %dma_wait3A_196 : memref<1x40x144xf32, #tpu.memory_space<hbm>> -> memref<40x144xf32, #tpu.memory_space<hbm>>
      %dma_wait3A_198 = arith.constant 0 : i32
      %dma_wait3A_199 = tpu.memref_slice %arg7[%arg0, %add3A_144, %dma_wait3A_198] : memref<2x10240x144xf32, #tpu.memory_space<hbm>> -> memref<1x40x144xf32, #tpu.memory_space<hbm>>
      %dma_wait3A_200 = tpu.memref_squeeze %dma_wait3A_199 : memref<1x40x144xf32, #tpu.memory_space<hbm>> -> memref<40x144xf32, #tpu.memory_space<hbm>>
      tpu.wait_dma2 semaphore(%run_scoped3A : memref<!tpu.dma_semaphore, #tpu.memory_space<semaphore_mem>>) src(%arg16 : memref<40x144xf32, #tpu.memory_space<vmem>>) dst(%dma_wait3A_200 : memref<40x144xf32, #tpu.memory_space<hbm>>)
      tpu.yield
    }) : () -> ()
    %mul3A_145 = arith.constant 640 : i32
    %mul3A_146 = arith.muli %arg1, %mul3A_145 : i32
    %add3A_147 = arith.constant 200 : i32
    %add3A_148 = arith.addi %mul3A_146, %add3A_147 : i32
    "tpu.region"() ({
      %run_scoped3A = tpu.sem_alloc : memref<!tpu.dma_semaphore, #tpu.memory_space<semaphore_mem>>
      %dma_start3A_189 = arith.constant 0 : i32
      %dma_start3A_190 = tpu.memref_slice %arg20[%add3A_148, %dma_start3A_189] : memref<10240x144xf32, #tpu.memory_space<vmem_shared>> -> memref<40x144xf32, #tpu.memory_space<vmem_shared>>
      %dma_start3A_191 = arith.constant 0 : i32
      %dma_start3A_192 = tpu.memref_slice %arg20[%add3A_148, %dma_start3A_191] : memref<10240x144xf32, #tpu.memory_space<vmem_shared>> -> memref<40x144xf32, #tpu.memory_space<vmem_shared>>
      tpu.enqueue_dma source(%dma_start3A_192 : memref<40x144xf32, #tpu.memory_space<vmem_shared>>) target(%arg16 : memref<40x144xf32, #tpu.memory_space<vmem>>) target_semaphore(%run_scoped3A : memref<!tpu.dma_semaphore, #tpu.memory_space<semaphore_mem>>)
      %dma_wait3A_193 = arith.constant 0 : i32
      %dma_wait3A_194 = tpu.memref_slice %arg20[%add3A_148, %dma_wait3A_193] : memref<10240x144xf32, #tpu.memory_space<vmem_shared>> -> memref<40x144xf32, #tpu.memory_space<vmem_shared>>
      %dma_wait3A_195 = arith.constant 0 : i32
      %dma_wait3A_196 = tpu.memref_slice %arg20[%add3A_148, %dma_wait3A_195] : memref<10240x144xf32, #tpu.memory_space<vmem_shared>> -> memref<40x144xf32, #tpu.memory_space<vmem_shared>>
      tpu.wait_dma2 semaphore(%run_scoped3A : memref<!tpu.dma_semaphore, #tpu.memory_space<semaphore_mem>>) src(%dma_wait3A_196 : memref<40x144xf32, #tpu.memory_space<vmem_shared>>) dst(%arg16 : memref<40x144xf32, #tpu.memory_space<vmem>>)
      tpu.yield
    }) : () -> ()
    "tpu.region"() ({
      %run_scoped3A = tpu.sem_alloc : memref<!tpu.dma_semaphore, #tpu.memory_space<semaphore_mem>>
      %dma_start3A_189 = arith.constant 0 : i32
      %dma_start3A_190 = tpu.memref_slice %arg7[%arg0, %add3A_148, %dma_start3A_189] : memref<2x10240x144xf32, #tpu.memory_space<hbm>> -> memref<1x40x144xf32, #tpu.memory_space<hbm>>
      %dma_start3A_191 = tpu.memref_squeeze %dma_start3A_190 : memref<1x40x144xf32, #tpu.memory_space<hbm>> -> memref<40x144xf32, #tpu.memory_space<hbm>>
      %dma_start3A_192 = arith.constant 0 : i32
      %dma_start3A_193 = tpu.memref_slice %arg7[%arg0, %add3A_148, %dma_start3A_192] : memref<2x10240x144xf32, #tpu.memory_space<hbm>> -> memref<1x40x144xf32, #tpu.memory_space<hbm>>
      %dma_start3A_194 = tpu.memref_squeeze %dma_start3A_193 : memref<1x40x144xf32, #tpu.memory_space<hbm>> -> memref<40x144xf32, #tpu.memory_space<hbm>>
      tpu.enqueue_dma source(%arg16 : memref<40x144xf32, #tpu.memory_space<vmem>>) target(%dma_start3A_194 : memref<40x144xf32, #tpu.memory_space<hbm>>) target_semaphore(%run_scoped3A : memref<!tpu.dma_semaphore, #tpu.memory_space<semaphore_mem>>)
      %dma_wait3A_195 = arith.constant 0 : i32
      %dma_wait3A_196 = tpu.memref_slice %arg7[%arg0, %add3A_148, %dma_wait3A_195] : memref<2x10240x144xf32, #tpu.memory_space<hbm>> -> memref<1x40x144xf32, #tpu.memory_space<hbm>>
      %dma_wait3A_197 = tpu.memref_squeeze %dma_wait3A_196 : memref<1x40x144xf32, #tpu.memory_space<hbm>> -> memref<40x144xf32, #tpu.memory_space<hbm>>
      %dma_wait3A_198 = arith.constant 0 : i32
      %dma_wait3A_199 = tpu.memref_slice %arg7[%arg0, %add3A_148, %dma_wait3A_198] : memref<2x10240x144xf32, #tpu.memory_space<hbm>> -> memref<1x40x144xf32, #tpu.memory_space<hbm>>
      %dma_wait3A_200 = tpu.memref_squeeze %dma_wait3A_199 : memref<1x40x144xf32, #tpu.memory_space<hbm>> -> memref<40x144xf32, #tpu.memory_space<hbm>>
      tpu.wait_dma2 semaphore(%run_scoped3A : memref<!tpu.dma_semaphore, #tpu.memory_space<semaphore_mem>>) src(%arg16 : memref<40x144xf32, #tpu.memory_space<vmem>>) dst(%dma_wait3A_200 : memref<40x144xf32, #tpu.memory_space<hbm>>)
      tpu.yield
    }) : () -> ()
    %mul3A_149 = arith.constant 640 : i32
    %mul3A_150 = arith.muli %arg1, %mul3A_149 : i32
    %add3A_151 = arith.constant 240 : i32
    %add3A_152 = arith.addi %mul3A_150, %add3A_151 : i32
    "tpu.region"() ({
      %run_scoped3A = tpu.sem_alloc : memref<!tpu.dma_semaphore, #tpu.memory_space<semaphore_mem>>
      %dma_start3A_189 = arith.constant 0 : i32
      %dma_start3A_190 = tpu.memref_slice %arg20[%add3A_152, %dma_start3A_189] : memref<10240x144xf32, #tpu.memory_space<vmem_shared>> -> memref<40x144xf32, #tpu.memory_space<vmem_shared>>
      %dma_start3A_191 = arith.constant 0 : i32
      %dma_start3A_192 = tpu.memref_slice %arg20[%add3A_152, %dma_start3A_191] : memref<10240x144xf32, #tpu.memory_space<vmem_shared>> -> memref<40x144xf32, #tpu.memory_space<vmem_shared>>
      tpu.enqueue_dma source(%dma_start3A_192 : memref<40x144xf32, #tpu.memory_space<vmem_shared>>) target(%arg16 : memref<40x144xf32, #tpu.memory_space<vmem>>) target_semaphore(%run_scoped3A : memref<!tpu.dma_semaphore, #tpu.memory_space<semaphore_mem>>)
      %dma_wait3A_193 = arith.constant 0 : i32
      %dma_wait3A_194 = tpu.memref_slice %arg20[%add3A_152, %dma_wait3A_193] : memref<10240x144xf32, #tpu.memory_space<vmem_shared>> -> memref<40x144xf32, #tpu.memory_space<vmem_shared>>
      %dma_wait3A_195 = arith.constant 0 : i32
      %dma_wait3A_196 = tpu.memref_slice %arg20[%add3A_152, %dma_wait3A_195] : memref<10240x144xf32, #tpu.memory_space<vmem_shared>> -> memref<40x144xf32, #tpu.memory_space<vmem_shared>>
      tpu.wait_dma2 semaphore(%run_scoped3A : memref<!tpu.dma_semaphore, #tpu.memory_space<semaphore_mem>>) src(%dma_wait3A_196 : memref<40x144xf32, #tpu.memory_space<vmem_shared>>) dst(%arg16 : memref<40x144xf32, #tpu.memory_space<vmem>>)
      tpu.yield
    }) : () -> ()
    "tpu.region"() ({
      %run_scoped3A = tpu.sem_alloc : memref<!tpu.dma_semaphore, #tpu.memory_space<semaphore_mem>>
      %dma_start3A_189 = arith.constant 0 : i32
      %dma_start3A_190 = tpu.memref_slice %arg7[%arg0, %add3A_152, %dma_start3A_189] : memref<2x10240x144xf32, #tpu.memory_space<hbm>> -> memref<1x40x144xf32, #tpu.memory_space<hbm>>
      %dma_start3A_191 = tpu.memref_squeeze %dma_start3A_190 : memref<1x40x144xf32, #tpu.memory_space<hbm>> -> memref<40x144xf32, #tpu.memory_space<hbm>>
      %dma_start3A_192 = arith.constant 0 : i32
      %dma_start3A_193 = tpu.memref_slice %arg7[%arg0, %add3A_152, %dma_start3A_192] : memref<2x10240x144xf32, #tpu.memory_space<hbm>> -> memref<1x40x144xf32, #tpu.memory_space<hbm>>
      %dma_start3A_194 = tpu.memref_squeeze %dma_start3A_193 : memref<1x40x144xf32, #tpu.memory_space<hbm>> -> memref<40x144xf32, #tpu.memory_space<hbm>>
      tpu.enqueue_dma source(%arg16 : memref<40x144xf32, #tpu.memory_space<vmem>>) target(%dma_start3A_194 : memref<40x144xf32, #tpu.memory_space<hbm>>) target_semaphore(%run_scoped3A : memref<!tpu.dma_semaphore, #tpu.memory_space<semaphore_mem>>)
      %dma_wait3A_195 = arith.constant 0 : i32
      %dma_wait3A_196 = tpu.memref_slice %arg7[%arg0, %add3A_152, %dma_wait3A_195] : memref<2x10240x144xf32, #tpu.memory_space<hbm>> -> memref<1x40x144xf32, #tpu.memory_space<hbm>>
      %dma_wait3A_197 = tpu.memref_squeeze %dma_wait3A_196 : memref<1x40x144xf32, #tpu.memory_space<hbm>> -> memref<40x144xf32, #tpu.memory_space<hbm>>
      %dma_wait3A_198 = arith.constant 0 : i32
      %dma_wait3A_199 = tpu.memref_slice %arg7[%arg0, %add3A_152, %dma_wait3A_198] : memref<2x10240x144xf32, #tpu.memory_space<hbm>> -> memref<1x40x144xf32, #tpu.memory_space<hbm>>
      %dma_wait3A_200 = tpu.memref_squeeze %dma_wait3A_199 : memref<1x40x144xf32, #tpu.memory_space<hbm>> -> memref<40x144xf32, #tpu.memory_space<hbm>>
      tpu.wait_dma2 semaphore(%run_scoped3A : memref<!tpu.dma_semaphore, #tpu.memory_space<semaphore_mem>>) src(%arg16 : memref<40x144xf32, #tpu.memory_space<vmem>>) dst(%dma_wait3A_200 : memref<40x144xf32, #tpu.memory_space<hbm>>)
      tpu.yield
    }) : () -> ()
    %mul3A_153 = arith.constant 640 : i32
    %mul3A_154 = arith.muli %arg1, %mul3A_153 : i32
    %add3A_155 = arith.constant 280 : i32
    %add3A_156 = arith.addi %mul3A_154, %add3A_155 : i32
    "tpu.region"() ({
      %run_scoped3A = tpu.sem_alloc : memref<!tpu.dma_semaphore, #tpu.memory_space<semaphore_mem>>
      %dma_start3A_189 = arith.constant 0 : i32
      %dma_start3A_190 = tpu.memref_slice %arg20[%add3A_156, %dma_start3A_189] : memref<10240x144xf32, #tpu.memory_space<vmem_shared>> -> memref<40x144xf32, #tpu.memory_space<vmem_shared>>
      %dma_start3A_191 = arith.constant 0 : i32
      %dma_start3A_192 = tpu.memref_slice %arg20[%add3A_156, %dma_start3A_191] : memref<10240x144xf32, #tpu.memory_space<vmem_shared>> -> memref<40x144xf32, #tpu.memory_space<vmem_shared>>
      tpu.enqueue_dma source(%dma_start3A_192 : memref<40x144xf32, #tpu.memory_space<vmem_shared>>) target(%arg16 : memref<40x144xf32, #tpu.memory_space<vmem>>) target_semaphore(%run_scoped3A : memref<!tpu.dma_semaphore, #tpu.memory_space<semaphore_mem>>)
      %dma_wait3A_193 = arith.constant 0 : i32
      %dma_wait3A_194 = tpu.memref_slice %arg20[%add3A_156, %dma_wait3A_193] : memref<10240x144xf32, #tpu.memory_space<vmem_shared>> -> memref<40x144xf32, #tpu.memory_space<vmem_shared>>
      %dma_wait3A_195 = arith.constant 0 : i32
      %dma_wait3A_196 = tpu.memref_slice %arg20[%add3A_156, %dma_wait3A_195] : memref<10240x144xf32, #tpu.memory_space<vmem_shared>> -> memref<40x144xf32, #tpu.memory_space<vmem_shared>>
      tpu.wait_dma2 semaphore(%run_scoped3A : memref<!tpu.dma_semaphore, #tpu.memory_space<semaphore_mem>>) src(%dma_wait3A_196 : memref<40x144xf32, #tpu.memory_space<vmem_shared>>) dst(%arg16 : memref<40x144xf32, #tpu.memory_space<vmem>>)
      tpu.yield
    }) : () -> ()
    "tpu.region"() ({
      %run_scoped3A = tpu.sem_alloc : memref<!tpu.dma_semaphore, #tpu.memory_space<semaphore_mem>>
      %dma_start3A_189 = arith.constant 0 : i32
      %dma_start3A_190 = tpu.memref_slice %arg7[%arg0, %add3A_156, %dma_start3A_189] : memref<2x10240x144xf32, #tpu.memory_space<hbm>> -> memref<1x40x144xf32, #tpu.memory_space<hbm>>
      %dma_start3A_191 = tpu.memref_squeeze %dma_start3A_190 : memref<1x40x144xf32, #tpu.memory_space<hbm>> -> memref<40x144xf32, #tpu.memory_space<hbm>>
      %dma_start3A_192 = arith.constant 0 : i32
      %dma_start3A_193 = tpu.memref_slice %arg7[%arg0, %add3A_156, %dma_start3A_192] : memref<2x10240x144xf32, #tpu.memory_space<hbm>> -> memref<1x40x144xf32, #tpu.memory_space<hbm>>
      %dma_start3A_194 = tpu.memref_squeeze %dma_start3A_193 : memref<1x40x144xf32, #tpu.memory_space<hbm>> -> memref<40x144xf32, #tpu.memory_space<hbm>>
      tpu.enqueue_dma source(%arg16 : memref<40x144xf32, #tpu.memory_space<vmem>>) target(%dma_start3A_194 : memref<40x144xf32, #tpu.memory_space<hbm>>) target_semaphore(%run_scoped3A : memref<!tpu.dma_semaphore, #tpu.memory_space<semaphore_mem>>)
      %dma_wait3A_195 = arith.constant 0 : i32
      %dma_wait3A_196 = tpu.memref_slice %arg7[%arg0, %add3A_156, %dma_wait3A_195] : memref<2x10240x144xf32, #tpu.memory_space<hbm>> -> memref<1x40x144xf32, #tpu.memory_space<hbm>>
      %dma_wait3A_197 = tpu.memref_squeeze %dma_wait3A_196 : memref<1x40x144xf32, #tpu.memory_space<hbm>> -> memref<40x144xf32, #tpu.memory_space<hbm>>
      %dma_wait3A_198 = arith.constant 0 : i32
      %dma_wait3A_199 = tpu.memref_slice %arg7[%arg0, %add3A_156, %dma_wait3A_198] : memref<2x10240x144xf32, #tpu.memory_space<hbm>> -> memref<1x40x144xf32, #tpu.memory_space<hbm>>
      %dma_wait3A_200 = tpu.memref_squeeze %dma_wait3A_199 : memref<1x40x144xf32, #tpu.memory_space<hbm>> -> memref<40x144xf32, #tpu.memory_space<hbm>>
      tpu.wait_dma2 semaphore(%run_scoped3A : memref<!tpu.dma_semaphore, #tpu.memory_space<semaphore_mem>>) src(%arg16 : memref<40x144xf32, #tpu.memory_space<vmem>>) dst(%dma_wait3A_200 : memref<40x144xf32, #tpu.memory_space<hbm>>)
      tpu.yield
    }) : () -> ()
    %mul3A_157 = arith.constant 640 : i32
    %mul3A_158 = arith.muli %arg1, %mul3A_157 : i32
    %add3A_159 = arith.constant 320 : i32
    %add3A_160 = arith.addi %mul3A_158, %add3A_159 : i32
    "tpu.region"() ({
      %run_scoped3A = tpu.sem_alloc : memref<!tpu.dma_semaphore, #tpu.memory_space<semaphore_mem>>
      %dma_start3A_189 = arith.constant 0 : i32
      %dma_start3A_190 = tpu.memref_slice %arg20[%add3A_160, %dma_start3A_189] : memref<10240x144xf32, #tpu.memory_space<vmem_shared>> -> memref<40x144xf32, #tpu.memory_space<vmem_shared>>
      %dma_start3A_191 = arith.constant 0 : i32
      %dma_start3A_192 = tpu.memref_slice %arg20[%add3A_160, %dma_start3A_191] : memref<10240x144xf32, #tpu.memory_space<vmem_shared>> -> memref<40x144xf32, #tpu.memory_space<vmem_shared>>
      tpu.enqueue_dma source(%dma_start3A_192 : memref<40x144xf32, #tpu.memory_space<vmem_shared>>) target(%arg16 : memref<40x144xf32, #tpu.memory_space<vmem>>) target_semaphore(%run_scoped3A : memref<!tpu.dma_semaphore, #tpu.memory_space<semaphore_mem>>)
      %dma_wait3A_193 = arith.constant 0 : i32
      %dma_wait3A_194 = tpu.memref_slice %arg20[%add3A_160, %dma_wait3A_193] : memref<10240x144xf32, #tpu.memory_space<vmem_shared>> -> memref<40x144xf32, #tpu.memory_space<vmem_shared>>
      %dma_wait3A_195 = arith.constant 0 : i32
      %dma_wait3A_196 = tpu.memref_slice %arg20[%add3A_160, %dma_wait3A_195] : memref<10240x144xf32, #tpu.memory_space<vmem_shared>> -> memref<40x144xf32, #tpu.memory_space<vmem_shared>>
      tpu.wait_dma2 semaphore(%run_scoped3A : memref<!tpu.dma_semaphore, #tpu.memory_space<semaphore_mem>>) src(%dma_wait3A_196 : memref<40x144xf32, #tpu.memory_space<vmem_shared>>) dst(%arg16 : memref<40x144xf32, #tpu.memory_space<vmem>>)
      tpu.yield
    }) : () -> ()
    "tpu.region"() ({
      %run_scoped3A = tpu.sem_alloc : memref<!tpu.dma_semaphore, #tpu.memory_space<semaphore_mem>>
      %dma_start3A_189 = arith.constant 0 : i32
      %dma_start3A_190 = tpu.memref_slice %arg7[%arg0, %add3A_160, %dma_start3A_189] : memref<2x10240x144xf32, #tpu.memory_space<hbm>> -> memref<1x40x144xf32, #tpu.memory_space<hbm>>
      %dma_start3A_191 = tpu.memref_squeeze %dma_start3A_190 : memref<1x40x144xf32, #tpu.memory_space<hbm>> -> memref<40x144xf32, #tpu.memory_space<hbm>>
      %dma_start3A_192 = arith.constant 0 : i32
      %dma_start3A_193 = tpu.memref_slice %arg7[%arg0, %add3A_160, %dma_start3A_192] : memref<2x10240x144xf32, #tpu.memory_space<hbm>> -> memref<1x40x144xf32, #tpu.memory_space<hbm>>
      %dma_start3A_194 = tpu.memref_squeeze %dma_start3A_193 : memref<1x40x144xf32, #tpu.memory_space<hbm>> -> memref<40x144xf32, #tpu.memory_space<hbm>>
      tpu.enqueue_dma source(%arg16 : memref<40x144xf32, #tpu.memory_space<vmem>>) target(%dma_start3A_194 : memref<40x144xf32, #tpu.memory_space<hbm>>) target_semaphore(%run_scoped3A : memref<!tpu.dma_semaphore, #tpu.memory_space<semaphore_mem>>)
      %dma_wait3A_195 = arith.constant 0 : i32
      %dma_wait3A_196 = tpu.memref_slice %arg7[%arg0, %add3A_160, %dma_wait3A_195] : memref<2x10240x144xf32, #tpu.memory_space<hbm>> -> memref<1x40x144xf32, #tpu.memory_space<hbm>>
      %dma_wait3A_197 = tpu.memref_squeeze %dma_wait3A_196 : memref<1x40x144xf32, #tpu.memory_space<hbm>> -> memref<40x144xf32, #tpu.memory_space<hbm>>
      %dma_wait3A_198 = arith.constant 0 : i32
      %dma_wait3A_199 = tpu.memref_slice %arg7[%arg0, %add3A_160, %dma_wait3A_198] : memref<2x10240x144xf32, #tpu.memory_space<hbm>> -> memref<1x40x144xf32, #tpu.memory_space<hbm>>
      %dma_wait3A_200 = tpu.memref_squeeze %dma_wait3A_199 : memref<1x40x144xf32, #tpu.memory_space<hbm>> -> memref<40x144xf32, #tpu.memory_space<hbm>>
      tpu.wait_dma2 semaphore(%run_scoped3A : memref<!tpu.dma_semaphore, #tpu.memory_space<semaphore_mem>>) src(%arg16 : memref<40x144xf32, #tpu.memory_space<vmem>>) dst(%dma_wait3A_200 : memref<40x144xf32, #tpu.memory_space<hbm>>)
      tpu.yield
    }) : () -> ()
    %mul3A_161 = arith.constant 640 : i32
    %mul3A_162 = arith.muli %arg1, %mul3A_161 : i32
    %add3A_163 = arith.constant 360 : i32
    %add3A_164 = arith.addi %mul3A_162, %add3A_163 : i32
    "tpu.region"() ({
      %run_scoped3A = tpu.sem_alloc : memref<!tpu.dma_semaphore, #tpu.memory_space<semaphore_mem>>
      %dma_start3A_189 = arith.constant 0 : i32
      %dma_start3A_190 = tpu.memref_slice %arg20[%add3A_164, %dma_start3A_189] : memref<10240x144xf32, #tpu.memory_space<vmem_shared>> -> memref<40x144xf32, #tpu.memory_space<vmem_shared>>
      %dma_start3A_191 = arith.constant 0 : i32
      %dma_start3A_192 = tpu.memref_slice %arg20[%add3A_164, %dma_start3A_191] : memref<10240x144xf32, #tpu.memory_space<vmem_shared>> -> memref<40x144xf32, #tpu.memory_space<vmem_shared>>
      tpu.enqueue_dma source(%dma_start3A_192 : memref<40x144xf32, #tpu.memory_space<vmem_shared>>) target(%arg16 : memref<40x144xf32, #tpu.memory_space<vmem>>) target_semaphore(%run_scoped3A : memref<!tpu.dma_semaphore, #tpu.memory_space<semaphore_mem>>)
      %dma_wait3A_193 = arith.constant 0 : i32
      %dma_wait3A_194 = tpu.memref_slice %arg20[%add3A_164, %dma_wait3A_193] : memref<10240x144xf32, #tpu.memory_space<vmem_shared>> -> memref<40x144xf32, #tpu.memory_space<vmem_shared>>
      %dma_wait3A_195 = arith.constant 0 : i32
      %dma_wait3A_196 = tpu.memref_slice %arg20[%add3A_164, %dma_wait3A_195] : memref<10240x144xf32, #tpu.memory_space<vmem_shared>> -> memref<40x144xf32, #tpu.memory_space<vmem_shared>>
      tpu.wait_dma2 semaphore(%run_scoped3A : memref<!tpu.dma_semaphore, #tpu.memory_space<semaphore_mem>>) src(%dma_wait3A_196 : memref<40x144xf32, #tpu.memory_space<vmem_shared>>) dst(%arg16 : memref<40x144xf32, #tpu.memory_space<vmem>>)
      tpu.yield
    }) : () -> ()
    "tpu.region"() ({
      %run_scoped3A = tpu.sem_alloc : memref<!tpu.dma_semaphore, #tpu.memory_space<semaphore_mem>>
      %dma_start3A_189 = arith.constant 0 : i32
      %dma_start3A_190 = tpu.memref_slice %arg7[%arg0, %add3A_164, %dma_start3A_189] : memref<2x10240x144xf32, #tpu.memory_space<hbm>> -> memref<1x40x144xf32, #tpu.memory_space<hbm>>
      %dma_start3A_191 = tpu.memref_squeeze %dma_start3A_190 : memref<1x40x144xf32, #tpu.memory_space<hbm>> -> memref<40x144xf32, #tpu.memory_space<hbm>>
      %dma_start3A_192 = arith.constant 0 : i32
      %dma_start3A_193 = tpu.memref_slice %arg7[%arg0, %add3A_164, %dma_start3A_192] : memref<2x10240x144xf32, #tpu.memory_space<hbm>> -> memref<1x40x144xf32, #tpu.memory_space<hbm>>
      %dma_start3A_194 = tpu.memref_squeeze %dma_start3A_193 : memref<1x40x144xf32, #tpu.memory_space<hbm>> -> memref<40x144xf32, #tpu.memory_space<hbm>>
      tpu.enqueue_dma source(%arg16 : memref<40x144xf32, #tpu.memory_space<vmem>>) target(%dma_start3A_194 : memref<40x144xf32, #tpu.memory_space<hbm>>) target_semaphore(%run_scoped3A : memref<!tpu.dma_semaphore, #tpu.memory_space<semaphore_mem>>)
      %dma_wait3A_195 = arith.constant 0 : i32
      %dma_wait3A_196 = tpu.memref_slice %arg7[%arg0, %add3A_164, %dma_wait3A_195] : memref<2x10240x144xf32, #tpu.memory_space<hbm>> -> memref<1x40x144xf32, #tpu.memory_space<hbm>>
      %dma_wait3A_197 = tpu.memref_squeeze %dma_wait3A_196 : memref<1x40x144xf32, #tpu.memory_space<hbm>> -> memref<40x144xf32, #tpu.memory_space<hbm>>
      %dma_wait3A_198 = arith.constant 0 : i32
      %dma_wait3A_199 = tpu.memref_slice %arg7[%arg0, %add3A_164, %dma_wait3A_198] : memref<2x10240x144xf32, #tpu.memory_space<hbm>> -> memref<1x40x144xf32, #tpu.memory_space<hbm>>
      %dma_wait3A_200 = tpu.memref_squeeze %dma_wait3A_199 : memref<1x40x144xf32, #tpu.memory_space<hbm>> -> memref<40x144xf32, #tpu.memory_space<hbm>>
      tpu.wait_dma2 semaphore(%run_scoped3A : memref<!tpu.dma_semaphore, #tpu.memory_space<semaphore_mem>>) src(%arg16 : memref<40x144xf32, #tpu.memory_space<vmem>>) dst(%dma_wait3A_200 : memref<40x144xf32, #tpu.memory_space<hbm>>)
      tpu.yield
    }) : () -> ()
    %mul3A_165 = arith.constant 640 : i32
    %mul3A_166 = arith.muli %arg1, %mul3A_165 : i32
    %add3A_167 = arith.constant 400 : i32
    %add3A_168 = arith.addi %mul3A_166, %add3A_167 : i32
    "tpu.region"() ({
      %run_scoped3A = tpu.sem_alloc : memref<!tpu.dma_semaphore, #tpu.memory_space<semaphore_mem>>
      %dma_start3A_189 = arith.constant 0 : i32
      %dma_start3A_190 = tpu.memref_slice %arg20[%add3A_168, %dma_start3A_189] : memref<10240x144xf32, #tpu.memory_space<vmem_shared>> -> memref<40x144xf32, #tpu.memory_space<vmem_shared>>
      %dma_start3A_191 = arith.constant 0 : i32
      %dma_start3A_192 = tpu.memref_slice %arg20[%add3A_168, %dma_start3A_191] : memref<10240x144xf32, #tpu.memory_space<vmem_shared>> -> memref<40x144xf32, #tpu.memory_space<vmem_shared>>
      tpu.enqueue_dma source(%dma_start3A_192 : memref<40x144xf32, #tpu.memory_space<vmem_shared>>) target(%arg16 : memref<40x144xf32, #tpu.memory_space<vmem>>) target_semaphore(%run_scoped3A : memref<!tpu.dma_semaphore, #tpu.memory_space<semaphore_mem>>)
      %dma_wait3A_193 = arith.constant 0 : i32
      %dma_wait3A_194 = tpu.memref_slice %arg20[%add3A_168, %dma_wait3A_193] : memref<10240x144xf32, #tpu.memory_space<vmem_shared>> -> memref<40x144xf32, #tpu.memory_space<vmem_shared>>
      %dma_wait3A_195 = arith.constant 0 : i32
      %dma_wait3A_196 = tpu.memref_slice %arg20[%add3A_168, %dma_wait3A_195] : memref<10240x144xf32, #tpu.memory_space<vmem_shared>> -> memref<40x144xf32, #tpu.memory_space<vmem_shared>>
      tpu.wait_dma2 semaphore(%run_scoped3A : memref<!tpu.dma_semaphore, #tpu.memory_space<semaphore_mem>>) src(%dma_wait3A_196 : memref<40x144xf32, #tpu.memory_space<vmem_shared>>) dst(%arg16 : memref<40x144xf32, #tpu.memory_space<vmem>>)
      tpu.yield
    }) : () -> ()
    "tpu.region"() ({
      %run_scoped3A = tpu.sem_alloc : memref<!tpu.dma_semaphore, #tpu.memory_space<semaphore_mem>>
      %dma_start3A_189 = arith.constant 0 : i32
      %dma_start3A_190 = tpu.memref_slice %arg7[%arg0, %add3A_168, %dma_start3A_189] : memref<2x10240x144xf32, #tpu.memory_space<hbm>> -> memref<1x40x144xf32, #tpu.memory_space<hbm>>
      %dma_start3A_191 = tpu.memref_squeeze %dma_start3A_190 : memref<1x40x144xf32, #tpu.memory_space<hbm>> -> memref<40x144xf32, #tpu.memory_space<hbm>>
      %dma_start3A_192 = arith.constant 0 : i32
      %dma_start3A_193 = tpu.memref_slice %arg7[%arg0, %add3A_168, %dma_start3A_192] : memref<2x10240x144xf32, #tpu.memory_space<hbm>> -> memref<1x40x144xf32, #tpu.memory_space<hbm>>
      %dma_start3A_194 = tpu.memref_squeeze %dma_start3A_193 : memref<1x40x144xf32, #tpu.memory_space<hbm>> -> memref<40x144xf32, #tpu.memory_space<hbm>>
      tpu.enqueue_dma source(%arg16 : memref<40x144xf32, #tpu.memory_space<vmem>>) target(%dma_start3A_194 : memref<40x144xf32, #tpu.memory_space<hbm>>) target_semaphore(%run_scoped3A : memref<!tpu.dma_semaphore, #tpu.memory_space<semaphore_mem>>)
      %dma_wait3A_195 = arith.constant 0 : i32
      %dma_wait3A_196 = tpu.memref_slice %arg7[%arg0, %add3A_168, %dma_wait3A_195] : memref<2x10240x144xf32, #tpu.memory_space<hbm>> -> memref<1x40x144xf32, #tpu.memory_space<hbm>>
      %dma_wait3A_197 = tpu.memref_squeeze %dma_wait3A_196 : memref<1x40x144xf32, #tpu.memory_space<hbm>> -> memref<40x144xf32, #tpu.memory_space<hbm>>
      %dma_wait3A_198 = arith.constant 0 : i32
      %dma_wait3A_199 = tpu.memref_slice %arg7[%arg0, %add3A_168, %dma_wait3A_198] : memref<2x10240x144xf32, #tpu.memory_space<hbm>> -> memref<1x40x144xf32, #tpu.memory_space<hbm>>
      %dma_wait3A_200 = tpu.memref_squeeze %dma_wait3A_199 : memref<1x40x144xf32, #tpu.memory_space<hbm>> -> memref<40x144xf32, #tpu.memory_space<hbm>>
      tpu.wait_dma2 semaphore(%run_scoped3A : memref<!tpu.dma_semaphore, #tpu.memory_space<semaphore_mem>>) src(%arg16 : memref<40x144xf32, #tpu.memory_space<vmem>>) dst(%dma_wait3A_200 : memref<40x144xf32, #tpu.memory_space<hbm>>)
      tpu.yield
    }) : () -> ()
    %mul3A_169 = arith.constant 640 : i32
    %mul3A_170 = arith.muli %arg1, %mul3A_169 : i32
    %add3A_171 = arith.constant 440 : i32
    %add3A_172 = arith.addi %mul3A_170, %add3A_171 : i32
    "tpu.region"() ({
      %run_scoped3A = tpu.sem_alloc : memref<!tpu.dma_semaphore, #tpu.memory_space<semaphore_mem>>
      %dma_start3A_189 = arith.constant 0 : i32
      %dma_start3A_190 = tpu.memref_slice %arg20[%add3A_172, %dma_start3A_189] : memref<10240x144xf32, #tpu.memory_space<vmem_shared>> -> memref<40x144xf32, #tpu.memory_space<vmem_shared>>
      %dma_start3A_191 = arith.constant 0 : i32
      %dma_start3A_192 = tpu.memref_slice %arg20[%add3A_172, %dma_start3A_191] : memref<10240x144xf32, #tpu.memory_space<vmem_shared>> -> memref<40x144xf32, #tpu.memory_space<vmem_shared>>
      tpu.enqueue_dma source(%dma_start3A_192 : memref<40x144xf32, #tpu.memory_space<vmem_shared>>) target(%arg16 : memref<40x144xf32, #tpu.memory_space<vmem>>) target_semaphore(%run_scoped3A : memref<!tpu.dma_semaphore, #tpu.memory_space<semaphore_mem>>)
      %dma_wait3A_193 = arith.constant 0 : i32
      %dma_wait3A_194 = tpu.memref_slice %arg20[%add3A_172, %dma_wait3A_193] : memref<10240x144xf32, #tpu.memory_space<vmem_shared>> -> memref<40x144xf32, #tpu.memory_space<vmem_shared>>
      %dma_wait3A_195 = arith.constant 0 : i32
      %dma_wait3A_196 = tpu.memref_slice %arg20[%add3A_172, %dma_wait3A_195] : memref<10240x144xf32, #tpu.memory_space<vmem_shared>> -> memref<40x144xf32, #tpu.memory_space<vmem_shared>>
      tpu.wait_dma2 semaphore(%run_scoped3A : memref<!tpu.dma_semaphore, #tpu.memory_space<semaphore_mem>>) src(%dma_wait3A_196 : memref<40x144xf32, #tpu.memory_space<vmem_shared>>) dst(%arg16 : memref<40x144xf32, #tpu.memory_space<vmem>>)
      tpu.yield
    }) : () -> ()
    "tpu.region"() ({
      %run_scoped3A = tpu.sem_alloc : memref<!tpu.dma_semaphore, #tpu.memory_space<semaphore_mem>>
      %dma_start3A_189 = arith.constant 0 : i32
      %dma_start3A_190 = tpu.memref_slice %arg7[%arg0, %add3A_172, %dma_start3A_189] : memref<2x10240x144xf32, #tpu.memory_space<hbm>> -> memref<1x40x144xf32, #tpu.memory_space<hbm>>
      %dma_start3A_191 = tpu.memref_squeeze %dma_start3A_190 : memref<1x40x144xf32, #tpu.memory_space<hbm>> -> memref<40x144xf32, #tpu.memory_space<hbm>>
      %dma_start3A_192 = arith.constant 0 : i32
      %dma_start3A_193 = tpu.memref_slice %arg7[%arg0, %add3A_172, %dma_start3A_192] : memref<2x10240x144xf32, #tpu.memory_space<hbm>> -> memref<1x40x144xf32, #tpu.memory_space<hbm>>
      %dma_start3A_194 = tpu.memref_squeeze %dma_start3A_193 : memref<1x40x144xf32, #tpu.memory_space<hbm>> -> memref<40x144xf32, #tpu.memory_space<hbm>>
      tpu.enqueue_dma source(%arg16 : memref<40x144xf32, #tpu.memory_space<vmem>>) target(%dma_start3A_194 : memref<40x144xf32, #tpu.memory_space<hbm>>) target_semaphore(%run_scoped3A : memref<!tpu.dma_semaphore, #tpu.memory_space<semaphore_mem>>)
      %dma_wait3A_195 = arith.constant 0 : i32
      %dma_wait3A_196 = tpu.memref_slice %arg7[%arg0, %add3A_172, %dma_wait3A_195] : memref<2x10240x144xf32, #tpu.memory_space<hbm>> -> memref<1x40x144xf32, #tpu.memory_space<hbm>>
      %dma_wait3A_197 = tpu.memref_squeeze %dma_wait3A_196 : memref<1x40x144xf32, #tpu.memory_space<hbm>> -> memref<40x144xf32, #tpu.memory_space<hbm>>
      %dma_wait3A_198 = arith.constant 0 : i32
      %dma_wait3A_199 = tpu.memref_slice %arg7[%arg0, %add3A_172, %dma_wait3A_198] : memref<2x10240x144xf32, #tpu.memory_space<hbm>> -> memref<1x40x144xf32, #tpu.memory_space<hbm>>
      %dma_wait3A_200 = tpu.memref_squeeze %dma_wait3A_199 : memref<1x40x144xf32, #tpu.memory_space<hbm>> -> memref<40x144xf32, #tpu.memory_space<hbm>>
      tpu.wait_dma2 semaphore(%run_scoped3A : memref<!tpu.dma_semaphore, #tpu.memory_space<semaphore_mem>>) src(%arg16 : memref<40x144xf32, #tpu.memory_space<vmem>>) dst(%dma_wait3A_200 : memref<40x144xf32, #tpu.memory_space<hbm>>)
      tpu.yield
    }) : () -> ()
    %mul3A_173 = arith.constant 640 : i32
    %mul3A_174 = arith.muli %arg1, %mul3A_173 : i32
    %add3A_175 = arith.constant 480 : i32
    %add3A_176 = arith.addi %mul3A_174, %add3A_175 : i32
    "tpu.region"() ({
      %run_scoped3A = tpu.sem_alloc : memref<!tpu.dma_semaphore, #tpu.memory_space<semaphore_mem>>
      %dma_start3A_189 = arith.constant 0 : i32
      %dma_start3A_190 = tpu.memref_slice %arg20[%add3A_176, %dma_start3A_189] : memref<10240x144xf32, #tpu.memory_space<vmem_shared>> -> memref<40x144xf32, #tpu.memory_space<vmem_shared>>
      %dma_start3A_191 = arith.constant 0 : i32
      %dma_start3A_192 = tpu.memref_slice %arg20[%add3A_176, %dma_start3A_191] : memref<10240x144xf32, #tpu.memory_space<vmem_shared>> -> memref<40x144xf32, #tpu.memory_space<vmem_shared>>
      tpu.enqueue_dma source(%dma_start3A_192 : memref<40x144xf32, #tpu.memory_space<vmem_shared>>) target(%arg16 : memref<40x144xf32, #tpu.memory_space<vmem>>) target_semaphore(%run_scoped3A : memref<!tpu.dma_semaphore, #tpu.memory_space<semaphore_mem>>)
      %dma_wait3A_193 = arith.constant 0 : i32
      %dma_wait3A_194 = tpu.memref_slice %arg20[%add3A_176, %dma_wait3A_193] : memref<10240x144xf32, #tpu.memory_space<vmem_shared>> -> memref<40x144xf32, #tpu.memory_space<vmem_shared>>
      %dma_wait3A_195 = arith.constant 0 : i32
      %dma_wait3A_196 = tpu.memref_slice %arg20[%add3A_176, %dma_wait3A_195] : memref<10240x144xf32, #tpu.memory_space<vmem_shared>> -> memref<40x144xf32, #tpu.memory_space<vmem_shared>>
      tpu.wait_dma2 semaphore(%run_scoped3A : memref<!tpu.dma_semaphore, #tpu.memory_space<semaphore_mem>>) src(%dma_wait3A_196 : memref<40x144xf32, #tpu.memory_space<vmem_shared>>) dst(%arg16 : memref<40x144xf32, #tpu.memory_space<vmem>>)
      tpu.yield
    }) : () -> ()
    "tpu.region"() ({
      %run_scoped3A = tpu.sem_alloc : memref<!tpu.dma_semaphore, #tpu.memory_space<semaphore_mem>>
      %dma_start3A_189 = arith.constant 0 : i32
      %dma_start3A_190 = tpu.memref_slice %arg7[%arg0, %add3A_176, %dma_start3A_189] : memref<2x10240x144xf32, #tpu.memory_space<hbm>> -> memref<1x40x144xf32, #tpu.memory_space<hbm>>
      %dma_start3A_191 = tpu.memref_squeeze %dma_start3A_190 : memref<1x40x144xf32, #tpu.memory_space<hbm>> -> memref<40x144xf32, #tpu.memory_space<hbm>>
      %dma_start3A_192 = arith.constant 0 : i32
      %dma_start3A_193 = tpu.memref_slice %arg7[%arg0, %add3A_176, %dma_start3A_192] : memref<2x10240x144xf32, #tpu.memory_space<hbm>> -> memref<1x40x144xf32, #tpu.memory_space<hbm>>
      %dma_start3A_194 = tpu.memref_squeeze %dma_start3A_193 : memref<1x40x144xf32, #tpu.memory_space<hbm>> -> memref<40x144xf32, #tpu.memory_space<hbm>>
      tpu.enqueue_dma source(%arg16 : memref<40x144xf32, #tpu.memory_space<vmem>>) target(%dma_start3A_194 : memref<40x144xf32, #tpu.memory_space<hbm>>) target_semaphore(%run_scoped3A : memref<!tpu.dma_semaphore, #tpu.memory_space<semaphore_mem>>)
      %dma_wait3A_195 = arith.constant 0 : i32
      %dma_wait3A_196 = tpu.memref_slice %arg7[%arg0, %add3A_176, %dma_wait3A_195] : memref<2x10240x144xf32, #tpu.memory_space<hbm>> -> memref<1x40x144xf32, #tpu.memory_space<hbm>>
      %dma_wait3A_197 = tpu.memref_squeeze %dma_wait3A_196 : memref<1x40x144xf32, #tpu.memory_space<hbm>> -> memref<40x144xf32, #tpu.memory_space<hbm>>
      %dma_wait3A_198 = arith.constant 0 : i32
      %dma_wait3A_199 = tpu.memref_slice %arg7[%arg0, %add3A_176, %dma_wait3A_198] : memref<2x10240x144xf32, #tpu.memory_space<hbm>> -> memref<1x40x144xf32, #tpu.memory_space<hbm>>
      %dma_wait3A_200 = tpu.memref_squeeze %dma_wait3A_199 : memref<1x40x144xf32, #tpu.memory_space<hbm>> -> memref<40x144xf32, #tpu.memory_space<hbm>>
      tpu.wait_dma2 semaphore(%run_scoped3A : memref<!tpu.dma_semaphore, #tpu.memory_space<semaphore_mem>>) src(%arg16 : memref<40x144xf32, #tpu.memory_space<vmem>>) dst(%dma_wait3A_200 : memref<40x144xf32, #tpu.memory_space<hbm>>)
      tpu.yield
    }) : () -> ()
    %mul3A_177 = arith.constant 640 : i32
    %mul3A_178 = arith.muli %arg1, %mul3A_177 : i32
    %add3A_179 = arith.constant 520 : i32
    %add3A_180 = arith.addi %mul3A_178, %add3A_179 : i32
    "tpu.region"() ({
      %run_scoped3A = tpu.sem_alloc : memref<!tpu.dma_semaphore, #tpu.memory_space<semaphore_mem>>
      %dma_start3A_189 = arith.constant 0 : i32
      %dma_start3A_190 = tpu.memref_slice %arg20[%add3A_180, %dma_start3A_189] : memref<10240x144xf32, #tpu.memory_space<vmem_shared>> -> memref<40x144xf32, #tpu.memory_space<vmem_shared>>
      %dma_start3A_191 = arith.constant 0 : i32
      %dma_start3A_192 = tpu.memref_slice %arg20[%add3A_180, %dma_start3A_191] : memref<10240x144xf32, #tpu.memory_space<vmem_shared>> -> memref<40x144xf32, #tpu.memory_space<vmem_shared>>
      tpu.enqueue_dma source(%dma_start3A_192 : memref<40x144xf32, #tpu.memory_space<vmem_shared>>) target(%arg16 : memref<40x144xf32, #tpu.memory_space<vmem>>) target_semaphore(%run_scoped3A : memref<!tpu.dma_semaphore, #tpu.memory_space<semaphore_mem>>)
      %dma_wait3A_193 = arith.constant 0 : i32
      %dma_wait3A_194 = tpu.memref_slice %arg20[%add3A_180, %dma_wait3A_193] : memref<10240x144xf32, #tpu.memory_space<vmem_shared>> -> memref<40x144xf32, #tpu.memory_space<vmem_shared>>
      %dma_wait3A_195 = arith.constant 0 : i32
      %dma_wait3A_196 = tpu.memref_slice %arg20[%add3A_180, %dma_wait3A_195] : memref<10240x144xf32, #tpu.memory_space<vmem_shared>> -> memref<40x144xf32, #tpu.memory_space<vmem_shared>>
      tpu.wait_dma2 semaphore(%run_scoped3A : memref<!tpu.dma_semaphore, #tpu.memory_space<semaphore_mem>>) src(%dma_wait3A_196 : memref<40x144xf32, #tpu.memory_space<vmem_shared>>) dst(%arg16 : memref<40x144xf32, #tpu.memory_space<vmem>>)
      tpu.yield
    }) : () -> ()
    "tpu.region"() ({
      %run_scoped3A = tpu.sem_alloc : memref<!tpu.dma_semaphore, #tpu.memory_space<semaphore_mem>>
      %dma_start3A_189 = arith.constant 0 : i32
      %dma_start3A_190 = tpu.memref_slice %arg7[%arg0, %add3A_180, %dma_start3A_189] : memref<2x10240x144xf32, #tpu.memory_space<hbm>> -> memref<1x40x144xf32, #tpu.memory_space<hbm>>
      %dma_start3A_191 = tpu.memref_squeeze %dma_start3A_190 : memref<1x40x144xf32, #tpu.memory_space<hbm>> -> memref<40x144xf32, #tpu.memory_space<hbm>>
      %dma_start3A_192 = arith.constant 0 : i32
      %dma_start3A_193 = tpu.memref_slice %arg7[%arg0, %add3A_180, %dma_start3A_192] : memref<2x10240x144xf32, #tpu.memory_space<hbm>> -> memref<1x40x144xf32, #tpu.memory_space<hbm>>
      %dma_start3A_194 = tpu.memref_squeeze %dma_start3A_193 : memref<1x40x144xf32, #tpu.memory_space<hbm>> -> memref<40x144xf32, #tpu.memory_space<hbm>>
      tpu.enqueue_dma source(%arg16 : memref<40x144xf32, #tpu.memory_space<vmem>>) target(%dma_start3A_194 : memref<40x144xf32, #tpu.memory_space<hbm>>) target_semaphore(%run_scoped3A : memref<!tpu.dma_semaphore, #tpu.memory_space<semaphore_mem>>)
      %dma_wait3A_195 = arith.constant 0 : i32
      %dma_wait3A_196 = tpu.memref_slice %arg7[%arg0, %add3A_180, %dma_wait3A_195] : memref<2x10240x144xf32, #tpu.memory_space<hbm>> -> memref<1x40x144xf32, #tpu.memory_space<hbm>>
      %dma_wait3A_197 = tpu.memref_squeeze %dma_wait3A_196 : memref<1x40x144xf32, #tpu.memory_space<hbm>> -> memref<40x144xf32, #tpu.memory_space<hbm>>
      %dma_wait3A_198 = arith.constant 0 : i32
      %dma_wait3A_199 = tpu.memref_slice %arg7[%arg0, %add3A_180, %dma_wait3A_198] : memref<2x10240x144xf32, #tpu.memory_space<hbm>> -> memref<1x40x144xf32, #tpu.memory_space<hbm>>
      %dma_wait3A_200 = tpu.memref_squeeze %dma_wait3A_199 : memref<1x40x144xf32, #tpu.memory_space<hbm>> -> memref<40x144xf32, #tpu.memory_space<hbm>>
      tpu.wait_dma2 semaphore(%run_scoped3A : memref<!tpu.dma_semaphore, #tpu.memory_space<semaphore_mem>>) src(%arg16 : memref<40x144xf32, #tpu.memory_space<vmem>>) dst(%dma_wait3A_200 : memref<40x144xf32, #tpu.memory_space<hbm>>)
      tpu.yield
    }) : () -> ()
    %mul3A_181 = arith.constant 640 : i32
    %mul3A_182 = arith.muli %arg1, %mul3A_181 : i32
    %add3A_183 = arith.constant 560 : i32
    %add3A_184 = arith.addi %mul3A_182, %add3A_183 : i32
    "tpu.region"() ({
      %run_scoped3A = tpu.sem_alloc : memref<!tpu.dma_semaphore, #tpu.memory_space<semaphore_mem>>
      %dma_start3A_189 = arith.constant 0 : i32
      %dma_start3A_190 = tpu.memref_slice %arg20[%add3A_184, %dma_start3A_189] : memref<10240x144xf32, #tpu.memory_space<vmem_shared>> -> memref<40x144xf32, #tpu.memory_space<vmem_shared>>
      %dma_start3A_191 = arith.constant 0 : i32
      %dma_start3A_192 = tpu.memref_slice %arg20[%add3A_184, %dma_start3A_191] : memref<10240x144xf32, #tpu.memory_space<vmem_shared>> -> memref<40x144xf32, #tpu.memory_space<vmem_shared>>
      tpu.enqueue_dma source(%dma_start3A_192 : memref<40x144xf32, #tpu.memory_space<vmem_shared>>) target(%arg16 : memref<40x144xf32, #tpu.memory_space<vmem>>) target_semaphore(%run_scoped3A : memref<!tpu.dma_semaphore, #tpu.memory_space<semaphore_mem>>)
      %dma_wait3A_193 = arith.constant 0 : i32
      %dma_wait3A_194 = tpu.memref_slice %arg20[%add3A_184, %dma_wait3A_193] : memref<10240x144xf32, #tpu.memory_space<vmem_shared>> -> memref<40x144xf32, #tpu.memory_space<vmem_shared>>
      %dma_wait3A_195 = arith.constant 0 : i32
      %dma_wait3A_196 = tpu.memref_slice %arg20[%add3A_184, %dma_wait3A_195] : memref<10240x144xf32, #tpu.memory_space<vmem_shared>> -> memref<40x144xf32, #tpu.memory_space<vmem_shared>>
      tpu.wait_dma2 semaphore(%run_scoped3A : memref<!tpu.dma_semaphore, #tpu.memory_space<semaphore_mem>>) src(%dma_wait3A_196 : memref<40x144xf32, #tpu.memory_space<vmem_shared>>) dst(%arg16 : memref<40x144xf32, #tpu.memory_space<vmem>>)
      tpu.yield
    }) : () -> ()
    "tpu.region"() ({
      %run_scoped3A = tpu.sem_alloc : memref<!tpu.dma_semaphore, #tpu.memory_space<semaphore_mem>>
      %dma_start3A_189 = arith.constant 0 : i32
      %dma_start3A_190 = tpu.memref_slice %arg7[%arg0, %add3A_184, %dma_start3A_189] : memref<2x10240x144xf32, #tpu.memory_space<hbm>> -> memref<1x40x144xf32, #tpu.memory_space<hbm>>
      %dma_start3A_191 = tpu.memref_squeeze %dma_start3A_190 : memref<1x40x144xf32, #tpu.memory_space<hbm>> -> memref<40x144xf32, #tpu.memory_space<hbm>>
      %dma_start3A_192 = arith.constant 0 : i32
      %dma_start3A_193 = tpu.memref_slice %arg7[%arg0, %add3A_184, %dma_start3A_192] : memref<2x10240x144xf32, #tpu.memory_space<hbm>> -> memref<1x40x144xf32, #tpu.memory_space<hbm>>
      %dma_start3A_194 = tpu.memref_squeeze %dma_start3A_193 : memref<1x40x144xf32, #tpu.memory_space<hbm>> -> memref<40x144xf32, #tpu.memory_space<hbm>>
      tpu.enqueue_dma source(%arg16 : memref<40x144xf32, #tpu.memory_space<vmem>>) target(%dma_start3A_194 : memref<40x144xf32, #tpu.memory_space<hbm>>) target_semaphore(%run_scoped3A : memref<!tpu.dma_semaphore, #tpu.memory_space<semaphore_mem>>)
      %dma_wait3A_195 = arith.constant 0 : i32
      %dma_wait3A_196 = tpu.memref_slice %arg7[%arg0, %add3A_184, %dma_wait3A_195] : memref<2x10240x144xf32, #tpu.memory_space<hbm>> -> memref<1x40x144xf32, #tpu.memory_space<hbm>>
      %dma_wait3A_197 = tpu.memref_squeeze %dma_wait3A_196 : memref<1x40x144xf32, #tpu.memory_space<hbm>> -> memref<40x144xf32, #tpu.memory_space<hbm>>
      %dma_wait3A_198 = arith.constant 0 : i32
      %dma_wait3A_199 = tpu.memref_slice %arg7[%arg0, %add3A_184, %dma_wait3A_198] : memref<2x10240x144xf32, #tpu.memory_space<hbm>> -> memref<1x40x144xf32, #tpu.memory_space<hbm>>
      %dma_wait3A_200 = tpu.memref_squeeze %dma_wait3A_199 : memref<1x40x144xf32, #tpu.memory_space<hbm>> -> memref<40x144xf32, #tpu.memory_space<hbm>>
      tpu.wait_dma2 semaphore(%run_scoped3A : memref<!tpu.dma_semaphore, #tpu.memory_space<semaphore_mem>>) src(%arg16 : memref<40x144xf32, #tpu.memory_space<vmem>>) dst(%dma_wait3A_200 : memref<40x144xf32, #tpu.memory_space<hbm>>)
      tpu.yield
    }) : () -> ()
    %mul3A_185 = arith.constant 640 : i32
    %mul3A_186 = arith.muli %arg1, %mul3A_185 : i32
    %add3A_187 = arith.constant 600 : i32
    %add3A_188 = arith.addi %mul3A_186, %add3A_187 : i32
    "tpu.region"() ({
      %run_scoped3A = tpu.sem_alloc : memref<!tpu.dma_semaphore, #tpu.memory_space<semaphore_mem>>
      %dma_start3A_189 = arith.constant 0 : i32
      %dma_start3A_190 = tpu.memref_slice %arg20[%add3A_188, %dma_start3A_189] : memref<10240x144xf32, #tpu.memory_space<vmem_shared>> -> memref<40x144xf32, #tpu.memory_space<vmem_shared>>
      %dma_start3A_191 = arith.constant 0 : i32
      %dma_start3A_192 = tpu.memref_slice %arg20[%add3A_188, %dma_start3A_191] : memref<10240x144xf32, #tpu.memory_space<vmem_shared>> -> memref<40x144xf32, #tpu.memory_space<vmem_shared>>
      tpu.enqueue_dma source(%dma_start3A_192 : memref<40x144xf32, #tpu.memory_space<vmem_shared>>) target(%arg16 : memref<40x144xf32, #tpu.memory_space<vmem>>) target_semaphore(%run_scoped3A : memref<!tpu.dma_semaphore, #tpu.memory_space<semaphore_mem>>)
      %dma_wait3A_193 = arith.constant 0 : i32
      %dma_wait3A_194 = tpu.memref_slice %arg20[%add3A_188, %dma_wait3A_193] : memref<10240x144xf32, #tpu.memory_space<vmem_shared>> -> memref<40x144xf32, #tpu.memory_space<vmem_shared>>
      %dma_wait3A_195 = arith.constant 0 : i32
      %dma_wait3A_196 = tpu.memref_slice %arg20[%add3A_188, %dma_wait3A_195] : memref<10240x144xf32, #tpu.memory_space<vmem_shared>> -> memref<40x144xf32, #tpu.memory_space<vmem_shared>>
      tpu.wait_dma2 semaphore(%run_scoped3A : memref<!tpu.dma_semaphore, #tpu.memory_space<semaphore_mem>>) src(%dma_wait3A_196 : memref<40x144xf32, #tpu.memory_space<vmem_shared>>) dst(%arg16 : memref<40x144xf32, #tpu.memory_space<vmem>>)
      tpu.yield
    }) : () -> ()
    "tpu.region"() ({
      %run_scoped3A = tpu.sem_alloc : memref<!tpu.dma_semaphore, #tpu.memory_space<semaphore_mem>>
      %dma_start3A_189 = arith.constant 0 : i32
      %dma_start3A_190 = tpu.memref_slice %arg7[%arg0, %add3A_188, %dma_start3A_189] : memref<2x10240x144xf32, #tpu.memory_space<hbm>> -> memref<1x40x144xf32, #tpu.memory_space<hbm>>
      %dma_start3A_191 = tpu.memref_squeeze %dma_start3A_190 : memref<1x40x144xf32, #tpu.memory_space<hbm>> -> memref<40x144xf32, #tpu.memory_space<hbm>>
      %dma_start3A_192 = arith.constant 0 : i32
      %dma_start3A_193 = tpu.memref_slice %arg7[%arg0, %add3A_188, %dma_start3A_192] : memref<2x10240x144xf32, #tpu.memory_space<hbm>> -> memref<1x40x144xf32, #tpu.memory_space<hbm>>
      %dma_start3A_194 = tpu.memref_squeeze %dma_start3A_193 : memref<1x40x144xf32, #tpu.memory_space<hbm>> -> memref<40x144xf32, #tpu.memory_space<hbm>>
      tpu.enqueue_dma source(%arg16 : memref<40x144xf32, #tpu.memory_space<vmem>>) target(%dma_start3A_194 : memref<40x144xf32, #tpu.memory_space<hbm>>) target_semaphore(%run_scoped3A : memref<!tpu.dma_semaphore, #tpu.memory_space<semaphore_mem>>)
      %dma_wait3A_195 = arith.constant 0 : i32
      %dma_wait3A_196 = tpu.memref_slice %arg7[%arg0, %add3A_188, %dma_wait3A_195] : memref<2x10240x144xf32, #tpu.memory_space<hbm>> -> memref<1x40x144xf32, #tpu.memory_space<hbm>>
      %dma_wait3A_197 = tpu.memref_squeeze %dma_wait3A_196 : memref<1x40x144xf32, #tpu.memory_space<hbm>> -> memref<40x144xf32, #tpu.memory_space<hbm>>
      %dma_wait3A_198 = arith.constant 0 : i32
      %dma_wait3A_199 = tpu.memref_slice %arg7[%arg0, %add3A_188, %dma_wait3A_198] : memref<2x10240x144xf32, #tpu.memory_space<hbm>> -> memref<1x40x144xf32, #tpu.memory_space<hbm>>
      %dma_wait3A_200 = tpu.memref_squeeze %dma_wait3A_199 : memref<1x40x144xf32, #tpu.memory_space<hbm>> -> memref<40x144xf32, #tpu.memory_space<hbm>>
      tpu.wait_dma2 semaphore(%run_scoped3A : memref<!tpu.dma_semaphore, #tpu.memory_space<semaphore_mem>>) src(%arg16 : memref<40x144xf32, #tpu.memory_space<vmem>>) dst(%dma_wait3A_200 : memref<40x144xf32, #tpu.memory_space<hbm>>)
      tpu.yield
    }) : () -> ()
    return
  }
}

module attributes {stable_mosaic.version = 14 : i64} {
  func.func @_l1_dense_body(%arg0: i32, %arg1: memref<400x128xf32, #tpu.memory_space<vmem>>, %arg2: memref<128x128xf32, #tpu.memory_space<vmem>>, %arg3: memref<1x128xf32, #tpu.memory_space<vmem>>, %arg4: memref<1x128xf32, #tpu.memory_space<vmem>>, %arg5: memref<400x136xf32, #tpu.memory_space<vmem>>, %arg6: memref<400x8xf32, #tpu.memory_space<vmem>>, %arg7: memref<1x16xf32, #tpu.memory_space<vmem>>) attributes {dimension_semantics = [#tpu.dimension_semantics<arbitrary>], iteration_bounds = array<i64: 25>, scalar_prefetch = 0 : i64, scratch_operands = 0 : i64, tpu.core_type = #tpu.core_type<tc>, window_params = [{transform_indices = @transform_0, window_bounds = array<i64: 400, 128>}, {pipeline_mode = #tpu.pipeline_mode<synchronous>, transform_indices = @transform_1, window_bounds = array<i64: 128, 128>}, {pipeline_mode = #tpu.pipeline_mode<synchronous>, transform_indices = @transform_2, window_bounds = array<i64: 1, 128>}, {pipeline_mode = #tpu.pipeline_mode<synchronous>, transform_indices = @transform_3, window_bounds = array<i64: 1, 128>}, {transform_indices = @transform_4, window_bounds = array<i64: 400, 136>}, {transform_indices = @transform_5, window_bounds = array<i64: 400, 8>}, {pipeline_mode = #tpu.pipeline_mode<synchronous>, transform_indices = @transform_6, window_bounds = array<i64: 1, 16>}]} {
    %get3A = arith.constant 0 : index
    %get3A_0 = arith.constant 0 : index
    %get3A_1 = vector.load %arg1[%get3A, %get3A_0] : memref<400x128xf32, #tpu.memory_space<vmem>>, vector<400x128xf32>
    %get3A_2 = arith.constant 0 : index
    %get3A_3 = arith.constant 0 : index
    %get3A_4 = vector.load %arg2[%get3A_2, %get3A_3] : memref<128x128xf32, #tpu.memory_space<vmem>>, vector<128x128xf32>
    %dot_general3A = arith.constant dense<0.000000e+00> : vector<400x128xf32>
    %dot_general3A_5 = tpu.matmul %get3A_1, %get3A_4, %dot_general3A {dimension_numbers = #tpu.dot_dimension_numbers<[1], [0], [0], [1], [0, 0, 1, 1], [], []>, transpose_lhs_hint = false} : vector<400x128xf32>, vector<128x128xf32>, vector<400x128xf32> -> vector<400x128xf32>
    %iota3A = tpu.iota {dimensions = array<i32: 0>} : vector<128x8xi32>
    %iota3A_6 = tpu.iota {dimensions = array<i32: 1>} : vector<128x8xi32>
    %jit3A = arith.constant 16 : i32
    %div3A = vector.broadcast %jit3A : i32 to vector<128x8xi32>
    %div3A_7 = arith.divsi %iota3A, %div3A : vector<128x8xi32>
    %sign3A = arith.constant 0 : i32
    %sign3A_8 = vector.broadcast %sign3A : i32 to vector<128x8xi32>
    %sign3A_9 = arith.cmpi sgt, %iota3A, %sign3A_8 : vector<128x8xi32>
    %sign3A_10 = arith.extui %sign3A_9 : vector<128x8xi1> to vector<128x8xi32>
    %sign3A_11 = arith.constant 0 : i32
    %sign3A_12 = vector.broadcast %sign3A_11 : i32 to vector<128x8xi32>
    %sign3A_13 = arith.cmpi slt, %iota3A, %sign3A_12 : vector<128x8xi32>
    %sign3A_14 = arith.extui %sign3A_13 : vector<128x8xi1> to vector<128x8xi32>
    %sign3A_15 = arith.subi %sign3A_10, %sign3A_14 : vector<128x8xi32>
    %sign3A_16 = arith.constant 0 : i32
    %sign3A_17 = arith.cmpi sgt, %jit3A, %sign3A_16 : i32
    %sign3A_18 = arith.extui %sign3A_17 : i1 to i32
    %sign3A_19 = arith.constant 0 : i32
    %sign3A_20 = arith.cmpi slt, %jit3A, %sign3A_19 : i32
    %sign3A_21 = arith.extui %sign3A_20 : i1 to i32
    %sign3A_22 = arith.subi %sign3A_18, %sign3A_21 : i32
    %ne3A = vector.broadcast %sign3A_22 : i32 to vector<128x8xi32>
    %ne3A_23 = arith.cmpi ne, %sign3A_15, %ne3A : vector<128x8xi32>
    %rem3A = vector.broadcast %jit3A : i32 to vector<128x8xi32>
    %rem3A_24 = arith.remsi %iota3A, %rem3A : vector<128x8xi32>
    %ne3A_25 = arith.constant 0 : i32
    %ne3A_26 = vector.broadcast %ne3A_25 : i32 to vector<128x8xi32>
    %ne3A_27 = arith.cmpi ne, %rem3A_24, %ne3A_26 : vector<128x8xi32>
    %and3A = arith.andi %ne3A_23, %ne3A_27 : vector<128x8xi1>
    %sub3A = arith.constant 1 : i32
    %sub3A_28 = vector.broadcast %sub3A : i32 to vector<128x8xi32>
    %sub3A_29 = arith.subi %div3A_7, %sub3A_28 : vector<128x8xi32>
    %select_n3A = arith.select %and3A, %sub3A_29, %div3A_7 : vector<128x8xi1>, vector<128x8xi32>
    %eq3A = arith.cmpi eq, %select_n3A, %iota3A_6 : vector<128x8xi32>
    %convert_element_type3A = arith.extui %eq3A : vector<128x8xi1> to vector<128x8xi32>
    %convert_element_type3A_30 = arith.sitofp %convert_element_type3A : vector<128x8xi32> to vector<128x8xf32>
    %get3A_31 = arith.constant 0 : index
    %get3A_32 = arith.constant 0 : index
    %get3A_33 = vector.load %arg3[%get3A_31, %get3A_32] : memref<1x128xf32, #tpu.memory_space<vmem>>, vector<1x128xf32>
    %mul3A = vector.broadcast %get3A_33 : vector<1x128xf32> to vector<400x128xf32>
    %mul3A_34 = arith.mulf %dot_general3A_5, %mul3A : vector<400x128xf32>
    %dot_general3A_35 = arith.constant dense<0.000000e+00> : vector<400x8xf32>
    %dot_general3A_36 = tpu.matmul %mul3A_34, %convert_element_type3A_30, %dot_general3A_35 {dimension_numbers = #tpu.dot_dimension_numbers<[1], [0], [0], [1], [0, 0, 1, 1], [], []>, transpose_lhs_hint = false} : vector<400x128xf32>, vector<128x8xf32>, vector<400x8xf32> -> vector<400x8xf32>
    %get3A_37 = arith.constant 0 : index
    %get3A_38 = arith.constant 0 : index
    %get3A_39 = vector.load %arg4[%get3A_37, %get3A_38] : memref<1x128xf32, #tpu.memory_space<vmem>>, vector<1x128xf32>
    %mul3A_40 = vector.broadcast %get3A_39 : vector<1x128xf32> to vector<400x128xf32>
    %mul3A_41 = arith.mulf %dot_general3A_5, %mul3A_40 : vector<400x128xf32>
    %dot_general3A_42 = arith.constant dense<0.000000e+00> : vector<400x8xf32>
    %dot_general3A_43 = tpu.matmul %mul3A_41, %convert_element_type3A_30, %dot_general3A_42 {dimension_numbers = #tpu.dot_dimension_numbers<[1], [0], [0], [1], [0, 0, 1, 1], [], []>, transpose_lhs_hint = false} : vector<400x128xf32>, vector<128x8xf32>, vector<400x8xf32> -> vector<400x8xf32>
    %concatenate3A = tpu.concatenate %dot_general3A_36, %dot_general3A_5 in 1 : vector<400x8xf32>, vector<400x128xf32> -> vector<400x136xf32>
    %swap3A = arith.constant 0 : index
    %swap3A_44 = arith.constant 0 : index
    %swap3A_45 = vector.load %arg5[%swap3A, %swap3A_44] : memref<400x136xf32, #tpu.memory_space<vmem>>, vector<400x136xf32>
    tpu.vector_store %arg5[%swap3A, %swap3A_44], %concatenate3A {strides = array<i32>} : memref<400x136xf32, #tpu.memory_space<vmem>>, vector<400x136xf32>,
    %swap3A_46 = arith.constant 0 : index
    %swap3A_47 = arith.constant 0 : index
    %swap3A_48 = vector.load %arg6[%swap3A_46, %swap3A_47] : memref<400x8xf32, #tpu.memory_space<vmem>>, vector<400x8xf32>
    tpu.vector_store %arg6[%swap3A_46, %swap3A_47], %dot_general3A_43 {strides = array<i32>} : memref<400x8xf32, #tpu.memory_space<vmem>>, vector<400x8xf32>,
    %reduce_max3A = arith.constant dense<0xFF800000> : vector<8xf32>
    %reduce_max3A_49 = vector.multi_reduction <maximumf>, %dot_general3A_36, %reduce_max3A [0] : vector<400x8xf32> to vector<8xf32>
    %broadcast_in_dim3A = vector.shape_cast %reduce_max3A_49 : vector<8xf32> to vector<1x8xf32>
    %reduce_max3A_50 = arith.constant dense<0xFF800000> : vector<8xf32>
    %reduce_max3A_51 = vector.multi_reduction <maximumf>, %dot_general3A_43, %reduce_max3A_50 [0] : vector<400x8xf32> to vector<8xf32>
    %broadcast_in_dim3A_52 = vector.shape_cast %reduce_max3A_51 : vector<8xf32> to vector<1x8xf32>
    %concatenate3A_53 = tpu.concatenate %broadcast_in_dim3A, %broadcast_in_dim3A_52 in 1 : vector<1x8xf32>, vector<1x8xf32> -> vector<1x16xf32>
    %eq3A_54 = arith.constant 0 : i32
    %eq3A_55 = arith.cmpi eq, %arg0, %eq3A_54 : i32
    %convert_element_type3A_56 = arith.extui %eq3A_55 : i1 to i32
    %cond3A = arith.constant 0 : i32
    %cond3A_57 = arith.cmpi ne, %convert_element_type3A_56, %cond3A : i32
    scf.if %cond3A_57 {
      %broadcast_in_dim3A_64 = arith.constant -3.400000e+38 : f32
      %broadcast_in_dim3A_65 = vector.broadcast %broadcast_in_dim3A_64 : f32 to vector<1x16xf32>
      %swap3A_66 = arith.constant 0 : index
      %swap3A_67 = arith.constant 0 : index
      %swap3A_68 = vector.load %arg7[%swap3A_66, %swap3A_67] : memref<1x16xf32, #tpu.memory_space<vmem>>, vector<1x16xf32>
      tpu.vector_store %arg7[%swap3A_66, %swap3A_67], %broadcast_in_dim3A_65 {strides = array<i32>} : memref<1x16xf32, #tpu.memory_space<vmem>>, vector<1x16xf32>,
    } else {
    }
    %get3A_58 = arith.constant 0 : index
    %get3A_59 = arith.constant 0 : index
    %get3A_60 = vector.load %arg7[%get3A_58, %get3A_59] : memref<1x16xf32, #tpu.memory_space<vmem>>, vector<1x16xf32>
    %max3A = arith.maximumf %get3A_60, %concatenate3A_53 : vector<1x16xf32>
    %swap3A_61 = arith.constant 0 : index
    %swap3A_62 = arith.constant 0 : index
    %swap3A_63 = vector.load %arg7[%swap3A_61, %swap3A_62] : memref<1x16xf32, #tpu.memory_space<vmem>>, vector<1x16xf32>
    tpu.vector_store %arg7[%swap3A_61, %swap3A_62], %max3A {strides = array<i32>} : memref<1x16xf32, #tpu.memory_space<vmem>>, vector<1x16xf32>,
    return
  }
  func.func @transform_0(%arg0: i32) -> (i32, i32) {
    %c0_i32 = arith.constant 0 : i32
    %c0_i32_0 = arith.constant 0 : i32
    return %arg0, %c0_i32 : i32, i32
  }
  func.func @transform_1(%arg0: i32) -> (i32, i32) {
    %c0_i32 = arith.constant 0 : i32
    %c0_i32_0 = arith.constant 0 : i32
    %c0_i32_1 = arith.constant 0 : i32
    return %c0_i32, %c0_i32_0 : i32, i32
  }
  func.func @transform_2(%arg0: i32) -> (i32, i32) {
    %c0_i32 = arith.constant 0 : i32
    %c0_i32_0 = arith.constant 0 : i32
    %c0_i32_1 = arith.constant 0 : i32
    return %c0_i32, %c0_i32_0 : i32, i32
  }
  func.func @transform_3(%arg0: i32) -> (i32, i32) {
    %c0_i32 = arith.constant 0 : i32
    %c0_i32_0 = arith.constant 0 : i32
    %c0_i32_1 = arith.constant 0 : i32
    return %c0_i32, %c0_i32_0 : i32, i32
  }
  func.func @transform_4(%arg0: i32) -> (i32, i32) {
    %c0_i32 = arith.constant 0 : i32
    %c0_i32_0 = arith.constant 0 : i32
    return %arg0, %c0_i32 : i32, i32
  }
  func.func @transform_5(%arg0: i32) -> (i32, i32) {
    %c0_i32 = arith.constant 0 : i32
    %c0_i32_0 = arith.constant 0 : i32
    return %arg0, %c0_i32 : i32, i32
  }
  func.func @transform_6(%arg0: i32) -> (i32, i32) {
    %c0_i32 = arith.constant 0 : i32
    %c0_i32_0 = arith.constant 0 : i32
    %c0_i32_1 = arith.constant 0 : i32
    return %c0_i32, %c0_i32_0 : i32, i32
  }
}

module attributes {stable_mosaic.version = 14 : i64} {
  func.func @_l2_dense_body(%arg0: i32, %arg1: memref<400x144xf32, #tpu.memory_space<vmem>>, %arg2: memref<400x144xf32, #tpu.memory_space<vmem>>, %arg3: memref<1x128xf32, #tpu.memory_space<vmem>>, %arg4: memref<128x64xf32, #tpu.memory_space<vmem>>, %arg5: memref<1x64xf32, #tpu.memory_space<vmem>>, %arg6: memref<1x64xf32, #tpu.memory_space<vmem>>, %arg7: memref<400x72xf32, #tpu.memory_space<vmem>>, %arg8: memref<400x8xf32, #tpu.memory_space<vmem>>, %arg9: memref<1x16xf32, #tpu.memory_space<vmem>>) attributes {dimension_semantics = [#tpu.dimension_semantics<arbitrary>], iteration_bounds = array<i64: 25>, scalar_prefetch = 0 : i64, scratch_operands = 0 : i64, tpu.core_type = #tpu.core_type<tc>, window_params = [{transform_indices = @transform_0, window_bounds = array<i64: 400, 144>}, {transform_indices = @transform_1, window_bounds = array<i64: 400, 144>}, {pipeline_mode = #tpu.pipeline_mode<synchronous>, transform_indices = @transform_2, window_bounds = array<i64: 1, 128>}, {pipeline_mode = #tpu.pipeline_mode<synchronous>, transform_indices = @transform_3, window_bounds = array<i64: 128, 64>}, {pipeline_mode = #tpu.pipeline_mode<synchronous>, transform_indices = @transform_4, window_bounds = array<i64: 1, 64>}, {pipeline_mode = #tpu.pipeline_mode<synchronous>, transform_indices = @transform_5, window_bounds = array<i64: 1, 64>}, {transform_indices = @transform_6, window_bounds = array<i64: 400, 72>}, {transform_indices = @transform_7, window_bounds = array<i64: 400, 8>}, {pipeline_mode = #tpu.pipeline_mode<synchronous>, transform_indices = @transform_8, window_bounds = array<i64: 1, 16>}]} {
    %get3A = arith.constant 0 : index
    %get3A_0 = arith.constant 0 : index
    %get3A_1 = vector.load %arg1[%get3A, %get3A_0] : memref<400x144xf32, #tpu.memory_space<vmem>>, vector<400x144xf32>
    %get3A_2 = arith.constant 0 : index
    %get3A_3 = arith.constant 0 : index
    %get3A_4 = vector.load %arg2[%get3A_2, %get3A_3] : memref<400x144xf32, #tpu.memory_space<vmem>>, vector<400x144xf32>
    %add3A = arith.addf %get3A_1, %get3A_4 : vector<400x144xf32>
    %slice3A = vector.extract_strided_slice %add3A {offsets = [0, 0], sizes = [400, 8], strides = [1, 1]} : vector<400x144xf32> to vector<400x8xf32>
    %slice3A_5 = vector.extract_strided_slice %add3A {offsets = [0, 8], sizes = [400, 128], strides = [1, 1]} : vector<400x144xf32> to vector<400x128xf32>
    %iota3A = tpu.iota {dimensions = array<i32: 0>} : vector<8x128xi32>
    %iota3A_6 = tpu.iota {dimensions = array<i32: 1>} : vector<8x128xi32>
    %jit3A = arith.constant 16 : i32
    %div3A = vector.broadcast %jit3A : i32 to vector<8x128xi32>
    %div3A_7 = arith.divsi %iota3A_6, %div3A : vector<8x128xi32>
    %sign3A = arith.constant 0 : i32
    %sign3A_8 = vector.broadcast %sign3A : i32 to vector<8x128xi32>
    %sign3A_9 = arith.cmpi sgt, %iota3A_6, %sign3A_8 : vector<8x128xi32>
    %sign3A_10 = arith.extui %sign3A_9 : vector<8x128xi1> to vector<8x128xi32>
    %sign3A_11 = arith.constant 0 : i32
    %sign3A_12 = vector.broadcast %sign3A_11 : i32 to vector<8x128xi32>
    %sign3A_13 = arith.cmpi slt, %iota3A_6, %sign3A_12 : vector<8x128xi32>
    %sign3A_14 = arith.extui %sign3A_13 : vector<8x128xi1> to vector<8x128xi32>
    %sign3A_15 = arith.subi %sign3A_10, %sign3A_14 : vector<8x128xi32>
    %sign3A_16 = arith.constant 0 : i32
    %sign3A_17 = arith.cmpi sgt, %jit3A, %sign3A_16 : i32
    %sign3A_18 = arith.extui %sign3A_17 : i1 to i32
    %sign3A_19 = arith.constant 0 : i32
    %sign3A_20 = arith.cmpi slt, %jit3A, %sign3A_19 : i32
    %sign3A_21 = arith.extui %sign3A_20 : i1 to i32
    %sign3A_22 = arith.subi %sign3A_18, %sign3A_21 : i32
    %ne3A = vector.broadcast %sign3A_22 : i32 to vector<8x128xi32>
    %ne3A_23 = arith.cmpi ne, %sign3A_15, %ne3A : vector<8x128xi32>
    %rem3A = vector.broadcast %jit3A : i32 to vector<8x128xi32>
    %rem3A_24 = arith.remsi %iota3A_6, %rem3A : vector<8x128xi32>
    %ne3A_25 = arith.constant 0 : i32
    %ne3A_26 = vector.broadcast %ne3A_25 : i32 to vector<8x128xi32>
    %ne3A_27 = arith.cmpi ne, %rem3A_24, %ne3A_26 : vector<8x128xi32>
    %and3A = arith.andi %ne3A_23, %ne3A_27 : vector<8x128xi1>
    %sub3A = arith.constant 1 : i32
    %sub3A_28 = vector.broadcast %sub3A : i32 to vector<8x128xi32>
    %sub3A_29 = arith.subi %div3A_7, %sub3A_28 : vector<8x128xi32>
    %select_n3A = arith.select %and3A, %sub3A_29, %div3A_7 : vector<8x128xi1>, vector<8x128xi32>
    %eq3A = arith.cmpi eq, %select_n3A, %iota3A : vector<8x128xi32>
    %convert_element_type3A = arith.extui %eq3A : vector<8x128xi1> to vector<8x128xi32>
    %convert_element_type3A_30 = arith.sitofp %convert_element_type3A : vector<8x128xi32> to vector<8x128xf32>
    %dot_general3A = arith.constant dense<0.000000e+00> : vector<400x128xf32>
    %dot_general3A_31 = tpu.matmul %slice3A, %convert_element_type3A_30, %dot_general3A {dimension_numbers = #tpu.dot_dimension_numbers<[1], [0], [0], [1], [0, 0, 1, 1], [], []>, transpose_lhs_hint = false} : vector<400x8xf32>, vector<8x128xf32>, vector<400x128xf32> -> vector<400x128xf32>
    %gt3A = arith.constant 0.000000e+00 : f32
    %gt3A_32 = vector.broadcast %gt3A : f32 to vector<400x128xf32>
    %gt3A_33 = arith.cmpf ogt, %dot_general3A_31, %gt3A_32 : vector<400x128xf32>
    %div3A_34 = arith.divf %slice3A_5, %dot_general3A_31 : vector<400x128xf32>
    %jit3A_35 = arith.constant 0.000000e+00 : f32
    %broadcast_in_dim3A = vector.broadcast %jit3A_35 : f32 to vector<400x128xf32>
    %select_n3A_36 = arith.select %gt3A_33, %div3A_34, %broadcast_in_dim3A : vector<400x128xi1>, vector<400x128xf32>
    %get3A_37 = arith.constant 0 : index
    %get3A_38 = arith.constant 0 : index
    %get3A_39 = vector.load %arg3[%get3A_37, %get3A_38] : memref<1x128xf32, #tpu.memory_space<vmem>>, vector<1x128xf32>
    %add3A_40 = vector.broadcast %get3A_39 : vector<1x128xf32> to vector<400x128xf32>
    %add3A_41 = arith.addf %select_n3A_36, %add3A_40 : vector<400x128xf32>
    %gt3A_42 = arith.constant 0.000000e+00 : f32
    %gt3A_43 = vector.broadcast %gt3A_42 : f32 to vector<400x128xf32>
    %gt3A_44 = arith.cmpf ogt, %add3A_41, %gt3A_43 : vector<400x128xf32>
    %exp3A = math.exp %add3A_41 : vector<400x128xf32>
    %sub3A_45 = arith.constant 1.000000e+00 : f32
    %sub3A_46 = vector.broadcast %sub3A_45 : f32 to vector<400x128xf32>
    %sub3A_47 = arith.subf %exp3A, %sub3A_46 : vector<400x128xf32>
    %select_n3A_48 = arith.select %gt3A_44, %add3A_41, %sub3A_47 : vector<400x128xi1>, vector<400x128xf32>
    %get3A_49 = arith.constant 0 : index
    %get3A_50 = arith.constant 0 : index
    %get3A_51 = vector.load %arg4[%get3A_49, %get3A_50] : memref<128x64xf32, #tpu.memory_space<vmem>>, vector<128x64xf32>
    %dot_general3A_52 = arith.constant dense<0.000000e+00> : vector<400x64xf32>
    %dot_general3A_53 = tpu.matmul %select_n3A_48, %get3A_51, %dot_general3A_52 {dimension_numbers = #tpu.dot_dimension_numbers<[1], [0], [0], [1], [0, 0, 1, 1], [], []>, transpose_lhs_hint = false} : vector<400x128xf32>, vector<128x64xf32>, vector<400x64xf32> -> vector<400x64xf32>
    %get3A_54 = arith.constant 0 : index
    %get3A_55 = arith.constant 0 : index
    %get3A_56 = vector.load %arg5[%get3A_54, %get3A_55] : memref<1x64xf32, #tpu.memory_space<vmem>>, vector<1x64xf32>
    %mul3A = vector.broadcast %get3A_56 : vector<1x64xf32> to vector<400x64xf32>
    %mul3A_57 = arith.mulf %dot_general3A_53, %mul3A : vector<400x64xf32>
    %reduce_sum3A = arith.constant dense<0.000000e+00> : vector<400xf32>
    %reduce_sum3A_58 = vector.multi_reduction <add>, %mul3A_57, %reduce_sum3A [1] : vector<400x64xf32> to vector<400xf32>
    %broadcast_in_dim3A_59 = vector.shape_cast %reduce_sum3A_58 : vector<400xf32> to vector<400x1xf32>
    %get3A_60 = arith.constant 0 : index
    %get3A_61 = arith.constant 0 : index
    %get3A_62 = vector.load %arg6[%get3A_60, %get3A_61] : memref<1x64xf32, #tpu.memory_space<vmem>>, vector<1x64xf32>
    %mul3A_63 = vector.broadcast %get3A_62 : vector<1x64xf32> to vector<400x64xf32>
    %mul3A_64 = arith.mulf %dot_general3A_53, %mul3A_63 : vector<400x64xf32>
    %reduce_sum3A_65 = arith.constant dense<0.000000e+00> : vector<400xf32>
    %reduce_sum3A_66 = vector.multi_reduction <add>, %mul3A_64, %reduce_sum3A_65 [1] : vector<400x64xf32> to vector<400xf32>
    %broadcast_in_dim3A_67 = vector.shape_cast %reduce_sum3A_66 : vector<400xf32> to vector<400x1xf32>
    %broadcast_in_dim3A_68 = arith.constant 0.000000e+00 : f32
    %broadcast_in_dim3A_69 = vector.broadcast %broadcast_in_dim3A_68 : f32 to vector<400x7xf32>
    %concatenate3A = tpu.concatenate %broadcast_in_dim3A_59, %broadcast_in_dim3A_69, %dot_general3A_53 in 1 : vector<400x1xf32>, vector<400x7xf32>, vector<400x64xf32> -> vector<400x72xf32>
    %swap3A = arith.constant 0 : index
    %swap3A_70 = arith.constant 0 : index
    %swap3A_71 = vector.load %arg7[%swap3A, %swap3A_70] : memref<400x72xf32, #tpu.memory_space<vmem>>, vector<400x72xf32>
    tpu.vector_store %arg7[%swap3A, %swap3A_70], %concatenate3A {strides = array<i32>} : memref<400x72xf32, #tpu.memory_space<vmem>>, vector<400x72xf32>,
    %concatenate3A_72 = tpu.concatenate %broadcast_in_dim3A_67, %broadcast_in_dim3A_69 in 1 : vector<400x1xf32>, vector<400x7xf32> -> vector<400x8xf32>
    %swap3A_73 = arith.constant 0 : index
    %swap3A_74 = arith.constant 0 : index
    %swap3A_75 = vector.load %arg8[%swap3A_73, %swap3A_74] : memref<400x8xf32, #tpu.memory_space<vmem>>, vector<400x8xf32>
    tpu.vector_store %arg8[%swap3A_73, %swap3A_74], %concatenate3A_72 {strides = array<i32>} : memref<400x8xf32, #tpu.memory_space<vmem>>, vector<400x8xf32>,
    %reduce_max3A = arith.constant dense<0xFF800000> : vector<1xf32>
    %reduce_max3A_76 = vector.multi_reduction <maximumf>, %broadcast_in_dim3A_59, %reduce_max3A [0] : vector<400x1xf32> to vector<1xf32>
    %broadcast_in_dim3A_77 = vector.shape_cast %reduce_max3A_76 : vector<1xf32> to vector<1x1xf32>
    %reduce_max3A_78 = arith.constant dense<0xFF800000> : vector<1xf32>
    %reduce_max3A_79 = vector.multi_reduction <maximumf>, %broadcast_in_dim3A_67, %reduce_max3A_78 [0] : vector<400x1xf32> to vector<1xf32>
    %broadcast_in_dim3A_80 = vector.shape_cast %reduce_max3A_79 : vector<1xf32> to vector<1x1xf32>
    %broadcast_in_dim3A_81 = arith.constant -3.400000e+38 : f32
    %broadcast_in_dim3A_82 = vector.broadcast %broadcast_in_dim3A_81 : f32 to vector<1x14xf32>
    %concatenate3A_83 = tpu.concatenate %broadcast_in_dim3A_77, %broadcast_in_dim3A_80, %broadcast_in_dim3A_82 in 1 : vector<1x1xf32>, vector<1x1xf32>, vector<1x14xf32> -> vector<1x16xf32>
    %eq3A_84 = arith.constant 0 : i32
    %eq3A_85 = arith.cmpi eq, %arg0, %eq3A_84 : i32
    %convert_element_type3A_86 = arith.extui %eq3A_85 : i1 to i32
    %cond3A = arith.constant 0 : i32
    %cond3A_87 = arith.cmpi ne, %convert_element_type3A_86, %cond3A : i32
    scf.if %cond3A_87 {
      %broadcast_in_dim3A_94 = arith.constant -3.400000e+38 : f32
      %broadcast_in_dim3A_95 = vector.broadcast %broadcast_in_dim3A_94 : f32 to vector<1x16xf32>
      %swap3A_96 = arith.constant 0 : index
      %swap3A_97 = arith.constant 0 : index
      %swap3A_98 = vector.load %arg9[%swap3A_96, %swap3A_97] : memref<1x16xf32, #tpu.memory_space<vmem>>, vector<1x16xf32>
      tpu.vector_store %arg9[%swap3A_96, %swap3A_97], %broadcast_in_dim3A_95 {strides = array<i32>} : memref<1x16xf32, #tpu.memory_space<vmem>>, vector<1x16xf32>,
    } else {
    }
    %get3A_88 = arith.constant 0 : index
    %get3A_89 = arith.constant 0 : index
    %get3A_90 = vector.load %arg9[%get3A_88, %get3A_89] : memref<1x16xf32, #tpu.memory_space<vmem>>, vector<1x16xf32>
    %max3A = arith.maximumf %get3A_90, %concatenate3A_83 : vector<1x16xf32>
    %swap3A_91 = arith.constant 0 : index
    %swap3A_92 = arith.constant 0 : index
    %swap3A_93 = vector.load %arg9[%swap3A_91, %swap3A_92] : memref<1x16xf32, #tpu.memory_space<vmem>>, vector<1x16xf32>
    tpu.vector_store %arg9[%swap3A_91, %swap3A_92], %max3A {strides = array<i32>} : memref<1x16xf32, #tpu.memory_space<vmem>>, vector<1x16xf32>,
    return
  }
  func.func @transform_0(%arg0: i32) -> (i32, i32) {
    %c0_i32 = arith.constant 0 : i32
    %c0_i32_0 = arith.constant 0 : i32
    return %arg0, %c0_i32 : i32, i32
  }
  func.func @transform_1(%arg0: i32) -> (i32, i32) {
    %c0_i32 = arith.constant 0 : i32
    %c0_i32_0 = arith.constant 0 : i32
    return %arg0, %c0_i32 : i32, i32
  }
  func.func @transform_2(%arg0: i32) -> (i32, i32) {
    %c0_i32 = arith.constant 0 : i32
    %c0_i32_0 = arith.constant 0 : i32
    %c0_i32_1 = arith.constant 0 : i32
    return %c0_i32, %c0_i32_0 : i32, i32
  }
  func.func @transform_3(%arg0: i32) -> (i32, i32) {
    %c0_i32 = arith.constant 0 : i32
    %c0_i32_0 = arith.constant 0 : i32
    %c0_i32_1 = arith.constant 0 : i32
    return %c0_i32, %c0_i32_0 : i32, i32
  }
  func.func @transform_4(%arg0: i32) -> (i32, i32) {
    %c0_i32 = arith.constant 0 : i32
    %c0_i32_0 = arith.constant 0 : i32
    %c0_i32_1 = arith.constant 0 : i32
    return %c0_i32, %c0_i32_0 : i32, i32
  }
  func.func @transform_5(%arg0: i32) -> (i32, i32) {
    %c0_i32 = arith.constant 0 : i32
    %c0_i32_0 = arith.constant 0 : i32
    %c0_i32_1 = arith.constant 0 : i32
    return %c0_i32, %c0_i32_0 : i32, i32
  }
  func.func @transform_6(%arg0: i32) -> (i32, i32) {
    %c0_i32 = arith.constant 0 : i32
    %c0_i32_0 = arith.constant 0 : i32
    return %arg0, %c0_i32 : i32, i32
  }
  func.func @transform_7(%arg0: i32) -> (i32, i32) {
    %c0_i32 = arith.constant 0 : i32
    %c0_i32_0 = arith.constant 0 : i32
    return %arg0, %c0_i32 : i32, i32
  }
  func.func @transform_8(%arg0: i32) -> (i32, i32) {
    %c0_i32 = arith.constant 0 : i32
    %c0_i32_0 = arith.constant 0 : i32
    %c0_i32_1 = arith.constant 0 : i32
    return %c0_i32, %c0_i32_0 : i32, i32
  }
}

module attributes {stable_mosaic.version = 14 : i64} {
  func.func @_final_body(%arg0: i32, %arg1: memref<400x80xf32, #tpu.memory_space<vmem>>, %arg2: memref<400x80xf32, #tpu.memory_space<vmem>>, %arg3: memref<1x64xf32, #tpu.memory_space<vmem>>, %arg4: memref<400x64xf32, #tpu.memory_space<vmem>>) attributes {dimension_semantics = [#tpu.dimension_semantics<arbitrary>], iteration_bounds = array<i64: 25>, scalar_prefetch = 0 : i64, scratch_operands = 0 : i64, tpu.core_type = #tpu.core_type<tc>, window_params = [{transform_indices = @transform_0, window_bounds = array<i64: 400, 80>}, {transform_indices = @transform_1, window_bounds = array<i64: 400, 80>}, {pipeline_mode = #tpu.pipeline_mode<synchronous>, transform_indices = @transform_2, window_bounds = array<i64: 1, 64>}, {transform_indices = @transform_3, window_bounds = array<i64: 400, 64>}]} {
    %get3A = arith.constant 0 : index
    %get3A_0 = arith.constant 0 : index
    %get3A_1 = vector.load %arg1[%get3A, %get3A_0] : memref<400x80xf32, #tpu.memory_space<vmem>>, vector<400x80xf32>
    %get3A_2 = arith.constant 0 : index
    %get3A_3 = arith.constant 0 : index
    %get3A_4 = vector.load %arg2[%get3A_2, %get3A_3] : memref<400x80xf32, #tpu.memory_space<vmem>>, vector<400x80xf32>
    %add3A = arith.addf %get3A_1, %get3A_4 : vector<400x80xf32>
    %slice3A = vector.extract_strided_slice %add3A {offsets = [0, 64], sizes = [400, 1], strides = [1, 1]} : vector<400x80xf32> to vector<400x1xf32>
    %slice3A_5 = vector.extract_strided_slice %add3A {offsets = [0, 0], sizes = [400, 64], strides = [1, 1]} : vector<400x80xf32> to vector<400x64xf32>
    %broadcast_in_dim3A = arith.constant 1.000000e+00 : f32
    %broadcast_in_dim3A_6 = vector.broadcast %broadcast_in_dim3A : f32 to vector<1x64xf32>
    %dot_general3A = arith.constant dense<0.000000e+00> : vector<400x64xf32>
    %dot_general3A_7 = tpu.matmul %slice3A, %broadcast_in_dim3A_6, %dot_general3A {dimension_numbers = #tpu.dot_dimension_numbers<[1], [0], [0], [1], [0, 0, 1, 1], [], []>, transpose_lhs_hint = false} : vector<400x1xf32>, vector<1x64xf32>, vector<400x64xf32> -> vector<400x64xf32>
    %gt3A = arith.constant 0.000000e+00 : f32
    %gt3A_8 = vector.broadcast %gt3A : f32 to vector<400x64xf32>
    %gt3A_9 = arith.cmpf ogt, %dot_general3A_7, %gt3A_8 : vector<400x64xf32>
    %div3A = arith.divf %slice3A_5, %dot_general3A_7 : vector<400x64xf32>
    %jit3A = arith.constant 0.000000e+00 : f32
    %broadcast_in_dim3A_10 = vector.broadcast %jit3A : f32 to vector<400x64xf32>
    %select_n3A = arith.select %gt3A_9, %div3A, %broadcast_in_dim3A_10 : vector<400x64xi1>, vector<400x64xf32>
    %get3A_11 = arith.constant 0 : index
    %get3A_12 = arith.constant 0 : index
    %get3A_13 = vector.load %arg3[%get3A_11, %get3A_12] : memref<1x64xf32, #tpu.memory_space<vmem>>, vector<1x64xf32>
    %add3A_14 = vector.broadcast %get3A_13 : vector<1x64xf32> to vector<400x64xf32>
    %add3A_15 = arith.addf %select_n3A, %add3A_14 : vector<400x64xf32>
    %swap3A = arith.constant 0 : index
    %swap3A_16 = arith.constant 0 : index
    %swap3A_17 = vector.load %arg4[%swap3A, %swap3A_16] : memref<400x64xf32, #tpu.memory_space<vmem>>, vector<400x64xf32>
    tpu.vector_store %arg4[%swap3A, %swap3A_16], %add3A_15 {strides = array<i32>} : memref<400x64xf32, #tpu.memory_space<vmem>>, vector<400x64xf32>,
    return
  }
  func.func @transform_0(%arg0: i32) -> (i32, i32) {
    %c0_i32 = arith.constant 0 : i32
    %c0_i32_0 = arith.constant 0 : i32
    return %arg0, %c0_i32 : i32, i32
  }
  func.func @transform_1(%arg0: i32) -> (i32, i32) {
    %c0_i32 = arith.constant 0 : i32
    %c0_i32_0 = arith.constant 0 : i32
    return %arg0, %c0_i32 : i32, i32
  }
  func.func @transform_2(%arg0: i32) -> (i32, i32) {
    %c0_i32 = arith.constant 0 : i32
    %c0_i32_0 = arith.constant 0 : i32
    %c0_i32_1 = arith.constant 0 : i32
    return %c0_i32, %c0_i32_0 : i32, i32
  }
  func.func @transform_3(%arg0: i32) -> (i32, i32) {
    %c0_i32 = arith.constant 0 : i32
    %c0_i32_0 = arith.constant 0 : i32
    return %arg0, %c0_i32 : i32, i32
  }
}

</mosaic_0001>

<sc_bundles>
// kernel: kernel.10.cloned.1.call-start
scs
__scs_entry_jumppad:
0x0: {  	(pc) =	sbr.rel $0x88, $3  }
0x1: {  	(tag) =	ssettag $0x0;
	lr =	simm.s32 $0x1  }
0x2: {  	[smem:$0x3F97] =	sst lr;
	_ =	strace $0xD0000000  }
0x3: {  	_ = 	snop  }
0x4: {  	_ = 	snop  }
0x5: {  	_ = 	snop  }
0x6: {  	_ = 	snop  }
0x7: {  	_ = 	snop  }
__scs_overlays_trampoline_lowered:
0x8: {  	[smem:$0x3FA6] =	sst s0  }
0x9: {  	[smem:$0x3FA7] =	sst s1  }
0xa: {  	[smem:$0x3FA8] =	sst s2  }
0xb: {  	[smem:$0x3FA9] =	sst s3  }
0xc: {  	[smem:$0x3FAA] =	sst s4  }
0xd: {  	[smem:$0x3FAB] =	sst s5  }
0xe: {  	[smem:$0x3FAC] =	sst s6  }
0xf: {  	[smem:$0x3FAD] =	sst s7  }
0x10: {  	[smem:$0x3FAE] =	sst s8  }
0x11: {  	[smem:$0x3FAF] =	sst s9;
	s0 =	simm.s32 @!p0 $0x0  }
0x12: {  	s1 =	sld [smem:$0x3F95];
	s0 =	simm.s32 @p0 $0x1  }
0x13: {  	[smem:$0x3FB0] =	sst s0;
	s0 =	simm.s32 @!p1 $0x0  }
0x14: {  	s2 =	sld [smem:$0x3F94];
	s0 =	simm.s32 @p1 $0x1  }
0x15: {  	[smem:$0x3FB1] =	sst s0;
	s0 =	simm.s32 @!p2 $0x0  }
0x16: {  	s3 =	sld [smem:$0x3FDB];
	s0 =	simm.s32 @p2 $0x1  }
0x17: {  	s4 =	simm.s32 $0x1BF5;
	[smem:$0x3FB3] =	sst s0  }
0x18: {  	s0 =	sld [smem:$0x3F96];
	_ =	swait.ge [sflag:s4], $0x0  }
0x19: {  	s7 =	sld [smem:$0x3F97]  }
0x1a: {  	s8 =	sadd.s32 $0xFFFFE003, lr  }
0x1b: {  	s9 =	sadd.s32 $0xFFFFFEF7, lr;
	s5 =	simm.s32 $0xFFFFFFFF;
	p2 =	slt.u32 s8, $0xFFFFF086  }
0x1c: {  	p1 =	slt.u32 s9, $0xF7A;
	s5 =	simm.s32 @!p2 $0x0  }
0x1d: {  	s5 =	simm.s32 @p1 $0x1;
	p0 =	seq.s32 s7, s2  }
0x1e: {  	s7 =	smul.u32 @!p0 $0xF7A, s2;
	p2 =	seq.s32 @!p0 s5, $0x0  }
0x1f: {  	s9 =	smul.u32 $0xF7A, s1;
	s8 =	simm.s32 @!p0 $0x1BF5;
	p2 =	por !p2, p0  }
0x20: {  	[sflag:s8] =	ssyncset.s32 @!p0 $0xFFFFF086;
	s6 =	sadd.s32 @!p0 s3, s7;
	s7 =	simm.s32 @!p0 $0x108  }
0x21: {  	s3 =	sadd.s32 s3, s9;
	s6 =	sadd.s32 @!p0 $0x88, s6;
	s7 =	simm.s32 @p2 $0x1082  }
0x22: {  	[simem:s7], [sflag:s8] =	dma.local @!p0 [hbm:s6], $0xF7A  }
0x23: {  	s9 =	sor.u32 $0xD0000000, s2;
	s6 =	simm.s32 $0x108;
	_ =	swait.ge @!p0 [sflag:s8], $0x0  }
0x24: {  	s3 =	sadd.s32 $0x88, s3;
	s6 =	simm.s32 @!p1 $0x1082;
	[sflag:s4] =	ssyncset.s32 $0xFFFFF086  }
0x25: {  	[simem:s6], [sflag:s4] =	dma.local [hbm:s3], $0xF7A  }
0x26: {  	[smem:$0x3F97] =	sst s1;
	(tag) =	ssettag s2;
	_ =	strace s9  }
0x27: {  	s1 =	sld [smem:$0x3FA7]  }
0x28: {  	s2 =	sld [smem:$0x3FA8]  }
0x29: {  	s4 =	sld [smem:$0x3FAA]  }
0x2a: {  	p0 =	seq.s32 s5, $0x0;
	s5 =	sld [smem:$0x3FAB]  }
0x2b: {  	s6 =	sld [smem:$0x3FAC]  }
0x2c: {  	s7 =	sld [smem:$0x3FAD]  }
0x2d: {  	s3 =	simm.s32 $0x108;
	s8 =	sld [smem:$0x3FAE]  }
0x2e: {  	s3 =	simm.s32 @!p0 $0x1082;
	s9 =	sld [smem:$0x3FAF]  }
0x2f: {  	lr =	sadd.s32 s0, s3;
	s0 =	sld [smem:$0x3FA6]  }
0x30: {  	s3 =	sld [smem:$0x3FA9]  }
0x31: {  	[smem:$0x3FB2] =	sst s10  }
0x32: {  	s10 =	sld [smem:$0x3FB0];
	_ =	sdelay $0x3  }
0x33: {  	p0 =	seq.s32 s10, $0x1;
	s10 =	sld [smem:$0x3FB2];
	_ =	sdelay $0x3  }
0x34: {  	[smem:$0x3FB2] =	sst s10  }
0x35: {  	s10 =	sld [smem:$0x3FB1];
	_ =	sdelay $0x3  }
0x36: {  	p1 =	seq.s32 s10, $0x1;
	s10 =	sld [smem:$0x3FB2];
	_ =	sdelay $0x3  }
0x37: {  	[smem:$0x3FB2] =	sst s10  }
0x38: {  	s10 =	sld [smem:$0x3FB3]  }
0x39: {  	_ = 	snop;
	(pc) =	sbr.ind lr, $3  }
0x3a: {  	_ = 	snop  }
0x3b: {  	_ = 	snop  }
0x3c: {  	p2 =	seq.s32 s10, $0x1;
	s10 =	sld [smem:$0x3FB2]  }
0x3d: {  	_ =	shalt  }
0x3e: {  	_ =	shalt  }
0x3f: {  	_ =	shalt  }
0x40: {  	_ =	shalt  }
0x41: {  	_ =	shalt  }
0x42: {  	_ =	shalt  }
0x43: {  	_ =	shalt  }
0x44: {  	_ =	shalt  }
0x45: {  	_ =	shalt  }
0x46: {  	_ =	shalt  }
0x47: {  	_ =	shalt  }
0x48: {  	_ =	shalt  }
0x49: {  	_ =	shalt  }
0x4a: {  	_ =	shalt  }
0x4b: {  	_ =	shalt  }
0x4c: {  	_ =	shalt  }
0x4d: {  	_ =	shalt  }
0x4e: {  	_ =	shalt  }
0x4f: {  	_ =	shalt  }
0x50: {  	_ =	shalt  }
0x51: {  	_ =	shalt  }
0x52: {  	_ =	shalt  }
0x53: {  	_ =	shalt  }
0x54: {  	_ =	shalt  }
0x55: {  	_ =	shalt  }
0x56: {  	_ =	shalt  }
0x57: {  	_ =	shalt  }
0x58: {  	_ =	shalt  }
0x59: {  	_ =	shalt  }
0x5a: {  	_ =	shalt  }
0x5b: {  	_ =	shalt  }
0x5c: {  	_ =	shalt  }
0x5d: {  	_ =	shalt  }
0x5e: {  	_ =	shalt  }
0x5f: {  	_ =	shalt  }
0x60: {  	_ =	shalt  }
0x61: {  	_ =	shalt  }
0x62: {  	_ =	shalt  }
0x63: {  	_ =	shalt  }
0x64: {  	_ =	shalt  }
0x65: {  	_ =	shalt  }
0x66: {  	_ =	shalt  }
0x67: {  	_ =	shalt  }
0x68: {  	_ =	shalt  }
0x69: {  	_ =	shalt  }
0x6a: {  	_ =	shalt  }
0x6b: {  	_ =	shalt  }
0x6c: {  	_ =	shalt  }
0x6d: {  	_ =	shalt  }
0x6e: {  	_ =	shalt  }
0x6f: {  	_ =	shalt  }
0x70: {  	_ =	shalt  }
0x71: {  	_ =	shalt  }
0x72: {  	_ =	shalt  }
0x73: {  	_ =	shalt  }
0x74: {  	_ =	shalt  }
0x75: {  	_ =	shalt  }
0x76: {  	_ =	shalt  }
0x77: {  	_ =	shalt  }
0x78: {  	_ =	shalt  }
0x79: {  	_ =	shalt  }
0x7a: {  	_ =	shalt  }
0x7b: {  	_ =	shalt  }
0x7c: {  	_ =	shalt  }
0x7d: {  	_ =	shalt  }
0x7e: {  	_ =	shalt  }
0x7f: {  	_ =	shalt  }
0x80: {  	_ =	shalt  }
0x81: {  	_ =	shalt  }
0x82: {  	_ =	shalt  }
0x83: {  	_ =	shalt  }
0x84: {  	_ =	shalt  }
0x85: {  	_ =	shalt  }
0x86: {  	_ =	shalt  }
0x87: {  	_ =	shalt  }
.Lfunc_end0:
.L_simem_size_0:
called_computation.1_lowered:
.L_overlay_start_0:
0x88: {  	s2 =	sld [smem:$0x3FD9]  }
0x89: {  	s3 =	sld [smem:$0x3FFE];
	_ =	sdelay $0x1  }
0x8a: {  	s1 =	srdreg.scid  }
0x8b: {  	s0 =	sand.u32 $0x1, s1  }
0x8c: {  	s17 =	sshll.u32 s0, $0xA;
	s2 =	sadd.s32 s3, s2  }
0x8d: {  	s2 =	sadd.s32 s2, s17  }
0x8e: {  	[smem:$0x3FBE] =	sst s2  }
0x8f: {  	_ = 	snop  }
0x90: {  	s2 =	sld [smem:$0x3FD0];
	(tm) =	ssettm $0x1  }
0x91: {  	s18 =	sld [smem:$0x3FFB];
	_ =	sdelay $0x3  }
0x92: {  	_ =	strace s18  }
0x93: {  	s3 =	sld [smem:$0x3FFC];
	_ =	sdelay $0x3  }
0x94: {  	_ =	strace s3  }
0x95: {  	s3 =	sld [smem:$0x3FFD];
	_ =	sdelay $0x3  }
0x96: {  	_ =	strace s3  }
0x97: {  	_ =	strace $0x8FFFFFFF  }
0x98: {  	s19 =	sld [smem:$0x3FDB];
	_ =	sdelay $0x1  }
0x99: {  	s4 =	simm.s32 $_scs_section_size  }
0x9a: {  	s5 =	simm.s32 $_size__tile_overlayer_lowered;
	s6 =	simm.s32 $_tile_overlayer_lowered  }
0x9b: {  	s22 =	simm.s32 $0x1BFF;
	s21 =	sshll.u32 s6, $0x1;
	s3 =	sadd.s32 s4, s19  }
0x9c: {  	s7 =	simm.s32 $0x0;
	s20 =	sshll.u32 s5, $0x1;
	s5 =	sadd.s32 s21, s3  }
0x9d: {  	[timem:s7], [sflag:s22] =	dma.local [hbm:s5], s20  }
0x9e: {  	_ =	swait.ge [sflag:s22], s20  }
0x9f: {  	s4 =	ssub.s32 $0x0, s20;
	[sflag:s22] =	ssyncset.done $0x0  }
0xa0: {  	[sflag:s22] =	ssyncadd.s32 s4;
	_ =	sdelay $0x1  }
0xa1: {  	s23 =	simm.s32 $0x1B8B  }
0xa2: {  	_ =	swait.ge [sflag:s23], $0x1  }
0xa3: {  	[sflag:s23] =	ssyncset.done $0x0  }
0xa4: {  	s25 =	simm.s32 $0x1B8E;
	s24 =	sld [smem:$0x3FFE];
	[sflag:s23] =	ssyncadd.s32 $0xFFFFFFFF  }
0xa5: {  	s26 =	simm.s32 $execute0_lowered;
	[smem:$0x3FD2] =	sst s25  }
0xa6: {  	s5 =	sshll.u32 s26, $0x1;
	_ =	strace $0x80000049;
	[dreg:$0x1] =	wrdreg $0xFFFFFFFF  }
0xa7: {  	s28 =	simm.s32 $_size_execute0_lowered;
	s3 =	sadd.s32 s3, s5;
	[dreg:$0x0] =	wrdreg $0x0  }
0xa8: {  	s5 =	sshll.u32 s28, $0x1;
	[dreg:$0x2] =	wrdreg s3  }
0xa9: {  	[dreg:$0x3] =	wrdreg s5  }
0xaa: {  	[dreg:$0x4] =	wrdreg $0xC0  }
0xab: {  	_ =	task [dreg:s7], $0x5FFFF  }
0xac: {  	[dreg:$0x1] =	wrdreg $0xFFFFFFFF  }
0xad: {  	[dreg:$0x0] =	wrdreg $0x60  }
0xae: {  	[dreg:$0x2] =	wrdreg s24  }
0xaf: {  	[dreg:$0x3] =	wrdreg s2  }
0xb0: {  	[dreg:$0x4] =	wrdreg $0x65500  }
0xb1: {  	[dreg:$0x5] =	wrdreg $0x9  }
0xb2: {  	_ =	task.clear_ibuf [dreg:s7], $0x6FFFF;
	_ =	strace $0x90000049  }
0xb3: {  	s29 =	simm.s32 $0x9;
	_ =	strace $0x8000004B  }
0xb4: {  	_ =	swait.ge [sflag:s29], $0x1  }
0xb5: {  	[sflag:s29] =	ssyncadd.s32 $0xFFFFFFFF  }
0xb6: {  	_ =	strace $0x9000004B  }
0xb7: {  	_ =	sfence  }
0xb8: {  	s30 =	sld [smem:$0x0];
	_ =	sdelay $0x2  }
0xb9: {  	s31 =	sshll.u32 s1, $0xD;
	s1 =	sshrl.u32 s1, $0x2  }
0xba: {  	s3 =	sand.u32 $0x4000, s31;
	s1 =	sadd.s32 s1, s30  }
0xbb: {  	s0 =	sor.u32 s3, s0;
	s1 =	sshll.u32 s1, $0x11  }
0xbc: {  	s0 =	sor.u32 s1, s0  }
0xbd: {  	s0 =	sadd.s32 $0x8F2B, s0  }
0xbe: {  	[sflag:s0] =	ssyncadd.remote.s32 $0x1  }
0xbf: {  	_ =	sfence.sel $0xFFFF  }
0xc0: {  	[dreg:$0x0] =	wrdreg $0xFFFFFFFF;
	(pc) =	sbr.abs _section_cstart, $3  }
0xc1: {  	[dreg:$0x1] =	wrdreg $0xFFFFFFFF  }
0xc2: {  	_ =	task.clear_ibuf [dreg:s7], $0x2FFFF;
	_ =	strace $0x9FFFFFFF  }
0xc3: {  	(tm) =	ssettm $0x7FFFFFFF  }
tec
execute0_lowered:
.L_overlay_start_1:
0x0: {  	(tag) =	ssettag $0x1  }
0x1: {  	s0 =	rddreg [dreg:$0x0]  }
0x2: {  	s1 =	rddreg [dreg:$0x1]  }
0x3: {  	s2 =	rddreg [dreg:$0x2];
	s3 =	simm.s32 $0x0  }
0x4: {  	s4 =	srdreg.scid;
	s9 =	stileid.u32;
	s28 =	simm.s32 $0x2  }
0x5: {  	s29 =	simm.s32 $0x4C40;
	[smem:$0x7FF] =	sst s3;
	s4 =	sand.u32 $0x1, s4  }
0x6: {  	s5 =	sadd.s32 $0x2E000, s0;
	s8 =	sshll.u32 s9, $0x1;
	s9 =	smul.u32 $0xC800, s9  }
0x7: {  	s10 =	sadd.s32 $0x37E00, s0;
	_ =	strace $0x8000004A;
	s6 =	ssub.s32 $0x2, s4  }
0x8: {  	s7 =	sshrl.u32 s6, $0x1;
	s11 =	sadd.s32 $0x3200, s9;
	s12 =	sadd.s32 $0x4B00, s9  }
0x9: {  	s6 =	ssub.s32 s6, s7;
	s7 =	sor.u32 s4, s8;
	s4 =	smul.u32 $0xC8000, s4  }
0xa: {  	s13 =	sadd.s32 $0x6400, s9;
	s16 =	sadd.s32 $0x7D00, s9;
	s17 =	sadd.s32 $0x9600, s9  }
0xb: {  	s18 =	sadd.s32 $0xAF00, s9;
	s8 =	sadd.s32 $0x1900, s9;
	s14 =	sadd.s32 s9, s4  }
0xc: {  	s15 =	sadd.s32 s4, s8;
	s19 =	sadd.s32 s4, s11;
	s20 =	sadd.s32 s4, s12  }
0xd: {  	s24 =	sadd.s32 s4, s16;
	s25 =	sadd.s32 s4, s17;
	s14 =	sshrl.u32 s14, $0x3  }
0xe: {  	s15 =	sshrl.u32 s15, $0x3;
	s21 =	sshrl.u32 s20, $0x3;
	s20 =	sadd.s32 s8, s2  }
0xf: {  	s26 =	sshrl.u32 s25, $0x3;
	s14 =	sadd.s32 s10, s14;
	[dreg:$0xd] =	wrdreg s20  }
0x10: {  	s8 =	simm.s32 $0xA0;
	s15 =	sadd.s32 s10, s15;
	[dreg:$0x4] =	wrdreg s14  }
0x11: {  	[dreg:$0x5] =	wrdreg s15;
	s14 =	sshrl.u32 s19, $0x3;
	s19 =	sadd.s32 s4, s13  }
0x12: {  	s4 =	sadd.s32 s4, s18;
	s15 =	sadd.s32 $0x17E00, s0;
	s14 =	sadd.s32 s10, s14  }
0x13: {  	s22 =	sshrl.u32 s19, $0x3;
	[dreg:$0x6] =	wrdreg s14;
	s14 =	sadd.s32 s10, s21  }
0x14: {  	s4 =	sshrl.u32 s4, $0x3;
	s23 =	sadd.s32 s10, s22;
	[dreg:$0x7] =	wrdreg s14  }
0x15: {  	s19 =	sadd.s32 s9, s2;
	s4 =	sadd.s32 s10, s4;
	[dreg:$0x8] =	wrdreg s23  }
0x16: {  	s22 =	sadd.s32 s12, s2;
	s12 =	sadd.s32 s13, s2;
	[dreg:$0xb] =	wrdreg s4  }
0x17: {  	s9 =	simm.s32 $0x50;
	s13 =	sadd.s32 s16, s2;
	[dreg:$0x10] =	wrdreg s12  }
0x18: {  	s21 =	sadd.s32 s11, s2;
	s16 =	sadd.s32 s17, s2;
	[dreg:$0x11] =	wrdreg s13  }
0x19: {  	s11 =	smul.u32 $0x2710, s7;
	s17 =	sadd.s32 s18, s2;
	[dreg:$0x12] =	wrdreg s16  }
0x1a: {  	s7 =	simm.s32 $0x0;
	s14 =	sshrl.u32 s24, $0x3;
	[dreg:$0x13] =	wrdreg s17  }
0x1b: {  	s12 =	simm.s32 $0x1;
	s13 =	simm.s32 $0xF0;
	[dreg:$0xe] =	wrdreg s21  }
0x1c: {  	s16 =	simm.s32 $0x17C0;
	[dreg:$0xf] =	wrdreg s22;
	s14 =	sadd.s32 s10, s14  }
0x1d: {  	s18 =	sshrl.u32 s11, $0x3;
	[dreg:$0x9] =	wrdreg s14;
	s14 =	sadd.s32 s10, s26  }
0x1e: {  	v1 =	vlaneseq.u32;
	s30 =	sadd.s32 $0xA0, s11;
	s23 =	sadd.s32 s5, s18;
	[dreg:$0xa] =	wrdreg s14  }
0x1f: {  	v16 =	vmul.u32 $0x50, v1;
	s31 =	sadd.s32 $0xF0, s11;
	s24 =	sadd.s32 s1, s18;
	[dreg:$0x14] =	wrdreg s23  }
0x20: {  	v0 =	vmul.u32 $0x48, v1;
	v1 =	vmul.u32 $0x8, v1;
	s4 =	sadd.s32 $0xA, s18;
	s26 =	smax.u32 s6, $0x1;
	[dreg:$0x15] =	wrdreg s24  }
0x21: {  	v2 =	vimm.f32 $0.0e+00;
	v3 =	vimm.s32 $0x1;
	v4 =	vadd.s32 $0x40, v16;
	s14 =	sadd.s32 $0x1E00, s0;
	s0 =	sadd.s32 $0x1C00, s0;
	[dreg:$0x18] =	wrdreg s26  }
0x22: {  	v5 =	vadd.s32 $0x480, v0;
	v6 =	vor.u32 $0x80, v1;
	v7 =	vadd.s32 $0x540, v16;
	s11 =	simm.s32 $0x2E40;
	s25 =	sadd.s32 s5, s4;
	[dreg:$0xc] =	wrdreg s0  }
0x23: {  	v8 =	vadd.s32 $0x900, v0;
	v9 =	vor.u32 $0x100, v1;
	v10 =	vadd.s32 $0xA40, v16;
	s6 =	simm.s32 $0x5;
	s4 =	sadd.s32 s1, s4;
	[dreg:$0x16] =	wrdreg s25  }
0x24: {  	v11 =	vadd.s32 $0xD80, v0;
	v12 =	vor.u32 $0x180, v1;
	v13 =	vadd.s32 $0xF40, v16;
	s10 =	simm.s32 $0x140;
	s26 =	simm.s32 $0x3;
	[dreg:$0x17] =	wrdreg s4  }
0x25: {  	v14 =	vadd.s32 $0x1200, v0;
	v15 =	vor.u32 $0x200, v1;
	v16 =	vadd.s32 $0x1440, v16;
	s4 =	simm.s32 $0x3340;
	s25 =	simm.s32 $0x30C0;
	s0 =	simm.s32 $0x4  }
.LBB2_1:
0x26: {  	s17 =	simm.s32 $0x0;
	s18 =	simm.s32 $0x140  }
.LBB2_2:
0x27: {  	p0 =	sne.s32 s18, $0x62C0;
	[tilespmem:s17+$0x4C80] =	vst v2  }
0x28: {  	[tilespmem:s17+$0x3340] =	vst v2  }
0x29: {  	[tilespmem:s17+$0x4C40] =	vst v2  }
0x2a: {  	[tilespmem:s17+$0x3350] =	vst v2  }
0x2b: {  	[tilespmem:s17+$0x4C50] =	vst v2  }
.Ltmp0:
0x2c: {  	[tilespmem:s17+$0x3360] =	vst v2;
	(pc) =	sbr.rel @p0 .LBB2_2-.Ltmp0, $4  }
0x2d: {  	[tilespmem:s17+$0x4C60] =	vst v2  }
0x2e: {  	[tilespmem:s17+$0x3370] =	vst v2  }
0x2f: {  	[tilespmem:s17+$0x4C70] =	vst v2  }
0x30: {  	[tilespmem:s17+$0x3380] =	vst v2;
	s17 =	sshra.s32 s18, $0x2;
	s18 =	sadd.s32 $0x140, s18  }
0x31: {  	[tilespmem:s17+$0x4C80] =	vst v2  }
0x32: {  	[tilespmem:s17+$0x3340] =	vst v2  }
0x33: {  	[tilespmem:s17+$0x4C40] =	vst v2  }
0x34: {  	[tilespmem:s17+$0x3350] =	vst v2  }
0x35: {  	[tilespmem:s17+$0x4C50] =	vst v2  }
0x36: {  	[tilespmem:s17+$0x3360] =	vst v2  }
0x37: {  	[tilespmem:s17+$0x4C60] =	vst v2  }
0x38: {  	[tilespmem:s17+$0x3370] =	vst v2  }
0x39: {  	[tilespmem:s17+$0x4C70] =	vst v2  }
0x3a: {  	[tilespmem:s17+$0x3380] =	vst v2  }
0x3b: {  	[spmem:s19] =	stream.linear.scatter [tilespmem:s4], [sflag:$0x5], $0x1900, $0x38;
	[tilespmem:$0x12D50] =	vst v63  }
0x3c: {  	_ =	swait.ge [sflag:s6], $0x1900  }
0x3d: {  	[sflag:s6] =	ssyncset.done $0x0  }
0x3e: {  	[sflag:s6] =	ssyncadd.s32 $0xFFFFE700  }
0x3f: {  	[spmem:s20] =	stream.linear.scatter [tilespmem:s4], [sflag:$0x5], $0x1900, $0x38;
	[tilespmem:$0x12D50] =	vst v63  }
0x40: {  	_ =	swait.ge [sflag:s6], $0x1900  }
0x41: {  	[sflag:s6] =	ssyncset.done $0x0  }
0x42: {  	[sflag:s6] =	ssyncadd.s32 $0xFFFFE700  }
0x43: {  	[spmem:s21] =	stream.linear.scatter [tilespmem:s4], [sflag:$0x5], $0x1900, $0x38;
	[tilespmem:$0x12D50] =	vst v63  }
0x44: {  	_ =	swait.ge [sflag:s6], $0x1900  }
0x45: {  	[sflag:s6] =	ssyncset.done $0x0  }
0x46: {  	[sflag:s6] =	ssyncadd.s32 $0xFFFFE700  }
0x47: {  	[spmem:s22] =	stream.linear.scatter [tilespmem:s4], [sflag:$0x5], $0x1900, $0x38;
	[tilespmem:$0x12D50] =	vst v63  }
0x48: {  	_ =	swait.ge [sflag:s6], $0x1900  }
0x49: {  	[sflag:s6] =	ssyncset.done $0x0  }
0x4a: {  	s24 =	smov.u32 s19;
	s19 =	rddreg [dreg:$0x10];
	[sflag:s6] =	ssyncadd.s32 $0xFFFFE700  }
0x4b: {  	[spmem:s19] =	stream.linear.scatter [tilespmem:s4], [sflag:$0x5], $0x1900, $0x38;
	[tilespmem:$0x12D50] =	vst v63  }
0x4c: {  	_ =	swait.ge [sflag:s6], $0x1900  }
0x4d: {  	[sflag:s6] =	ssyncset.done $0x0  }
0x4e: {  	s20 =	rddreg [dreg:$0x11];
	[sflag:s6] =	ssyncadd.s32 $0xFFFFE700  }
0x4f: {  	[spmem:s20] =	stream.linear.scatter [tilespmem:s4], [sflag:$0x5], $0x1900, $0x38;
	[tilespmem:$0x12D50] =	vst v63  }
0x50: {  	_ =	swait.ge [sflag:s6], $0x1900  }
0x51: {  	[sflag:s6] =	ssyncset.done $0x0  }
0x52: {  	s21 =	rddreg [dreg:$0x12];
	[sflag:s6] =	ssyncadd.s32 $0xFFFFE700  }
0x53: {  	[spmem:s21] =	stream.linear.scatter [tilespmem:s4], [sflag:$0x5], $0x1900, $0x38;
	[tilespmem:$0x12D50] =	vst v63  }
0x54: {  	_ =	swait.ge [sflag:s6], $0x1900  }
0x55: {  	[sflag:s6] =	ssyncset.done $0x0  }
0x56: {  	s22 =	rddreg [dreg:$0x13];
	[sflag:s6] =	ssyncadd.s32 $0xFFFFE700  }
0x57: {  	[spmem:s22] =	stream.linear.scatter [tilespmem:s4], [sflag:$0x5], $0x1900, $0x38;
	[tilespmem:$0x12D50] =	vst v63  }
0x58: {  	_ =	swait.ge [sflag:s6], $0x1900  }
0x59: {  	[sflag:s6] =	ssyncset.done $0x0  }
0x5a: {  	[sflag:s6] =	ssyncadd.s32 $0xFFFFE700  }
0x5b: {  	[bflag:$0x0] =	sbarrier.arrive $0xFFFF  }
0x5c: {  	s17 =	simm.s32 $0x0;
	s23 =	simm.s32 $0x6540;
	s18 =	rddreg [dreg:$0xc]  }
0x5d: {  	[tilespmem:s23], [sflag:$0x5] =	stream.linear.gather [hbm4b:s18+s17], $0x10, $0x38;
	[tilespmem:$0x12D50] =	vst v63  }
0x5e: {  	_ =	swait.ge [sflag:s6], $0x10  }
0x5f: {  	[sflag:s6] =	ssyncset.done $0x0  }
0x60: {  	[sflag:s6] =	ssyncadd.s32 $0xFFFFFFF0  }
0x61: {  	s19 =	rddreg [dreg:$0x14];
	v17 =	vld.msk [tilespmem:s23+$0x0], $0xffff  }
0x62: {  	v18 =	vld.idx.msk [tilespmem:v3+s23+$0x0], $0xffff;
	[tilespmem:s17], [sflag:$0x5] =	stream.linear.gather [hbm4b:s19+s17], $0x50, $0x38  }
0x63: {  	_ =	swait.ge [sflag:s6], $0x50  }
0x64: {  	[sflag:s6] =	ssyncset.done $0x0  }
0x65: {  	s20 =	rddreg [dreg:$0x15];
	[sflag:s6] =	ssyncadd.s32 $0xFFFFFFB0  }
0x66: {  	[tilespmem:s8], [sflag:$0x5] =	stream.linear.gather [hbm4b:s20+s17], $0x50, $0x38;
	[tilespmem:$0x12D50] =	vst v63  }
0x67: {  	_ =	swait.ge [sflag:s6], $0x50  }
0x68: {  	[sflag:s6] =	ssyncset.done $0x0  }
0x69: {  	[sflag:s6] =	ssyncadd.s32 $0xFFFFFFB0  }
0x6a: {  	[tilespmem:s10], [sflag:$0x1] =	stream.indirect.gather [hbm4b:s14+s9], $0x48, s17, s9, $0xb8;
	[tilespmem:$0x12D50] =	vst v63  }
0x6b: {  	_ = 	snop  }
0x6c: {  	[tilespmem:s11], [sflag:$0x1] =	stream.indirect.gather [hbm4b:s15+s9], $0x8, s8, s9, $0xb8;
	[tilespmem:$0x12D50] =	vst v63  }
0x6d: {  	_ =	swait.ge [sflag:s12], $0x1680  }
0x6e: {  	[sflag:s12] =	ssyncset.done $0x0  }
0x6f: {  	[sflag:s12] =	ssyncadd.s32 $0xFFFFE980  }
0x70: {  	_ =	swait.ge [sflag:s12], $0x280  }
0x71: {  	[sflag:s12] =	ssyncset.done $0x0  }
0x72: {  	s21 =	rddreg [dreg:$0x16];
	[sflag:s12] =	ssyncadd.s32 $0xFFFFFD80  }
0x73: {  	[tilespmem:s9], [sflag:$0x5] =	stream.linear.gather [hbm4b:s21+s17], $0x50, $0x38;
	[tilespmem:$0x12D50] =	vst v63  }
0x74: {  	_ =	swait.ge [sflag:s6], $0x50  }
0x75: {  	[sflag:s6] =	ssyncset.done $0x0  }
0x76: {  	s22 =	rddreg [dreg:$0x17];
	[sflag:s6] =	ssyncadd.s32 $0xFFFFFFB0  }
0x77: {  	[tilespmem:s13], [sflag:$0x5] =	stream.linear.gather [hbm4b:s22+s17], $0x50, $0x38;
	[tilespmem:$0x12D50] =	vst v63  }
0x78: {  	_ =	swait.ge [sflag:s6], $0x50  }
0x79: {  	[sflag:s6] =	ssyncset.done $0x0  }
0x7a: {  	[sflag:s6] =	ssyncadd.s32 $0xFFFFFFB0  }
0x7b: {  	[tilespmem:s16], [sflag:$0x2] =	stream.indirect.gather [hbm4b:s14+s9], $0x48, s9, s9, $0xb8;
	[tilespmem:$0x12D50] =	vst v63  }
0x7c: {  	_ = 	snop  }
0x7d: {  	[tilespmem:s25], [sflag:$0x2] =	stream.indirect.gather [hbm4b:s15+s9], $0x8, s13, s9, $0xb8;
	[tilespmem:$0x12D50] =	vst v63  }
0x7e: {  	v19 =	vld.idx.msk [tilespmem:v0+s10+$0x0], $0xffff  }
0x7f: {  	v20 =	vld.idx.msk [tilespmem:v1+s11+$0x0], $0xffff;
	_ =	sdelay $0x4  }
0x80: {  	v17 =	vadd.f32 v18, v17;
	v18 =	vadd.f32 v20, v19;
	_ =	sdelay $0x1  }
0x81: {  	v19 =	vmul.f32 $2.000000030e-01, v17;
	v20 =	vmul.f32 $2.000000030e-01, v18;
	_ =	sdelay $0x1  }
0x82: {  	v17 =	vmax.f32 v17, v19;
	v18 =	vmax.f32 v18, v20  }
0x83: {  	v18 =	vsub.f32 v18, v17;
	_ =	sdelay $0x1  }
0x84: {  	v18 =	vmul.f32 $1.442695020e+00, v18;
	_ =	sdelay $0x1  }
0x85: {  	(erf) = vpow2.f32 v18;
	_ =	sdelay $0x8  }
0x86: {  	v18 =	vpop (erf)  }
0x87: {  	[tilespmem:v4+s4+$0x0] =	vst.idx.msk $0xffff, v18  }
0x88: {  	v18 =	vld.idx.msk [tilespmem:v5+s10+$0x0], $0xffff  }
0x89: {  	v19 =	vld.idx.msk [tilespmem:v6+s11+$0x0], $0xffff;
	_ =	sdelay $0x4  }
0x8a: {  	v18 =	vadd.f32 v19, v18;
	_ =	sdelay $0x1  }
0x8b: {  	v19 =	vmul.f32 $2.000000030e-01, v18;
	_ =	sdelay $0x1  }
0x8c: {  	v18 =	vmax.f32 v18, v19  }
0x8d: {  	v18 =	vsub.f32 v18, v17;
	_ =	sdelay $0x1  }
0x8e: {  	v18 =	vmul.f32 $1.442695020e+00, v18;
	_ =	sdelay $0x1  }
0x8f: {  	(erf) = vpow2.f32 v18;
	_ =	sdelay $0x8  }
0x90: {  	v18 =	vpop (erf)  }
0x91: {  	[tilespmem:v7+s4+$0x0] =	vst.idx.msk $0xffff, v18  }
0x92: {  	v18 =	vld.idx.msk [tilespmem:v8+s10+$0x0], $0xffff  }
0x93: {  	v19 =	vld.idx.msk [tilespmem:v9+s11+$0x0], $0xffff;
	_ =	sdelay $0x4  }
0x94: {  	v18 =	vadd.f32 v19, v18;
	_ =	sdelay $0x1  }
0x95: {  	v19 =	vmul.f32 $2.000000030e-01, v18;
	_ =	sdelay $0x1  }
0x96: {  	v18 =	vmax.f32 v18, v19  }
0x97: {  	v18 =	vsub.f32 v18, v17;
	_ =	sdelay $0x1  }
0x98: {  	v18 =	vmul.f32 $1.442695020e+00, v18;
	_ =	sdelay $0x1  }
0x99: {  	(erf) = vpow2.f32 v18;
	_ =	sdelay $0x8  }
0x9a: {  	v18 =	vpop (erf)  }
0x9b: {  	[tilespmem:v10+s4+$0x0] =	vst.idx.msk $0xffff, v18  }
0x9c: {  	v18 =	vld.idx.msk [tilespmem:v11+s10+$0x0], $0xffff  }
0x9d: {  	v19 =	vld.idx.msk [tilespmem:v12+s11+$0x0], $0xffff;
	_ =	sdelay $0x4  }
0x9e: {  	v18 =	vadd.f32 v19, v18;
	_ =	sdelay $0x1  }
0x9f: {  	v19 =	vmul.f32 $2.000000030e-01, v18;
	_ =	sdelay $0x1  }
0xa0: {  	v18 =	vmax.f32 v18, v19  }
0xa1: {  	v18 =	vsub.f32 v18, v17;
	_ =	sdelay $0x1  }
0xa2: {  	v18 =	vmul.f32 $1.442695020e+00, v18;
	_ =	sdelay $0x1  }
0xa3: {  	(erf) = vpow2.f32 v18;
	_ =	sdelay $0x8  }
0xa4: {  	v18 =	vpop (erf)  }
0xa5: {  	[tilespmem:v13+s4+$0x0] =	vst.idx.msk $0xffff, v18  }
0xa6: {  	v18 =	vld.idx.msk [tilespmem:v14+s10+$0x0], $0xffff  }
0xa7: {  	v19 =	vld.idx.msk [tilespmem:v15+s11+$0x0], $0xffff;
	_ =	sdelay $0x4  }
0xa8: {  	v18 =	vadd.f32 v19, v18;
	_ =	sdelay $0x1  }
0xa9: {  	v19 =	vmul.f32 $2.000000030e-01, v18;
	_ =	sdelay $0x1  }
0xaa: {  	v18 =	vmax.f32 v18, v19  }
0xab: {  	v18 =	vsub.f32 v18, v17;
	_ =	sdelay $0x1  }
0xac: {  	v18 =	vmul.f32 $1.442695020e+00, v18;
	_ =	sdelay $0x1  }
0xad: {  	(erf) = vpow2.f32 v18  }
0xae: {  	v18 =	vmov s17  }
0xaf: {  	v18 =	vmul.u32 $0x50, v18;
	_ =	sdelay $0x1  }
0xb0: {  	v18 =	vadd.s32 $0x40, v18  }
0xb1: {  	v18 =	vbroadcast v18, $0x0;
	_ =	sdelay $0x3  }
0xb2: {  	v19 =	vpop (erf)  }
0xb3: {  	[tilespmem:v16+s4+$0x0] =	vst.idx.msk $0xffff, v19  }
0xb4: {  	s17 =	simm.s32 $0x168;
	v18 =	vld.idx.msk [tilespmem:v18+s4+$0x0], $0xffff  }
0xb5: {  	v19 =	vld [tilespmem:s17+$0xFFFFFFE0];
	_ =	sdelay $0x4  }
0xb6: {  	v19 =	vmul.f32 v19, v18  }
0xb7: {  	s18 =	simm.s32 $0x3360  }
0xb8: {  	[tilespmem:s18+$0xFFFFFFE0] =	vst v19  }
0xb9: {  	v19 =	vld [tilespmem:s17+$0xFFFFFFF0];
	_ =	sdelay $0x4  }
0xba: {  	v19 =	vmul.f32 v19, v18;
	_ =	sdelay $0x1  }
0xbb: {  	[tilespmem:s18+$0xFFFFFFF0] =	vst v19  }
0xbc: {  	v19 =	vld [tilespmem:s17+$0x0];
	_ =	sdelay $0x4  }
0xbd: {  	s23 =	simm.s32 $0x1;
	v19 =	vmul.f32 v19, v18  }
0xbe: {  	s19 =	simm.s32 $0x2;
	v20 =	vmov s23  }
.LBB2_4:
0xbf: {  	p0 =	sne.s32 s19, $0x4F;
	v20 =	vmul.u32 $0x50, v20;
	[tilespmem:s18+$0x0] =	vst v19  }
0xc0: {  	v19 =	vld [tilespmem:s17+$0x10]  }
0xc1: {  	v20 =	vadd.s32 $0x40, v20  }
0xc2: {  	v20 =	vbroadcast v20, $0x0;
	_ =	sdelay $0x2  }
0xc3: {  	v18 =	vmul.f32 v19, v18;
	_ =	sdelay $0x1  }
0xc4: {  	[tilespmem:s18+$0x10] =	vst v18  }
0xc5: {  	s17 =	sadd.s32 $0x48, s17;
	v18 =	vld.idx.msk [tilespmem:v20+s4+$0x0], $0xffff  }
0xc6: {  	v19 =	vld [tilespmem:s17+$0xFFFFFFE0];
	_ =	sdelay $0x4  }
0xc7: {  	v19 =	vmul.f32 v19, v18  }
0xc8: {  	s18 =	sadd.s32 $0x50, s18  }
0xc9: {  	[tilespmem:s18+$0xFFFFFFE0] =	vst v19  }
0xca: {  	v19 =	vld [tilespmem:s17+$0xFFFFFFF0];
	_ =	sdelay $0x4  }
0xcb: {  	v19 =	vmul.f32 v19, v18;
	_ =	sdelay $0x1  }
0xcc: {  	[tilespmem:s18+$0xFFFFFFF0] =	vst v19  }
0xcd: {  	v19 =	vld [tilespmem:s17+$0x0];
	_ =	sdelay $0x1  }
.Ltmp1:
0xce: {  	(pc) =	sbr.rel @p0 .LBB2_4-.Ltmp1, $3  }
0xcf: {  	_ =	sdelay $0x1  }
0xd0: {  	v19 =	vmul.f32 v19, v18  }
0xd1: {  	v20 =	vmov s19;
	s19 =	sadd.s32 $0x1, s19  }
0xd2: {  	v20 =	vmul.u32 $0x50, v20;
	[tilespmem:s18+$0x0] =	vst v19  }
0xd3: {  	v19 =	vld [tilespmem:s17+$0x10]  }
0xd4: {  	v20 =	vadd.s32 $0x40, v20  }
0xd5: {  	v20 =	vbroadcast v20, $0x0;
	_ =	sdelay $0x2  }
0xd6: {  	v18 =	vmul.f32 v19, v18;
	_ =	sdelay $0x1  }
0xd7: {  	[tilespmem:s18+$0x10] =	vst v18  }
0xd8: {  	s22 =	sadd.s32 $0x48, s17;
	v18 =	vld.idx.msk [tilespmem:v20+s4+$0x0], $0xffff  }
0xd9: {  	v19 =	vld [tilespmem:s22+$0xFFFFFFE0];
	_ =	sdelay $0x4  }
0xda: {  	v19 =	vmul.f32 v19, v18  }
0xdb: {  	s23 =	sadd.s32 $0x50, s18  }
0xdc: {  	[tilespmem:s23+$0xFFFFFFE0] =	vst v19  }
0xdd: {  	v19 =	vld [tilespmem:s22+$0xFFFFFFF0];
	_ =	sdelay $0x4  }
0xde: {  	v19 =	vmul.f32 v19, v18;
	_ =	sdelay $0x1  }
0xdf: {  	[tilespmem:s23+$0xFFFFFFF0] =	vst v19  }
0xe0: {  	v19 =	vld [tilespmem:s22+$0x0];
	_ =	sdelay $0x4  }
0xe1: {  	v19 =	vmul.f32 v19, v18;
	_ =	sdelay $0x1  }
0xe2: {  	[tilespmem:s23+$0x0] =	vst v19  }
0xe3: {  	v19 =	vld [tilespmem:s22+$0x10];
	_ =	sdelay $0x4  }
0xe4: {  	v18 =	vmul.f32 v19, v18;
	_ =	sdelay $0x1  }
0xe5: {  	s17 =	simm.s32 $0x0;
	s18 =	simm.s32 $0x0;
	[tilespmem:s23+$0x10] =	vst v18  }
0xe6: {  	[spmem:s2] =	stream.indirect.scatter.add.f32 [tilespmem:s4], [sflag:$0x3], $0x50, s8, s9, $0xb8;
	[tilespmem:$0x12D50] =	vst v63  }
.LBB2_6:
0xe7: {  	s19 =	smul.u32 $0xA0, s18;
	_ =	sdelay $0x1  }
0xe8: {  	_ =	swait.ge [sflag:s26], $0x1900;
	s20 =	sadd.s32 s19, s30  }
0xe9: {  	[sflag:s26] =	ssyncset.done $0x0;
	s20 =	sshrl.u32 s20, $0x3  }
0xea: {  	[sflag:s26] =	ssyncadd.s32 $0xFFFFE700;
	s21 =	sadd.s32 s5, s20  }
0xeb: {  	[tilespmem:s17], [sflag:$0x5] =	stream.linear.gather [hbm4b:s21+s17], $0x50, $0x38;
	[tilespmem:$0x12D50] =	vst v63  }
0xec: {  	_ =	swait.ge [sflag:s6], $0x50  }
0xed: {  	[sflag:s6] =	ssyncset.done $0x0  }
0xee: {  	s20 =	sadd.s32 s1, s20;
	[sflag:s6] =	ssyncadd.s32 $0xFFFFFFB0  }
0xef: {  	[tilespmem:s8], [sflag:$0x5] =	stream.linear.gather [hbm4b:s20+s17], $0x50, $0x38;
	[tilespmem:$0x12D50] =	vst v63  }
0xf0: {  	_ =	swait.ge [sflag:s6], $0x50  }
0xf1: {  	[sflag:s6] =	ssyncset.done $0x0  }
0xf2: {  	[sflag:s6] =	ssyncadd.s32 $0xFFFFFFB0  }
0xf3: {  	[tilespmem:s10], [sflag:$0x1] =	stream.indirect.gather [hbm4b:s14+s9], $0x48, s17, s9, $0xb8;
	[tilespmem:$0x12D50] =	vst v63  }
0xf4: {  	_ = 	snop  }
0xf5: {  	[tilespmem:s11], [sflag:$0x1] =	stream.indirect.gather [hbm4b:s15+s9], $0x8, s8, s9, $0xb8;
	[tilespmem:$0x12D50] =	vst v63  }
0xf6: {  	_ =	swait.ge [sflag:s28], $0x1680  }
0xf7: {  	[sflag:s28] =	ssyncset.done $0x0  }
0xf8: {  	[sflag:s28] =	ssyncadd.s32 $0xFFFFE980  }
0xf9: {  	_ =	swait.ge [sflag:s28], $0x280  }
0xfa: {  	[sflag:s28] =	ssyncset.done $0x0  }
0xfb: {  	[sflag:s28] =	ssyncadd.s32 $0xFFFFFD80  }
0xfc: {  	v18 =	vld.idx.msk [tilespmem:v0+s16+$0x0], $0xffff  }
0xfd: {  	v19 =	vld.idx.msk [tilespmem:v1+s25+$0x0], $0xffff;
	_ =	sdelay $0x4  }
0xfe: {  	v18 =	vadd.f32 v19, v18;
	_ =	sdelay $0x1  }
0xff: {  	v19 =	vmul.f32 $2.000000030e-01, v18;
	_ =	sdelay $0x1  }
0x100: {  	v18 =	vmax.f32 v18, v19  }
0x101: {  	v18 =	vsub.f32 v18, v17;
	_ =	sdelay $0x1  }
0x102: {  	v18 =	vmul.f32 $1.442695020e+00, v18;
	_ =	sdelay $0x1  }
0x103: {  	(erf) = vpow2.f32 v18;
	_ =	sdelay $0x8  }
0x104: {  	v18 =	vpop (erf)  }
0x105: {  	[tilespmem:v4+s29+$0x0] =	vst.idx.msk $0xffff, v18  }
0x106: {  	v18 =	vld.idx.msk [tilespmem:v5+s16+$0x0], $0xffff  }
0x107: {  	v19 =	vld.idx.msk [tilespmem:v6+s25+$0x0], $0xffff;
	_ =	sdelay $0x4  }
0x108: {  	v18 =	vadd.f32 v19, v18;
	_ =	sdelay $0x1  }
0x109: {  	v19 =	vmul.f32 $2.000000030e-01, v18;
	_ =	sdelay $0x1  }
0x10a: {  	v18 =	vmax.f32 v18, v19  }
0x10b: {  	v18 =	vsub.f32 v18, v17;
	_ =	sdelay $0x1  }
0x10c: {  	v18 =	vmul.f32 $1.442695020e+00, v18;
	_ =	sdelay $0x1  }
0x10d: {  	(erf) = vpow2.f32 v18;
	_ =	sdelay $0x8  }
0x10e: {  	v18 =	vpop (erf)  }
0x10f: {  	[tilespmem:v7+s29+$0x0] =	vst.idx.msk $0xffff, v18  }
0x110: {  	v18 =	vld.idx.msk [tilespmem:v8+s16+$0x0], $0xffff  }
0x111: {  	v19 =	vld.idx.msk [tilespmem:v9+s25+$0x0], $0xffff;
	_ =	sdelay $0x4  }
0x112: {  	v18 =	vadd.f32 v19, v18;
	_ =	sdelay $0x1  }
0x113: {  	v19 =	vmul.f32 $2.000000030e-01, v18;
	_ =	sdelay $0x1  }
0x114: {  	v18 =	vmax.f32 v18, v19  }
0x115: {  	v18 =	vsub.f32 v18, v17;
	_ =	sdelay $0x1  }
0x116: {  	v18 =	vmul.f32 $1.442695020e+00, v18;
	_ =	sdelay $0x1  }
0x117: {  	(erf) = vpow2.f32 v18;
	_ =	sdelay $0x8  }
0x118: {  	v18 =	vpop (erf)  }
0x119: {  	[tilespmem:v10+s29+$0x0] =	vst.idx.msk $0xffff, v18  }
0x11a: {  	v18 =	vld.idx.msk [tilespmem:v11+s16+$0x0], $0xffff  }
0x11b: {  	v19 =	vld.idx.msk [tilespmem:v12+s25+$0x0], $0xffff;
	_ =	sdelay $0x4  }
0x11c: {  	v18 =	vadd.f32 v19, v18;
	_ =	sdelay $0x1  }
0x11d: {  	v19 =	vmul.f32 $2.000000030e-01, v18;
	_ =	sdelay $0x1  }
0x11e: {  	v18 =	vmax.f32 v18, v19  }
0x11f: {  	v18 =	vsub.f32 v18, v17;
	_ =	sdelay $0x1  }
0x120: {  	v18 =	vmul.f32 $1.442695020e+00, v18;
	_ =	sdelay $0x1  }
0x121: {  	(erf) = vpow2.f32 v18;
	_ =	sdelay $0x8  }
0x122: {  	v18 =	vpop (erf)  }
0x123: {  	[tilespmem:v13+s29+$0x0] =	vst.idx.msk $0xffff, v18  }
0x124: {  	v18 =	vld.idx.msk [tilespmem:v14+s16+$0x0], $0xffff  }
0x125: {  	v19 =	vld.idx.msk [tilespmem:v15+s25+$0x0], $0xffff;
	_ =	sdelay $0x4  }
0x126: {  	v18 =	vadd.f32 v19, v18;
	_ =	sdelay $0x1  }
0x127: {  	v19 =	vmul.f32 $2.000000030e-01, v18;
	_ =	sdelay $0x1  }
0x128: {  	v18 =	vmax.f32 v18, v19  }
0x129: {  	v18 =	vsub.f32 v18, v17;
	_ =	sdelay $0x1  }
0x12a: {  	v18 =	vmul.f32 $1.442695020e+00, v18;
	_ =	sdelay $0x1  }
0x12b: {  	(erf) = vpow2.f32 v18  }
0x12c: {  	v18 =	vmov s17  }
0x12d: {  	v18 =	vmul.u32 $0x50, v18;
	_ =	sdelay $0x1  }
0x12e: {  	v18 =	vadd.s32 $0x40, v18  }
0x12f: {  	v18 =	vbroadcast v18, $0x0;
	_ =	sdelay $0x3  }
0x130: {  	v19 =	vpop (erf)  }
0x131: {  	[tilespmem:v16+s29+$0x0] =	vst.idx.msk $0xffff, v19  }
0x132: {  	s20 =	simm.s32 $0x17E8;
	v18 =	vld.idx.msk [tilespmem:v18+s29+$0x0], $0xffff  }
0x133: {  	v19 =	vld [tilespmem:s20+$0xFFFFFFE0];
	_ =	sdelay $0x4  }
0x134: {  	v19 =	vmul.f32 v19, v18  }
0x135: {  	s21 =	simm.s32 $0x4C60  }
0x136: {  	[tilespmem:s21+$0xFFFFFFE0] =	vst v19  }
0x137: {  	v19 =	vld [tilespmem:s20+$0xFFFFFFF0];
	_ =	sdelay $0x4  }
0x138: {  	v19 =	vmul.f32 v19, v18;
	_ =	sdelay $0x1  }
0x139: {  	[tilespmem:s21+$0xFFFFFFF0] =	vst v19  }
0x13a: {  	v19 =	vld [tilespmem:s20+$0x0];
	_ =	sdelay $0x4  }
0x13b: {  	s22 =	simm.s32 $0x1;
	v19 =	vmul.f32 v19, v18  }
0x13c: {  	v20 =	vmov s22;
	s22 =	simm.s32 $0x2  }
.LBB2_7:
0x13d: {  	p0 =	sne.s32 s22, $0x4F;
	v20 =	vmul.u32 $0x50, v20;
	[tilespmem:s21+$0x0] =	vst v19  }
0x13e: {  	v19 =	vld [tilespmem:s20+$0x10]  }
0x13f: {  	v20 =	vadd.s32 $0x40, v20  }
0x140: {  	v20 =	vbroadcast v20, $0x0;
	_ =	sdelay $0x2  }
0x141: {  	v18 =	vmul.f32 v19, v18;
	_ =	sdelay $0x1  }
0x142: {  	[tilespmem:s21+$0x10] =	vst v18  }
0x143: {  	s20 =	sadd.s32 $0x48, s20;
	v18 =	vld.idx.msk [tilespmem:v20+s29+$0x0], $0xffff  }
0x144: {  	v19 =	vld [tilespmem:s20+$0xFFFFFFE0];
	_ =	sdelay $0x4  }
0x145: {  	v19 =	vmul.f32 v19, v18  }
0x146: {  	s21 =	sadd.s32 $0x50, s21  }
0x147: {  	[tilespmem:s21+$0xFFFFFFE0] =	vst v19  }
0x148: {  	v19 =	vld [tilespmem:s20+$0xFFFFFFF0];
	_ =	sdelay $0x4  }
0x149: {  	v19 =	vmul.f32 v19, v18;
	_ =	sdelay $0x1  }
0x14a: {  	[tilespmem:s21+$0xFFFFFFF0] =	vst v19  }
0x14b: {  	v19 =	vld [tilespmem:s20+$0x0];
	_ =	sdelay $0x1  }
.Ltmp2:
0x14c: {  	(pc) =	sbr.rel @p0 .LBB2_7-.Ltmp2, $3  }
0x14d: {  	_ =	sdelay $0x1  }
0x14e: {  	v19 =	vmul.f32 v19, v18  }
0x14f: {  	v20 =	vmov s22;
	s22 =	sadd.s32 $0x1, s22  }
0x150: {  	v20 =	vmul.u32 $0x50, v20;
	[tilespmem:s21+$0x0] =	vst v19  }
0x151: {  	v19 =	vld [tilespmem:s20+$0x10]  }
0x152: {  	v20 =	vadd.s32 $0x40, v20  }
0x153: {  	v20 =	vbroadcast v20, $0x0;
	_ =	sdelay $0x2  }
0x154: {  	v18 =	vmul.f32 v19, v18;
	_ =	sdelay $0x1  }
0x155: {  	[tilespmem:s21+$0x10] =	vst v18  }
0x156: {  	s22 =	sadd.s32 $0x48, s20;
	v18 =	vld.idx.msk [tilespmem:v20+s29+$0x0], $0xffff  }
0x157: {  	v19 =	vld [tilespmem:s22+$0xFFFFFFE0];
	_ =	sdelay $0x4  }
0x158: {  	v19 =	vmul.f32 v19, v18  }
0x159: {  	s23 =	sadd.s32 $0x50, s21  }
0x15a: {  	[tilespmem:s23+$0xFFFFFFE0] =	vst v19  }
0x15b: {  	v19 =	vld [tilespmem:s22+$0xFFFFFFF0];
	_ =	sdelay $0x4  }
0x15c: {  	v19 =	vmul.f32 v19, v18;
	_ =	sdelay $0x1  }
0x15d: {  	[tilespmem:s23+$0xFFFFFFF0] =	vst v19  }
0x15e: {  	v19 =	vld [tilespmem:s22+$0x0];
	_ =	sdelay $0x4  }
0x15f: {  	v19 =	vmul.f32 v19, v18;
	_ =	sdelay $0x1  }
0x160: {  	[tilespmem:s23+$0x0] =	vst v19  }
0x161: {  	v19 =	vld [tilespmem:s22+$0x10];
	_ =	sdelay $0x4  }
0x162: {  	v18 =	vmul.f32 v19, v18  }
0x163: {  	p0 =	seq.s32 s18, $0x3D  }
0x164: {  	s19 =	sadd.s32 @!p0 s19, s31;
	[tilespmem:s23+$0x10] =	vst v18  }
0x165: {  	[spmem:s2] =	stream.indirect.scatter.add.f32 [tilespmem:s29], [sflag:$0x4], $0x50, s13, s9, $0xb8;
	[tilespmem:$0x12D50] =	vst v63  }
0x166: {  	s19 =	sshrl.u32 @!p0 s19, $0x3;
	_ =	swait.ge [sflag:s0], $0x1900  }
0x167: {  	s20 =	sadd.s32 @!p0 s5, s19;
	[sflag:s0] =	ssyncset.done $0x0  }
0x168: {  	s21 =	simm.s32 @!p0 $0x0;
	s22 =	simm.s32 @!p0 $0x50;
	[sflag:s0] =	ssyncadd.s32 $0xFFFFE700  }
0x169: {  	[tilespmem:s22], [sflag:$0x5] =	stream.linear.gather @!p0 [hbm4b:s20+s21], $0x50, $0x38;
	[tilespmem:$0x12D50] =	vst v63  }
0x16a: {  	s20 =	simm.s32 @!p0 $0x5  }
0x16b: {  	_ =	swait.ge @!p0 [sflag:s20], $0x50  }
0x16c: {  	[sflag:s20] =	ssyncset.done @!p0 $0x0  }
0x16d: {  	s19 =	sadd.s32 @!p0 s1, s19;
	s23 =	simm.s32 @!p0 $0xF0;
	[sflag:s20] =	ssyncadd.s32 @!p0 $0xFFFFFFB0  }
0x16e: {  	[tilespmem:s23], [sflag:$0x5] =	stream.linear.gather @!p0 [hbm4b:s19+s21], $0x50, $0x38;
	[tilespmem:$0x12D50] =	vst v63  }
0x16f: {  	_ =	swait.ge @!p0 [sflag:s20], $0x50  }
0x170: {  	[sflag:s20] =	ssyncset.done @!p0 $0x0  }
0x171: {  	s19 =	simm.s32 @!p0 $0x17C0;
	[sflag:s20] =	ssyncadd.s32 @!p0 $0xFFFFFFB0  }
0x172: {  	[tilespmem:s19], [sflag:$0x2] =	stream.indirect.gather @!p0 [hbm4b:s14+s22], $0x48, s22, s22, $0xb8;
	[tilespmem:$0x12D50] =	vst v63  }
0x173: {  	s19 =	simm.s32 @!p0 $0x30C0  }
0x174: {  	[tilespmem:s19], [sflag:$0x2] =	stream.indirect.gather @!p0 [hbm4b:s15+s22], $0x8, s23, s22, $0xb8;
	[tilespmem:$0x12D50] =	vst v63  }
0x175: {  	_ =	swait.ge [sflag:s12], $0x1680  }
0x176: {  	[sflag:s12] =	ssyncset.done $0x0  }
0x177: {  	[sflag:s12] =	ssyncadd.s32 $0xFFFFE980  }
0x178: {  	_ =	swait.ge [sflag:s12], $0x280  }
0x179: {  	[sflag:s12] =	ssyncset.done $0x0  }
0x17a: {  	[sflag:s12] =	ssyncadd.s32 $0xFFFFFD80  }
0x17b: {  	v18 =	vld.idx.msk [tilespmem:v0+s10+$0x0], $0xffff  }
0x17c: {  	v19 =	vld.idx.msk [tilespmem:v1+s11+$0x0], $0xffff;
	_ =	sdelay $0x4  }
0x17d: {  	v18 =	vadd.f32 v19, v18;
	_ =	sdelay $0x1  }
0x17e: {  	v19 =	vmul.f32 $2.000000030e-01, v18;
	_ =	sdelay $0x1  }
0x17f: {  	v18 =	vmax.f32 v18, v19  }
0x180: {  	v18 =	vsub.f32 v18, v17;
	_ =	sdelay $0x1  }
0x181: {  	v18 =	vmul.f32 $1.442695020e+00, v18;
	_ =	sdelay $0x1  }
0x182: {  	(erf) = vpow2.f32 v18;
	_ =	sdelay $0x8  }
0x183: {  	v18 =	vpop (erf)  }
0x184: {  	[tilespmem:v4+s4+$0x0] =	vst.idx.msk $0xffff, v18  }
0x185: {  	v18 =	vld.idx.msk [tilespmem:v5+s10+$0x0], $0xffff  }
0x186: {  	v19 =	vld.idx.msk [tilespmem:v6+s11+$0x0], $0xffff;
	_ =	sdelay $0x4  }
0x187: {  	v18 =	vadd.f32 v19, v18;
	_ =	sdelay $0x1  }
0x188: {  	v19 =	vmul.f32 $2.000000030e-01, v18;
	_ =	sdelay $0x1  }
0x189: {  	v18 =	vmax.f32 v18, v19  }
0x18a: {  	v18 =	vsub.f32 v18, v17;
	_ =	sdelay $0x1  }
0x18b: {  	v18 =	vmul.f32 $1.442695020e+00, v18;
	_ =	sdelay $0x1  }
0x18c: {  	(erf) = vpow2.f32 v18;
	_ =	sdelay $0x8  }
0x18d: {  	v18 =	vpop (erf)  }
0x18e: {  	[tilespmem:v7+s4+$0x0] =	vst.idx.msk $0xffff, v18  }
0x18f: {  	v18 =	vld.idx.msk [tilespmem:v8+s10+$0x0], $0xffff  }
0x190: {  	v19 =	vld.idx.msk [tilespmem:v9+s11+$0x0], $0xffff;
	_ =	sdelay $0x4  }
0x191: {  	v18 =	vadd.f32 v19, v18;
	_ =	sdelay $0x1  }
0x192: {  	v19 =	vmul.f32 $2.000000030e-01, v18;
	_ =	sdelay $0x1  }
0x193: {  	v18 =	vmax.f32 v18, v19  }
0x194: {  	v18 =	vsub.f32 v18, v17;
	_ =	sdelay $0x1  }
0x195: {  	v18 =	vmul.f32 $1.442695020e+00, v18;
	_ =	sdelay $0x1  }
0x196: {  	(erf) = vpow2.f32 v18;
	_ =	sdelay $0x8  }
0x197: {  	v18 =	vpop (erf)  }
0x198: {  	[tilespmem:v10+s4+$0x0] =	vst.idx.msk $0xffff, v18  }
0x199: {  	v18 =	vld.idx.msk [tilespmem:v11+s10+$0x0], $0xffff  }
0x19a: {  	v19 =	vld.idx.msk [tilespmem:v12+s11+$0x0], $0xffff;
	_ =	sdelay $0x4  }
0x19b: {  	v18 =	vadd.f32 v19, v18;
	_ =	sdelay $0x1  }
0x19c: {  	v19 =	vmul.f32 $2.000000030e-01, v18;
	_ =	sdelay $0x1  }
0x19d: {  	v18 =	vmax.f32 v18, v19  }
0x19e: {  	v18 =	vsub.f32 v18, v17;
	_ =	sdelay $0x1  }
0x19f: {  	v18 =	vmul.f32 $1.442695020e+00, v18;
	_ =	sdelay $0x1  }
0x1a0: {  	(erf) = vpow2.f32 v18;
	_ =	sdelay $0x8  }
0x1a1: {  	v18 =	vpop (erf)  }
0x1a2: {  	[tilespmem:v13+s4+$0x0] =	vst.idx.msk $0xffff, v18  }
0x1a3: {  	v18 =	vld.idx.msk [tilespmem:v14+s10+$0x0], $0xffff  }
0x1a4: {  	v19 =	vld.idx.msk [tilespmem:v15+s11+$0x0], $0xffff;
	_ =	sdelay $0x4  }
0x1a5: {  	v18 =	vadd.f32 v19, v18;
	_ =	sdelay $0x1  }
0x1a6: {  	v19 =	vmul.f32 $2.000000030e-01, v18;
	_ =	sdelay $0x1  }
0x1a7: {  	v18 =	vmax.f32 v18, v19  }
0x1a8: {  	v18 =	vsub.f32 v18, v17;
	_ =	sdelay $0x1  }
0x1a9: {  	v18 =	vmul.f32 $1.442695020e+00, v18;
	_ =	sdelay $0x1  }
0x1aa: {  	s22 =	simm.s32 $0x0;
	(erf) = vpow2.f32 v18  }
0x1ab: {  	v18 =	vmov s22  }
0x1ac: {  	v18 =	vmul.u32 $0x50, v18;
	_ =	sdelay $0x1  }
0x1ad: {  	v18 =	vadd.s32 $0x40, v18  }
0x1ae: {  	v18 =	vbroadcast v18, $0x0;
	_ =	sdelay $0x3  }
0x1af: {  	v19 =	vpop (erf)  }
0x1b0: {  	[tilespmem:v16+s4+$0x0] =	vst.idx.msk $0xffff, v19  }
0x1b1: {  	s19 =	simm.s32 $0x168;
	v18 =	vld.idx.msk [tilespmem:v18+s4+$0x0], $0xffff  }
0x1b2: {  	v19 =	vld [tilespmem:s19+$0xFFFFFFE0];
	_ =	sdelay $0x4  }
0x1b3: {  	v19 =	vmul.f32 v19, v18  }
0x1b4: {  	s20 =	simm.s32 $0x3360  }
0x1b5: {  	[tilespmem:s20+$0xFFFFFFE0] =	vst v19  }
0x1b6: {  	v19 =	vld [tilespmem:s19+$0xFFFFFFF0];
	_ =	sdelay $0x4  }
0x1b7: {  	v19 =	vmul.f32 v19, v18;
	_ =	sdelay $0x1  }
0x1b8: {  	[tilespmem:s20+$0xFFFFFFF0] =	vst v19  }
0x1b9: {  	v19 =	vld [tilespmem:s19+$0x0];
	_ =	sdelay $0x4  }
0x1ba: {  	s23 =	simm.s32 $0x1;
	v19 =	vmul.f32 v19, v18  }
0x1bb: {  	s21 =	simm.s32 $0x2;
	v20 =	vmov s23  }
.LBB2_9:
0x1bc: {  	p0 =	sne.s32 s21, $0x4F;
	v20 =	vmul.u32 $0x50, v20;
	[tilespmem:s20+$0x0] =	vst v19  }
0x1bd: {  	v19 =	vld [tilespmem:s19+$0x10]  }
0x1be: {  	v20 =	vadd.s32 $0x40, v20  }
0x1bf: {  	v20 =	vbroadcast v20, $0x0;
	_ =	sdelay $0x2  }
0x1c0: {  	v18 =	vmul.f32 v19, v18;
	_ =	sdelay $0x1  }
0x1c1: {  	[tilespmem:s20+$0x10] =	vst v18  }
0x1c2: {  	s19 =	sadd.s32 $0x48, s19;
	v18 =	vld.idx.msk [tilespmem:v20+s4+$0x0], $0xffff  }
0x1c3: {  	v19 =	vld [tilespmem:s19+$0xFFFFFFE0];
	_ =	sdelay $0x4  }
0x1c4: {  	v19 =	vmul.f32 v19, v18  }
0x1c5: {  	s20 =	sadd.s32 $0x50, s20  }
0x1c6: {  	[tilespmem:s20+$0xFFFFFFE0] =	vst v19  }
0x1c7: {  	v19 =	vld [tilespmem:s19+$0xFFFFFFF0];
	_ =	sdelay $0x4  }
0x1c8: {  	v19 =	vmul.f32 v19, v18;
	_ =	sdelay $0x1  }
0x1c9: {  	[tilespmem:s20+$0xFFFFFFF0] =	vst v19  }
0x1ca: {  	v19 =	vld [tilespmem:s19+$0x0];
	_ =	sdelay $0x1  }
.Ltmp3:
0x1cb: {  	(pc) =	sbr.rel @p0 .LBB2_9-.Ltmp3, $3  }
0x1cc: {  	_ =	sdelay $0x1  }
0x1cd: {  	v19 =	vmul.f32 v19, v18  }
0x1ce: {  	v20 =	vmov s21;
	s21 =	sadd.s32 $0x1, s21  }
0x1cf: {  	v20 =	vmul.u32 $0x50, v20;
	[tilespmem:s20+$0x0] =	vst v19  }
0x1d0: {  	v19 =	vld [tilespmem:s19+$0x10]  }
0x1d1: {  	v20 =	vadd.s32 $0x40, v20  }
0x1d2: {  	v20 =	vbroadcast v20, $0x0;
	_ =	sdelay $0x2  }
0x1d3: {  	v18 =	vmul.f32 v19, v18;
	_ =	sdelay $0x1  }
0x1d4: {  	[tilespmem:s20+$0x10] =	vst v18  }
0x1d5: {  	s22 =	sadd.s32 $0x48, s19;
	v18 =	vld.idx.msk [tilespmem:v20+s4+$0x0], $0xffff  }
0x1d6: {  	v19 =	vld [tilespmem:s22+$0xFFFFFFE0];
	_ =	sdelay $0x4  }
0x1d7: {  	v19 =	vmul.f32 v19, v18  }
0x1d8: {  	s23 =	sadd.s32 $0x50, s20  }
0x1d9: {  	[tilespmem:s23+$0xFFFFFFE0] =	vst v19  }
0x1da: {  	v19 =	vld [tilespmem:s22+$0xFFFFFFF0];
	_ =	sdelay $0x4  }
0x1db: {  	v19 =	vmul.f32 v19, v18;
	_ =	sdelay $0x1  }
0x1dc: {  	[tilespmem:s23+$0xFFFFFFF0] =	vst v19  }
0x1dd: {  	v19 =	vld [tilespmem:s22+$0x0];
	_ =	sdelay $0x4  }
0x1de: {  	v19 =	vmul.f32 v19, v18;
	_ =	sdelay $0x1  }
0x1df: {  	[tilespmem:s23+$0x0] =	vst v19  }
0x1e0: {  	v19 =	vld [tilespmem:s22+$0x10];
	_ =	sdelay $0x1  }
0x1e1: {  	s18 =	sadd.s32 $0x1, s18  }
0x1e2: {  	p0 =	sne.s32 s18, $0x3E  }
.Ltmp4:
0x1e3: {  	_ = 	snop;
	(pc) =	sbr.rel @p0 .LBB2_6-.Ltmp4, $3  }
0x1e4: {  	v18 =	vmul.f32 v19, v18;
	_ =	sdelay $0x1  }
0x1e5: {  	[tilespmem:s23+$0x10] =	vst v18  }
0x1e6: {  	[spmem:s2] =	stream.indirect.scatter.add.f32 [tilespmem:s4], [sflag:$0x3], $0x50, s8, s9, $0xb8;
	[tilespmem:$0x12D50] =	vst v63  }
0x1e7: {  	_ =	swait.ge [sflag:s26], $0x1900  }
0x1e8: {  	[sflag:s26] =	ssyncset.done $0x0  }
0x1e9: {  	[sflag:s26] =	ssyncadd.s32 $0xFFFFE700  }
0x1ea: {  	[bflag:$0x0] =	sbarrier.arrive $0xFFFF  }
0x1eb: {  	[tilespmem:s4], [sflag:$0x5] =	stream.linear.gather [spmem:s24], $0x1900, $0x38;
	[tilespmem:$0x12D50] =	vst v63  }
0x1ec: {  	_ =	swait.ge [sflag:s6], $0x1900  }
0x1ed: {  	[sflag:s6] =	ssyncset.done $0x0  }
0x1ee: {  	s17 =	rddreg [dreg:$0x4];
	[sflag:s6] =	ssyncadd.s32 $0xFFFFE700  }
0x1ef: {  	[hbm4b:s17+s3] =	stream.linear.scatter [tilespmem:s4], [sflag:$0x5], $0x1900, $0x38;
	[tilespmem:$0x12D50] =	vst v63  }
0x1f0: {  	_ =	swait.ge [sflag:s6], $0x1900  }
0x1f1: {  	[sflag:s6] =	ssyncset.done $0x0  }
0x1f2: {  	s20 =	rddreg [dreg:$0xd];
	[sflag:s6] =	ssyncadd.s32 $0xFFFFE700  }
0x1f3: {  	[tilespmem:s4], [sflag:$0x5] =	stream.linear.gather [spmem:s20], $0x1900, $0x38;
	[tilespmem:$0x12D50] =	vst v63  }
0x1f4: {  	_ =	swait.ge [sflag:s6], $0x1900  }
0x1f5: {  	[sflag:s6] =	ssyncset.done $0x0  }
0x1f6: {  	s22 =	rddreg [dreg:$0x5];
	[sflag:s6] =	ssyncadd.s32 $0xFFFFE700  }
0x1f7: {  	[hbm4b:s22+s3] =	stream.linear.scatter [tilespmem:s4], [sflag:$0x5], $0x1900, $0x38;
	[tilespmem:$0x12D50] =	vst v63  }
0x1f8: {  	_ =	swait.ge [sflag:s6], $0x1900  }
0x1f9: {  	[sflag:s6] =	ssyncset.done $0x0  }
0x1fa: {  	s21 =	rddreg [dreg:$0xe];
	[sflag:s6] =	ssyncadd.s32 $0xFFFFE700  }
0x1fb: {  	[tilespmem:s4], [sflag:$0x5] =	stream.linear.gather [spmem:s21], $0x1900, $0x38;
	[tilespmem:$0x12D50] =	vst v63  }
0x1fc: {  	_ =	swait.ge [sflag:s6], $0x1900  }
0x1fd: {  	[sflag:s6] =	ssyncset.done $0x0  }
0x1fe: {  	s23 =	rddreg [dreg:$0x6];
	[sflag:s6] =	ssyncadd.s32 $0xFFFFE700  }
0x1ff: {  	[hbm4b:s23+s3] =	stream.linear.scatter [tilespmem:s4], [sflag:$0x5], $0x1900, $0x38;
	[tilespmem:$0x12D50] =	vst v63  }
0x200: {  	_ =	swait.ge [sflag:s6], $0x1900  }
0x201: {  	[sflag:s6] =	ssyncset.done $0x0  }
0x202: {  	s22 =	rddreg [dreg:$0xf];
	[sflag:s6] =	ssyncadd.s32 $0xFFFFE700  }
0x203: {  	[tilespmem:s4], [sflag:$0x5] =	stream.linear.gather [spmem:s22], $0x1900, $0x38;
	[tilespmem:$0x12D50] =	vst v63  }
0x204: {  	_ =	swait.ge [sflag:s6], $0x1900  }
0x205: {  	[sflag:s6] =	ssyncset.done $0x0  }
0x206: {  	s19 =	smov.u32 s24;
	s24 =	rddreg [dreg:$0x7];
	[sflag:s6] =	ssyncadd.s32 $0xFFFFE700  }
0x207: {  	[hbm4b:s24+s3] =	stream.linear.scatter [tilespmem:s4], [sflag:$0x5], $0x1900, $0x38;
	[tilespmem:$0x12D50] =	vst v63  }
0x208: {  	_ =	swait.ge [sflag:s6], $0x1900  }
0x209: {  	[sflag:s6] =	ssyncset.done $0x0  }
0x20a: {  	s18 =	rddreg [dreg:$0x10];
	[sflag:s6] =	ssyncadd.s32 $0xFFFFE700  }
0x20b: {  	[tilespmem:s4], [sflag:$0x5] =	stream.linear.gather [spmem:s18], $0x1900, $0x38;
	[tilespmem:$0x12D50] =	vst v63  }
0x20c: {  	_ =	swait.ge [sflag:s6], $0x1900  }
0x20d: {  	[sflag:s6] =	ssyncset.done $0x0  }
0x20e: {  	s23 =	rddreg [dreg:$0x8];
	[sflag:s6] =	ssyncadd.s32 $0xFFFFE700  }
0x20f: {  	[hbm4b:s23+s3] =	stream.linear.scatter [tilespmem:s4], [sflag:$0x5], $0x1900, $0x38;
	[tilespmem:$0x12D50] =	vst v63  }
0x210: {  	_ =	swait.ge [sflag:s6], $0x1900  }
0x211: {  	[sflag:s6] =	ssyncset.done $0x0  }
0x212: {  	s24 =	rddreg [dreg:$0x11];
	[sflag:s6] =	ssyncadd.s32 $0xFFFFE700  }
0x213: {  	[tilespmem:s4], [sflag:$0x5] =	stream.linear.gather [spmem:s24], $0x1900, $0x38;
	[tilespmem:$0x12D50] =	vst v63  }
0x214: {  	_ =	swait.ge [sflag:s6], $0x1900  }
0x215: {  	[sflag:s6] =	ssyncset.done $0x0  }
0x216: {  	s18 =	rddreg [dreg:$0x9];
	[sflag:s6] =	ssyncadd.s32 $0xFFFFE700  }
0x217: {  	[hbm4b:s18+s3] =	stream.linear.scatter [tilespmem:s4], [sflag:$0x5], $0x1900, $0x38;
	[tilespmem:$0x12D50] =	vst v63  }
0x218: {  	_ =	swait.ge [sflag:s6], $0x1900  }
0x219: {  	[sflag:s6] =	ssyncset.done $0x0  }
0x21a: {  	s23 =	rddreg [dreg:$0x12];
	[sflag:s6] =	ssyncadd.s32 $0xFFFFE700  }
0x21b: {  	[tilespmem:s4], [sflag:$0x5] =	stream.linear.gather [spmem:s23], $0x1900, $0x38;
	[tilespmem:$0x12D50] =	vst v63  }
0x21c: {  	_ =	swait.ge [sflag:s6], $0x1900  }
0x21d: {  	[sflag:s6] =	ssyncset.done $0x0  }
0x21e: {  	s24 =	rddreg [dreg:$0xa];
	[sflag:s6] =	ssyncadd.s32 $0xFFFFE700  }
0x21f: {  	[hbm4b:s24+s3] =	stream.linear.scatter [tilespmem:s4], [sflag:$0x5], $0x1900, $0x38;
	[tilespmem:$0x12D50] =	vst v63  }
0x220: {  	_ =	swait.ge [sflag:s6], $0x1900  }
0x221: {  	[sflag:s6] =	ssyncset.done $0x0  }
0x222: {  	s18 =	rddreg [dreg:$0x13];
	[sflag:s6] =	ssyncadd.s32 $0xFFFFE700  }
0x223: {  	[tilespmem:s4], [sflag:$0x5] =	stream.linear.gather [spmem:s18], $0x1900, $0x38;
	[tilespmem:$0x12D50] =	vst v63  }
0x224: {  	_ =	swait.ge [sflag:s6], $0x1900  }
0x225: {  	[sflag:s6] =	ssyncset.done $0x0  }
0x226: {  	s23 =	rddreg [dreg:$0xb];
	[sflag:s6] =	ssyncadd.s32 $0xFFFFE700  }
0x227: {  	[hbm4b:s23+s3] =	stream.linear.scatter [tilespmem:s4], [sflag:$0x5], $0x1900, $0x38;
	[tilespmem:$0x12D50] =	vst v63  }
0x228: {  	_ =	swait.ge [sflag:s6], $0x1900  }
0x229: {  	s7 =	sadd.s32 $0x1, s7;
	s24 =	rddreg [dreg:$0x18]  }
0x22a: {  	p0 =	sne.s32 s7, s24  }
.Ltmp5:
0x22b: {  	_ = 	snop;
	(pc) =	sbr.rel @p0 .LBB2_1-.Ltmp5, $3  }
0x22c: {  	_ =	sdelay $0x1  }
0x22d: {  	[sflag:s6] =	ssyncset.done $0x0  }
0x22e: {  	[sflag:s6] =	ssyncadd.s32 $0xFFFFE700  }
0x22f: {  	_ =	sfence.sel $0x180000  }
0x230: {  	[bflag:$0x0] =	sbarrier.arrive $0xFFFF  }
0x231: {  	_ =	strace $0x9000004A  }
0x232: {  	s0 =	stileid.u32;
	[bflag:$0x2] =	sbarrier.arrive $0xFFFF  }
0x233: {  	p0 =	sne.s32 s0, $0x0;
	s0 =	rddreg [dreg:$0x3]  }
0x234: {  	s0 =	sadd.s32 @!p0 $0x100000, s0  }
0x235: {  	[sflag:s0] =	ssyncadd.tile.s32 @!p0 $0x1;
	_ =	shalt  }
.Lfunc_end2:
_tile_overlayer_lowered:
.L_overlay_start_2:
0x236: {  	(tag) =	ssettag $0x2  }
0x237: {  	s0 =	rddreg [dreg:$0x0];
	s2 =	stileid.u32  }
0x238: {  	s1 =	rddreg [dreg:$0x1];
	p0 =	sne.s32 s2, $0x0  }
0x239: {  	s3 =	rddreg [dreg:$0x2];
	[bflag:$0x3] =	sbarrier.arrive $0xFFFF;
	s2 =	simm.s32 @!p0 $0x1C05  }
0x23a: {  	[timem:s3], [sflag:s2] =	dma.local @!p0 [hbm:s0], s1  }
0x23b: {  	s0 =	simm.s32 @!p0 $0x5  }
0x23c: {  	_ =	swait.ge @!p0 [sflag:s0], s1  }
0x23d: {  	s1 =	ssub.s32 @!p0 $0x0, s1;
	[sflag:s0] =	ssyncset.done @!p0 $0x0  }
0x23e: {  	[sflag:s0] =	ssyncadd.s32 @!p0 s1  }
0x23f: {  	[bflag:$0x3] =	sbarrier.arrive $0xFFFF  }
0x240: {  	_ =	shalt  }

// kernel: kernel.7.cloned.1.call-start
scs
__scs_entry_jumppad:
0x0: {  	(pc) =	sbr.rel $0x88, $3  }
0x1: {  	(tag) =	ssettag $0x0;
	lr =	simm.s32 $0x1  }
0x2: {  	[smem:$0x3F97] =	sst lr;
	_ =	strace $0xD0000000  }
0x3: {  	_ = 	snop  }
0x4: {  	_ = 	snop  }
0x5: {  	_ = 	snop  }
0x6: {  	_ = 	snop  }
0x7: {  	_ = 	snop  }
__scs_overlays_trampoline_lowered:
0x8: {  	[smem:$0x3FA6] =	sst s0  }
0x9: {  	[smem:$0x3FA7] =	sst s1  }
0xa: {  	[smem:$0x3FA8] =	sst s2  }
0xb: {  	[smem:$0x3FA9] =	sst s3  }
0xc: {  	[smem:$0x3FAA] =	sst s4  }
0xd: {  	[smem:$0x3FAB] =	sst s5  }
0xe: {  	[smem:$0x3FAC] =	sst s6  }
0xf: {  	[smem:$0x3FAD] =	sst s7  }
0x10: {  	[smem:$0x3FAE] =	sst s8  }
0x11: {  	[smem:$0x3FAF] =	sst s9;
	s0 =	simm.s32 @!p0 $0x0  }
0x12: {  	s1 =	sld [smem:$0x3F95];
	s0 =	simm.s32 @p0 $0x1  }
0x13: {  	[smem:$0x3FB0] =	sst s0;
	s0 =	simm.s32 @!p1 $0x0  }
0x14: {  	s2 =	sld [smem:$0x3F94];
	s0 =	simm.s32 @p1 $0x1  }
0x15: {  	[smem:$0x3FB1] =	sst s0;
	s0 =	simm.s32 @!p2 $0x0  }
0x16: {  	s3 =	sld [smem:$0x3FDB];
	s0 =	simm.s32 @p2 $0x1  }
0x17: {  	s4 =	simm.s32 $0x1BF5;
	[smem:$0x3FB3] =	sst s0  }
0x18: {  	s0 =	sld [smem:$0x3F96];
	_ =	swait.ge [sflag:s4], $0x0  }
0x19: {  	s7 =	sld [smem:$0x3F97]  }
0x1a: {  	s8 =	sadd.s32 $0xFFFFE003, lr  }
0x1b: {  	s9 =	sadd.s32 $0xFFFFFEF7, lr;
	s5 =	simm.s32 $0xFFFFFFFF;
	p2 =	slt.u32 s8, $0xFFFFF086  }
0x1c: {  	p1 =	slt.u32 s9, $0xF7A;
	s5 =	simm.s32 @!p2 $0x0  }
0x1d: {  	s5 =	simm.s32 @p1 $0x1;
	p0 =	seq.s32 s7, s2  }
0x1e: {  	s7 =	smul.u32 @!p0 $0xF7A, s2;
	p2 =	seq.s32 @!p0 s5, $0x0  }
0x1f: {  	s9 =	smul.u32 $0xF7A, s1;
	s8 =	simm.s32 @!p0 $0x1BF5;
	p2 =	por !p2, p0  }
0x20: {  	[sflag:s8] =	ssyncset.s32 @!p0 $0xFFFFF086;
	s6 =	sadd.s32 @!p0 s3, s7;
	s7 =	simm.s32 @!p0 $0x108  }
0x21: {  	s3 =	sadd.s32 s3, s9;
	s6 =	sadd.s32 @!p0 $0x88, s6;
	s7 =	simm.s32 @p2 $0x1082  }
0x22: {  	[simem:s7], [sflag:s8] =	dma.local @!p0 [hbm:s6], $0xF7A  }
0x23: {  	s9 =	sor.u32 $0xD0000000, s2;
	s6 =	simm.s32 $0x108;
	_ =	swait.ge @!p0 [sflag:s8], $0x0  }
0x24: {  	s3 =	sadd.s32 $0x88, s3;
	s6 =	simm.s32 @!p1 $0x1082;
	[sflag:s4] =	ssyncset.s32 $0xFFFFF086  }
0x25: {  	[simem:s6], [sflag:s4] =	dma.local [hbm:s3], $0xF7A  }
0x26: {  	[smem:$0x3F97] =	sst s1;
	(tag) =	ssettag s2;
	_ =	strace s9  }
0x27: {  	s1 =	sld [smem:$0x3FA7]  }
0x28: {  	s2 =	sld [smem:$0x3FA8]  }
0x29: {  	s4 =	sld [smem:$0x3FAA]  }
0x2a: {  	p0 =	seq.s32 s5, $0x0;
	s5 =	sld [smem:$0x3FAB]  }
0x2b: {  	s6 =	sld [smem:$0x3FAC]  }
0x2c: {  	s7 =	sld [smem:$0x3FAD]  }
0x2d: {  	s3 =	simm.s32 $0x108;
	s8 =	sld [smem:$0x3FAE]  }
0x2e: {  	s3 =	simm.s32 @!p0 $0x1082;
	s9 =	sld [smem:$0x3FAF]  }
0x2f: {  	lr =	sadd.s32 s0, s3;
	s0 =	sld [smem:$0x3FA6]  }
0x30: {  	s3 =	sld [smem:$0x3FA9]  }
0x31: {  	[smem:$0x3FB2] =	sst s10  }
0x32: {  	s10 =	sld [smem:$0x3FB0];
	_ =	sdelay $0x3  }
0x33: {  	p0 =	seq.s32 s10, $0x1;
	s10 =	sld [smem:$0x3FB2];
	_ =	sdelay $0x3  }
0x34: {  	[smem:$0x3FB2] =	sst s10  }
0x35: {  	s10 =	sld [smem:$0x3FB1];
	_ =	sdelay $0x3  }
0x36: {  	p1 =	seq.s32 s10, $0x1;
	s10 =	sld [smem:$0x3FB2];
	_ =	sdelay $0x3  }
0x37: {  	[smem:$0x3FB2] =	sst s10  }
0x38: {  	s10 =	sld [smem:$0x3FB3]  }
0x39: {  	_ = 	snop;
	(pc) =	sbr.ind lr, $3  }
0x3a: {  	_ = 	snop  }
0x3b: {  	_ = 	snop  }
0x3c: {  	p2 =	seq.s32 s10, $0x1;
	s10 =	sld [smem:$0x3FB2]  }
0x3d: {  	_ =	shalt  }
0x3e: {  	_ =	shalt  }
0x3f: {  	_ =	shalt  }
0x40: {  	_ =	shalt  }
0x41: {  	_ =	shalt  }
0x42: {  	_ =	shalt  }
0x43: {  	_ =	shalt  }
0x44: {  	_ =	shalt  }
0x45: {  	_ =	shalt  }
0x46: {  	_ =	shalt  }
0x47: {  	_ =	shalt  }
0x48: {  	_ =	shalt  }
0x49: {  	_ =	shalt  }
0x4a: {  	_ =	shalt  }
0x4b: {  	_ =	shalt  }
0x4c: {  	_ =	shalt  }
0x4d: {  	_ =	shalt  }
0x4e: {  	_ =	shalt  }
0x4f: {  	_ =	shalt  }
0x50: {  	_ =	shalt  }
0x51: {  	_ =	shalt  }
0x52: {  	_ =	shalt  }
0x53: {  	_ =	shalt  }
0x54: {  	_ =	shalt  }
0x55: {  	_ =	shalt  }
0x56: {  	_ =	shalt  }
0x57: {  	_ =	shalt  }
0x58: {  	_ =	shalt  }
0x59: {  	_ =	shalt  }
0x5a: {  	_ =	shalt  }
0x5b: {  	_ =	shalt  }
0x5c: {  	_ =	shalt  }
0x5d: {  	_ =	shalt  }
0x5e: {  	_ =	shalt  }
0x5f: {  	_ =	shalt  }
0x60: {  	_ =	shalt  }
0x61: {  	_ =	shalt  }
0x62: {  	_ =	shalt  }
0x63: {  	_ =	shalt  }
0x64: {  	_ =	shalt  }
0x65: {  	_ =	shalt  }
0x66: {  	_ =	shalt  }
0x67: {  	_ =	shalt  }
0x68: {  	_ =	shalt  }
0x69: {  	_ =	shalt  }
0x6a: {  	_ =	shalt  }
0x6b: {  	_ =	shalt  }
0x6c: {  	_ =	shalt  }
0x6d: {  	_ =	shalt  }
0x6e: {  	_ =	shalt  }
0x6f: {  	_ =	shalt  }
0x70: {  	_ =	shalt  }
0x71: {  	_ =	shalt  }
0x72: {  	_ =	shalt  }
0x73: {  	_ =	shalt  }
0x74: {  	_ =	shalt  }
0x75: {  	_ =	shalt  }
0x76: {  	_ =	shalt  }
0x77: {  	_ =	shalt  }
0x78: {  	_ =	shalt  }
0x79: {  	_ =	shalt  }
0x7a: {  	_ =	shalt  }
0x7b: {  	_ =	shalt  }
0x7c: {  	_ =	shalt  }
0x7d: {  	_ =	shalt  }
0x7e: {  	_ =	shalt  }
0x7f: {  	_ =	shalt  }
0x80: {  	_ =	shalt  }
0x81: {  	_ =	shalt  }
0x82: {  	_ =	shalt  }
0x83: {  	_ =	shalt  }
0x84: {  	_ =	shalt  }
0x85: {  	_ =	shalt  }
0x86: {  	_ =	shalt  }
0x87: {  	_ =	shalt  }
.Lfunc_end0:
.L_simem_size_0:
called_computation_lowered:
.L_overlay_start_0:
0x88: {  	s2 =	sld [smem:$0x3FD9]  }
0x89: {  	s3 =	sld [smem:$0x3FFE];
	_ =	sdelay $0x1  }
0x8a: {  	s1 =	srdreg.scid  }
0x8b: {  	s0 =	sand.u32 $0x1, s1  }
0x8c: {  	s17 =	sshll.u32 s0, $0xA;
	s2 =	sadd.s32 s3, s2  }
0x8d: {  	s2 =	sadd.s32 s2, s17  }
0x8e: {  	[smem:$0x3FBE] =	sst s2  }
0x8f: {  	_ = 	snop  }
0x90: {  	s2 =	sld [smem:$0x3FD0];
	(tm) =	ssettm $0x1  }
0x91: {  	s18 =	sld [smem:$0x3FFB];
	_ =	sdelay $0x3  }
0x92: {  	_ =	strace s18  }
0x93: {  	s3 =	sld [smem:$0x3FFC];
	_ =	sdelay $0x3  }
0x94: {  	_ =	strace s3  }
0x95: {  	s3 =	sld [smem:$0x3FFD];
	_ =	sdelay $0x3  }
0x96: {  	_ =	strace s3  }
0x97: {  	_ =	strace $0x8FFFFFFF  }
0x98: {  	s19 =	sld [smem:$0x3FDB];
	_ =	sdelay $0x1  }
0x99: {  	s4 =	simm.s32 $_scs_section_size  }
0x9a: {  	s5 =	simm.s32 $_size__tile_overlayer_lowered;
	s6 =	simm.s32 $_tile_overlayer_lowered  }
0x9b: {  	s22 =	simm.s32 $0x1BFF;
	s21 =	sshll.u32 s6, $0x1;
	s3 =	sadd.s32 s4, s19  }
0x9c: {  	s7 =	simm.s32 $0x0;
	s20 =	sshll.u32 s5, $0x1;
	s5 =	sadd.s32 s21, s3  }
0x9d: {  	[timem:s7], [sflag:s22] =	dma.local [hbm:s5], s20  }
0x9e: {  	_ =	swait.ge [sflag:s22], s20  }
0x9f: {  	s4 =	ssub.s32 $0x0, s20;
	[sflag:s22] =	ssyncset.done $0x0  }
0xa0: {  	[sflag:s22] =	ssyncadd.s32 s4;
	_ =	sdelay $0x1  }
0xa1: {  	s23 =	simm.s32 $0x1B8B  }
0xa2: {  	_ =	swait.ge [sflag:s23], $0x1  }
0xa3: {  	[sflag:s23] =	ssyncset.done $0x0  }
0xa4: {  	s25 =	simm.s32 $0x1B8E;
	s24 =	sld [smem:$0x3FFE];
	[sflag:s23] =	ssyncadd.s32 $0xFFFFFFFF  }
0xa5: {  	s26 =	simm.s32 $execute0_lowered;
	[smem:$0x3FD2] =	sst s25  }
0xa6: {  	s5 =	sshll.u32 s26, $0x1;
	_ =	strace $0x80000046;
	[dreg:$0x1] =	wrdreg $0xFFFFFFFF  }
0xa7: {  	s28 =	simm.s32 $_size_execute0_lowered;
	s3 =	sadd.s32 s3, s5;
	[dreg:$0x0] =	wrdreg $0x0  }
0xa8: {  	s5 =	sshll.u32 s28, $0x1;
	[dreg:$0x2] =	wrdreg s3  }
0xa9: {  	[dreg:$0x3] =	wrdreg s5  }
0xaa: {  	[dreg:$0x4] =	wrdreg $0xC0  }
0xab: {  	_ =	task [dreg:s7], $0x5FFFF  }
0xac: {  	[dreg:$0x1] =	wrdreg $0xFFFFFFFF  }
0xad: {  	[dreg:$0x0] =	wrdreg $0x60  }
0xae: {  	[dreg:$0x2] =	wrdreg s24  }
0xaf: {  	[dreg:$0x3] =	wrdreg s2  }
0xb0: {  	[dreg:$0x4] =	wrdreg $0x5AB00  }
0xb1: {  	[dreg:$0x5] =	wrdreg $0x9  }
0xb2: {  	_ =	task.clear_ibuf [dreg:s7], $0x6FFFF;
	_ =	strace $0x90000046  }
0xb3: {  	s29 =	simm.s32 $0x9;
	_ =	strace $0x80000048  }
0xb4: {  	_ =	swait.ge [sflag:s29], $0x1  }
0xb5: {  	[sflag:s29] =	ssyncadd.s32 $0xFFFFFFFF  }
0xb6: {  	_ =	strace $0x90000048  }
0xb7: {  	_ =	sfence  }
0xb8: {  	s30 =	sld [smem:$0x0];
	_ =	sdelay $0x2  }
0xb9: {  	s31 =	sshll.u32 s1, $0xD;
	s1 =	sshrl.u32 s1, $0x2  }
0xba: {  	s3 =	sand.u32 $0x4000, s31;
	s1 =	sadd.s32 s1, s30  }
0xbb: {  	s0 =	sor.u32 s3, s0;
	s1 =	sshll.u32 s1, $0x11  }
0xbc: {  	s0 =	sor.u32 s1, s0  }
0xbd: {  	s0 =	sadd.s32 $0x8F2B, s0  }
0xbe: {  	[sflag:s0] =	ssyncadd.remote.s32 $0x1  }
0xbf: {  	_ =	sfence.sel $0xFFFF  }
0xc0: {  	[dreg:$0x0] =	wrdreg $0xFFFFFFFF;
	(pc) =	sbr.abs _section_cstart, $3  }
0xc1: {  	[dreg:$0x1] =	wrdreg $0xFFFFFFFF  }
0xc2: {  	_ =	task.clear_ibuf [dreg:s7], $0x2FFFF;
	_ =	strace $0x9FFFFFFF  }
0xc3: {  	(tm) =	ssettm $0x7FFFFFFF  }
tec
execute0_lowered:
.L_overlay_start_1:
0x0: {  	(tag) =	ssettag $0x1  }
0x1: {  	s0 =	srdreg.scid;
	s3 =	rddreg [dreg:$0x0];
	s1 =	simm.s32 $0x0  }
0x2: {  	s4 =	stileid.u32;
	s10 =	sand.u32 $0x1, s0;
	[smem:$0x7FF] =	sst s1  }
0x3: {  	s5 =	sshll.u32 s4, $0x1;
	s4 =	smul.u32 $0x16800, s4;
	s0 =	ssub.s32 $0x2, s10  }
0x4: {  	s15 =	sadd.s32 $0x37E00, s3;
	s17 =	smul.u32 $0x168000, s10;
	s2 =	sshrl.u32 s0, $0x1  }
0x5: {  	s6 =	sadd.s32 $0x2D00, s4;
	s7 =	sadd.s32 $0x4380, s4;
	s8 =	sadd.s32 $0x5A00, s4  }
0x6: {  	s9 =	sadd.s32 $0x7080, s4;
	s11 =	sadd.s32 $0x9D80, s4;
	s12 =	sadd.s32 $0xB400, s4  }
0x7: {  	s13 =	sadd.s32 $0xCA80, s4;
	s14 =	sadd.s32 $0xE100, s4;
	s0 =	ssub.s32 s0, s2  }
0x8: {  	s2 =	sor.u32 s10, s5;
	s5 =	sadd.s32 $0x1680, s4;
	s10 =	sadd.s32 $0x8700, s4  }
0x9: {  	s16 =	sadd.s32 s4, s17;
	s22 =	sadd.s32 s17, s6;
	s23 =	sadd.s32 s17, s7  }
0xa: {  	s19 =	sadd.s32 s17, s8;
	s20 =	sadd.s32 s17, s11;
	s18 =	sadd.s32 s17, s5  }
0xb: {  	s16 =	sshrl.u32 s16, $0x3;
	s24 =	sshrl.u32 s23, $0x3;
	s25 =	sshrl.u32 s19, $0x3  }
0xc: {  	s19 =	sadd.s32 s17, s10;
	s18 =	sshrl.u32 s18, $0x3;
	s16 =	sadd.s32 s15, s16  }
0xd: {  	s26 =	sadd.s32 s15, s25;
	s25 =	sadd.s32 s17, s13;
	[dreg:$0x4] =	wrdreg s16  }
0xe: {  	s21 =	sadd.s32 s15, s18;
	s16 =	sshrl.u32 s22, $0x3;
	[dreg:$0x8] =	wrdreg s26  }
0xf: {  	s18 =	sadd.s32 s17, s9;
	s22 =	sshrl.u32 s20, $0x3;
	s26 =	sadd.s32 s17, s14  }
0x10: {  	[dreg:$0x5] =	wrdreg s21;
	s16 =	sadd.s32 s15, s16;
	s21 =	sshrl.u32 s19, $0x3  }
0x11: {  	s23 =	sadd.s32 s15, s22;
	s20 =	sshrl.u32 s26, $0x3;
	[dreg:$0x6] =	wrdreg s16  }
0x12: {  	s19 =	sadd.s32 $0xF780, s4;
	s16 =	sadd.s32 s15, s24;
	[dreg:$0xb] =	wrdreg s23  }
0x13: {  	s24 =	sadd.s32 s17, s12;
	[dreg:$0x7] =	wrdreg s16;
	s16 =	sshrl.u32 s18, $0x3  }
0x14: {  	s22 =	sadd.s32 s17, s19;
	s18 =	sshrl.u32 s25, $0x3;
	s16 =	sadd.s32 s15, s16  }
0x15: {  	[dreg:$0x9] =	wrdreg s16;
	s16 =	sadd.s32 s15, s21;
	s21 =	sadd.s32 s15, s20  }
0x16: {  	s20 =	sadd.s32 $0x10E00, s4;
	[dreg:$0xa] =	wrdreg s16;
	s16 =	sshrl.u32 s24, $0x3  }
0x17: {  	[dreg:$0xe] =	wrdreg s21;
	s24 =	sadd.s32 $0x12480, s4;
	s16 =	sadd.s32 s15, s16  }
0x18: {  	s23 =	sadd.s32 s17, s20;
	s21 =	sadd.s32 s17, s24;
	[dreg:$0xc] =	wrdreg s16  }
0x19: {  	s16 =	sadd.s32 s15, s18;
	s26 =	sshrl.u32 s21, $0x3;
	s18 =	rddreg [dreg:$0x2]  }
0x1a: {  	[dreg:$0xd] =	wrdreg s16;
	s16 =	sshrl.u32 s22, $0x3;
	s21 =	sadd.s32 s15, s26  }
0x1b: {  	s25 =	sshrl.u32 s23, $0x3;
	s16 =	sadd.s32 s15, s16;
	[dreg:$0x11] =	wrdreg s21  }
0x1c: {  	[dreg:$0xf] =	wrdreg s16;
	s16 =	sadd.s32 s15, s25;
	s25 =	sadd.s32 $0x13B00, s4  }
0x1d: {  	s26 =	sadd.s32 $0x15180, s4;
	[dreg:$0x10] =	wrdreg s16;
	s22 =	sadd.s32 s17, s25  }
0x1e: {  	s16 =	rddreg [dreg:$0x1];
	s17 =	sadd.s32 s17, s26;
	s23 =	sshrl.u32 s22, $0x3  }
0x1f: {  	s17 =	sshrl.u32 s17, $0x3;
	s22 =	sadd.s32 $0x1E00, s3;
	s21 =	sadd.s32 s15, s23  }
0x20: {  	s15 =	sadd.s32 s15, s17;
	s23 =	sadd.s32 $0x2B800, s3;
	[dreg:$0x12] =	wrdreg s21  }
0x21: {  	[dreg:$0x13] =	wrdreg s15;
	s21 =	sadd.s32 $0x2E000, s3;
	s3 =	sadd.s32 $0x1C00, s3  }
0x22: {  	s8 =	sadd.s32 s8, s18;
	_ =	strace $0x80000047;
	[dreg:$0x14] =	wrdreg s3  }
0x23: {  	s28 =	simm.s32 $0x1;
	s9 =	sadd.s32 s9, s18;
	[dreg:$0x18] =	wrdreg s8  }
0x24: {  	s29 =	simm.s32 $0x3;
	s10 =	sadd.s32 s10, s18;
	[dreg:$0x19] =	wrdreg s9  }
0x25: {  	s30 =	simm.s32 $0x2;
	s11 =	sadd.s32 s11, s18;
	[dreg:$0x1a] =	wrdreg s10  }
0x26: {  	s31 =	simm.s32 $0x4420;
	s12 =	sadd.s32 s12, s18;
	[dreg:$0x1b] =	wrdreg s11  }
0x27: {  	s2 =	smul.u32 $0x2710, s2;
	s13 =	sadd.s32 s13, s18;
	[dreg:$0x1c] =	wrdreg s12  }
0x28: {  	s0 =	smax.u32 s0, $0x1;
	s14 =	sadd.s32 s14, s18;
	[dreg:$0x1d] =	wrdreg s13  }
0x29: {  	s5 =	sadd.s32 s5, s18;
	s15 =	sadd.s32 s19, s18;
	[dreg:$0x1e] =	wrdreg s14  }
0x2a: {  	s6 =	sadd.s32 s6, s18;
	s17 =	sadd.s32 s20, s18;
	[dreg:$0x1f] =	wrdreg s15  }
0x2b: {  	s7 =	sadd.s32 s7, s18;
	s19 =	sadd.s32 s24, s18;
	[smem:$0x7F7] =	sst s17  }
0x2c: {  	s4 =	sadd.s32 s4, s18;
	s20 =	sadd.s32 s25, s18;
	[smem:$0x7F8] =	sst s19  }
0x2d: {  	s25 =	sshrl.u32 s2, $0x3;
	s24 =	sadd.s32 s26, s18;
	[smem:$0x7F9] =	sst s20  }
0x2e: {  	[smem:$0x7FA] =	sst s24;
	s26 =	sadd.s32 s21, s25;
	s3 =	sadd.s32 s16, s25  }
0x2f: {  	s12 =	sadd.s32 $0x28, s2;
	s13 =	sadd.s32 $0x50, s2;
	[smem:$0x7FD] =	sst s0  }
0x30: {  	s15 =	simm.s32 $0x2DA0;
	s19 =	simm.s32 $0x5;
	[dreg:$0x15] =	wrdreg s5  }
0x31: {  	s24 =	simm.s32 $0x50;
	s10 =	simm.s32 $0x28;
	[dreg:$0x16] =	wrdreg s6  }
0x32: {  	s11 =	simm.s32 $0xA0;
	s14 =	simm.s32 $0x2B20;
	[dreg:$0x17] =	wrdreg s7  }
0x33: {  	v0 =	vimm.f32 $0.0e+00;
	v3 =	vlaneseq.u32;
	s20 =	simm.s32 $0x78;
	s25 =	simm.s32 $0x15E0;
	[smem:$0x7FB] =	sst s26  }
0x34: {  	v1 =	vand.u32 $0x7, v3;
	v2 =	vor.u32 $0x8, v3;
	v3 =	vshrl.u32 v3, $0x3;
	s17 =	simm.s32 $0x0;
	[smem:$0x7FC] =	sst s3;
	s26 =	simm.s32 $0x2C60  }
.LBB2_1:
0x35: {  	s0 =	simm.s32 $0x0;
	s2 =	simm.s32 $0x240  }
.LBB2_2:
0x36: {  	p0 =	sne.s32 s2, $0x57C0;
	[tilespmem:s0+$0x44A0] =	vst v0  }
0x37: {  	[tilespmem:s0+$0x2DA0] =	vst v0  }
0x38: {  	[tilespmem:s0+$0x4420] =	vst v0  }
0x39: {  	[tilespmem:s0+$0x2DB0] =	vst v0  }
0x3a: {  	[tilespmem:s0+$0x4430] =	vst v0  }
0x3b: {  	[tilespmem:s0+$0x2DC0] =	vst v0  }
0x3c: {  	[tilespmem:s0+$0x4440] =	vst v0  }
0x3d: {  	[tilespmem:s0+$0x2DD0] =	vst v0  }
0x3e: {  	[tilespmem:s0+$0x4450] =	vst v0  }
0x3f: {  	[tilespmem:s0+$0x2DE0] =	vst v0  }
0x40: {  	[tilespmem:s0+$0x4460] =	vst v0  }
0x41: {  	[tilespmem:s0+$0x2DF0] =	vst v0  }
0x42: {  	[tilespmem:s0+$0x4470] =	vst v0  }
.Ltmp0:
0x43: {  	[tilespmem:s0+$0x2E00] =	vst v0;
	(pc) =	sbr.rel @p0 .LBB2_2-.Ltmp0, $4  }
0x44: {  	[tilespmem:s0+$0x4480] =	vst v0  }
0x45: {  	[tilespmem:s0+$0x2E10] =	vst v0  }
0x46: {  	[tilespmem:s0+$0x4490] =	vst v0  }
0x47: {  	[tilespmem:s0+$0x2E20] =	vst v0;
	s0 =	sshra.s32 s2, $0x2;
	s2 =	sadd.s32 $0x240, s2  }
0x48: {  	[tilespmem:s0+$0x44A0] =	vst v0  }
0x49: {  	[tilespmem:s0+$0x2DA0] =	vst v0  }
0x4a: {  	[tilespmem:s0+$0x4420] =	vst v0  }
0x4b: {  	[tilespmem:s0+$0x2DB0] =	vst v0  }
0x4c: {  	[tilespmem:s0+$0x4430] =	vst v0  }
0x4d: {  	[tilespmem:s0+$0x2DC0] =	vst v0  }
0x4e: {  	[tilespmem:s0+$0x4440] =	vst v0  }
0x4f: {  	[tilespmem:s0+$0x2DD0] =	vst v0  }
0x50: {  	[tilespmem:s0+$0x4450] =	vst v0  }
0x51: {  	[tilespmem:s0+$0x2DE0] =	vst v0  }
0x52: {  	[tilespmem:s0+$0x4460] =	vst v0  }
0x53: {  	[tilespmem:s0+$0x2DF0] =	vst v0  }
0x54: {  	[tilespmem:s0+$0x4470] =	vst v0  }
0x55: {  	[tilespmem:s0+$0x2E00] =	vst v0  }
0x56: {  	[tilespmem:s0+$0x4480] =	vst v0  }
0x57: {  	[tilespmem:s0+$0x2E10] =	vst v0  }
0x58: {  	[tilespmem:s0+$0x4490] =	vst v0  }
0x59: {  	[tilespmem:s0+$0x2E20] =	vst v0  }
0x5a: {  	[spmem:s4] =	stream.linear.scatter [tilespmem:s15], [sflag:$0x5], $0x1680, $0x38;
	[tilespmem:$0x1C2B0] =	vst v63  }
0x5b: {  	_ =	swait.ge [sflag:s19], $0x1680  }
0x5c: {  	[sflag:s19] =	ssyncset.done $0x0  }
0x5d: {  	[sflag:s19] =	ssyncadd.s32 $0xFFFFE980  }
0x5e: {  	[spmem:s5] =	stream.linear.scatter [tilespmem:s15], [sflag:$0x5], $0x1680, $0x38;
	[tilespmem:$0x1C2B0] =	vst v63  }
0x5f: {  	_ =	swait.ge [sflag:s19], $0x1680  }
0x60: {  	[sflag:s19] =	ssyncset.done $0x0  }
0x61: {  	[sflag:s19] =	ssyncadd.s32 $0xFFFFE980  }
0x62: {  	[spmem:s6] =	stream.linear.scatter [tilespmem:s15], [sflag:$0x5], $0x1680, $0x38;
	[tilespmem:$0x1C2B0] =	vst v63  }
0x63: {  	_ =	swait.ge [sflag:s19], $0x1680  }
0x64: {  	[sflag:s19] =	ssyncset.done $0x0  }
0x65: {  	[sflag:s19] =	ssyncadd.s32 $0xFFFFE980  }
0x66: {  	[spmem:s7] =	stream.linear.scatter [tilespmem:s15], [sflag:$0x5], $0x1680, $0x38;
	[tilespmem:$0x1C2B0] =	vst v63  }
0x67: {  	_ =	swait.ge [sflag:s19], $0x1680  }
0x68: {  	[sflag:s19] =	ssyncset.done $0x0  }
0x69: {  	s2 =	rddreg [dreg:$0x18];
	[sflag:s19] =	ssyncadd.s32 $0xFFFFE980  }
0x6a: {  	[spmem:s2] =	stream.linear.scatter [tilespmem:s15], [sflag:$0x5], $0x1680, $0x38;
	[tilespmem:$0x1C2B0] =	vst v63  }
0x6b: {  	_ =	swait.ge [sflag:s19], $0x1680  }
0x6c: {  	[sflag:s19] =	ssyncset.done $0x0  }
0x6d: {  	s3 =	rddreg [dreg:$0x19];
	[sflag:s19] =	ssyncadd.s32 $0xFFFFE980  }
0x6e: {  	[spmem:s3] =	stream.linear.scatter [tilespmem:s15], [sflag:$0x5], $0x1680, $0x38;
	[tilespmem:$0x1C2B0] =	vst v63  }
0x6f: {  	_ =	swait.ge [sflag:s19], $0x1680  }
0x70: {  	[sflag:s19] =	ssyncset.done $0x0  }
0x71: {  	s9 =	smov.u32 s4;
	s4 =	rddreg [dreg:$0x1a];
	[sflag:s19] =	ssyncadd.s32 $0xFFFFE980  }
0x72: {  	[spmem:s4] =	stream.linear.scatter [tilespmem:s15], [sflag:$0x5], $0x1680, $0x38;
	[tilespmem:$0x1C2B0] =	vst v63  }
0x73: {  	_ =	swait.ge [sflag:s19], $0x1680  }
0x74: {  	[sflag:s19] =	ssyncset.done $0x0  }
0x75: {  	s5 =	rddreg [dreg:$0x1b];
	[sflag:s19] =	ssyncadd.s32 $0xFFFFE980  }
0x76: {  	[spmem:s5] =	stream.linear.scatter [tilespmem:s15], [sflag:$0x5], $0x1680, $0x38;
	[tilespmem:$0x1C2B0] =	vst v63  }
0x77: {  	_ =	swait.ge [sflag:s19], $0x1680  }
0x78: {  	[sflag:s19] =	ssyncset.done $0x0  }
0x79: {  	s6 =	rddreg [dreg:$0x1c];
	[sflag:s19] =	ssyncadd.s32 $0xFFFFE980  }
0x7a: {  	[spmem:s6] =	stream.linear.scatter [tilespmem:s15], [sflag:$0x5], $0x1680, $0x38;
	[tilespmem:$0x1C2B0] =	vst v63  }
0x7b: {  	_ =	swait.ge [sflag:s19], $0x1680  }
0x7c: {  	[sflag:s19] =	ssyncset.done $0x0  }
0x7d: {  	s7 =	rddreg [dreg:$0x1d];
	[sflag:s19] =	ssyncadd.s32 $0xFFFFE980  }
0x7e: {  	[spmem:s7] =	stream.linear.scatter [tilespmem:s15], [sflag:$0x5], $0x1680, $0x38;
	[tilespmem:$0x1C2B0] =	vst v63  }
0x7f: {  	_ =	swait.ge [sflag:s19], $0x1680  }
0x80: {  	[sflag:s19] =	ssyncset.done $0x0  }
0x81: {  	s8 =	rddreg [dreg:$0x1e];
	[sflag:s19] =	ssyncadd.s32 $0xFFFFE980  }
0x82: {  	[spmem:s8] =	stream.linear.scatter [tilespmem:s15], [sflag:$0x5], $0x1680, $0x38;
	[tilespmem:$0x1C2B0] =	vst v63  }
0x83: {  	_ =	swait.ge [sflag:s19], $0x1680  }
0x84: {  	[sflag:s19] =	ssyncset.done $0x0  }
0x85: {  	s2 =	rddreg [dreg:$0x1f];
	[sflag:s19] =	ssyncadd.s32 $0xFFFFE980  }
0x86: {  	[spmem:s2] =	stream.linear.scatter [tilespmem:s15], [sflag:$0x5], $0x1680, $0x38;
	[tilespmem:$0x1C2B0] =	vst v63  }
0x87: {  	_ =	swait.ge [sflag:s19], $0x1680  }
0x88: {  	s3 =	sld [smem:$0x7F7]  }
0x89: {  	[sflag:s19] =	ssyncset.done $0x0  }
0x8a: {  	[sflag:s19] =	ssyncadd.s32 $0xFFFFE980  }
0x8b: {  	[spmem:s3] =	stream.linear.scatter [tilespmem:s15], [sflag:$0x5], $0x1680, $0x38;
	[tilespmem:$0x1C2B0] =	vst v63  }
0x8c: {  	_ =	swait.ge [sflag:s19], $0x1680  }
0x8d: {  	s4 =	sld [smem:$0x7F8]  }
0x8e: {  	[sflag:s19] =	ssyncset.done $0x0  }
0x8f: {  	[sflag:s19] =	ssyncadd.s32 $0xFFFFE980  }
0x90: {  	[spmem:s4] =	stream.linear.scatter [tilespmem:s15], [sflag:$0x5], $0x1680, $0x38;
	[tilespmem:$0x1C2B0] =	vst v63  }
0x91: {  	_ =	swait.ge [sflag:s19], $0x1680  }
0x92: {  	s5 =	sld [smem:$0x7F9]  }
0x93: {  	[sflag:s19] =	ssyncset.done $0x0  }
0x94: {  	[sflag:s19] =	ssyncadd.s32 $0xFFFFE980  }
0x95: {  	[spmem:s5] =	stream.linear.scatter [tilespmem:s15], [sflag:$0x5], $0x1680, $0x38;
	[tilespmem:$0x1C2B0] =	vst v63  }
0x96: {  	_ =	swait.ge [sflag:s19], $0x1680  }
0x97: {  	s6 =	sld [smem:$0x7FA]  }
0x98: {  	[sflag:s19] =	ssyncset.done $0x0  }
0x99: {  	[sflag:s19] =	ssyncadd.s32 $0xFFFFE980  }
0x9a: {  	[spmem:s6] =	stream.linear.scatter [tilespmem:s15], [sflag:$0x5], $0x1680, $0x38;
	[tilespmem:$0x1C2B0] =	vst v63  }
0x9b: {  	_ =	swait.ge [sflag:s19], $0x1680  }
0x9c: {  	[sflag:s19] =	ssyncset.done $0x0  }
0x9d: {  	[sflag:s19] =	ssyncadd.s32 $0xFFFFE980  }
0x9e: {  	[bflag:$0x0] =	sbarrier.arrive $0xFFFF  }
0x9f: {  	s0 =	simm.s32 $0x0;
	s3 =	simm.s32 $0x5AA0;
	s2 =	rddreg [dreg:$0x14]  }
0xa0: {  	[tilespmem:s3], [sflag:$0x5] =	stream.linear.gather [hbm4b:s2+s0], $0x10, $0x38;
	[tilespmem:$0x1C2B0] =	vst v63  }
0xa1: {  	_ =	swait.ge [sflag:s19], $0x10  }
0xa2: {  	[sflag:s19] =	ssyncset.done $0x0;
	s7 =	sld [smem:$0x7FB]  }
0xa3: {  	[sflag:s19] =	ssyncadd.s32 $0xFFFFFFF0  }
0xa4: {  	v4 =	vld.idx.msk [tilespmem:v1+s3+$0x0], $0xffff  }
0xa5: {  	v5 =	vld.idx.msk [tilespmem:v2+s3+$0x0], $0xffff;
	[tilespmem:s0], [sflag:$0x5] =	stream.linear.gather [hbm4b:s7+s0], $0x28, $0x38  }
0xa6: {  	_ =	swait.ge [sflag:s19], $0x28  }
0xa7: {  	s8 =	sld [smem:$0x7FC]  }
0xa8: {  	[sflag:s19] =	ssyncset.done $0x0  }
0xa9: {  	[sflag:s19] =	ssyncadd.s32 $0xFFFFFFD8  }
0xaa: {  	[tilespmem:s24], [sflag:$0x5] =	stream.linear.gather [hbm4b:s8+s0], $0x28, $0x38;
	[tilespmem:$0x1C2B0] =	vst v63  }
0xab: {  	_ =	swait.ge [sflag:s19], $0x28  }
0xac: {  	v4 =	vadd.f32 v5, v4;
	[sflag:s19] =	ssyncset.done $0x0  }
0xad: {  	[sflag:s19] =	ssyncadd.s32 $0xFFFFFFD8  }
0xae: {  	v5 =	vmul.f32 $2.000000030e-01, v4;
	[tilespmem:s11], [sflag:$0x1] =	stream.indirect.gather [hbm4b:s22+s10], $0x88, s0, s10, $0xb8;
	[tilespmem:$0x1C2B0] =	vst v63  }
0xaf: {  	s2 =	simm.s32 $0x0  }
0xb0: {  	v4 =	vmax.f32 v4, v5;
	[tilespmem:s14], [sflag:$0x1] =	stream.indirect.gather [hbm4b:s23+s10], $0x8, s24, s10, $0xb8;
	[tilespmem:$0x1C2B0] =	vst v63  }
.LBB2_4:
0xb1: {  	p0 =	seq.s32 s2, $0x0;
	s3 =	smul.u32 $0x50, s2  }
0xb2: {  	s4 =	simm.s32 @!p0 $0x4  }
0xb3: {  	_ =	swait.ge @!p0 [sflag:s4], $0x1680;
	s5 =	sadd.s32 s3, s12  }
0xb4: {  	[sflag:s4] =	ssyncset.done @!p0 $0x0;
	s5 =	sshrl.u32 s5, $0x3  }
0xb5: {  	[sflag:s4] =	ssyncadd.s32 @!p0 $0xFFFFE980;
	s6 =	sadd.s32 s21, s5  }
0xb6: {  	[tilespmem:s10], [sflag:$0x5] =	stream.linear.gather [hbm4b:s6+s0], $0x28, $0x38;
	[tilespmem:$0x1C2B0] =	vst v63  }
0xb7: {  	_ =	swait.ge [sflag:s19], $0x28  }
0xb8: {  	[sflag:s19] =	ssyncset.done $0x0  }
0xb9: {  	s7 =	sadd.s32 s16, s5;
	[sflag:s19] =	ssyncadd.s32 $0xFFFFFFD8  }
0xba: {  	[tilespmem:s20], [sflag:$0x5] =	stream.linear.gather [hbm4b:s7+s0], $0x28, $0x38;
	[tilespmem:$0x1C2B0] =	vst v63  }
0xbb: {  	_ =	swait.ge [sflag:s19], $0x28  }
0xbc: {  	[sflag:s19] =	ssyncset.done $0x0  }
0xbd: {  	[sflag:s19] =	ssyncadd.s32 $0xFFFFFFD8  }
0xbe: {  	[tilespmem:s25], [sflag:$0x2] =	stream.indirect.gather [hbm4b:s22+s10], $0x88, s10, s10, $0xb8;
	[tilespmem:$0x1C2B0] =	vst v63  }
0xbf: {  	_ = 	snop  }
0xc0: {  	v5 =	vor.u32 s0, v3;
	[tilespmem:s26], [sflag:$0x2] =	stream.indirect.gather [hbm4b:s23+s10], $0x8, s20, s10, $0xb8;
	[tilespmem:$0x1C2B0] =	vst v63  }
0xc1: {  	v6 =	vmul.u32 $0x88, v5;
	v7 =	vshll.u32 v5, $0x3;
	_ =	swait.ge [sflag:s28], $0x1540  }
0xc2: {  	v7 =	vor.u32 v1, v7;
	[sflag:s28] =	ssyncset.done $0x0  }
0xc3: {  	v6 =	vor.u32 v1, v6;
	[sflag:s28] =	ssyncadd.s32 $0xFFFFEAC0  }
0xc4: {  	_ =	swait.ge [sflag:s28], $0x140  }
0xc5: {  	[sflag:s28] =	ssyncset.done $0x0  }
0xc6: {  	[sflag:s28] =	ssyncadd.s32 $0xFFFFFEC0  }
0xc7: {  	v7 =	vld.idx.msk [tilespmem:v7+s14+$0x0], $0xffff  }
0xc8: {  	v6 =	vld.idx.msk [tilespmem:v6+s11+$0x0], $0xffff;
	_ =	sdelay $0x4  }
0xc9: {  	v6 =	vadd.f32 v7, v6;
	_ =	sdelay $0x1  }
0xca: {  	v7 =	vmul.f32 $2.000000030e-01, v6;
	_ =	sdelay $0x1  }
0xcb: {  	v6 =	vmax.f32 v6, v7  }
0xcc: {  	v6 =	vsub.f32 v6, v4;
	_ =	sdelay $0x1  }
0xcd: {  	v6 =	vmul.f32 $1.442695020e+00, v6;
	_ =	sdelay $0x1  }
0xce: {  	(erf) = vpow2.f32 v6;
	_ =	sdelay $0x2  }
0xcf: {  	s8 =	simm.s32 $0x2;
	v6 =	vmul.u32 $0x90, v5  }
0xd0: {  	s4 =	simm.s32 $0x4;
	v5 =	vor.u32 s8, v3  }
.LBB2_5:
0xd1: {  	p0 =	sne.s32 s4, $0x26;
	v7 =	vmul.u32 $0x88, v5;
	v8 =	vshll.u32 v5, $0x3;
	v6 =	vor.u32 v1, v6  }
0xd2: {  	v8 =	vor.u32 v1, v8  }
0xd3: {  	v7 =	vor.u32 v1, v7;
	_ =	sdelay $0x1  }
0xd4: {  	v9 =	vpop (erf)  }
0xd5: {  	[tilespmem:v6+s15+$0x0] =	vst.idx.msk $0xffff, v9  }
0xd6: {  	v6 =	vld.idx.msk [tilespmem:v8+s14+$0x0], $0xffff  }
0xd7: {  	v7 =	vld.idx.msk [tilespmem:v7+s11+$0x0], $0xffff;
	_ =	sdelay $0x5  }
0xd8: {  	v6 =	vadd.f32 v6, v7;
	_ =	sdelay $0x1  }
0xd9: {  	v7 =	vmul.f32 $2.000000030e-01, v6;
	_ =	sdelay $0x1  }
0xda: {  	v6 =	vmax.f32 v6, v7  }
0xdb: {  	v6 =	vsub.f32 v6, v4;
	_ =	sdelay $0x1  }
0xdc: {  	v6 =	vmul.f32 $1.442695020e+00, v6;
	_ =	sdelay $0x1  }
.Ltmp1:
0xdd: {  	(erf) = vpow2.f32 v6;
	(pc) =	sbr.rel @p0 .LBB2_5-.Ltmp1, $3  }
0xde: {  	_ =	sdelay $0x1  }
0xdf: {  	v6 =	vmul.u32 $0x90, v5  }
0xe0: {  	v5 =	vor.u32 s4, v3;
	s4 =	sadd.s32 $0x2, s4  }
0xe1: {  	v7 =	vmul.u32 $0x88, v5;
	v8 =	vshll.u32 v5, $0x3;
	v6 =	vor.u32 v1, v6  }
0xe2: {  	v8 =	vor.u32 v1, v8  }
0xe3: {  	v7 =	vor.u32 v1, v7;
	_ =	sdelay $0x1  }
0xe4: {  	v9 =	vpop (erf)  }
0xe5: {  	[tilespmem:v6+s15+$0x0] =	vst.idx.msk $0xffff, v9  }
0xe6: {  	v6 =	vld.idx.msk [tilespmem:v8+s14+$0x0], $0xffff  }
0xe7: {  	v7 =	vld.idx.msk [tilespmem:v7+s11+$0x0], $0xffff;
	_ =	sdelay $0x4  }
0xe8: {  	v6 =	vadd.f32 v6, v7;
	_ =	sdelay $0x1  }
0xe9: {  	v7 =	vmul.f32 $2.000000030e-01, v6;
	_ =	sdelay $0x1  }
0xea: {  	v6 =	vmax.f32 v6, v7  }
0xeb: {  	v6 =	vsub.f32 v6, v4;
	_ =	sdelay $0x1  }
0xec: {  	v6 =	vmul.f32 $1.442695020e+00, v6;
	_ =	sdelay $0x1  }
0xed: {  	(erf) = vpow2.f32 v6  }
0xee: {  	s4 =	simm.s32 $0x0  }
0xef: {  	v6 =	vmov s4  }
0xf0: {  	v5 =	vmul.u32 $0x90, v5;
	v6 =	vmul.u32 $0x90, v6;
	_ =	sdelay $0x1  }
0xf1: {  	v5 =	vor.u32 v1, v5;
	v6 =	vbroadcast v6, $0x0;
	_ =	sdelay $0x3  }
0xf2: {  	v7 =	vpop (erf)  }
0xf3: {  	[tilespmem:v5+s15+$0x0] =	vst.idx.msk $0xffff, v7  }
0xf4: {  	s5 =	simm.s32 $0xE8;
	v5 =	vld.idx.msk [tilespmem:v6+s15+$0x0], $0xffff  }
0xf5: {  	v7 =	vld [tilespmem:s5+$0xFFFFFFC0];
	_ =	sdelay $0x2  }
0xf6: {  	v8 =	vor.u32 $0x1, v6;
	_ =	sdelay $0x1  }
0xf7: {  	v5 =	vmul.f32 v7, v5  }
0xf8: {  	s4 =	simm.s32 $0x2DE8  }
0xf9: {  	[tilespmem:s4+$0xFFFFFFC0] =	vst v5  }
0xfa: {  	v5 =	vld.idx.msk [tilespmem:v8+s15+$0x0], $0xffff  }
0xfb: {  	v7 =	vld [tilespmem:s5+$0xFFFFFFD0];
	_ =	sdelay $0x2  }
0xfc: {  	v8 =	vor.u32 $0x2, v6;
	_ =	sdelay $0x1  }
0xfd: {  	v5 =	vmul.f32 v7, v5;
	_ =	sdelay $0x1  }
0xfe: {  	[tilespmem:s4+$0xFFFFFFD0] =	vst v5  }
0xff: {  	v5 =	vld.idx.msk [tilespmem:v8+s15+$0x0], $0xffff  }
0x100: {  	v7 =	vld [tilespmem:s5+$0xFFFFFFE0];
	_ =	sdelay $0x2  }
0x101: {  	v8 =	vor.u32 $0x3, v6;
	_ =	sdelay $0x1  }
0x102: {  	v5 =	vmul.f32 v7, v5;
	_ =	sdelay $0x1  }
0x103: {  	[tilespmem:s4+$0xFFFFFFE0] =	vst v5  }
0x104: {  	v5 =	vld.idx.msk [tilespmem:v8+s15+$0x0], $0xffff  }
0x105: {  	v7 =	vld [tilespmem:s5+$0xFFFFFFF0];
	_ =	sdelay $0x2  }
0x106: {  	v8 =	vor.u32 $0x4, v6;
	_ =	sdelay $0x1  }
0x107: {  	v5 =	vmul.f32 v7, v5;
	_ =	sdelay $0x1  }
0x108: {  	[tilespmem:s4+$0xFFFFFFF0] =	vst v5  }
0x109: {  	v5 =	vld.idx.msk [tilespmem:v8+s15+$0x0], $0xffff  }
0x10a: {  	v7 =	vld [tilespmem:s5+$0x0];
	_ =	sdelay $0x2  }
0x10b: {  	v8 =	vor.u32 $0x5, v6;
	_ =	sdelay $0x1  }
0x10c: {  	v5 =	vmul.f32 v7, v5;
	_ =	sdelay $0x1  }
0x10d: {  	[tilespmem:s4+$0x0] =	vst v5  }
0x10e: {  	v5 =	vld.idx.msk [tilespmem:v8+s15+$0x0], $0xffff  }
0x10f: {  	v7 =	vld [tilespmem:s5+$0x10];
	_ =	sdelay $0x2  }
0x110: {  	v8 =	vor.u32 $0x6, v6;
	_ =	sdelay $0x1  }
0x111: {  	v5 =	vmul.f32 v7, v5;
	_ =	sdelay $0x1  }
0x112: {  	[tilespmem:s4+$0x10] =	vst v5  }
0x113: {  	v5 =	vld.idx.msk [tilespmem:v8+s15+$0x0], $0xffff  }
0x114: {  	v7 =	vld [tilespmem:s5+$0x20];
	_ =	sdelay $0x2  }
0x115: {  	v6 =	vor.u32 $0x7, v6;
	_ =	sdelay $0x1  }
0x116: {  	v5 =	vmul.f32 v7, v5;
	_ =	sdelay $0x1  }
0x117: {  	s6 =	simm.s32 $0x1;
	[tilespmem:s4+$0x20] =	vst v5  }
0x118: {  	v5 =	vmov s6;
	v6 =	vld.idx.msk [tilespmem:v6+s15+$0x0], $0xffff  }
0x119: {  	v7 =	vld [tilespmem:s5+$0x30];
	v5 =	vmul.u32 $0x90, v5;
	_ =	sdelay $0x1  }
0x11a: {  	v5 =	vbroadcast v5, $0x0;
	_ =	sdelay $0x2  }
0x11b: {  	s6 =	simm.s32 $0x2;
	v6 =	vmul.f32 v7, v6  }
.LBB2_7:
0x11c: {  	s5 =	sadd.s32 $0x88, s5  }
0x11d: {  	s7 =	smov.u32 s6;
	s8 =	sadd.s32 $0x1, s6;
	[tilespmem:s4+$0x30] =	vst v6;
	s4 =	sadd.s32 $0x90, s4  }
0x11e: {  	p0 =	sne.s32 s6, $0x27;
	v6 =	vld.idx.msk [tilespmem:v5+s15+$0x0], $0xffff  }
0x11f: {  	v7 =	vld [tilespmem:s5+$0xFFFFFFC0];
	_ =	sdelay $0x2  }
0x120: {  	v8 =	vor.u32 $0x1, v5;
	_ =	sdelay $0x1  }
0x121: {  	v6 =	vmul.f32 v7, v6;
	_ =	sdelay $0x1  }
0x122: {  	[tilespmem:s4+$0xFFFFFFC0] =	vst v6  }
0x123: {  	v6 =	vld.idx.msk [tilespmem:v8+s15+$0x0], $0xffff  }
0x124: {  	v7 =	vld [tilespmem:s5+$0xFFFFFFD0];
	_ =	sdelay $0x2  }
0x125: {  	v8 =	vor.u32 $0x2, v5;
	_ =	sdelay $0x1  }
0x126: {  	v6 =	vmul.f32 v7, v6;
	_ =	sdelay $0x1  }
0x127: {  	[tilespmem:s4+$0xFFFFFFD0] =	vst v6  }
0x128: {  	v6 =	vld.idx.msk [tilespmem:v8+s15+$0x0], $0xffff  }
0x129: {  	v7 =	vld [tilespmem:s5+$0xFFFFFFE0];
	_ =	sdelay $0x2  }
0x12a: {  	v8 =	vor.u32 $0x3, v5;
	_ =	sdelay $0x1  }
0x12b: {  	v6 =	vmul.f32 v7, v6;
	_ =	sdelay $0x1  }
0x12c: {  	[tilespmem:s4+$0xFFFFFFE0] =	vst v6  }
0x12d: {  	v6 =	vld.idx.msk [tilespmem:v8+s15+$0x0], $0xffff  }
0x12e: {  	v7 =	vld [tilespmem:s5+$0xFFFFFFF0];
	_ =	sdelay $0x2  }
0x12f: {  	v8 =	vor.u32 $0x4, v5;
	_ =	sdelay $0x1  }
0x130: {  	v6 =	vmul.f32 v7, v6;
	_ =	sdelay $0x1  }
0x131: {  	[tilespmem:s4+$0xFFFFFFF0] =	vst v6  }
0x132: {  	v6 =	vld.idx.msk [tilespmem:v8+s15+$0x0], $0xffff  }
0x133: {  	v7 =	vld [tilespmem:s5+$0x0];
	_ =	sdelay $0x2  }
0x134: {  	v8 =	vor.u32 $0x5, v5;
	_ =	sdelay $0x1  }
0x135: {  	v6 =	vmul.f32 v7, v6;
	_ =	sdelay $0x1  }
0x136: {  	[tilespmem:s4+$0x0] =	vst v6  }
0x137: {  	v6 =	vld.idx.msk [tilespmem:v8+s15+$0x0], $0xffff  }
0x138: {  	v7 =	vld [tilespmem:s5+$0x10];
	_ =	sdelay $0x2  }
0x139: {  	v8 =	vor.u32 $0x6, v5;
	_ =	sdelay $0x1  }
0x13a: {  	v6 =	vmul.f32 v7, v6;
	_ =	sdelay $0x1  }
0x13b: {  	[tilespmem:s4+$0x10] =	vst v6  }
0x13c: {  	v6 =	vld.idx.msk [tilespmem:v8+s15+$0x0], $0xffff  }
0x13d: {  	v7 =	vld [tilespmem:s5+$0x20];
	_ =	sdelay $0x2  }
0x13e: {  	v5 =	vor.u32 $0x7, v5;
	_ =	sdelay $0x1  }
0x13f: {  	v6 =	vmul.f32 v7, v6;
	_ =	sdelay $0x1  }
0x140: {  	[tilespmem:s4+$0x20] =	vst v6  }
0x141: {  	v6 =	vmov s7;
	v7 =	vld.idx.msk [tilespmem:v5+s15+$0x0], $0xffff  }
0x142: {  	v5 =	vmul.u32 $0x90, v6;
	v6 =	vld [tilespmem:s5+$0x30]  }
.Ltmp2:
0x143: {  	(pc) =	sbr.rel @p0 .LBB2_7-.Ltmp2, $2  }
0x144: {  	v5 =	vbroadcast v5, $0x0;
	_ =	sdelay $0x2  }
0x145: {  	s6 =	smov.u32 s8;
	v6 =	vmul.f32 v6, v7  }
0x146: {  	_ =	sdelay $0x2  }
0x147: {  	[tilespmem:s4+$0x30] =	vst v6  }
0x148: {  	s5 =	sadd.s32 $0x88, s5;
	v6 =	vld.idx.msk [tilespmem:v5+s15+$0x0], $0xffff  }
0x149: {  	v7 =	vld [tilespmem:s5+$0xFFFFFFC0];
	_ =	sdelay $0x2  }
0x14a: {  	v8 =	vor.u32 $0x1, v5;
	_ =	sdelay $0x1  }
0x14b: {  	v6 =	vmul.f32 v7, v6  }
0x14c: {  	s7 =	sadd.s32 $0x90, s4  }
0x14d: {  	[tilespmem:s7+$0xFFFFFFC0] =	vst v6  }
0x14e: {  	v6 =	vld.idx.msk [tilespmem:v8+s15+$0x0], $0xffff  }
0x14f: {  	v7 =	vld [tilespmem:s5+$0xFFFFFFD0];
	_ =	sdelay $0x2  }
0x150: {  	v8 =	vor.u32 $0x2, v5;
	_ =	sdelay $0x1  }
0x151: {  	v6 =	vmul.f32 v7, v6;
	_ =	sdelay $0x1  }
0x152: {  	[tilespmem:s7+$0xFFFFFFD0] =	vst v6  }
0x153: {  	v6 =	vld.idx.msk [tilespmem:v8+s15+$0x0], $0xffff  }
0x154: {  	v7 =	vld [tilespmem:s5+$0xFFFFFFE0];
	_ =	sdelay $0x2  }
0x155: {  	v8 =	vor.u32 $0x3, v5;
	_ =	sdelay $0x1  }
0x156: {  	v6 =	vmul.f32 v7, v6;
	_ =	sdelay $0x1  }
0x157: {  	[tilespmem:s7+$0xFFFFFFE0] =	vst v6  }
0x158: {  	v6 =	vld.idx.msk [tilespmem:v8+s15+$0x0], $0xffff  }
0x159: {  	v7 =	vld [tilespmem:s5+$0xFFFFFFF0];
	_ =	sdelay $0x2  }
0x15a: {  	v8 =	vor.u32 $0x4, v5;
	_ =	sdelay $0x1  }
0x15b: {  	v6 =	vmul.f32 v7, v6;
	_ =	sdelay $0x1  }
0x15c: {  	[tilespmem:s7+$0xFFFFFFF0] =	vst v6  }
0x15d: {  	v6 =	vld.idx.msk [tilespmem:v8+s15+$0x0], $0xffff  }
0x15e: {  	v7 =	vld [tilespmem:s5+$0x0];
	_ =	sdelay $0x2  }
0x15f: {  	v8 =	vor.u32 $0x5, v5;
	_ =	sdelay $0x1  }
0x160: {  	v6 =	vmul.f32 v7, v6;
	_ =	sdelay $0x1  }
0x161: {  	[tilespmem:s7+$0x0] =	vst v6  }
0x162: {  	v6 =	vld.idx.msk [tilespmem:v8+s15+$0x0], $0xffff  }
0x163: {  	v7 =	vld [tilespmem:s5+$0x10];
	_ =	sdelay $0x2  }
0x164: {  	v8 =	vor.u32 $0x6, v5;
	_ =	sdelay $0x1  }
0x165: {  	v6 =	vmul.f32 v7, v6;
	_ =	sdelay $0x1  }
0x166: {  	[tilespmem:s7+$0x10] =	vst v6  }
0x167: {  	v6 =	vld.idx.msk [tilespmem:v8+s15+$0x0], $0xffff  }
0x168: {  	v7 =	vld [tilespmem:s5+$0x20];
	_ =	sdelay $0x2  }
0x169: {  	v5 =	vor.u32 $0x7, v5;
	_ =	sdelay $0x1  }
0x16a: {  	v6 =	vmul.f32 v7, v6;
	_ =	sdelay $0x1  }
0x16b: {  	[tilespmem:s7+$0x20] =	vst v6  }
0x16c: {  	v5 =	vld.idx.msk [tilespmem:v5+s15+$0x0], $0xffff  }
0x16d: {  	v6 =	vld [tilespmem:s5+$0x30];
	_ =	sdelay $0x4  }
0x16e: {  	v5 =	vmul.f32 v6, v5;
	_ =	sdelay $0x1  }
0x16f: {  	p0 =	seq.s32 s2, $0x7C;
	[tilespmem:s7+$0x30] =	vst v5  }
0x170: {  	[spmem:s18] =	stream.indirect.scatter.add.f32 [tilespmem:s15], [sflag:$0x3], $0x90, s24, s10, $0xb8;
	[tilespmem:$0x1C2B0] =	vst v63  }
0x171: {  	s3 =	sadd.s32 @!p0 s3, s13;
	_ =	swait.ge [sflag:s29], $0x1680  }
0x172: {  	s3 =	sshrl.u32 @!p0 s3, $0x3;
	[sflag:s29] =	ssyncset.done $0x0  }
0x173: {  	s4 =	sadd.s32 @!p0 s21, s3;
	s5 =	simm.s32 @!p0 $0x0;
	[sflag:s29] =	ssyncadd.s32 $0xFFFFE980  }
0x174: {  	[tilespmem:s5], [sflag:$0x5] =	stream.linear.gather @!p0 [hbm4b:s4+s5], $0x28, $0x38;
	[tilespmem:$0x1C2B0] =	vst v63  }
0x175: {  	s4 =	simm.s32 @!p0 $0x5  }
0x176: {  	_ =	swait.ge @!p0 [sflag:s4], $0x28  }
0x177: {  	[sflag:s4] =	ssyncset.done @!p0 $0x0  }
0x178: {  	s6 =	simm.s32 @!p0 $0x50;
	s3 =	sadd.s32 @!p0 s16, s3;
	[sflag:s4] =	ssyncadd.s32 @!p0 $0xFFFFFFD8  }
0x179: {  	[tilespmem:s6], [sflag:$0x5] =	stream.linear.gather @!p0 [hbm4b:s3+s5], $0x28, $0x38;
	[tilespmem:$0x1C2B0] =	vst v63  }
0x17a: {  	_ =	swait.ge @!p0 [sflag:s4], $0x28  }
0x17b: {  	[sflag:s4] =	ssyncset.done @!p0 $0x0  }
0x17c: {  	s3 =	simm.s32 @!p0 $0xA0;
	[sflag:s4] =	ssyncadd.s32 @!p0 $0xFFFFFFD8;
	s4 =	simm.s32 @!p0 $0x28  }
0x17d: {  	[tilespmem:s3], [sflag:$0x1] =	stream.indirect.gather @!p0 [hbm4b:s22+s4], $0x88, s5, s4, $0xb8;
	[tilespmem:$0x1C2B0] =	vst v63  }
0x17e: {  	s5 =	simm.s32 @!p0 $0x2B20;
	s3 =	simm.s32 $0x0  }
0x17f: {  	v5 =	vor.u32 s3, v3;
	[tilespmem:s5], [sflag:$0x1] =	stream.indirect.gather @!p0 [hbm4b:s23+s4], $0x8, s6, s4, $0xb8;
	[tilespmem:$0x1C2B0] =	vst v63  }
0x180: {  	v6 =	vmul.u32 $0x88, v5;
	v7 =	vshll.u32 v5, $0x3;
	_ =	swait.ge [sflag:s30], $0x1540  }
0x181: {  	v7 =	vor.u32 v1, v7;
	[sflag:s30] =	ssyncset.done $0x0  }
0x182: {  	v6 =	vor.u32 v1, v6;
	[sflag:s30] =	ssyncadd.s32 $0xFFFFEAC0  }
0x183: {  	_ =	swait.ge [sflag:s30], $0x140  }
0x184: {  	[sflag:s30] =	ssyncset.done $0x0  }
0x185: {  	[sflag:s30] =	ssyncadd.s32 $0xFFFFFEC0  }
0x186: {  	v7 =	vld.idx.msk [tilespmem:v7+s26+$0x0], $0xffff  }
0x187: {  	v6 =	vld.idx.msk [tilespmem:v6+s25+$0x0], $0xffff;
	_ =	sdelay $0x4  }
0x188: {  	v6 =	vadd.f32 v7, v6;
	_ =	sdelay $0x1  }
0x189: {  	v7 =	vmul.f32 $2.000000030e-01, v6;
	_ =	sdelay $0x1  }
0x18a: {  	v6 =	vmax.f32 v6, v7  }
0x18b: {  	v6 =	vsub.f32 v6, v4;
	_ =	sdelay $0x1  }
0x18c: {  	v6 =	vmul.f32 $1.442695020e+00, v6;
	_ =	sdelay $0x1  }
0x18d: {  	(erf) = vpow2.f32 v6;
	_ =	sdelay $0x2  }
0x18e: {  	s8 =	simm.s32 $0x2;
	v6 =	vmul.u32 $0x90, v5  }
0x18f: {  	s4 =	simm.s32 $0x4;
	v5 =	vor.u32 s8, v3  }
.LBB2_9:
0x190: {  	p0 =	sne.s32 s4, $0x26;
	v7 =	vmul.u32 $0x88, v5;
	v8 =	vshll.u32 v5, $0x3;
	v6 =	vor.u32 v1, v6  }
0x191: {  	v8 =	vor.u32 v1, v8  }
0x192: {  	v7 =	vor.u32 v1, v7;
	_ =	sdelay $0x1  }
0x193: {  	v9 =	vpop (erf)  }
0x194: {  	[tilespmem:v6+s31+$0x0] =	vst.idx.msk $0xffff, v9  }
0x195: {  	v6 =	vld.idx.msk [tilespmem:v8+s26+$0x0], $0xffff  }
0x196: {  	v7 =	vld.idx.msk [tilespmem:v7+s25+$0x0], $0xffff;
	_ =	sdelay $0x5  }
0x197: {  	v6 =	vadd.f32 v6, v7;
	_ =	sdelay $0x1  }
0x198: {  	v7 =	vmul.f32 $2.000000030e-01, v6;
	_ =	sdelay $0x1  }
0x199: {  	v6 =	vmax.f32 v6, v7  }
0x19a: {  	v6 =	vsub.f32 v6, v4;
	_ =	sdelay $0x1  }
0x19b: {  	v6 =	vmul.f32 $1.442695020e+00, v6;
	_ =	sdelay $0x1  }
.Ltmp3:
0x19c: {  	(erf) = vpow2.f32 v6;
	(pc) =	sbr.rel @p0 .LBB2_9-.Ltmp3, $3  }
0x19d: {  	_ =	sdelay $0x1  }
0x19e: {  	v6 =	vmul.u32 $0x90, v5  }
0x19f: {  	v5 =	vor.u32 s4, v3;
	s4 =	sadd.s32 $0x2, s4  }
0x1a0: {  	v7 =	vmul.u32 $0x88, v5;
	v8 =	vshll.u32 v5, $0x3;
	v6 =	vor.u32 v1, v6  }
0x1a1: {  	v8 =	vor.u32 v1, v8  }
0x1a2: {  	v7 =	vor.u32 v1, v7;
	_ =	sdelay $0x1  }
0x1a3: {  	v9 =	vpop (erf)  }
0x1a4: {  	[tilespmem:v6+s31+$0x0] =	vst.idx.msk $0xffff, v9  }
0x1a5: {  	v6 =	vld.idx.msk [tilespmem:v8+s26+$0x0], $0xffff  }
0x1a6: {  	v7 =	vld.idx.msk [tilespmem:v7+s25+$0x0], $0xffff;
	_ =	sdelay $0x4  }
0x1a7: {  	v6 =	vadd.f32 v6, v7;
	_ =	sdelay $0x1  }
0x1a8: {  	v7 =	vmul.f32 $2.000000030e-01, v6;
	_ =	sdelay $0x1  }
0x1a9: {  	v6 =	vmax.f32 v6, v7  }
0x1aa: {  	v6 =	vsub.f32 v6, v4;
	_ =	sdelay $0x1  }
0x1ab: {  	v6 =	vmul.f32 $1.442695020e+00, v6;
	_ =	sdelay $0x1  }
0x1ac: {  	(erf) = vpow2.f32 v6;
	_ =	sdelay $0x1  }
0x1ad: {  	v6 =	vmov s3  }
0x1ae: {  	v5 =	vmul.u32 $0x90, v5;
	v6 =	vmul.u32 $0x90, v6;
	_ =	sdelay $0x1  }
0x1af: {  	v5 =	vor.u32 v1, v5;
	v6 =	vbroadcast v6, $0x0;
	_ =	sdelay $0x3  }
0x1b0: {  	v7 =	vpop (erf)  }
0x1b1: {  	[tilespmem:v5+s31+$0x0] =	vst.idx.msk $0xffff, v7  }
0x1b2: {  	s4 =	simm.s32 $0x1628;
	v5 =	vld.idx.msk [tilespmem:v6+s31+$0x0], $0xffff  }
0x1b3: {  	v7 =	vld [tilespmem:s4+$0xFFFFFFC0];
	_ =	sdelay $0x2  }
0x1b4: {  	v8 =	vor.u32 $0x1, v6;
	_ =	sdelay $0x1  }
0x1b5: {  	v5 =	vmul.f32 v7, v5  }
0x1b6: {  	s3 =	simm.s32 $0x4468  }
0x1b7: {  	[tilespmem:s3+$0xFFFFFFC0] =	vst v5  }
0x1b8: {  	v5 =	vld.idx.msk [tilespmem:v8+s31+$0x0], $0xffff  }
0x1b9: {  	v7 =	vld [tilespmem:s4+$0xFFFFFFD0];
	_ =	sdelay $0x2  }
0x1ba: {  	v8 =	vor.u32 $0x2, v6;
	_ =	sdelay $0x1  }
0x1bb: {  	v5 =	vmul.f32 v7, v5;
	_ =	sdelay $0x1  }
0x1bc: {  	[tilespmem:s3+$0xFFFFFFD0] =	vst v5  }
0x1bd: {  	v5 =	vld.idx.msk [tilespmem:v8+s31+$0x0], $0xffff  }
0x1be: {  	v7 =	vld [tilespmem:s4+$0xFFFFFFE0];
	_ =	sdelay $0x2  }
0x1bf: {  	v8 =	vor.u32 $0x3, v6;
	_ =	sdelay $0x1  }
0x1c0: {  	v5 =	vmul.f32 v7, v5;
	_ =	sdelay $0x1  }
0x1c1: {  	[tilespmem:s3+$0xFFFFFFE0] =	vst v5  }
0x1c2: {  	v5 =	vld.idx.msk [tilespmem:v8+s31+$0x0], $0xffff  }
0x1c3: {  	v7 =	vld [tilespmem:s4+$0xFFFFFFF0];
	_ =	sdelay $0x2  }
0x1c4: {  	v8 =	vor.u32 $0x4, v6;
	_ =	sdelay $0x1  }
0x1c5: {  	v5 =	vmul.f32 v7, v5;
	_ =	sdelay $0x1  }
0x1c6: {  	[tilespmem:s3+$0xFFFFFFF0] =	vst v5  }
0x1c7: {  	v5 =	vld.idx.msk [tilespmem:v8+s31+$0x0], $0xffff  }
0x1c8: {  	v7 =	vld [tilespmem:s4+$0x0];
	_ =	sdelay $0x2  }
0x1c9: {  	v8 =	vor.u32 $0x5, v6;
	_ =	sdelay $0x1  }
0x1ca: {  	v5 =	vmul.f32 v7, v5;
	_ =	sdelay $0x1  }
0x1cb: {  	[tilespmem:s3+$0x0] =	vst v5  }
0x1cc: {  	v5 =	vld.idx.msk [tilespmem:v8+s31+$0x0], $0xffff  }
0x1cd: {  	v7 =	vld [tilespmem:s4+$0x10];
	_ =	sdelay $0x2  }
0x1ce: {  	v8 =	vor.u32 $0x6, v6;
	_ =	sdelay $0x1  }
0x1cf: {  	v5 =	vmul.f32 v7, v5;
	_ =	sdelay $0x1  }
0x1d0: {  	[tilespmem:s3+$0x10] =	vst v5  }
0x1d1: {  	v5 =	vld.idx.msk [tilespmem:v8+s31+$0x0], $0xffff  }
0x1d2: {  	v7 =	vld [tilespmem:s4+$0x20];
	_ =	sdelay $0x2  }
0x1d3: {  	v6 =	vor.u32 $0x7, v6;
	_ =	sdelay $0x1  }
0x1d4: {  	v5 =	vmul.f32 v7, v5;
	_ =	sdelay $0x1  }
0x1d5: {  	s5 =	simm.s32 $0x1;
	[tilespmem:s3+$0x20] =	vst v5  }
0x1d6: {  	v5 =	vmov s5;
	v6 =	vld.idx.msk [tilespmem:v6+s31+$0x0], $0xffff  }
0x1d7: {  	v7 =	vld [tilespmem:s4+$0x30];
	v5 =	vmul.u32 $0x90, v5;
	_ =	sdelay $0x1  }
0x1d8: {  	v5 =	vbroadcast v5, $0x0;
	_ =	sdelay $0x2  }
0x1d9: {  	s7 =	simm.s32 $0x2;
	v6 =	vmul.f32 v7, v6  }
.LBB2_11:
0x1da: {  	s4 =	sadd.s32 $0x88, s4  }
0x1db: {  	s6 =	smov.u32 s7;
	s5 =	sadd.s32 $0x1, s7;
	[tilespmem:s3+$0x30] =	vst v6;
	s3 =	sadd.s32 $0x90, s3  }
0x1dc: {  	p0 =	sne.s32 s7, $0x27;
	v6 =	vld.idx.msk [tilespmem:v5+s31+$0x0], $0xffff  }
0x1dd: {  	v7 =	vld [tilespmem:s4+$0xFFFFFFC0];
	_ =	sdelay $0x2  }
0x1de: {  	v8 =	vor.u32 $0x1, v5;
	_ =	sdelay $0x1  }
0x1df: {  	v6 =	vmul.f32 v7, v6;
	_ =	sdelay $0x1  }
0x1e0: {  	[tilespmem:s3+$0xFFFFFFC0] =	vst v6  }
0x1e1: {  	v6 =	vld.idx.msk [tilespmem:v8+s31+$0x0], $0xffff  }
0x1e2: {  	v7 =	vld [tilespmem:s4+$0xFFFFFFD0];
	_ =	sdelay $0x2  }
0x1e3: {  	v8 =	vor.u32 $0x2, v5;
	_ =	sdelay $0x1  }
0x1e4: {  	v6 =	vmul.f32 v7, v6;
	_ =	sdelay $0x1  }
0x1e5: {  	[tilespmem:s3+$0xFFFFFFD0] =	vst v6  }
0x1e6: {  	v6 =	vld.idx.msk [tilespmem:v8+s31+$0x0], $0xffff  }
0x1e7: {  	v7 =	vld [tilespmem:s4+$0xFFFFFFE0];
	_ =	sdelay $0x2  }
0x1e8: {  	v8 =	vor.u32 $0x3, v5;
	_ =	sdelay $0x1  }
0x1e9: {  	v6 =	vmul.f32 v7, v6;
	_ =	sdelay $0x1  }
0x1ea: {  	[tilespmem:s3+$0xFFFFFFE0] =	vst v6  }
0x1eb: {  	v6 =	vld.idx.msk [tilespmem:v8+s31+$0x0], $0xffff  }
0x1ec: {  	v7 =	vld [tilespmem:s4+$0xFFFFFFF0];
	_ =	sdelay $0x2  }
0x1ed: {  	v8 =	vor.u32 $0x4, v5;
	_ =	sdelay $0x1  }
0x1ee: {  	v6 =	vmul.f32 v7, v6;
	_ =	sdelay $0x1  }
0x1ef: {  	[tilespmem:s3+$0xFFFFFFF0] =	vst v6  }
0x1f0: {  	v6 =	vld.idx.msk [tilespmem:v8+s31+$0x0], $0xffff  }
0x1f1: {  	v7 =	vld [tilespmem:s4+$0x0];
	_ =	sdelay $0x2  }
0x1f2: {  	v8 =	vor.u32 $0x5, v5;
	_ =	sdelay $0x1  }
0x1f3: {  	v6 =	vmul.f32 v7, v6;
	_ =	sdelay $0x1  }
0x1f4: {  	[tilespmem:s3+$0x0] =	vst v6  }
0x1f5: {  	v6 =	vld.idx.msk [tilespmem:v8+s31+$0x0], $0xffff  }
0x1f6: {  	v7 =	vld [tilespmem:s4+$0x10];
	_ =	sdelay $0x2  }
0x1f7: {  	v8 =	vor.u32 $0x6, v5;
	_ =	sdelay $0x1  }
0x1f8: {  	v6 =	vmul.f32 v7, v6;
	_ =	sdelay $0x1  }
0x1f9: {  	[tilespmem:s3+$0x10] =	vst v6  }
0x1fa: {  	v6 =	vld.idx.msk [tilespmem:v8+s31+$0x0], $0xffff  }
0x1fb: {  	v7 =	vld [tilespmem:s4+$0x20];
	_ =	sdelay $0x2  }
0x1fc: {  	v5 =	vor.u32 $0x7, v5;
	_ =	sdelay $0x1  }
0x1fd: {  	v6 =	vmul.f32 v7, v6;
	_ =	sdelay $0x1  }
0x1fe: {  	[tilespmem:s3+$0x20] =	vst v6  }
0x1ff: {  	v6 =	vmov s6;
	v7 =	vld.idx.msk [tilespmem:v5+s31+$0x0], $0xffff  }
0x200: {  	v5 =	vmul.u32 $0x90, v6;
	v6 =	vld [tilespmem:s4+$0x30]  }
.Ltmp4:
0x201: {  	(pc) =	sbr.rel @p0 .LBB2_11-.Ltmp4, $2  }
0x202: {  	v5 =	vbroadcast v5, $0x0;
	_ =	sdelay $0x2  }
0x203: {  	s7 =	smov.u32 s5;
	v6 =	vmul.f32 v6, v7  }
0x204: {  	_ =	sdelay $0x2  }
0x205: {  	[tilespmem:s3+$0x30] =	vst v6  }
0x206: {  	s4 =	sadd.s32 $0x88, s4;
	v6 =	vld.idx.msk [tilespmem:v5+s31+$0x0], $0xffff  }
0x207: {  	v7 =	vld [tilespmem:s4+$0xFFFFFFC0];
	_ =	sdelay $0x2  }
0x208: {  	v8 =	vor.u32 $0x1, v5;
	_ =	sdelay $0x1  }
0x209: {  	v6 =	vmul.f32 v7, v6  }
0x20a: {  	s8 =	sadd.s32 $0x90, s3  }
0x20b: {  	[tilespmem:s8+$0xFFFFFFC0] =	vst v6  }
0x20c: {  	v6 =	vld.idx.msk [tilespmem:v8+s31+$0x0], $0xffff  }
0x20d: {  	v7 =	vld [tilespmem:s4+$0xFFFFFFD0];
	_ =	sdelay $0x2  }
0x20e: {  	v59 =	vor.u32 $0x2, v5;
	_ =	sdelay $0x1  }
0x20f: {  	v6 =	vmul.f32 v7, v6;
	_ =	sdelay $0x1  }
0x210: {  	[tilespmem:s8+$0xFFFFFFD0] =	vst v6  }
0x211: {  	v6 =	vld.idx.msk [tilespmem:v59+s31+$0x0], $0xffff  }
0x212: {  	v7 =	vld [tilespmem:s4+$0xFFFFFFE0];
	_ =	sdelay $0x2  }
0x213: {  	v60 =	vor.u32 $0x3, v5;
	_ =	sdelay $0x1  }
0x214: {  	v6 =	vmul.f32 v7, v6;
	_ =	sdelay $0x1  }
0x215: {  	[tilespmem:s8+$0xFFFFFFE0] =	vst v6  }
0x216: {  	v6 =	vld.idx.msk [tilespmem:v60+s31+$0x0], $0xffff  }
0x217: {  	v7 =	vld [tilespmem:s4+$0xFFFFFFF0];
	_ =	sdelay $0x2  }
0x218: {  	v61 =	vor.u32 $0x4, v5;
	_ =	sdelay $0x1  }
0x219: {  	v6 =	vmul.f32 v7, v6;
	_ =	sdelay $0x1  }
0x21a: {  	[tilespmem:s8+$0xFFFFFFF0] =	vst v6  }
0x21b: {  	v6 =	vld.idx.msk [tilespmem:v61+s31+$0x0], $0xffff  }
0x21c: {  	v7 =	vld [tilespmem:s4+$0x0];
	_ =	sdelay $0x2  }
0x21d: {  	v62 =	vor.u32 $0x5, v5;
	_ =	sdelay $0x1  }
0x21e: {  	v6 =	vmul.f32 v7, v6;
	_ =	sdelay $0x1  }
0x21f: {  	[tilespmem:s8+$0x0] =	vst v6  }
0x220: {  	v6 =	vld.idx.msk [tilespmem:v62+s31+$0x0], $0xffff  }
0x221: {  	v7 =	vld [tilespmem:s4+$0x10];
	_ =	sdelay $0x2  }
0x222: {  	v63 =	vor.u32 $0x6, v5;
	_ =	sdelay $0x1  }
0x223: {  	v6 =	vmul.f32 v7, v6;
	_ =	sdelay $0x1  }
0x224: {  	[tilespmem:s8+$0x10] =	vst v6  }
0x225: {  	v6 =	vld.idx.msk [tilespmem:v63+s31+$0x0], $0xffff  }
0x226: {  	v7 =	vld [tilespmem:s4+$0x20];
	_ =	sdelay $0x2  }
0x227: {  	v5 =	vor.u32 $0x7, v5;
	_ =	sdelay $0x1  }
0x228: {  	v6 =	vmul.f32 v7, v6;
	_ =	sdelay $0x1  }
0x229: {  	[tilespmem:s8+$0x20] =	vst v6  }
0x22a: {  	v5 =	vld.idx.msk [tilespmem:v5+s31+$0x0], $0xffff  }
0x22b: {  	v6 =	vld [tilespmem:s4+$0x30];
	_ =	sdelay $0x1  }
0x22c: {  	s2 =	sadd.s32 $0x1, s2  }
0x22d: {  	p0 =	sne.s32 s2, $0x7D  }
.Ltmp5:
0x22e: {  	_ = 	snop;
	(pc) =	sbr.rel @p0 .LBB2_4-.Ltmp5, $3  }
0x22f: {  	v5 =	vmul.f32 v6, v5;
	_ =	sdelay $0x1  }
0x230: {  	[tilespmem:s8+$0x30] =	vst v5  }
0x231: {  	[spmem:s18] =	stream.indirect.scatter.add.f32 [tilespmem:s31], [sflag:$0x4], $0x90, s20, s10, $0xb8;
	[tilespmem:$0x1C2B0] =	vst v63  }
0x232: {  	s0 =	simm.s32 $0x4  }
0x233: {  	_ =	swait.ge [sflag:s0], $0x1680  }
0x234: {  	[sflag:s0] =	ssyncset.done $0x0  }
0x235: {  	[sflag:s0] =	ssyncadd.s32 $0xFFFFE980  }
0x236: {  	[bflag:$0x0] =	sbarrier.arrive $0xFFFF  }
0x237: {  	[tilespmem:s15], [sflag:$0x5] =	stream.linear.gather [spmem:s9], $0x1680, $0x38;
	[tilespmem:$0x1C2B0] =	vst v63  }
0x238: {  	_ =	swait.ge [sflag:s19], $0x1680  }
0x239: {  	[sflag:s19] =	ssyncset.done $0x0  }
0x23a: {  	s5 =	rddreg [dreg:$0x4];
	[sflag:s19] =	ssyncadd.s32 $0xFFFFE980  }
0x23b: {  	[hbm4b:s5+s1] =	stream.linear.scatter [tilespmem:s15], [sflag:$0x5], $0x1680, $0x38;
	[tilespmem:$0x1C2B0] =	vst v63  }
0x23c: {  	_ =	swait.ge [sflag:s19], $0x1680  }
0x23d: {  	[sflag:s19] =	ssyncset.done $0x0  }
0x23e: {  	s5 =	rddreg [dreg:$0x15];
	[sflag:s19] =	ssyncadd.s32 $0xFFFFE980  }
0x23f: {  	[tilespmem:s15], [sflag:$0x5] =	stream.linear.gather [spmem:s5], $0x1680, $0x38;
	[tilespmem:$0x1C2B0] =	vst v63  }
0x240: {  	_ =	swait.ge [sflag:s19], $0x1680  }
0x241: {  	[sflag:s19] =	ssyncset.done $0x0  }
0x242: {  	s6 =	rddreg [dreg:$0x5];
	[sflag:s19] =	ssyncadd.s32 $0xFFFFE980  }
0x243: {  	[hbm4b:s6+s1] =	stream.linear.scatter [tilespmem:s15], [sflag:$0x5], $0x1680, $0x38;
	[tilespmem:$0x1C2B0] =	vst v63  }
0x244: {  	_ =	swait.ge [sflag:s19], $0x1680  }
0x245: {  	[sflag:s19] =	ssyncset.done $0x0  }
0x246: {  	s6 =	rddreg [dreg:$0x16];
	[sflag:s19] =	ssyncadd.s32 $0xFFFFE980  }
0x247: {  	[tilespmem:s15], [sflag:$0x5] =	stream.linear.gather [spmem:s6], $0x1680, $0x38;
	[tilespmem:$0x1C2B0] =	vst v63  }
0x248: {  	_ =	swait.ge [sflag:s19], $0x1680  }
0x249: {  	[sflag:s19] =	ssyncset.done $0x0  }
0x24a: {  	s7 =	rddreg [dreg:$0x6];
	[sflag:s19] =	ssyncadd.s32 $0xFFFFE980  }
0x24b: {  	[hbm4b:s7+s1] =	stream.linear.scatter [tilespmem:s15], [sflag:$0x5], $0x1680, $0x38;
	[tilespmem:$0x1C2B0] =	vst v63  }
0x24c: {  	_ =	swait.ge [sflag:s19], $0x1680  }
0x24d: {  	[sflag:s19] =	ssyncset.done $0x0  }
0x24e: {  	s7 =	rddreg [dreg:$0x17];
	[sflag:s19] =	ssyncadd.s32 $0xFFFFE980  }
0x24f: {  	[tilespmem:s15], [sflag:$0x5] =	stream.linear.gather [spmem:s7], $0x1680, $0x38;
	[tilespmem:$0x1C2B0] =	vst v63  }
0x250: {  	_ =	swait.ge [sflag:s19], $0x1680  }
0x251: {  	[sflag:s19] =	ssyncset.done $0x0  }
0x252: {  	s8 =	rddreg [dreg:$0x7];
	[sflag:s19] =	ssyncadd.s32 $0xFFFFE980  }
0x253: {  	[hbm4b:s8+s1] =	stream.linear.scatter [tilespmem:s15], [sflag:$0x5], $0x1680, $0x38;
	[tilespmem:$0x1C2B0] =	vst v63  }
0x254: {  	_ =	swait.ge [sflag:s19], $0x1680  }
0x255: {  	[sflag:s19] =	ssyncset.done $0x0  }
0x256: {  	s4 =	smov.u32 s9;
	s9 =	rddreg [dreg:$0x18];
	[sflag:s19] =	ssyncadd.s32 $0xFFFFE980  }
0x257: {  	[tilespmem:s15], [sflag:$0x5] =	stream.linear.gather [spmem:s9], $0x1680, $0x38;
	[tilespmem:$0x1C2B0] =	vst v63  }
0x258: {  	_ =	swait.ge [sflag:s19], $0x1680  }
0x259: {  	[sflag:s19] =	ssyncset.done $0x0  }
0x25a: {  	s2 =	rddreg [dreg:$0x8];
	[sflag:s19] =	ssyncadd.s32 $0xFFFFE980  }
0x25b: {  	[hbm4b:s2+s1] =	stream.linear.scatter [tilespmem:s15], [sflag:$0x5], $0x1680, $0x38;
	[tilespmem:$0x1C2B0] =	vst v63  }
0x25c: {  	_ =	swait.ge [sflag:s19], $0x1680  }
0x25d: {  	[sflag:s19] =	ssyncset.done $0x0  }
0x25e: {  	s3 =	rddreg [dreg:$0x19];
	[sflag:s19] =	ssyncadd.s32 $0xFFFFE980  }
0x25f: {  	[tilespmem:s15], [sflag:$0x5] =	stream.linear.gather [spmem:s3], $0x1680, $0x38;
	[tilespmem:$0x1C2B0] =	vst v63  }
0x260: {  	_ =	swait.ge [sflag:s19], $0x1680  }
0x261: {  	[sflag:s19] =	ssyncset.done $0x0  }
0x262: {  	s8 =	rddreg [dreg:$0x9];
	[sflag:s19] =	ssyncadd.s32 $0xFFFFE980  }
0x263: {  	[hbm4b:s8+s1] =	stream.linear.scatter [tilespmem:s15], [sflag:$0x5], $0x1680, $0x38;
	[tilespmem:$0x1C2B0] =	vst v63  }
0x264: {  	_ =	swait.ge [sflag:s19], $0x1680  }
0x265: {  	[sflag:s19] =	ssyncset.done $0x0  }
0x266: {  	s9 =	rddreg [dreg:$0x1a];
	[sflag:s19] =	ssyncadd.s32 $0xFFFFE980  }
0x267: {  	[tilespmem:s15], [sflag:$0x5] =	stream.linear.gather [spmem:s9], $0x1680, $0x38;
	[tilespmem:$0x1C2B0] =	vst v63  }
0x268: {  	_ =	swait.ge [sflag:s19], $0x1680  }
0x269: {  	[sflag:s19] =	ssyncset.done $0x0  }
0x26a: {  	s2 =	rddreg [dreg:$0xa];
	[sflag:s19] =	ssyncadd.s32 $0xFFFFE980  }
0x26b: {  	[hbm4b:s2+s1] =	stream.linear.scatter [tilespmem:s15], [sflag:$0x5], $0x1680, $0x38;
	[tilespmem:$0x1C2B0] =	vst v63  }
0x26c: {  	_ =	swait.ge [sflag:s19], $0x1680  }
0x26d: {  	[sflag:s19] =	ssyncset.done $0x0  }
0x26e: {  	s3 =	rddreg [dreg:$0x1b];
	[sflag:s19] =	ssyncadd.s32 $0xFFFFE980  }
0x26f: {  	[tilespmem:s15], [sflag:$0x5] =	stream.linear.gather [spmem:s3], $0x1680, $0x38;
	[tilespmem:$0x1C2B0] =	vst v63  }
0x270: {  	_ =	swait.ge [sflag:s19], $0x1680  }
0x271: {  	[sflag:s19] =	ssyncset.done $0x0  }
0x272: {  	s8 =	rddreg [dreg:$0xb];
	[sflag:s19] =	ssyncadd.s32 $0xFFFFE980  }
0x273: {  	[hbm4b:s8+s1] =	stream.linear.scatter [tilespmem:s15], [sflag:$0x5], $0x1680, $0x38;
	[tilespmem:$0x1C2B0] =	vst v63  }
0x274: {  	_ =	swait.ge [sflag:s19], $0x1680  }
0x275: {  	[sflag:s19] =	ssyncset.done $0x0  }
0x276: {  	s9 =	rddreg [dreg:$0x1c];
	[sflag:s19] =	ssyncadd.s32 $0xFFFFE980  }
0x277: {  	[tilespmem:s15], [sflag:$0x5] =	stream.linear.gather [spmem:s9], $0x1680, $0x38;
	[tilespmem:$0x1C2B0] =	vst v63  }
0x278: {  	_ =	swait.ge [sflag:s19], $0x1680  }
0x279: {  	[sflag:s19] =	ssyncset.done $0x0  }
0x27a: {  	s2 =	rddreg [dreg:$0xc];
	[sflag:s19] =	ssyncadd.s32 $0xFFFFE980  }
0x27b: {  	[hbm4b:s2+s1] =	stream.linear.scatter [tilespmem:s15], [sflag:$0x5], $0x1680, $0x38;
	[tilespmem:$0x1C2B0] =	vst v63  }
0x27c: {  	_ =	swait.ge [sflag:s19], $0x1680  }
0x27d: {  	[sflag:s19] =	ssyncset.done $0x0  }
0x27e: {  	s3 =	rddreg [dreg:$0x1d];
	[sflag:s19] =	ssyncadd.s32 $0xFFFFE980  }
0x27f: {  	[tilespmem:s15], [sflag:$0x5] =	stream.linear.gather [spmem:s3], $0x1680, $0x38;
	[tilespmem:$0x1C2B0] =	vst v63  }
0x280: {  	_ =	swait.ge [sflag:s19], $0x1680  }
0x281: {  	[sflag:s19] =	ssyncset.done $0x0  }
0x282: {  	s8 =	rddreg [dreg:$0xd];
	[sflag:s19] =	ssyncadd.s32 $0xFFFFE980  }
0x283: {  	[hbm4b:s8+s1] =	stream.linear.scatter [tilespmem:s15], [sflag:$0x5], $0x1680, $0x38;
	[tilespmem:$0x1C2B0] =	vst v63  }
0x284: {  	_ =	swait.ge [sflag:s19], $0x1680  }
0x285: {  	[sflag:s19] =	ssyncset.done $0x0  }
0x286: {  	s9 =	rddreg [dreg:$0x1e];
	[sflag:s19] =	ssyncadd.s32 $0xFFFFE980  }
0x287: {  	[tilespmem:s15], [sflag:$0x5] =	stream.linear.gather [spmem:s9], $0x1680, $0x38;
	[tilespmem:$0x1C2B0] =	vst v63  }
0x288: {  	_ =	swait.ge [sflag:s19], $0x1680  }
0x289: {  	[sflag:s19] =	ssyncset.done $0x0  }
0x28a: {  	s2 =	rddreg [dreg:$0xe];
	[sflag:s19] =	ssyncadd.s32 $0xFFFFE980  }
0x28b: {  	[hbm4b:s2+s1] =	stream.linear.scatter [tilespmem:s15], [sflag:$0x5], $0x1680, $0x38;
	[tilespmem:$0x1C2B0] =	vst v63  }
0x28c: {  	_ =	swait.ge [sflag:s19], $0x1680  }
0x28d: {  	[sflag:s19] =	ssyncset.done $0x0  }
0x28e: {  	s3 =	rddreg [dreg:$0x1f];
	[sflag:s19] =	ssyncadd.s32 $0xFFFFE980  }
0x28f: {  	[tilespmem:s15], [sflag:$0x5] =	stream.linear.gather [spmem:s3], $0x1680, $0x38;
	[tilespmem:$0x1C2B0] =	vst v63  }
0x290: {  	_ =	swait.ge [sflag:s19], $0x1680  }
0x291: {  	[sflag:s19] =	ssyncset.done $0x0  }
0x292: {  	s8 =	rddreg [dreg:$0xf];
	[sflag:s19] =	ssyncadd.s32 $0xFFFFE980  }
0x293: {  	[hbm4b:s8+s1] =	stream.linear.scatter [tilespmem:s15], [sflag:$0x5], $0x1680, $0x38;
	[tilespmem:$0x1C2B0] =	vst v63  }
0x294: {  	_ =	swait.ge [sflag:s19], $0x1680  }
0x295: {  	s9 =	sld [smem:$0x7F7]  }
0x296: {  	[sflag:s19] =	ssyncset.done $0x0  }
0x297: {  	[sflag:s19] =	ssyncadd.s32 $0xFFFFE980  }
0x298: {  	[tilespmem:s15], [sflag:$0x5] =	stream.linear.gather [spmem:s9], $0x1680, $0x38;
	[tilespmem:$0x1C2B0] =	vst v63  }
0x299: {  	_ =	swait.ge [sflag:s19], $0x1680  }
0x29a: {  	[sflag:s19] =	ssyncset.done $0x0  }
0x29b: {  	s2 =	rddreg [dreg:$0x10];
	[sflag:s19] =	ssyncadd.s32 $0xFFFFE980  }
0x29c: {  	[hbm4b:s2+s1] =	stream.linear.scatter [tilespmem:s15], [sflag:$0x5], $0x1680, $0x38;
	[tilespmem:$0x1C2B0] =	vst v63  }
0x29d: {  	_ =	swait.ge [sflag:s19], $0x1680  }
0x29e: {  	s3 =	sld [smem:$0x7F8]  }
0x29f: {  	[sflag:s19] =	ssyncset.done $0x0  }
0x2a0: {  	[sflag:s19] =	ssyncadd.s32 $0xFFFFE980  }
0x2a1: {  	[tilespmem:s15], [sflag:$0x5] =	stream.linear.gather [spmem:s3], $0x1680, $0x38;
	[tilespmem:$0x1C2B0] =	vst v63  }
0x2a2: {  	_ =	swait.ge [sflag:s19], $0x1680  }
0x2a3: {  	[sflag:s19] =	ssyncset.done $0x0  }
0x2a4: {  	s8 =	rddreg [dreg:$0x11];
	[sflag:s19] =	ssyncadd.s32 $0xFFFFE980  }
0x2a5: {  	[hbm4b:s8+s1] =	stream.linear.scatter [tilespmem:s15], [sflag:$0x5], $0x1680, $0x38;
	[tilespmem:$0x1C2B0] =	vst v63  }
0x2a6: {  	_ =	swait.ge [sflag:s19], $0x1680  }
0x2a7: {  	s9 =	sld [smem:$0x7F9]  }
0x2a8: {  	[sflag:s19] =	ssyncset.done $0x0  }
0x2a9: {  	[sflag:s19] =	ssyncadd.s32 $0xFFFFE980  }
0x2aa: {  	[tilespmem:s15], [sflag:$0x5] =	stream.linear.gather [spmem:s9], $0x1680, $0x38;
	[tilespmem:$0x1C2B0] =	vst v63  }
0x2ab: {  	_ =	swait.ge [sflag:s19], $0x1680  }
0x2ac: {  	[sflag:s19] =	ssyncset.done $0x0  }
0x2ad: {  	s2 =	rddreg [dreg:$0x12];
	[sflag:s19] =	ssyncadd.s32 $0xFFFFE980  }
0x2ae: {  	[hbm4b:s2+s1] =	stream.linear.scatter [tilespmem:s15], [sflag:$0x5], $0x1680, $0x38;
	[tilespmem:$0x1C2B0] =	vst v63  }
0x2af: {  	_ =	swait.ge [sflag:s19], $0x1680  }
0x2b0: {  	s3 =	sld [smem:$0x7FA]  }
0x2b1: {  	[sflag:s19] =	ssyncset.done $0x0  }
0x2b2: {  	[sflag:s19] =	ssyncadd.s32 $0xFFFFE980  }
0x2b3: {  	[tilespmem:s15], [sflag:$0x5] =	stream.linear.gather [spmem:s3], $0x1680, $0x38;
	[tilespmem:$0x1C2B0] =	vst v63  }
0x2b4: {  	_ =	swait.ge [sflag:s19], $0x1680  }
0x2b5: {  	[sflag:s19] =	ssyncset.done $0x0  }
0x2b6: {  	s8 =	rddreg [dreg:$0x13];
	[sflag:s19] =	ssyncadd.s32 $0xFFFFE980  }
0x2b7: {  	[hbm4b:s8+s1] =	stream.linear.scatter [tilespmem:s15], [sflag:$0x5], $0x1680, $0x38;
	[tilespmem:$0x1C2B0] =	vst v63  }
0x2b8: {  	_ =	swait.ge [sflag:s19], $0x1680  }
0x2b9: {  	s9 =	sld [smem:$0x7FD];
	_ =	sdelay $0x1  }
0x2ba: {  	s17 =	sadd.s32 $0x1, s17  }
0x2bb: {  	p0 =	sne.s32 s17, s9  }
.Ltmp6:
0x2bc: {  	_ = 	snop;
	(pc) =	sbr.rel @p0 .LBB2_1-.Ltmp6, $3  }
0x2bd: {  	_ =	sdelay $0x1  }
0x2be: {  	[sflag:s19] =	ssyncset.done $0x0  }
0x2bf: {  	[sflag:s19] =	ssyncadd.s32 $0xFFFFE980  }
0x2c0: {  	_ =	sfence.sel $0x180000  }
0x2c1: {  	[bflag:$0x0] =	sbarrier.arrive $0xFFFF  }
0x2c2: {  	_ =	strace $0x90000047  }
0x2c3: {  	s0 =	stileid.u32;
	[bflag:$0x2] =	sbarrier.arrive $0xFFFF  }
0x2c4: {  	p0 =	sne.s32 s0, $0x0;
	s0 =	rddreg [dreg:$0x3]  }
0x2c5: {  	s0 =	sadd.s32 @!p0 $0x100000, s0  }
0x2c6: {  	[sflag:s0] =	ssyncadd.tile.s32 @!p0 $0x1;
	_ =	shalt  }
.Lfunc_end2:
_tile_overlayer_lowered:
.L_overlay_start_2:
0x2c7: {  	(tag) =	ssettag $0x2  }
0x2c8: {  	s0 =	rddreg [dreg:$0x0];
	s2 =	stileid.u32  }
0x2c9: {  	s1 =	rddreg [dreg:$0x1];
	p0 =	sne.s32 s2, $0x0  }
0x2ca: {  	s3 =	rddreg [dreg:$0x2];
	[bflag:$0x3] =	sbarrier.arrive $0xFFFF;
	s2 =	simm.s32 @!p0 $0x1C05  }
0x2cb: {  	[timem:s3], [sflag:s2] =	dma.local @!p0 [hbm:s0], s1  }
0x2cc: {  	s0 =	simm.s32 @!p0 $0x5  }
0x2cd: {  	_ =	swait.ge @!p0 [sflag:s0], s1  }
0x2ce: {  	s1 =	ssub.s32 @!p0 $0x0, s1;
	[sflag:s0] =	ssyncset.done @!p0 $0x0  }
0x2cf: {  	[sflag:s0] =	ssyncadd.s32 @!p0 s1  }
0x2d0: {  	[bflag:$0x3] =	sbarrier.arrive $0xFFFF  }
0x2d1: {  	_ =	shalt  }

</sc_bundles>
